<compile_context>
chip_gen: v7x
topology: tpu7x:2x2x1
jax: 0.10.2.dev20260603
libtpu: 0.0.44.dev20260713+nightly
codegen_flags: <defaults>
</compile_context>

<pallas_src>
import functools

import jax
import jax.numpy as jnp
from jax import lax
from jax.experimental import pallas as pl
from jax.experimental.pallas import tpu as pltpu
from jax.experimental.pallas import tpu_sc as plsc

N = 10000
NP = 10240
E = 320000
FH = 64
GAMMA = 0.1
EPT = 20000
C = 128
GSZ = 16
NCH = 160
EPTP = NCH * C
RPT = 640
RC = 128
PAD_ROW = N + 16

_mesh = plsc.VectorSubcoreMesh(core_axis_name="c", subcore_axis_name="s")


@functools.partial(
    pl.kernel,
    mesh=_mesh,
    out_type=jax.ShapeDtypeStruct((2, N, FH), jnp.float32),
    scratch_types=[
        pltpu.VMEM_SHARED((NP, FH), jnp.float32),
        pltpu.VMEM_SHARED((NP, FH), jnp.float32),
        pltpu.VMEM((GSZ, C), jnp.int32),
        pltpu.VMEM((GSZ, C), jnp.int32),
        pltpu.VMEM((RC, FH), jnp.float32),
        pltpu.VMEM((RC, FH), jnp.float32),
        pltpu.VMEM((RPT + 16,), jnp.float32),
    ],
)
def _smooth(hT, srcp, dstp, d2, out, h_sp, agg_sp, srcC, dstC,
            gbufA, gbufB, f2buf):
    cid = lax.axis_index("c")
    sid = lax.axis_index("s")
    r0 = sid * RPT

    @pl.when(sid < 15)
    def _():
        pltpu.sync_copy(hT.at[cid].at[pl.ds(r0, RPT)], h_sp.at[pl.ds(r0, RPT)])

    @pl.when(sid == 15)
    def _():
        pltpu.sync_copy(hT.at[cid].at[pl.ds(r0, N - 15 * RPT)],
                        h_sp.at[pl.ds(r0, N - 15 * RPT)])

    pltpu.sync_copy(d2.at[sid], f2buf.at[pl.ds(0, RPT)])

    def _f2(i, _):
        sl = pl.ds(i * 16, 16)
        f2buf[sl] = 1.0 / (1.0 + GAMMA * f2buf[sl])
        return _
    lax.fori_loop(0, RPT // 16, _f2, None)

    for _t in range(2):
        def _zb(r, _):
            for q in range(FH // 16):
                gbufB[r, pl.ds(q * 16, 16)] = jnp.zeros((16,), jnp.float32)
            return _
        lax.fori_loop(0, RC, _zb, None)
        for k in range(RPT // RC):
            pltpu.sync_copy(gbufB, agg_sp.at[pl.ds(r0 + k * RC, RC)])
        plsc.subcore_barrier()

        def _edge(g, _):
            pltpu.sync_copy(srcp.at[sid].at[pl.ds(g * GSZ, GSZ)], srcC)
            pltpu.sync_copy(dstp.at[sid].at[pl.ds(g * GSZ, GSZ)], dstC)
            for jj in range(GSZ):
                buf = gbufA if jj % 2 == 0 else gbufB
                pltpu.sync_copy(h_sp.at[srcC.at[jj]], buf)
                pltpu.sync_copy(buf, agg_sp.at[dstC.at[jj]], add=True)
            return _
        lax.fori_loop(0, NCH // GSZ, _edge, None)
        plsc.subcore_barrier()

        for k in range(RPT // RC):
            rk = r0 + k * RC
            pltpu.sync_copy(h_sp.at[pl.ds(rk, RC)], gbufA)
            pltpu.sync_copy(agg_sp.at[pl.ds(rk, RC)], gbufB)

            def _row(r, _, k=k):
                sv = f2buf[pl.ds(k * RC + r, 16)]
                s = jnp.full((16,), sv[0], jnp.float32)
                for q in range(FH // 16):
                    sl = pl.ds(q * 16, 16)
                    gbufA[r, sl] = (gbufA[r, sl] + GAMMA * gbufB[r, sl]) * s
                return _
            lax.fori_loop(0, RC, _row, None)
            pltpu.sync_copy(gbufA, h_sp.at[pl.ds(rk, RC)])
        plsc.subcore_barrier()

    @pl.when(sid < 15)
    def _():
        pltpu.sync_copy(h_sp.at[pl.ds(r0, RPT)], out.at[cid].at[pl.ds(r0, RPT)])

    @pl.when(sid == 15)
    def _():
        pltpu.sync_copy(h_sp.at[pl.ds(r0, N - 15 * RPT)],
                        out.at[cid].at[pl.ds(r0, N - 15 * RPT)])


def kernel(h, edge_indexT, D):
    src = edge_indexT[0].reshape(16, EPT)
    dst = edge_indexT[1].reshape(16, EPT)
    srcp = jnp.pad(src, ((0, 0), (0, EPTP - EPT))).reshape(16, NCH, C)
    dstp = jnp.pad(dst, ((0, 0), (0, EPTP - EPT)),
                   constant_values=PAD_ROW).reshape(16, NCH, C)
    d2 = jnp.pad(D, (0, NP - N)).reshape(16, RPT)
    hT = jnp.transpose(h.reshape(N, 2, FH), (1, 0, 2))
    outT = _smooth(hT, srcp, dstp, d2)
    return jnp.transpose(outT, (1, 0, 2)).reshape(N, 2 * FH)

# --- scband reference (transcript-rebuilt; emitter-appended) ---
"""Pipeline reference for scband-smoothing-block-12051678232913 (READ-ONLY COPY).

The authoritative reference and input builder live on the scoring server;
editing this copy changes nothing except your own understanding.
"""

import jax, jax.numpy as jnp
import numpy as np

N = 10000
E = 320000
DFEAT = 128
GAMMA = 0.1

def setup_inputs(seed: int = 0) -> dict:
    key = jax.random.key(seed)
    k1, k2 = jax.random.split(key, 2)
    h = jax.random.normal(k1, (N, DFEAT), dtype=jnp.float32)
    edge_indexT = jax.random.randint(k2, (2, E), 0, N, dtype=jnp.int32)
    # D is the (positive) degree vector used by the smoothing normalizer.
    # Derive it from the edge targets so the normalization is consistent.
    D = jnp.zeros((N,), dtype=jnp.float32).at[edge_indexT[1]].add(1.0)
    return {"h": h, "edge_indexT": edge_indexT, "D": D}

def reference(h, edge_indexT, D):
    gamma = GAMMA
    src = edge_indexT[0]
    dst = edge_indexT[1]
    hp = h
    for _ in range(2):
        # scatter_add(h[src], dst, dim=0) -> segment_sum
        agg = jax.ops.segment_sum(h[src], dst, num_segments=N)
        f1 = h + gamma * agg
        f2 = jnp.ones_like(D) + gamma * D
        f2_inv = 1.0 / f2
        # torch.sparse.mm(torch.diag(f2_inv), f1) == row-wise scaling
        hp = f2_inv[:, None] * f1
        h = hp
    return hp

if __name__ == "__main__":
    import jax
    _d = setup_inputs()
    print(jax.jit(kernel)(*tuple(_d.values())))

</pallas_src>

<mosaic_0001>
#map = affine_map<(d0, d1) -> (0, 0, 0)>
#map1 = affine_map<(d0, d1) -> (0, 0)>
module attributes {stable_mosaic.version = 14 : i64} {
  func.func @_smooth(%arg0: i32, %arg1: i32, %arg2: memref<2x10000x64xf32, #tpu.memory_space<hbm>>, %arg3: memref<16x160x128xi32, #tpu.memory_space<hbm>>, %arg4: memref<16x160x128xi32, #tpu.memory_space<hbm>>, %arg5: memref<16x640xf32, #tpu.memory_space<hbm>>, %arg6: memref<2x10000x64xf32, #tpu.memory_space<hbm>>, %arg7: memref<10240x64xf32, #tpu.memory_space<vmem_shared>>, %arg8: memref<10240x64xf32, #tpu.memory_space<vmem_shared>>, %arg9: memref<16x128xi32, #tpu.memory_space<vmem>>, %arg10: memref<16x128xi32, #tpu.memory_space<vmem>>, %arg11: memref<128x64xf32, #tpu.memory_space<vmem>>, %arg12: memref<128x64xf32, #tpu.memory_space<vmem>>, %arg13: memref<656xf32, #tpu.memory_space<vmem>>) attributes {dimension_semantics = [#tpu.dimension_semantics<core_parallel>, #tpu.dimension_semantics<subcore_parallel>], iteration_bounds = array<i64: 2, 16>, scalar_prefetch = 0 : i64, scratch_operands = 7 : i64, tpu.core_type = #tpu.core_type<sc_vector_subcore>, window_params = [{transform_indices = #map}, {transform_indices = #map}, {transform_indices = #map}, {transform_indices = #map1}, {transform_indices = #map}]} {
    %mul3A = arith.constant 640 : i32
    %mul3A_0 = arith.muli %arg1, %mul3A : i32
    %lt3A = arith.constant 15 : i32
    %lt3A_1 = arith.cmpi slt, %arg1, %lt3A : i32
    %convert_element_type3A = arith.extui %lt3A_1 : i1 to i32
    %cond3A = arith.constant 0 : i32
    %cond3A_2 = arith.cmpi ne, %convert_element_type3A, %cond3A : i32
    scf.if %cond3A_2 {
      "tpu.region"() ({
        %run_scoped3A = tpu.sem_alloc : memref<!tpu.dma_semaphore, #tpu.memory_space<semaphore_mem>>
        %dma_start3A = arith.constant 0 : i32
        %dma_start3A_135 = tpu.memref_slice %arg7[%mul3A_0, %dma_start3A] : memref<10240x64xf32, #tpu.memory_space<vmem_shared>> -> memref<640x64xf32, #tpu.memory_space<vmem_shared>>
        %dma_start3A_136 = arith.constant 0 : i32
        %dma_start3A_137 = arith.constant 0 : i32
        %dma_start3A_138 = tpu.memref_slice %arg2[%arg0, %dma_start3A_136, %dma_start3A_137] : memref<2x10000x64xf32, #tpu.memory_space<hbm>> -> memref<1x10000x64xf32, #tpu.memory_space<hbm>>
        %dma_start3A_139 = tpu.memref_squeeze %dma_start3A_138 : memref<1x10000x64xf32, #tpu.memory_space<hbm>> -> memref<10000x64xf32, #tpu.memory_space<hbm>>
        %dma_start3A_140 = arith.constant 0 : i32
        %dma_start3A_141 = tpu.memref_slice %dma_start3A_139[%mul3A_0, %dma_start3A_140] : memref<10000x64xf32, #tpu.memory_space<hbm>> -> memref<640x64xf32, #tpu.memory_space<hbm>>
        tpu.enqueue_dma source(%dma_start3A_141 : memref<640x64xf32, #tpu.memory_space<hbm>>) target(%dma_start3A_135 : memref<640x64xf32, #tpu.memory_space<vmem_shared>>) target_semaphore(%run_scoped3A : memref<!tpu.dma_semaphore, #tpu.memory_space<semaphore_mem>>)
        %dma_wait3A = arith.constant 0 : i32
        %dma_wait3A_142 = tpu.memref_slice %arg7[%mul3A_0, %dma_wait3A] : memref<10240x64xf32, #tpu.memory_space<vmem_shared>> -> memref<640x64xf32, #tpu.memory_space<vmem_shared>>
        %dma_wait3A_143 = arith.constant 0 : i32
        %dma_wait3A_144 = arith.constant 0 : i32
        %dma_wait3A_145 = tpu.memref_slice %arg2[%arg0, %dma_wait3A_143, %dma_wait3A_144] : memref<2x10000x64xf32, #tpu.memory_space<hbm>> -> memref<1x10000x64xf32, #tpu.memory_space<hbm>>
        %dma_wait3A_146 = tpu.memref_squeeze %dma_wait3A_145 : memref<1x10000x64xf32, #tpu.memory_space<hbm>> -> memref<10000x64xf32, #tpu.memory_space<hbm>>
        %dma_wait3A_147 = arith.constant 0 : i32
        %dma_wait3A_148 = tpu.memref_slice %dma_wait3A_146[%mul3A_0, %dma_wait3A_147] : memref<10000x64xf32, #tpu.memory_space<hbm>> -> memref<640x64xf32, #tpu.memory_space<hbm>>
        tpu.wait_dma2 semaphore(%run_scoped3A : memref<!tpu.dma_semaphore, #tpu.memory_space<semaphore_mem>>) src(%dma_wait3A_148 : memref<640x64xf32, #tpu.memory_space<hbm>>) dst(%dma_wait3A_142 : memref<640x64xf32, #tpu.memory_space<vmem_shared>>)
        tpu.yield
      }) : () -> ()
    } else {
    }
    %eq3A = arith.constant 15 : i32
    %eq3A_3 = arith.cmpi eq, %arg1, %eq3A : i32
    %convert_element_type3A_4 = arith.extui %eq3A_3 : i1 to i32
    %cond3A_5 = arith.constant 0 : i32
    %cond3A_6 = arith.cmpi ne, %convert_element_type3A_4, %cond3A_5 : i32
    scf.if %cond3A_6 {
      "tpu.region"() ({
        %run_scoped3A = tpu.sem_alloc : memref<!tpu.dma_semaphore, #tpu.memory_space<semaphore_mem>>
        %dma_start3A = arith.constant 0 : i32
        %dma_start3A_135 = tpu.memref_slice %arg7[%mul3A_0, %dma_start3A] : memref<10240x64xf32, #tpu.memory_space<vmem_shared>> -> memref<400x64xf32, #tpu.memory_space<vmem_shared>>
        %dma_start3A_136 = arith.constant 0 : i32
        %dma_start3A_137 = arith.constant 0 : i32
        %dma_start3A_138 = tpu.memref_slice %arg2[%arg0, %dma_start3A_136, %dma_start3A_137] : memref<2x10000x64xf32, #tpu.memory_space<hbm>> -> memref<1x10000x64xf32, #tpu.memory_space<hbm>>
        %dma_start3A_139 = tpu.memref_squeeze %dma_start3A_138 : memref<1x10000x64xf32, #tpu.memory_space<hbm>> -> memref<10000x64xf32, #tpu.memory_space<hbm>>
        %dma_start3A_140 = arith.constant 0 : i32
        %dma_start3A_141 = tpu.memref_slice %dma_start3A_139[%mul3A_0, %dma_start3A_140] : memref<10000x64xf32, #tpu.memory_space<hbm>> -> memref<400x64xf32, #tpu.memory_space<hbm>>
        tpu.enqueue_dma source(%dma_start3A_141 : memref<400x64xf32, #tpu.memory_space<hbm>>) target(%dma_start3A_135 : memref<400x64xf32, #tpu.memory_space<vmem_shared>>) target_semaphore(%run_scoped3A : memref<!tpu.dma_semaphore, #tpu.memory_space<semaphore_mem>>)
        %dma_wait3A = arith.constant 0 : i32
        %dma_wait3A_142 = tpu.memref_slice %arg7[%mul3A_0, %dma_wait3A] : memref<10240x64xf32, #tpu.memory_space<vmem_shared>> -> memref<400x64xf32, #tpu.memory_space<vmem_shared>>
        %dma_wait3A_143 = arith.constant 0 : i32
        %dma_wait3A_144 = arith.constant 0 : i32
        %dma_wait3A_145 = tpu.memref_slice %arg2[%arg0, %dma_wait3A_143, %dma_wait3A_144] : memref<2x10000x64xf32, #tpu.memory_space<hbm>> -> memref<1x10000x64xf32, #tpu.memory_space<hbm>>
        %dma_wait3A_146 = tpu.memref_squeeze %dma_wait3A_145 : memref<1x10000x64xf32, #tpu.memory_space<hbm>> -> memref<10000x64xf32, #tpu.memory_space<hbm>>
        %dma_wait3A_147 = arith.constant 0 : i32
        %dma_wait3A_148 = tpu.memref_slice %dma_wait3A_146[%mul3A_0, %dma_wait3A_147] : memref<10000x64xf32, #tpu.memory_space<hbm>> -> memref<400x64xf32, #tpu.memory_space<hbm>>
        tpu.wait_dma2 semaphore(%run_scoped3A : memref<!tpu.dma_semaphore, #tpu.memory_space<semaphore_mem>>) src(%dma_wait3A_148 : memref<400x64xf32, #tpu.memory_space<hbm>>) dst(%dma_wait3A_142 : memref<400x64xf32, #tpu.memory_space<vmem_shared>>)
        tpu.yield
      }) : () -> ()
    } else {
    }
    "tpu.region"() ({
      %run_scoped3A = tpu.sem_alloc : memref<!tpu.dma_semaphore, #tpu.memory_space<semaphore_mem>>
      %dma_start3A = arith.constant 0 : i32
      %dma_start3A_135 = tpu.memref_slice %arg13[%dma_start3A] : memref<656xf32, #tpu.memory_space<vmem>> -> memref<640xf32, #tpu.memory_space<vmem>>
      %dma_start3A_136 = arith.constant 0 : i32
      %dma_start3A_137 = tpu.memref_slice %arg5[%arg1, %dma_start3A_136] : memref<16x640xf32, #tpu.memory_space<hbm>> -> memref<1x640xf32, #tpu.memory_space<hbm>>
      %dma_start3A_138 = tpu.memref_squeeze %dma_start3A_137 : memref<1x640xf32, #tpu.memory_space<hbm>> -> memref<640xf32, #tpu.memory_space<hbm>>
      %dma_start3A_139 = arith.constant 0 : i32
      %dma_start3A_140 = tpu.memref_slice %arg13[%dma_start3A_139] : memref<656xf32, #tpu.memory_space<vmem>> -> memref<640xf32, #tpu.memory_space<vmem>>
      %dma_start3A_141 = arith.constant 0 : i32
      %dma_start3A_142 = tpu.memref_slice %arg5[%arg1, %dma_start3A_141] : memref<16x640xf32, #tpu.memory_space<hbm>> -> memref<1x640xf32, #tpu.memory_space<hbm>>
      %dma_start3A_143 = tpu.memref_squeeze %dma_start3A_142 : memref<1x640xf32, #tpu.memory_space<hbm>> -> memref<640xf32, #tpu.memory_space<hbm>>
      tpu.enqueue_dma source(%dma_start3A_143 : memref<640xf32, #tpu.memory_space<hbm>>) target(%dma_start3A_140 : memref<640xf32, #tpu.memory_space<vmem>>) target_semaphore(%run_scoped3A : memref<!tpu.dma_semaphore, #tpu.memory_space<semaphore_mem>>)
      %dma_wait3A = arith.constant 0 : i32
      %dma_wait3A_144 = tpu.memref_slice %arg13[%dma_wait3A] : memref<656xf32, #tpu.memory_space<vmem>> -> memref<640xf32, #tpu.memory_space<vmem>>
      %dma_wait3A_145 = arith.constant 0 : i32
      %dma_wait3A_146 = tpu.memref_slice %arg5[%arg1, %dma_wait3A_145] : memref<16x640xf32, #tpu.memory_space<hbm>> -> memref<1x640xf32, #tpu.memory_space<hbm>>
      %dma_wait3A_147 = tpu.memref_squeeze %dma_wait3A_146 : memref<1x640xf32, #tpu.memory_space<hbm>> -> memref<640xf32, #tpu.memory_space<hbm>>
      %dma_wait3A_148 = arith.constant 0 : i32
      %dma_wait3A_149 = tpu.memref_slice %arg13[%dma_wait3A_148] : memref<656xf32, #tpu.memory_space<vmem>> -> memref<640xf32, #tpu.memory_space<vmem>>
      %dma_wait3A_150 = arith.constant 0 : i32
      %dma_wait3A_151 = tpu.memref_slice %arg5[%arg1, %dma_wait3A_150] : memref<16x640xf32, #tpu.memory_space<hbm>> -> memref<1x640xf32, #tpu.memory_space<hbm>>
      %dma_wait3A_152 = tpu.memref_squeeze %dma_wait3A_151 : memref<1x640xf32, #tpu.memory_space<hbm>> -> memref<640xf32, #tpu.memory_space<hbm>>
      tpu.wait_dma2 semaphore(%run_scoped3A : memref<!tpu.dma_semaphore, #tpu.memory_space<semaphore_mem>>) src(%dma_wait3A_152 : memref<640xf32, #tpu.memory_space<hbm>>) dst(%dma_wait3A_149 : memref<640xf32, #tpu.memory_space<vmem>>)
      tpu.yield
    }) : () -> ()
    %scan3A = arith.constant 0 : i32
    %scan3A_7 = arith.constant 40 : i32
    %scan3A_8 = arith.addi %scan3A, %scan3A_7 : i32
    %scan3A_9 = arith.constant 1 : i32
    scf.for %scan3A_135 = %scan3A to %scan3A_8 step %scan3A_9  : i32 {
      %mul3A_136 = arith.constant 16 : i32
      %mul3A_137 = arith.muli %scan3A_135, %mul3A_136 : i32
      %get3A = arith.index_cast %mul3A_137 : i32 to index
      %get3A_138 = tpu.vector_load %arg13[%get3A] {strides = array<i32>} : memref<656xf32, #tpu.memory_space<vmem>>, vector<16xf32>,
      %get3A_139 = vector.shape_cast %get3A_138 : vector<16xf32> to vector<16xf32>
      %mul3A_140 = arith.constant 1.000000e-01 : f32
      %mul3A_141 = vector.broadcast %mul3A_140 : f32 to vector<16xf32>
      %mul3A_142 = arith.mulf %mul3A_141, %get3A_139 : vector<16xf32>
      %add3A_143 = arith.constant 1.000000e+00 : f32
      %add3A_144 = vector.broadcast %add3A_143 : f32 to vector<16xf32>
      %add3A_145 = arith.addf %add3A_144, %mul3A_142 : vector<16xf32>
      %div3A = arith.constant 1.000000e+00 : f32
      %div3A_146 = vector.broadcast %div3A : f32 to vector<16xf32>
      %div3A_147 = arith.divf %div3A_146, %add3A_145 : vector<16xf32>
      %swap3A = arith.index_cast %mul3A_137 : i32 to index
      %swap3A_148 = tpu.vector_load %arg13[%swap3A] {strides = array<i32>} : memref<656xf32, #tpu.memory_space<vmem>>, vector<16xf32>,
      %swap3A_149 = vector.shape_cast %swap3A_148 : vector<16xf32> to vector<16xf32>
      %swap3A_150 = vector.shape_cast %div3A_147 : vector<16xf32> to vector<16xf32>
      tpu.vector_store %arg13[%swap3A], %swap3A_150 {strides = array<i32>} : memref<656xf32, #tpu.memory_space<vmem>>, vector<16xf32>,
    }
    %scan3A_10 = arith.constant 40 : i32
    %scan3A_11 = arith.constant 0 : i32
    %scan3A_12 = arith.constant 128 : i32
    %scan3A_13 = arith.addi %scan3A_11, %scan3A_12 : i32
    %scan3A_14 = arith.constant 1 : i32
    scf.for %scan3A_135 = %scan3A_11 to %scan3A_13 step %scan3A_14  : i32 {
      %broadcast_in_dim3A = arith.constant 0.000000e+00 : f32
      %broadcast_in_dim3A_136 = vector.broadcast %broadcast_in_dim3A : f32 to vector<16xf32>
      %swap3A = arith.index_cast %scan3A_135 : i32 to index
      %swap3A_137 = arith.constant 0 : index
      %swap3A_138 = tpu.vector_load %arg12[%swap3A, %swap3A_137] {strides = array<i32>} : memref<128x64xf32, #tpu.memory_space<vmem>>, vector<1x16xf32>,
      %swap3A_139 = vector.shape_cast %swap3A_138 : vector<1x16xf32> to vector<16xf32>
      %swap3A_140 = vector.shape_cast %broadcast_in_dim3A_136 : vector<16xf32> to vector<1x16xf32>
      tpu.vector_store %arg12[%swap3A, %swap3A_137], %swap3A_140 {strides = array<i32>} : memref<128x64xf32, #tpu.memory_space<vmem>>, vector<1x16xf32>,
      %broadcast_in_dim3A_141 = arith.constant 0.000000e+00 : f32
      %broadcast_in_dim3A_142 = vector.broadcast %broadcast_in_dim3A_141 : f32 to vector<16xf32>
      %swap3A_143 = arith.index_cast %scan3A_135 : i32 to index
      %swap3A_144 = arith.constant 16 : index
      %swap3A_145 = tpu.vector_load %arg12[%swap3A_143, %swap3A_144] {strides = array<i32>} : memref<128x64xf32, #tpu.memory_space<vmem>>, vector<1x16xf32>,
      %swap3A_146 = vector.shape_cast %swap3A_145 : vector<1x16xf32> to vector<16xf32>
      %swap3A_147 = vector.shape_cast %broadcast_in_dim3A_142 : vector<16xf32> to vector<1x16xf32>
      tpu.vector_store %arg12[%swap3A_143, %swap3A_144], %swap3A_147 {strides = array<i32>} : memref<128x64xf32, #tpu.memory_space<vmem>>, vector<1x16xf32>,
      %broadcast_in_dim3A_148 = arith.constant 0.000000e+00 : f32
      %broadcast_in_dim3A_149 = vector.broadcast %broadcast_in_dim3A_148 : f32 to vector<16xf32>
      %swap3A_150 = arith.index_cast %scan3A_135 : i32 to index
      %swap3A_151 = arith.constant 32 : index
      %swap3A_152 = tpu.vector_load %arg12[%swap3A_150, %swap3A_151] {strides = array<i32>} : memref<128x64xf32, #tpu.memory_space<vmem>>, vector<1x16xf32>,
      %swap3A_153 = vector.shape_cast %swap3A_152 : vector<1x16xf32> to vector<16xf32>
      %swap3A_154 = vector.shape_cast %broadcast_in_dim3A_149 : vector<16xf32> to vector<1x16xf32>
      tpu.vector_store %arg12[%swap3A_150, %swap3A_151], %swap3A_154 {strides = array<i32>} : memref<128x64xf32, #tpu.memory_space<vmem>>, vector<1x16xf32>,
      %broadcast_in_dim3A_155 = arith.constant 0.000000e+00 : f32
      %broadcast_in_dim3A_156 = vector.broadcast %broadcast_in_dim3A_155 : f32 to vector<16xf32>
      %swap3A_157 = arith.index_cast %scan3A_135 : i32 to index
      %swap3A_158 = arith.constant 48 : index
      %swap3A_159 = tpu.vector_load %arg12[%swap3A_157, %swap3A_158] {strides = array<i32>} : memref<128x64xf32, #tpu.memory_space<vmem>>, vector<1x16xf32>,
      %swap3A_160 = vector.shape_cast %swap3A_159 : vector<1x16xf32> to vector<16xf32>
      %swap3A_161 = vector.shape_cast %broadcast_in_dim3A_156 : vector<16xf32> to vector<1x16xf32>
      tpu.vector_store %arg12[%swap3A_157, %swap3A_158], %swap3A_161 {strides = array<i32>} : memref<128x64xf32, #tpu.memory_space<vmem>>, vector<1x16xf32>,
    }
    %scan3A_15 = arith.constant 128 : i32
    %add3A = arith.constant 0 : i32
    %add3A_16 = arith.addi %mul3A_0, %add3A : i32
    "tpu.region"() ({
      %run_scoped3A = tpu.sem_alloc : memref<!tpu.dma_semaphore, #tpu.memory_space<semaphore_mem>>
      %dma_start3A = arith.constant 0 : i32
      %dma_start3A_135 = tpu.memref_slice %arg8[%add3A_16, %dma_start3A] : memref<10240x64xf32, #tpu.memory_space<vmem_shared>> -> memref<128x64xf32, #tpu.memory_space<vmem_shared>>
      %dma_start3A_136 = arith.constant 0 : i32
      %dma_start3A_137 = tpu.memref_slice %arg8[%add3A_16, %dma_start3A_136] : memref<10240x64xf32, #tpu.memory_space<vmem_shared>> -> memref<128x64xf32, #tpu.memory_space<vmem_shared>>
      tpu.enqueue_dma source(%arg12 : memref<128x64xf32, #tpu.memory_space<vmem>>) target(%dma_start3A_137 : memref<128x64xf32, #tpu.memory_space<vmem_shared>>) target_semaphore(%run_scoped3A : memref<!tpu.dma_semaphore, #tpu.memory_space<semaphore_mem>>)
      %dma_wait3A = arith.constant 0 : i32
      %dma_wait3A_138 = tpu.memref_slice %arg8[%add3A_16, %dma_wait3A] : memref<10240x64xf32, #tpu.memory_space<vmem_shared>> -> memref<128x64xf32, #tpu.memory_space<vmem_shared>>
      %dma_wait3A_139 = arith.constant 0 : i32
      %dma_wait3A_140 = tpu.memref_slice %arg8[%add3A_16, %dma_wait3A_139] : memref<10240x64xf32, #tpu.memory_space<vmem_shared>> -> memref<128x64xf32, #tpu.memory_space<vmem_shared>>
      tpu.wait_dma2 semaphore(%run_scoped3A : memref<!tpu.dma_semaphore, #tpu.memory_space<semaphore_mem>>) src(%arg12 : memref<128x64xf32, #tpu.memory_space<vmem>>) dst(%dma_wait3A_140 : memref<128x64xf32, #tpu.memory_space<vmem_shared>>)
      tpu.yield
    }) : () -> ()
    %add3A_17 = arith.constant 128 : i32
    %add3A_18 = arith.addi %mul3A_0, %add3A_17 : i32
    "tpu.region"() ({
      %run_scoped3A = tpu.sem_alloc : memref<!tpu.dma_semaphore, #tpu.memory_space<semaphore_mem>>
      %dma_start3A = arith.constant 0 : i32
      %dma_start3A_135 = tpu.memref_slice %arg8[%add3A_18, %dma_start3A] : memref<10240x64xf32, #tpu.memory_space<vmem_shared>> -> memref<128x64xf32, #tpu.memory_space<vmem_shared>>
      %dma_start3A_136 = arith.constant 0 : i32
      %dma_start3A_137 = tpu.memref_slice %arg8[%add3A_18, %dma_start3A_136] : memref<10240x64xf32, #tpu.memory_space<vmem_shared>> -> memref<128x64xf32, #tpu.memory_space<vmem_shared>>
      tpu.enqueue_dma source(%arg12 : memref<128x64xf32, #tpu.memory_space<vmem>>) target(%dma_start3A_137 : memref<128x64xf32, #tpu.memory_space<vmem_shared>>) target_semaphore(%run_scoped3A : memref<!tpu.dma_semaphore, #tpu.memory_space<semaphore_mem>>)
      %dma_wait3A = arith.constant 0 : i32
      %dma_wait3A_138 = tpu.memref_slice %arg8[%add3A_18, %dma_wait3A] : memref<10240x64xf32, #tpu.memory_space<vmem_shared>> -> memref<128x64xf32, #tpu.memory_space<vmem_shared>>
      %dma_wait3A_139 = arith.constant 0 : i32
      %dma_wait3A_140 = tpu.memref_slice %arg8[%add3A_18, %dma_wait3A_139] : memref<10240x64xf32, #tpu.memory_space<vmem_shared>> -> memref<128x64xf32, #tpu.memory_space<vmem_shared>>
      tpu.wait_dma2 semaphore(%run_scoped3A : memref<!tpu.dma_semaphore, #tpu.memory_space<semaphore_mem>>) src(%arg12 : memref<128x64xf32, #tpu.memory_space<vmem>>) dst(%dma_wait3A_140 : memref<128x64xf32, #tpu.memory_space<vmem_shared>>)
      tpu.yield
    }) : () -> ()
    %add3A_19 = arith.constant 256 : i32
    %add3A_20 = arith.addi %mul3A_0, %add3A_19 : i32
    "tpu.region"() ({
      %run_scoped3A = tpu.sem_alloc : memref<!tpu.dma_semaphore, #tpu.memory_space<semaphore_mem>>
      %dma_start3A = arith.constant 0 : i32
      %dma_start3A_135 = tpu.memref_slice %arg8[%add3A_20, %dma_start3A] : memref<10240x64xf32, #tpu.memory_space<vmem_shared>> -> memref<128x64xf32, #tpu.memory_space<vmem_shared>>
      %dma_start3A_136 = arith.constant 0 : i32
      %dma_start3A_137 = tpu.memref_slice %arg8[%add3A_20, %dma_start3A_136] : memref<10240x64xf32, #tpu.memory_space<vmem_shared>> -> memref<128x64xf32, #tpu.memory_space<vmem_shared>>
      tpu.enqueue_dma source(%arg12 : memref<128x64xf32, #tpu.memory_space<vmem>>) target(%dma_start3A_137 : memref<128x64xf32, #tpu.memory_space<vmem_shared>>) target_semaphore(%run_scoped3A : memref<!tpu.dma_semaphore, #tpu.memory_space<semaphore_mem>>)
      %dma_wait3A = arith.constant 0 : i32
      %dma_wait3A_138 = tpu.memref_slice %arg8[%add3A_20, %dma_wait3A] : memref<10240x64xf32, #tpu.memory_space<vmem_shared>> -> memref<128x64xf32, #tpu.memory_space<vmem_shared>>
      %dma_wait3A_139 = arith.constant 0 : i32
      %dma_wait3A_140 = tpu.memref_slice %arg8[%add3A_20, %dma_wait3A_139] : memref<10240x64xf32, #tpu.memory_space<vmem_shared>> -> memref<128x64xf32, #tpu.memory_space<vmem_shared>>
      tpu.wait_dma2 semaphore(%run_scoped3A : memref<!tpu.dma_semaphore, #tpu.memory_space<semaphore_mem>>) src(%arg12 : memref<128x64xf32, #tpu.memory_space<vmem>>) dst(%dma_wait3A_140 : memref<128x64xf32, #tpu.memory_space<vmem_shared>>)
      tpu.yield
    }) : () -> ()
    %add3A_21 = arith.constant 384 : i32
    %add3A_22 = arith.addi %mul3A_0, %add3A_21 : i32
    "tpu.region"() ({
      %run_scoped3A = tpu.sem_alloc : memref<!tpu.dma_semaphore, #tpu.memory_space<semaphore_mem>>
      %dma_start3A = arith.constant 0 : i32
      %dma_start3A_135 = tpu.memref_slice %arg8[%add3A_22, %dma_start3A] : memref<10240x64xf32, #tpu.memory_space<vmem_shared>> -> memref<128x64xf32, #tpu.memory_space<vmem_shared>>
      %dma_start3A_136 = arith.constant 0 : i32
      %dma_start3A_137 = tpu.memref_slice %arg8[%add3A_22, %dma_start3A_136] : memref<10240x64xf32, #tpu.memory_space<vmem_shared>> -> memref<128x64xf32, #tpu.memory_space<vmem_shared>>
      tpu.enqueue_dma source(%arg12 : memref<128x64xf32, #tpu.memory_space<vmem>>) target(%dma_start3A_137 : memref<128x64xf32, #tpu.memory_space<vmem_shared>>) target_semaphore(%run_scoped3A : memref<!tpu.dma_semaphore, #tpu.memory_space<semaphore_mem>>)
      %dma_wait3A = arith.constant 0 : i32
      %dma_wait3A_138 = tpu.memref_slice %arg8[%add3A_22, %dma_wait3A] : memref<10240x64xf32, #tpu.memory_space<vmem_shared>> -> memref<128x64xf32, #tpu.memory_space<vmem_shared>>
      %dma_wait3A_139 = arith.constant 0 : i32
      %dma_wait3A_140 = tpu.memref_slice %arg8[%add3A_22, %dma_wait3A_139] : memref<10240x64xf32, #tpu.memory_space<vmem_shared>> -> memref<128x64xf32, #tpu.memory_space<vmem_shared>>
      tpu.wait_dma2 semaphore(%run_scoped3A : memref<!tpu.dma_semaphore, #tpu.memory_space<semaphore_mem>>) src(%arg12 : memref<128x64xf32, #tpu.memory_space<vmem>>) dst(%dma_wait3A_140 : memref<128x64xf32, #tpu.memory_space<vmem_shared>>)
      tpu.yield
    }) : () -> ()
    %add3A_23 = arith.constant 512 : i32
    %add3A_24 = arith.addi %mul3A_0, %add3A_23 : i32
    "tpu.region"() ({
      %run_scoped3A = tpu.sem_alloc : memref<!tpu.dma_semaphore, #tpu.memory_space<semaphore_mem>>
      %dma_start3A = arith.constant 0 : i32
      %dma_start3A_135 = tpu.memref_slice %arg8[%add3A_24, %dma_start3A] : memref<10240x64xf32, #tpu.memory_space<vmem_shared>> -> memref<128x64xf32, #tpu.memory_space<vmem_shared>>
      %dma_start3A_136 = arith.constant 0 : i32
      %dma_start3A_137 = tpu.memref_slice %arg8[%add3A_24, %dma_start3A_136] : memref<10240x64xf32, #tpu.memory_space<vmem_shared>> -> memref<128x64xf32, #tpu.memory_space<vmem_shared>>
      tpu.enqueue_dma source(%arg12 : memref<128x64xf32, #tpu.memory_space<vmem>>) target(%dma_start3A_137 : memref<128x64xf32, #tpu.memory_space<vmem_shared>>) target_semaphore(%run_scoped3A : memref<!tpu.dma_semaphore, #tpu.memory_space<semaphore_mem>>)
      %dma_wait3A = arith.constant 0 : i32
      %dma_wait3A_138 = tpu.memref_slice %arg8[%add3A_24, %dma_wait3A] : memref<10240x64xf32, #tpu.memory_space<vmem_shared>> -> memref<128x64xf32, #tpu.memory_space<vmem_shared>>
      %dma_wait3A_139 = arith.constant 0 : i32
      %dma_wait3A_140 = tpu.memref_slice %arg8[%add3A_24, %dma_wait3A_139] : memref<10240x64xf32, #tpu.memory_space<vmem_shared>> -> memref<128x64xf32, #tpu.memory_space<vmem_shared>>
      tpu.wait_dma2 semaphore(%run_scoped3A : memref<!tpu.dma_semaphore, #tpu.memory_space<semaphore_mem>>) src(%arg12 : memref<128x64xf32, #tpu.memory_space<vmem>>) dst(%dma_wait3A_140 : memref<128x64xf32, #tpu.memory_space<vmem_shared>>)
      tpu.yield
    }) : () -> ()
    %barrier3A = arith.constant 0 : index
    tpu.barrier barrier_id(%barrier3A)
    %scan3A_25 = arith.constant 0 : i32
    %scan3A_26 = arith.constant 10 : i32
    %scan3A_27 = arith.addi %scan3A_25, %scan3A_26 : i32
    %scan3A_28 = arith.constant 1 : i32
    scf.for %scan3A_135 = %scan3A_25 to %scan3A_27 step %scan3A_28  : i32 {
      %mul3A_136 = arith.constant 16 : i32
      %mul3A_137 = arith.muli %scan3A_135, %mul3A_136 : i32
      "tpu.region"() ({
        %run_scoped3A_171 = tpu.sem_alloc : memref<!tpu.dma_semaphore, #tpu.memory_space<semaphore_mem>>
        %dma_start3A = arith.constant 0 : i32
        %dma_start3A_172 = arith.constant 0 : i32
        %dma_start3A_173 = tpu.memref_slice %arg3[%arg1, %dma_start3A, %dma_start3A_172] : memref<16x160x128xi32, #tpu.memory_space<hbm>> -> memref<1x160x128xi32, #tpu.memory_space<hbm>>
        %dma_start3A_174 = tpu.memref_squeeze %dma_start3A_173 : memref<1x160x128xi32, #tpu.memory_space<hbm>> -> memref<160x128xi32, #tpu.memory_space<hbm>>
        %dma_start3A_175 = arith.constant 0 : i32
        %dma_start3A_176 = tpu.memref_slice %dma_start3A_174[%mul3A_137, %dma_start3A_175] : memref<160x128xi32, #tpu.memory_space<hbm>> -> memref<16x128xi32, #tpu.memory_space<hbm>>
        %dma_start3A_177 = arith.constant 0 : i32
        %dma_start3A_178 = arith.constant 0 : i32
        %dma_start3A_179 = tpu.memref_slice %arg3[%arg1, %dma_start3A_177, %dma_start3A_178] : memref<16x160x128xi32, #tpu.memory_space<hbm>> -> memref<1x160x128xi32, #tpu.memory_space<hbm>>
        %dma_start3A_180 = tpu.memref_squeeze %dma_start3A_179 : memref<1x160x128xi32, #tpu.memory_space<hbm>> -> memref<160x128xi32, #tpu.memory_space<hbm>>
        %dma_start3A_181 = arith.constant 0 : i32
        %dma_start3A_182 = tpu.memref_slice %dma_start3A_180[%mul3A_137, %dma_start3A_181] : memref<160x128xi32, #tpu.memory_space<hbm>> -> memref<16x128xi32, #tpu.memory_space<hbm>>
        tpu.enqueue_dma source(%dma_start3A_182 : memref<16x128xi32, #tpu.memory_space<hbm>>) target(%arg9 : memref<16x128xi32, #tpu.memory_space<vmem>>) target_semaphore(%run_scoped3A_171 : memref<!tpu.dma_semaphore, #tpu.memory_space<semaphore_mem>>)
        %dma_wait3A = arith.constant 0 : i32
        %dma_wait3A_183 = arith.constant 0 : i32
        %dma_wait3A_184 = tpu.memref_slice %arg3[%arg1, %dma_wait3A, %dma_wait3A_183] : memref<16x160x128xi32, #tpu.memory_space<hbm>> -> memref<1x160x128xi32, #tpu.memory_space<hbm>>
        %dma_wait3A_185 = tpu.memref_squeeze %dma_wait3A_184 : memref<1x160x128xi32, #tpu.memory_space<hbm>> -> memref<160x128xi32, #tpu.memory_space<hbm>>
        %dma_wait3A_186 = arith.constant 0 : i32
        %dma_wait3A_187 = tpu.memref_slice %dma_wait3A_185[%mul3A_137, %dma_wait3A_186] : memref<160x128xi32, #tpu.memory_space<hbm>> -> memref<16x128xi32, #tpu.memory_space<hbm>>
        %dma_wait3A_188 = arith.constant 0 : i32
        %dma_wait3A_189 = arith.constant 0 : i32
        %dma_wait3A_190 = tpu.memref_slice %arg3[%arg1, %dma_wait3A_188, %dma_wait3A_189] : memref<16x160x128xi32, #tpu.memory_space<hbm>> -> memref<1x160x128xi32, #tpu.memory_space<hbm>>
        %dma_wait3A_191 = tpu.memref_squeeze %dma_wait3A_190 : memref<1x160x128xi32, #tpu.memory_space<hbm>> -> memref<160x128xi32, #tpu.memory_space<hbm>>
        %dma_wait3A_192 = arith.constant 0 : i32
        %dma_wait3A_193 = tpu.memref_slice %dma_wait3A_191[%mul3A_137, %dma_wait3A_192] : memref<160x128xi32, #tpu.memory_space<hbm>> -> memref<16x128xi32, #tpu.memory_space<hbm>>
        tpu.wait_dma2 semaphore(%run_scoped3A_171 : memref<!tpu.dma_semaphore, #tpu.memory_space<semaphore_mem>>) src(%dma_wait3A_193 : memref<16x128xi32, #tpu.memory_space<hbm>>) dst(%arg9 : memref<16x128xi32, #tpu.memory_space<vmem>>)
        tpu.yield
      }) : () -> ()
      %mul3A_138 = arith.constant 16 : i32
      %mul3A_139 = arith.muli %scan3A_135, %mul3A_138 : i32
      "tpu.region"() ({
        %run_scoped3A_171 = tpu.sem_alloc : memref<!tpu.dma_semaphore, #tpu.memory_space<semaphore_mem>>
        %dma_start3A = arith.constant 0 : i32
        %dma_start3A_172 = arith.constant 0 : i32
        %dma_start3A_173 = tpu.memref_slice %arg4[%arg1, %dma_start3A, %dma_start3A_172] : memref<16x160x128xi32, #tpu.memory_space<hbm>> -> memref<1x160x128xi32, #tpu.memory_space<hbm>>
        %dma_start3A_174 = tpu.memref_squeeze %dma_start3A_173 : memref<1x160x128xi32, #tpu.memory_space<hbm>> -> memref<160x128xi32, #tpu.memory_space<hbm>>
        %dma_start3A_175 = arith.constant 0 : i32
        %dma_start3A_176 = tpu.memref_slice %dma_start3A_174[%mul3A_139, %dma_start3A_175] : memref<160x128xi32, #tpu.memory_space<hbm>> -> memref<16x128xi32, #tpu.memory_space<hbm>>
        %dma_start3A_177 = arith.constant 0 : i32
        %dma_start3A_178 = arith.constant 0 : i32
        %dma_start3A_179 = tpu.memref_slice %arg4[%arg1, %dma_start3A_177, %dma_start3A_178] : memref<16x160x128xi32, #tpu.memory_space<hbm>> -> memref<1x160x128xi32, #tpu.memory_space<hbm>>
        %dma_start3A_180 = tpu.memref_squeeze %dma_start3A_179 : memref<1x160x128xi32, #tpu.memory_space<hbm>> -> memref<160x128xi32, #tpu.memory_space<hbm>>
        %dma_start3A_181 = arith.constant 0 : i32
        %dma_start3A_182 = tpu.memref_slice %dma_start3A_180[%mul3A_139, %dma_start3A_181] : memref<160x128xi32, #tpu.memory_space<hbm>> -> memref<16x128xi32, #tpu.memory_space<hbm>>
        tpu.enqueue_dma source(%dma_start3A_182 : memref<16x128xi32, #tpu.memory_space<hbm>>) target(%arg10 : memref<16x128xi32, #tpu.memory_space<vmem>>) target_semaphore(%run_scoped3A_171 : memref<!tpu.dma_semaphore, #tpu.memory_space<semaphore_mem>>)
        %dma_wait3A = arith.constant 0 : i32
        %dma_wait3A_183 = arith.constant 0 : i32
        %dma_wait3A_184 = tpu.memref_slice %arg4[%arg1, %dma_wait3A, %dma_wait3A_183] : memref<16x160x128xi32, #tpu.memory_space<hbm>> -> memref<1x160x128xi32, #tpu.memory_space<hbm>>
        %dma_wait3A_185 = tpu.memref_squeeze %dma_wait3A_184 : memref<1x160x128xi32, #tpu.memory_space<hbm>> -> memref<160x128xi32, #tpu.memory_space<hbm>>
        %dma_wait3A_186 = arith.constant 0 : i32
        %dma_wait3A_187 = tpu.memref_slice %dma_wait3A_185[%mul3A_139, %dma_wait3A_186] : memref<160x128xi32, #tpu.memory_space<hbm>> -> memref<16x128xi32, #tpu.memory_space<hbm>>
        %dma_wait3A_188 = arith.constant 0 : i32
        %dma_wait3A_189 = arith.constant 0 : i32
        %dma_wait3A_190 = tpu.memref_slice %arg4[%arg1, %dma_wait3A_188, %dma_wait3A_189] : memref<16x160x128xi32, #tpu.memory_space<hbm>> -> memref<1x160x128xi32, #tpu.memory_space<hbm>>
        %dma_wait3A_191 = tpu.memref_squeeze %dma_wait3A_190 : memref<1x160x128xi32, #tpu.memory_space<hbm>> -> memref<160x128xi32, #tpu.memory_space<hbm>>
        %dma_wait3A_192 = arith.constant 0 : i32
        %dma_wait3A_193 = tpu.memref_slice %dma_wait3A_191[%mul3A_139, %dma_wait3A_192] : memref<160x128xi32, #tpu.memory_space<hbm>> -> memref<16x128xi32, #tpu.memory_space<hbm>>
        tpu.wait_dma2 semaphore(%run_scoped3A_171 : memref<!tpu.dma_semaphore, #tpu.memory_space<semaphore_mem>>) src(%dma_wait3A_193 : memref<16x128xi32, #tpu.memory_space<hbm>>) dst(%arg10 : memref<16x128xi32, #tpu.memory_space<vmem>>)
        tpu.yield
      }) : () -> ()
      %run_scoped3A = arith.constant 0 : i32
      "tpu.region"() ({
        %run_scoped3A_171 = tpu.sem_alloc : memref<!tpu.dma_semaphore, #tpu.memory_space<semaphore_mem>>
        %dma_start3A = arith.constant 0 : i32
        %dma_start3A_172 = tpu.memref_slice %arg9[%run_scoped3A, %dma_start3A] : memref<16x128xi32, #tpu.memory_space<vmem>> -> memref<1x128xi32, #tpu.memory_space<vmem>>
        %dma_start3A_173 = tpu.memref_squeeze %dma_start3A_172 : memref<1x128xi32, #tpu.memory_space<vmem>> -> memref<128xi32, #tpu.memory_space<vmem>>
        %dma_start3A_174 = arith.constant 0 : i32
        %dma_start3A_175 = arith.constant 0 : i32
        %dma_start3A_176 = tpu.memref_slice %arg7[%dma_start3A_174, %dma_start3A_175] : memref<10240x64xf32, #tpu.memory_space<vmem_shared>> -> memref<10240x64xf32, #tpu.memory_space<vmem_shared>>
        tpu.enqueue_indirect_dma source(%dma_start3A_176 : memref<10240x64xf32, #tpu.memory_space<vmem_shared>>) target(%arg11 : memref<128x64xf32, #tpu.memory_space<vmem>>) offsets(%dma_start3A_173 : memref<128xi32, #tpu.memory_space<vmem>>) semaphore(%run_scoped3A_171 : memref<!tpu.dma_semaphore, #tpu.memory_space<semaphore_mem>>)
        %dma_wait3A = arith.constant 0 : i32
        %dma_wait3A_177 = tpu.memref_slice %arg9[%run_scoped3A, %dma_wait3A] : memref<16x128xi32, #tpu.memory_space<vmem>> -> memref<1x128xi32, #tpu.memory_space<vmem>>
        %dma_wait3A_178 = tpu.memref_squeeze %dma_wait3A_177 : memref<1x128xi32, #tpu.memory_space<vmem>> -> memref<128xi32, #tpu.memory_space<vmem>>
        %dma_wait3A_179 = arith.constant 0 : i32
        %dma_wait3A_180 = arith.constant 0 : i32
        %dma_wait3A_181 = tpu.memref_slice %arg7[%dma_wait3A_179, %dma_wait3A_180] : memref<10240x64xf32, #tpu.memory_space<vmem_shared>> -> memref<10240x64xf32, #tpu.memory_space<vmem_shared>>
        tpu.wait_indirect_dma semaphore(%run_scoped3A_171 : memref<!tpu.dma_semaphore, #tpu.memory_space<semaphore_mem>>) src(%dma_wait3A_181 : memref<10240x64xf32, #tpu.memory_space<vmem_shared>>) dst(%arg11 : memref<128x64xf32, #tpu.memory_space<vmem>>)
        tpu.yield
      }) : () -> ()
      %run_scoped3A_140 = arith.constant 0 : i32
      "tpu.region"() ({
        %run_scoped3A_171 = tpu.sem_alloc : memref<!tpu.dma_semaphore, #tpu.memory_space<semaphore_mem>>
        %dma_start3A = arith.constant 0 : i32
        %dma_start3A_172 = tpu.memref_slice %arg10[%run_scoped3A_140, %dma_start3A] : memref<16x128xi32, #tpu.memory_space<vmem>> -> memref<1x128xi32, #tpu.memory_space<vmem>>
        %dma_start3A_173 = tpu.memref_squeeze %dma_start3A_172 : memref<1x128xi32, #tpu.memory_space<vmem>> -> memref<128xi32, #tpu.memory_space<vmem>>
        %dma_start3A_174 = arith.constant 0 : i32
        %dma_start3A_175 = arith.constant 0 : i32
        %dma_start3A_176 = tpu.memref_slice %arg8[%dma_start3A_174, %dma_start3A_175] : memref<10240x64xf32, #tpu.memory_space<vmem_shared>> -> memref<10240x64xf32, #tpu.memory_space<vmem_shared>>
        tpu.enqueue_indirect_dma source(%arg11 : memref<128x64xf32, #tpu.memory_space<vmem>>) target(%dma_start3A_176 : memref<10240x64xf32, #tpu.memory_space<vmem_shared>>) offsets(%dma_start3A_173 : memref<128xi32, #tpu.memory_space<vmem>>) semaphore(%run_scoped3A_171 : memref<!tpu.dma_semaphore, #tpu.memory_space<semaphore_mem>>) {add = true}
        %dma_wait3A = arith.constant 0 : i32
        %dma_wait3A_177 = tpu.memref_slice %arg10[%run_scoped3A_140, %dma_wait3A] : memref<16x128xi32, #tpu.memory_space<vmem>> -> memref<1x128xi32, #tpu.memory_space<vmem>>
        %dma_wait3A_178 = tpu.memref_squeeze %dma_wait3A_177 : memref<1x128xi32, #tpu.memory_space<vmem>> -> memref<128xi32, #tpu.memory_space<vmem>>
        %dma_wait3A_179 = arith.constant 0 : i32
        %dma_wait3A_180 = arith.constant 0 : i32
        %dma_wait3A_181 = tpu.memref_slice %arg8[%dma_wait3A_179, %dma_wait3A_180] : memref<10240x64xf32, #tpu.memory_space<vmem_shared>> -> memref<10240x64xf32, #tpu.memory_space<vmem_shared>>
        tpu.wait_indirect_dma semaphore(%run_scoped3A_171 : memref<!tpu.dma_semaphore, #tpu.memory_space<semaphore_mem>>) src(%arg11 : memref<128x64xf32, #tpu.memory_space<vmem>>) dst(%dma_wait3A_181 : memref<10240x64xf32, #tpu.memory_space<vmem_shared>>)
        tpu.yield
      }) : () -> ()
      %run_scoped3A_141 = arith.constant 1 : i32
      "tpu.region"() ({
        %run_scoped3A_171 = tpu.sem_alloc : memref<!tpu.dma_semaphore, #tpu.memory_space<semaphore_mem>>
        %dma_start3A = arith.constant 0 : i32
        %dma_start3A_172 = tpu.memref_slice %arg9[%run_scoped3A_141, %dma_start3A] : memref<16x128xi32, #tpu.memory_space<vmem>> -> memref<1x128xi32, #tpu.memory_space<vmem>>
        %dma_start3A_173 = tpu.memref_squeeze %dma_start3A_172 : memref<1x128xi32, #tpu.memory_space<vmem>> -> memref<128xi32, #tpu.memory_space<vmem>>
        %dma_start3A_174 = arith.constant 0 : i32
        %dma_start3A_175 = arith.constant 0 : i32
        %dma_start3A_176 = tpu.memref_slice %arg7[%dma_start3A_174, %dma_start3A_175] : memref<10240x64xf32, #tpu.memory_space<vmem_shared>> -> memref<10240x64xf32, #tpu.memory_space<vmem_shared>>
        tpu.enqueue_indirect_dma source(%dma_start3A_176 : memref<10240x64xf32, #tpu.memory_space<vmem_shared>>) target(%arg12 : memref<128x64xf32, #tpu.memory_space<vmem>>) offsets(%dma_start3A_173 : memref<128xi32, #tpu.memory_space<vmem>>) semaphore(%run_scoped3A_171 : memref<!tpu.dma_semaphore, #tpu.memory_space<semaphore_mem>>)
        %dma_wait3A = arith.constant 0 : i32
        %dma_wait3A_177 = tpu.memref_slice %arg9[%run_scoped3A_141, %dma_wait3A] : memref<16x128xi32, #tpu.memory_space<vmem>> -> memref<1x128xi32, #tpu.memory_space<vmem>>
        %dma_wait3A_178 = tpu.memref_squeeze %dma_wait3A_177 : memref<1x128xi32, #tpu.memory_space<vmem>> -> memref<128xi32, #tpu.memory_space<vmem>>
        %dma_wait3A_179 = arith.constant 0 : i32
        %dma_wait3A_180 = arith.constant 0 : i32
        %dma_wait3A_181 = tpu.memref_slice %arg7[%dma_wait3A_179, %dma_wait3A_180] : memref<10240x64xf32, #tpu.memory_space<vmem_shared>> -> memref<10240x64xf32, #tpu.memory_space<vmem_shared>>
        tpu.wait_indirect_dma semaphore(%run_scoped3A_171 : memref<!tpu.dma_semaphore, #tpu.memory_space<semaphore_mem>>) src(%dma_wait3A_181 : memref<10240x64xf32, #tpu.memory_space<vmem_shared>>) dst(%arg12 : memref<128x64xf32, #tpu.memory_space<vmem>>)
        tpu.yield
      }) : () -> ()
      %run_scoped3A_142 = arith.constant 1 : i32
      "tpu.region"() ({
        %run_scoped3A_171 = tpu.sem_alloc : memref<!tpu.dma_semaphore, #tpu.memory_space<semaphore_mem>>
        %dma_start3A = arith.constant 0 : i32
        %dma_start3A_172 = tpu.memref_slice %arg10[%run_scoped3A_142, %dma_start3A] : memref<16x128xi32, #tpu.memory_space<vmem>> -> memref<1x128xi32, #tpu.memory_space<vmem>>
        %dma_start3A_173 = tpu.memref_squeeze %dma_start3A_172 : memref<1x128xi32, #tpu.memory_space<vmem>> -> memref<128xi32, #tpu.memory_space<vmem>>
        %dma_start3A_174 = arith.constant 0 : i32
        %dma_start3A_175 = arith.constant 0 : i32
        %dma_start3A_176 = tpu.memref_slice %arg8[%dma_start3A_174, %dma_start3A_175] : memref<10240x64xf32, #tpu.memory_space<vmem_shared>> -> memref<10240x64xf32, #tpu.memory_space<vmem_shared>>
        tpu.enqueue_indirect_dma source(%arg12 : memref<128x64xf32, #tpu.memory_space<vmem>>) target(%dma_start3A_176 : memref<10240x64xf32, #tpu.memory_space<vmem_shared>>) offsets(%dma_start3A_173 : memref<128xi32, #tpu.memory_space<vmem>>) semaphore(%run_scoped3A_171 : memref<!tpu.dma_semaphore, #tpu.memory_space<semaphore_mem>>) {add = true}
        %dma_wait3A = arith.constant 0 : i32
        %dma_wait3A_177 = tpu.memref_slice %arg10[%run_scoped3A_142, %dma_wait3A] : memref<16x128xi32, #tpu.memory_space<vmem>> -> memref<1x128xi32, #tpu.memory_space<vmem>>
        %dma_wait3A_178 = tpu.memref_squeeze %dma_wait3A_177 : memref<1x128xi32, #tpu.memory_space<vmem>> -> memref<128xi32, #tpu.memory_space<vmem>>
        %dma_wait3A_179 = arith.constant 0 : i32
        %dma_wait3A_180 = arith.constant 0 : i32
        %dma_wait3A_181 = tpu.memref_slice %arg8[%dma_wait3A_179, %dma_wait3A_180] : memref<10240x64xf32, #tpu.memory_space<vmem_shared>> -> memref<10240x64xf32, #tpu.memory_space<vmem_shared>>
        tpu.wait_indirect_dma semaphore(%run_scoped3A_171 : memref<!tpu.dma_semaphore, #tpu.memory_space<semaphore_mem>>) src(%arg12 : memref<128x64xf32, #tpu.memory_space<vmem>>) dst(%dma_wait3A_181 : memref<10240x64xf32, #tpu.memory_space<vmem_shared>>)
        tpu.yield
      }) : () -> ()
      %run_scoped3A_143 = arith.constant 2 : i32
      "tpu.region"() ({
        %run_scoped3A_171 = tpu.sem_alloc : memref<!tpu.dma_semaphore, #tpu.memory_space<semaphore_mem>>
        %dma_start3A = arith.constant 0 : i32
        %dma_start3A_172 = tpu.memref_slice %arg9[%run_scoped3A_143, %dma_start3A] : memref<16x128xi32, #tpu.memory_space<vmem>> -> memref<1x128xi32, #tpu.memory_space<vmem>>
        %dma_start3A_173 = tpu.memref_squeeze %dma_start3A_172 : memref<1x128xi32, #tpu.memory_space<vmem>> -> memref<128xi32, #tpu.memory_space<vmem>>
        %dma_start3A_174 = arith.constant 0 : i32
        %dma_start3A_175 = arith.constant 0 : i32
        %dma_start3A_176 = tpu.memref_slice %arg7[%dma_start3A_174, %dma_start3A_175] : memref<10240x64xf32, #tpu.memory_space<vmem_shared>> -> memref<10240x64xf32, #tpu.memory_space<vmem_shared>>
        tpu.enqueue_indirect_dma source(%dma_start3A_176 : memref<10240x64xf32, #tpu.memory_space<vmem_shared>>) target(%arg11 : memref<128x64xf32, #tpu.memory_space<vmem>>) offsets(%dma_start3A_173 : memref<128xi32, #tpu.memory_space<vmem>>) semaphore(%run_scoped3A_171 : memref<!tpu.dma_semaphore, #tpu.memory_space<semaphore_mem>>)
        %dma_wait3A = arith.constant 0 : i32
        %dma_wait3A_177 = tpu.memref_slice %arg9[%run_scoped3A_143, %dma_wait3A] : memref<16x128xi32, #tpu.memory_space<vmem>> -> memref<1x128xi32, #tpu.memory_space<vmem>>
        %dma_wait3A_178 = tpu.memref_squeeze %dma_wait3A_177 : memref<1x128xi32, #tpu.memory_space<vmem>> -> memref<128xi32, #tpu.memory_space<vmem>>
        %dma_wait3A_179 = arith.constant 0 : i32
        %dma_wait3A_180 = arith.constant 0 : i32
        %dma_wait3A_181 = tpu.memref_slice %arg7[%dma_wait3A_179, %dma_wait3A_180] : memref<10240x64xf32, #tpu.memory_space<vmem_shared>> -> memref<10240x64xf32, #tpu.memory_space<vmem_shared>>
        tpu.wait_indirect_dma semaphore(%run_scoped3A_171 : memref<!tpu.dma_semaphore, #tpu.memory_space<semaphore_mem>>) src(%dma_wait3A_181 : memref<10240x64xf32, #tpu.memory_space<vmem_shared>>) dst(%arg11 : memref<128x64xf32, #tpu.memory_space<vmem>>)
        tpu.yield
      }) : () -> ()
      %run_scoped3A_144 = arith.constant 2 : i32
      "tpu.region"() ({
        %run_scoped3A_171 = tpu.sem_alloc : memref<!tpu.dma_semaphore, #tpu.memory_space<semaphore_mem>>
        %dma_start3A = arith.constant 0 : i32
        %dma_start3A_172 = tpu.memref_slice %arg10[%run_scoped3A_144, %dma_start3A] : memref<16x128xi32, #tpu.memory_space<vmem>> -> memref<1x128xi32, #tpu.memory_space<vmem>>
        %dma_start3A_173 = tpu.memref_squeeze %dma_start3A_172 : memref<1x128xi32, #tpu.memory_space<vmem>> -> memref<128xi32, #tpu.memory_space<vmem>>
        %dma_start3A_174 = arith.constant 0 : i32
        %dma_start3A_175 = arith.constant 0 : i32
        %dma_start3A_176 = tpu.memref_slice %arg8[%dma_start3A_174, %dma_start3A_175] : memref<10240x64xf32, #tpu.memory_space<vmem_shared>> -> memref<10240x64xf32, #tpu.memory_space<vmem_shared>>
        tpu.enqueue_indirect_dma source(%arg11 : memref<128x64xf32, #tpu.memory_space<vmem>>) target(%dma_start3A_176 : memref<10240x64xf32, #tpu.memory_space<vmem_shared>>) offsets(%dma_start3A_173 : memref<128xi32, #tpu.memory_space<vmem>>) semaphore(%run_scoped3A_171 : memref<!tpu.dma_semaphore, #tpu.memory_space<semaphore_mem>>) {add = true}
        %dma_wait3A = arith.constant 0 : i32
        %dma_wait3A_177 = tpu.memref_slice %arg10[%run_scoped3A_144, %dma_wait3A] : memref<16x128xi32, #tpu.memory_space<vmem>> -> memref<1x128xi32, #tpu.memory_space<vmem>>
        %dma_wait3A_178 = tpu.memref_squeeze %dma_wait3A_177 : memref<1x128xi32, #tpu.memory_space<vmem>> -> memref<128xi32, #tpu.memory_space<vmem>>
        %dma_wait3A_179 = arith.constant 0 : i32
        %dma_wait3A_180 = arith.constant 0 : i32
        %dma_wait3A_181 = tpu.memref_slice %arg8[%dma_wait3A_179, %dma_wait3A_180] : memref<10240x64xf32, #tpu.memory_space<vmem_shared>> -> memref<10240x64xf32, #tpu.memory_space<vmem_shared>>
        tpu.wait_indirect_dma semaphore(%run_scoped3A_171 : memref<!tpu.dma_semaphore, #tpu.memory_space<semaphore_mem>>) src(%arg11 : memref<128x64xf32, #tpu.memory_space<vmem>>) dst(%dma_wait3A_181 : memref<10240x64xf32, #tpu.memory_space<vmem_shared>>)
        tpu.yield
      }) : () -> ()
      %run_scoped3A_145 = arith.constant 3 : i32
      "tpu.region"() ({
        %run_scoped3A_171 = tpu.sem_alloc : memref<!tpu.dma_semaphore, #tpu.memory_space<semaphore_mem>>
        %dma_start3A = arith.constant 0 : i32
        %dma_start3A_172 = tpu.memref_slice %arg9[%run_scoped3A_145, %dma_start3A] : memref<16x128xi32, #tpu.memory_space<vmem>> -> memref<1x128xi32, #tpu.memory_space<vmem>>
        %dma_start3A_173 = tpu.memref_squeeze %dma_start3A_172 : memref<1x128xi32, #tpu.memory_space<vmem>> -> memref<128xi32, #tpu.memory_space<vmem>>
        %dma_start3A_174 = arith.constant 0 : i32
        %dma_start3A_175 = arith.constant 0 : i32
        %dma_start3A_176 = tpu.memref_slice %arg7[%dma_start3A_174, %dma_start3A_175] : memref<10240x64xf32, #tpu.memory_space<vmem_shared>> -> memref<10240x64xf32, #tpu.memory_space<vmem_shared>>
        tpu.enqueue_indirect_dma source(%dma_start3A_176 : memref<10240x64xf32, #tpu.memory_space<vmem_shared>>) target(%arg12 : memref<128x64xf32, #tpu.memory_space<vmem>>) offsets(%dma_start3A_173 : memref<128xi32, #tpu.memory_space<vmem>>) semaphore(%run_scoped3A_171 : memref<!tpu.dma_semaphore, #tpu.memory_space<semaphore_mem>>)
        %dma_wait3A = arith.constant 0 : i32
        %dma_wait3A_177 = tpu.memref_slice %arg9[%run_scoped3A_145, %dma_wait3A] : memref<16x128xi32, #tpu.memory_space<vmem>> -> memref<1x128xi32, #tpu.memory_space<vmem>>
        %dma_wait3A_178 = tpu.memref_squeeze %dma_wait3A_177 : memref<1x128xi32, #tpu.memory_space<vmem>> -> memref<128xi32, #tpu.memory_space<vmem>>
        %dma_wait3A_179 = arith.constant 0 : i32
        %dma_wait3A_180 = arith.constant 0 : i32
        %dma_wait3A_181 = tpu.memref_slice %arg7[%dma_wait3A_179, %dma_wait3A_180] : memref<10240x64xf32, #tpu.memory_space<vmem_shared>> -> memref<10240x64xf32, #tpu.memory_space<vmem_shared>>
        tpu.wait_indirect_dma semaphore(%run_scoped3A_171 : memref<!tpu.dma_semaphore, #tpu.memory_space<semaphore_mem>>) src(%dma_wait3A_181 : memref<10240x64xf32, #tpu.memory_space<vmem_shared>>) dst(%arg12 : memref<128x64xf32, #tpu.memory_space<vmem>>)
        tpu.yield
      }) : () -> ()
      %run_scoped3A_146 = arith.constant 3 : i32
      "tpu.region"() ({
        %run_scoped3A_171 = tpu.sem_alloc : memref<!tpu.dma_semaphore, #tpu.memory_space<semaphore_mem>>
        %dma_start3A = arith.constant 0 : i32
        %dma_start3A_172 = tpu.memref_slice %arg10[%run_scoped3A_146, %dma_start3A] : memref<16x128xi32, #tpu.memory_space<vmem>> -> memref<1x128xi32, #tpu.memory_space<vmem>>
        %dma_start3A_173 = tpu.memref_squeeze %dma_start3A_172 : memref<1x128xi32, #tpu.memory_space<vmem>> -> memref<128xi32, #tpu.memory_space<vmem>>
        %dma_start3A_174 = arith.constant 0 : i32
        %dma_start3A_175 = arith.constant 0 : i32
        %dma_start3A_176 = tpu.memref_slice %arg8[%dma_start3A_174, %dma_start3A_175] : memref<10240x64xf32, #tpu.memory_space<vmem_shared>> -> memref<10240x64xf32, #tpu.memory_space<vmem_shared>>
        tpu.enqueue_indirect_dma source(%arg12 : memref<128x64xf32, #tpu.memory_space<vmem>>) target(%dma_start3A_176 : memref<10240x64xf32, #tpu.memory_space<vmem_shared>>) offsets(%dma_start3A_173 : memref<128xi32, #tpu.memory_space<vmem>>) semaphore(%run_scoped3A_171 : memref<!tpu.dma_semaphore, #tpu.memory_space<semaphore_mem>>) {add = true}
        %dma_wait3A = arith.constant 0 : i32
        %dma_wait3A_177 = tpu.memref_slice %arg10[%run_scoped3A_146, %dma_wait3A] : memref<16x128xi32, #tpu.memory_space<vmem>> -> memref<1x128xi32, #tpu.memory_space<vmem>>
        %dma_wait3A_178 = tpu.memref_squeeze %dma_wait3A_177 : memref<1x128xi32, #tpu.memory_space<vmem>> -> memref<128xi32, #tpu.memory_space<vmem>>
        %dma_wait3A_179 = arith.constant 0 : i32
        %dma_wait3A_180 = arith.constant 0 : i32
        %dma_wait3A_181 = tpu.memref_slice %arg8[%dma_wait3A_179, %dma_wait3A_180] : memref<10240x64xf32, #tpu.memory_space<vmem_shared>> -> memref<10240x64xf32, #tpu.memory_space<vmem_shared>>
        tpu.wait_indirect_dma semaphore(%run_scoped3A_171 : memref<!tpu.dma_semaphore, #tpu.memory_space<semaphore_mem>>) src(%arg12 : memref<128x64xf32, #tpu.memory_space<vmem>>) dst(%dma_wait3A_181 : memref<10240x64xf32, #tpu.memory_space<vmem_shared>>)
        tpu.yield
      }) : () -> ()
      %run_scoped3A_147 = arith.constant 4 : i32
      "tpu.region"() ({
        %run_scoped3A_171 = tpu.sem_alloc : memref<!tpu.dma_semaphore, #tpu.memory_space<semaphore_mem>>
        %dma_start3A = arith.constant 0 : i32
        %dma_start3A_172 = tpu.memref_slice %arg9[%run_scoped3A_147, %dma_start3A] : memref<16x128xi32, #tpu.memory_space<vmem>> -> memref<1x128xi32, #tpu.memory_space<vmem>>
        %dma_start3A_173 = tpu.memref_squeeze %dma_start3A_172 : memref<1x128xi32, #tpu.memory_space<vmem>> -> memref<128xi32, #tpu.memory_space<vmem>>
        %dma_start3A_174 = arith.constant 0 : i32
        %dma_start3A_175 = arith.constant 0 : i32
        %dma_start3A_176 = tpu.memref_slice %arg7[%dma_start3A_174, %dma_start3A_175] : memref<10240x64xf32, #tpu.memory_space<vmem_shared>> -> memref<10240x64xf32, #tpu.memory_space<vmem_shared>>
        tpu.enqueue_indirect_dma source(%dma_start3A_176 : memref<10240x64xf32, #tpu.memory_space<vmem_shared>>) target(%arg11 : memref<128x64xf32, #tpu.memory_space<vmem>>) offsets(%dma_start3A_173 : memref<128xi32, #tpu.memory_space<vmem>>) semaphore(%run_scoped3A_171 : memref<!tpu.dma_semaphore, #tpu.memory_space<semaphore_mem>>)
        %dma_wait3A = arith.constant 0 : i32
        %dma_wait3A_177 = tpu.memref_slice %arg9[%run_scoped3A_147, %dma_wait3A] : memref<16x128xi32, #tpu.memory_space<vmem>> -> memref<1x128xi32, #tpu.memory_space<vmem>>
        %dma_wait3A_178 = tpu.memref_squeeze %dma_wait3A_177 : memref<1x128xi32, #tpu.memory_space<vmem>> -> memref<128xi32, #tpu.memory_space<vmem>>
        %dma_wait3A_179 = arith.constant 0 : i32
        %dma_wait3A_180 = arith.constant 0 : i32
        %dma_wait3A_181 = tpu.memref_slice %arg7[%dma_wait3A_179, %dma_wait3A_180] : memref<10240x64xf32, #tpu.memory_space<vmem_shared>> -> memref<10240x64xf32, #tpu.memory_space<vmem_shared>>
        tpu.wait_indirect_dma semaphore(%run_scoped3A_171 : memref<!tpu.dma_semaphore, #tpu.memory_space<semaphore_mem>>) src(%dma_wait3A_181 : memref<10240x64xf32, #tpu.memory_space<vmem_shared>>) dst(%arg11 : memref<128x64xf32, #tpu.memory_space<vmem>>)
        tpu.yield
      }) : () -> ()
      %run_scoped3A_148 = arith.constant 4 : i32
      "tpu.region"() ({
        %run_scoped3A_171 = tpu.sem_alloc : memref<!tpu.dma_semaphore, #tpu.memory_space<semaphore_mem>>
        %dma_start3A = arith.constant 0 : i32
        %dma_start3A_172 = tpu.memref_slice %arg10[%run_scoped3A_148, %dma_start3A] : memref<16x128xi32, #tpu.memory_space<vmem>> -> memref<1x128xi32, #tpu.memory_space<vmem>>
        %dma_start3A_173 = tpu.memref_squeeze %dma_start3A_172 : memref<1x128xi32, #tpu.memory_space<vmem>> -> memref<128xi32, #tpu.memory_space<vmem>>
        %dma_start3A_174 = arith.constant 0 : i32
        %dma_start3A_175 = arith.constant 0 : i32
        %dma_start3A_176 = tpu.memref_slice %arg8[%dma_start3A_174, %dma_start3A_175] : memref<10240x64xf32, #tpu.memory_space<vmem_shared>> -> memref<10240x64xf32, #tpu.memory_space<vmem_shared>>
        tpu.enqueue_indirect_dma source(%arg11 : memref<128x64xf32, #tpu.memory_space<vmem>>) target(%dma_start3A_176 : memref<10240x64xf32, #tpu.memory_space<vmem_shared>>) offsets(%dma_start3A_173 : memref<128xi32, #tpu.memory_space<vmem>>) semaphore(%run_scoped3A_171 : memref<!tpu.dma_semaphore, #tpu.memory_space<semaphore_mem>>) {add = true}
        %dma_wait3A = arith.constant 0 : i32
        %dma_wait3A_177 = tpu.memref_slice %arg10[%run_scoped3A_148, %dma_wait3A] : memref<16x128xi32, #tpu.memory_space<vmem>> -> memref<1x128xi32, #tpu.memory_space<vmem>>
        %dma_wait3A_178 = tpu.memref_squeeze %dma_wait3A_177 : memref<1x128xi32, #tpu.memory_space<vmem>> -> memref<128xi32, #tpu.memory_space<vmem>>
        %dma_wait3A_179 = arith.constant 0 : i32
        %dma_wait3A_180 = arith.constant 0 : i32
        %dma_wait3A_181 = tpu.memref_slice %arg8[%dma_wait3A_179, %dma_wait3A_180] : memref<10240x64xf32, #tpu.memory_space<vmem_shared>> -> memref<10240x64xf32, #tpu.memory_space<vmem_shared>>
        tpu.wait_indirect_dma semaphore(%run_scoped3A_171 : memref<!tpu.dma_semaphore, #tpu.memory_space<semaphore_mem>>) src(%arg11 : memref<128x64xf32, #tpu.memory_space<vmem>>) dst(%dma_wait3A_181 : memref<10240x64xf32, #tpu.memory_space<vmem_shared>>)
        tpu.yield
      }) : () -> ()
      %run_scoped3A_149 = arith.constant 5 : i32
      "tpu.region"() ({
        %run_scoped3A_171 = tpu.sem_alloc : memref<!tpu.dma_semaphore, #tpu.memory_space<semaphore_mem>>
        %dma_start3A = arith.constant 0 : i32
        %dma_start3A_172 = tpu.memref_slice %arg9[%run_scoped3A_149, %dma_start3A] : memref<16x128xi32, #tpu.memory_space<vmem>> -> memref<1x128xi32, #tpu.memory_space<vmem>>
        %dma_start3A_173 = tpu.memref_squeeze %dma_start3A_172 : memref<1x128xi32, #tpu.memory_space<vmem>> -> memref<128xi32, #tpu.memory_space<vmem>>
        %dma_start3A_174 = arith.constant 0 : i32
        %dma_start3A_175 = arith.constant 0 : i32
        %dma_start3A_176 = tpu.memref_slice %arg7[%dma_start3A_174, %dma_start3A_175] : memref<10240x64xf32, #tpu.memory_space<vmem_shared>> -> memref<10240x64xf32, #tpu.memory_space<vmem_shared>>
        tpu.enqueue_indirect_dma source(%dma_start3A_176 : memref<10240x64xf32, #tpu.memory_space<vmem_shared>>) target(%arg12 : memref<128x64xf32, #tpu.memory_space<vmem>>) offsets(%dma_start3A_173 : memref<128xi32, #tpu.memory_space<vmem>>) semaphore(%run_scoped3A_171 : memref<!tpu.dma_semaphore, #tpu.memory_space<semaphore_mem>>)
        %dma_wait3A = arith.constant 0 : i32
        %dma_wait3A_177 = tpu.memref_slice %arg9[%run_scoped3A_149, %dma_wait3A] : memref<16x128xi32, #tpu.memory_space<vmem>> -> memref<1x128xi32, #tpu.memory_space<vmem>>
        %dma_wait3A_178 = tpu.memref_squeeze %dma_wait3A_177 : memref<1x128xi32, #tpu.memory_space<vmem>> -> memref<128xi32, #tpu.memory_space<vmem>>
        %dma_wait3A_179 = arith.constant 0 : i32
        %dma_wait3A_180 = arith.constant 0 : i32
        %dma_wait3A_181 = tpu.memref_slice %arg7[%dma_wait3A_179, %dma_wait3A_180] : memref<10240x64xf32, #tpu.memory_space<vmem_shared>> -> memref<10240x64xf32, #tpu.memory_space<vmem_shared>>
        tpu.wait_indirect_dma semaphore(%run_scoped3A_171 : memref<!tpu.dma_semaphore, #tpu.memory_space<semaphore_mem>>) src(%dma_wait3A_181 : memref<10240x64xf32, #tpu.memory_space<vmem_shared>>) dst(%arg12 : memref<128x64xf32, #tpu.memory_space<vmem>>)
        tpu.yield
      }) : () -> ()
      %run_scoped3A_150 = arith.constant 5 : i32
      "tpu.region"() ({
        %run_scoped3A_171 = tpu.sem_alloc : memref<!tpu.dma_semaphore, #tpu.memory_space<semaphore_mem>>
        %dma_start3A = arith.constant 0 : i32
        %dma_start3A_172 = tpu.memref_slice %arg10[%run_scoped3A_150, %dma_start3A] : memref<16x128xi32, #tpu.memory_space<vmem>> -> memref<1x128xi32, #tpu.memory_space<vmem>>
        %dma_start3A_173 = tpu.memref_squeeze %dma_start3A_172 : memref<1x128xi32, #tpu.memory_space<vmem>> -> memref<128xi32, #tpu.memory_space<vmem>>
        %dma_start3A_174 = arith.constant 0 : i32
        %dma_start3A_175 = arith.constant 0 : i32
        %dma_start3A_176 = tpu.memref_slice %arg8[%dma_start3A_174, %dma_start3A_175] : memref<10240x64xf32, #tpu.memory_space<vmem_shared>> -> memref<10240x64xf32, #tpu.memory_space<vmem_shared>>
        tpu.enqueue_indirect_dma source(%arg12 : memref<128x64xf32, #tpu.memory_space<vmem>>) target(%dma_start3A_176 : memref<10240x64xf32, #tpu.memory_space<vmem_shared>>) offsets(%dma_start3A_173 : memref<128xi32, #tpu.memory_space<vmem>>) semaphore(%run_scoped3A_171 : memref<!tpu.dma_semaphore, #tpu.memory_space<semaphore_mem>>) {add = true}
        %dma_wait3A = arith.constant 0 : i32
        %dma_wait3A_177 = tpu.memref_slice %arg10[%run_scoped3A_150, %dma_wait3A] : memref<16x128xi32, #tpu.memory_space<vmem>> -> memref<1x128xi32, #tpu.memory_space<vmem>>
        %dma_wait3A_178 = tpu.memref_squeeze %dma_wait3A_177 : memref<1x128xi32, #tpu.memory_space<vmem>> -> memref<128xi32, #tpu.memory_space<vmem>>
        %dma_wait3A_179 = arith.constant 0 : i32
        %dma_wait3A_180 = arith.constant 0 : i32
        %dma_wait3A_181 = tpu.memref_slice %arg8[%dma_wait3A_179, %dma_wait3A_180] : memref<10240x64xf32, #tpu.memory_space<vmem_shared>> -> memref<10240x64xf32, #tpu.memory_space<vmem_shared>>
        tpu.wait_indirect_dma semaphore(%run_scoped3A_171 : memref<!tpu.dma_semaphore, #tpu.memory_space<semaphore_mem>>) src(%arg12 : memref<128x64xf32, #tpu.memory_space<vmem>>) dst(%dma_wait3A_181 : memref<10240x64xf32, #tpu.memory_space<vmem_shared>>)
        tpu.yield
      }) : () -> ()
      %run_scoped3A_151 = arith.constant 6 : i32
      "tpu.region"() ({
        %run_scoped3A_171 = tpu.sem_alloc : memref<!tpu.dma_semaphore, #tpu.memory_space<semaphore_mem>>
        %dma_start3A = arith.constant 0 : i32
        %dma_start3A_172 = tpu.memref_slice %arg9[%run_scoped3A_151, %dma_start3A] : memref<16x128xi32, #tpu.memory_space<vmem>> -> memref<1x128xi32, #tpu.memory_space<vmem>>
        %dma_start3A_173 = tpu.memref_squeeze %dma_start3A_172 : memref<1x128xi32, #tpu.memory_space<vmem>> -> memref<128xi32, #tpu.memory_space<vmem>>
        %dma_start3A_174 = arith.constant 0 : i32
        %dma_start3A_175 = arith.constant 0 : i32
        %dma_start3A_176 = tpu.memref_slice %arg7[%dma_start3A_174, %dma_start3A_175] : memref<10240x64xf32, #tpu.memory_space<vmem_shared>> -> memref<10240x64xf32, #tpu.memory_space<vmem_shared>>
        tpu.enqueue_indirect_dma source(%dma_start3A_176 : memref<10240x64xf32, #tpu.memory_space<vmem_shared>>) target(%arg11 : memref<128x64xf32, #tpu.memory_space<vmem>>) offsets(%dma_start3A_173 : memref<128xi32, #tpu.memory_space<vmem>>) semaphore(%run_scoped3A_171 : memref<!tpu.dma_semaphore, #tpu.memory_space<semaphore_mem>>)
        %dma_wait3A = arith.constant 0 : i32
        %dma_wait3A_177 = tpu.memref_slice %arg9[%run_scoped3A_151, %dma_wait3A] : memref<16x128xi32, #tpu.memory_space<vmem>> -> memref<1x128xi32, #tpu.memory_space<vmem>>
        %dma_wait3A_178 = tpu.memref_squeeze %dma_wait3A_177 : memref<1x128xi32, #tpu.memory_space<vmem>> -> memref<128xi32, #tpu.memory_space<vmem>>
        %dma_wait3A_179 = arith.constant 0 : i32
        %dma_wait3A_180 = arith.constant 0 : i32
        %dma_wait3A_181 = tpu.memref_slice %arg7[%dma_wait3A_179, %dma_wait3A_180] : memref<10240x64xf32, #tpu.memory_space<vmem_shared>> -> memref<10240x64xf32, #tpu.memory_space<vmem_shared>>
        tpu.wait_indirect_dma semaphore(%run_scoped3A_171 : memref<!tpu.dma_semaphore, #tpu.memory_space<semaphore_mem>>) src(%dma_wait3A_181 : memref<10240x64xf32, #tpu.memory_space<vmem_shared>>) dst(%arg11 : memref<128x64xf32, #tpu.memory_space<vmem>>)
        tpu.yield
      }) : () -> ()
      %run_scoped3A_152 = arith.constant 6 : i32
      "tpu.region"() ({
        %run_scoped3A_171 = tpu.sem_alloc : memref<!tpu.dma_semaphore, #tpu.memory_space<semaphore_mem>>
        %dma_start3A = arith.constant 0 : i32
        %dma_start3A_172 = tpu.memref_slice %arg10[%run_scoped3A_152, %dma_start3A] : memref<16x128xi32, #tpu.memory_space<vmem>> -> memref<1x128xi32, #tpu.memory_space<vmem>>
        %dma_start3A_173 = tpu.memref_squeeze %dma_start3A_172 : memref<1x128xi32, #tpu.memory_space<vmem>> -> memref<128xi32, #tpu.memory_space<vmem>>
        %dma_start3A_174 = arith.constant 0 : i32
        %dma_start3A_175 = arith.constant 0 : i32
        %dma_start3A_176 = tpu.memref_slice %arg8[%dma_start3A_174, %dma_start3A_175] : memref<10240x64xf32, #tpu.memory_space<vmem_shared>> -> memref<10240x64xf32, #tpu.memory_space<vmem_shared>>
        tpu.enqueue_indirect_dma source(%arg11 : memref<128x64xf32, #tpu.memory_space<vmem>>) target(%dma_start3A_176 : memref<10240x64xf32, #tpu.memory_space<vmem_shared>>) offsets(%dma_start3A_173 : memref<128xi32, #tpu.memory_space<vmem>>) semaphore(%run_scoped3A_171 : memref<!tpu.dma_semaphore, #tpu.memory_space<semaphore_mem>>) {add = true}
        %dma_wait3A = arith.constant 0 : i32
        %dma_wait3A_177 = tpu.memref_slice %arg10[%run_scoped3A_152, %dma_wait3A] : memref<16x128xi32, #tpu.memory_space<vmem>> -> memref<1x128xi32, #tpu.memory_space<vmem>>
        %dma_wait3A_178 = tpu.memref_squeeze %dma_wait3A_177 : memref<1x128xi32, #tpu.memory_space<vmem>> -> memref<128xi32, #tpu.memory_space<vmem>>
        %dma_wait3A_179 = arith.constant 0 : i32
        %dma_wait3A_180 = arith.constant 0 : i32
        %dma_wait3A_181 = tpu.memref_slice %arg8[%dma_wait3A_179, %dma_wait3A_180] : memref<10240x64xf32, #tpu.memory_space<vmem_shared>> -> memref<10240x64xf32, #tpu.memory_space<vmem_shared>>
        tpu.wait_indirect_dma semaphore(%run_scoped3A_171 : memref<!tpu.dma_semaphore, #tpu.memory_space<semaphore_mem>>) src(%arg11 : memref<128x64xf32, #tpu.memory_space<vmem>>) dst(%dma_wait3A_181 : memref<10240x64xf32, #tpu.memory_space<vmem_shared>>)
        tpu.yield
      }) : () -> ()
      %run_scoped3A_153 = arith.constant 7 : i32
      "tpu.region"() ({
        %run_scoped3A_171 = tpu.sem_alloc : memref<!tpu.dma_semaphore, #tpu.memory_space<semaphore_mem>>
        %dma_start3A = arith.constant 0 : i32
        %dma_start3A_172 = tpu.memref_slice %arg9[%run_scoped3A_153, %dma_start3A] : memref<16x128xi32, #tpu.memory_space<vmem>> -> memref<1x128xi32, #tpu.memory_space<vmem>>
        %dma_start3A_173 = tpu.memref_squeeze %dma_start3A_172 : memref<1x128xi32, #tpu.memory_space<vmem>> -> memref<128xi32, #tpu.memory_space<vmem>>
        %dma_start3A_174 = arith.constant 0 : i32
        %dma_start3A_175 = arith.constant 0 : i32
        %dma_start3A_176 = tpu.memref_slice %arg7[%dma_start3A_174, %dma_start3A_175] : memref<10240x64xf32, #tpu.memory_space<vmem_shared>> -> memref<10240x64xf32, #tpu.memory_space<vmem_shared>>
        tpu.enqueue_indirect_dma source(%dma_start3A_176 : memref<10240x64xf32, #tpu.memory_space<vmem_shared>>) target(%arg12 : memref<128x64xf32, #tpu.memory_space<vmem>>) offsets(%dma_start3A_173 : memref<128xi32, #tpu.memory_space<vmem>>) semaphore(%run_scoped3A_171 : memref<!tpu.dma_semaphore, #tpu.memory_space<semaphore_mem>>)
        %dma_wait3A = arith.constant 0 : i32
        %dma_wait3A_177 = tpu.memref_slice %arg9[%run_scoped3A_153, %dma_wait3A] : memref<16x128xi32, #tpu.memory_space<vmem>> -> memref<1x128xi32, #tpu.memory_space<vmem>>
        %dma_wait3A_178 = tpu.memref_squeeze %dma_wait3A_177 : memref<1x128xi32, #tpu.memory_space<vmem>> -> memref<128xi32, #tpu.memory_space<vmem>>
        %dma_wait3A_179 = arith.constant 0 : i32
        %dma_wait3A_180 = arith.constant 0 : i32
        %dma_wait3A_181 = tpu.memref_slice %arg7[%dma_wait3A_179, %dma_wait3A_180] : memref<10240x64xf32, #tpu.memory_space<vmem_shared>> -> memref<10240x64xf32, #tpu.memory_space<vmem_shared>>
        tpu.wait_indirect_dma semaphore(%run_scoped3A_171 : memref<!tpu.dma_semaphore, #tpu.memory_space<semaphore_mem>>) src(%dma_wait3A_181 : memref<10240x64xf32, #tpu.memory_space<vmem_shared>>) dst(%arg12 : memref<128x64xf32, #tpu.memory_space<vmem>>)
        tpu.yield
      }) : () -> ()
      %run_scoped3A_154 = arith.constant 7 : i32
      "tpu.region"() ({
        %run_scoped3A_171 = tpu.sem_alloc : memref<!tpu.dma_semaphore, #tpu.memory_space<semaphore_mem>>
        %dma_start3A = arith.constant 0 : i32
        %dma_start3A_172 = tpu.memref_slice %arg10[%run_scoped3A_154, %dma_start3A] : memref<16x128xi32, #tpu.memory_space<vmem>> -> memref<1x128xi32, #tpu.memory_space<vmem>>
        %dma_start3A_173 = tpu.memref_squeeze %dma_start3A_172 : memref<1x128xi32, #tpu.memory_space<vmem>> -> memref<128xi32, #tpu.memory_space<vmem>>
        %dma_start3A_174 = arith.constant 0 : i32
        %dma_start3A_175 = arith.constant 0 : i32
        %dma_start3A_176 = tpu.memref_slice %arg8[%dma_start3A_174, %dma_start3A_175] : memref<10240x64xf32, #tpu.memory_space<vmem_shared>> -> memref<10240x64xf32, #tpu.memory_space<vmem_shared>>
        tpu.enqueue_indirect_dma source(%arg12 : memref<128x64xf32, #tpu.memory_space<vmem>>) target(%dma_start3A_176 : memref<10240x64xf32, #tpu.memory_space<vmem_shared>>) offsets(%dma_start3A_173 : memref<128xi32, #tpu.memory_space<vmem>>) semaphore(%run_scoped3A_171 : memref<!tpu.dma_semaphore, #tpu.memory_space<semaphore_mem>>) {add = true}
        %dma_wait3A = arith.constant 0 : i32
        %dma_wait3A_177 = tpu.memref_slice %arg10[%run_scoped3A_154, %dma_wait3A] : memref<16x128xi32, #tpu.memory_space<vmem>> -> memref<1x128xi32, #tpu.memory_space<vmem>>
        %dma_wait3A_178 = tpu.memref_squeeze %dma_wait3A_177 : memref<1x128xi32, #tpu.memory_space<vmem>> -> memref<128xi32, #tpu.memory_space<vmem>>
        %dma_wait3A_179 = arith.constant 0 : i32
        %dma_wait3A_180 = arith.constant 0 : i32
        %dma_wait3A_181 = tpu.memref_slice %arg8[%dma_wait3A_179, %dma_wait3A_180] : memref<10240x64xf32, #tpu.memory_space<vmem_shared>> -> memref<10240x64xf32, #tpu.memory_space<vmem_shared>>
        tpu.wait_indirect_dma semaphore(%run_scoped3A_171 : memref<!tpu.dma_semaphore, #tpu.memory_space<semaphore_mem>>) src(%arg12 : memref<128x64xf32, #tpu.memory_space<vmem>>) dst(%dma_wait3A_181 : memref<10240x64xf32, #tpu.memory_space<vmem_shared>>)
        tpu.yield
      }) : () -> ()
      %run_scoped3A_155 = arith.constant 8 : i32
      "tpu.region"() ({
        %run_scoped3A_171 = tpu.sem_alloc : memref<!tpu.dma_semaphore, #tpu.memory_space<semaphore_mem>>
        %dma_start3A = arith.constant 0 : i32
        %dma_start3A_172 = tpu.memref_slice %arg9[%run_scoped3A_155, %dma_start3A] : memref<16x128xi32, #tpu.memory_space<vmem>> -> memref<1x128xi32, #tpu.memory_space<vmem>>
        %dma_start3A_173 = tpu.memref_squeeze %dma_start3A_172 : memref<1x128xi32, #tpu.memory_space<vmem>> -> memref<128xi32, #tpu.memory_space<vmem>>
        %dma_start3A_174 = arith.constant 0 : i32
        %dma_start3A_175 = arith.constant 0 : i32
        %dma_start3A_176 = tpu.memref_slice %arg7[%dma_start3A_174, %dma_start3A_175] : memref<10240x64xf32, #tpu.memory_space<vmem_shared>> -> memref<10240x64xf32, #tpu.memory_space<vmem_shared>>
        tpu.enqueue_indirect_dma source(%dma_start3A_176 : memref<10240x64xf32, #tpu.memory_space<vmem_shared>>) target(%arg11 : memref<128x64xf32, #tpu.memory_space<vmem>>) offsets(%dma_start3A_173 : memref<128xi32, #tpu.memory_space<vmem>>) semaphore(%run_scoped3A_171 : memref<!tpu.dma_semaphore, #tpu.memory_space<semaphore_mem>>)
        %dma_wait3A = arith.constant 0 : i32
        %dma_wait3A_177 = tpu.memref_slice %arg9[%run_scoped3A_155, %dma_wait3A] : memref<16x128xi32, #tpu.memory_space<vmem>> -> memref<1x128xi32, #tpu.memory_space<vmem>>
        %dma_wait3A_178 = tpu.memref_squeeze %dma_wait3A_177 : memref<1x128xi32, #tpu.memory_space<vmem>> -> memref<128xi32, #tpu.memory_space<vmem>>
        %dma_wait3A_179 = arith.constant 0 : i32
        %dma_wait3A_180 = arith.constant 0 : i32
        %dma_wait3A_181 = tpu.memref_slice %arg7[%dma_wait3A_179, %dma_wait3A_180] : memref<10240x64xf32, #tpu.memory_space<vmem_shared>> -> memref<10240x64xf32, #tpu.memory_space<vmem_shared>>
        tpu.wait_indirect_dma semaphore(%run_scoped3A_171 : memref<!tpu.dma_semaphore, #tpu.memory_space<semaphore_mem>>) src(%dma_wait3A_181 : memref<10240x64xf32, #tpu.memory_space<vmem_shared>>) dst(%arg11 : memref<128x64xf32, #tpu.memory_space<vmem>>)
        tpu.yield
      }) : () -> ()
      %run_scoped3A_156 = arith.constant 8 : i32
      "tpu.region"() ({
        %run_scoped3A_171 = tpu.sem_alloc : memref<!tpu.dma_semaphore, #tpu.memory_space<semaphore_mem>>
        %dma_start3A = arith.constant 0 : i32
        %dma_start3A_172 = tpu.memref_slice %arg10[%run_scoped3A_156, %dma_start3A] : memref<16x128xi32, #tpu.memory_space<vmem>> -> memref<1x128xi32, #tpu.memory_space<vmem>>
        %dma_start3A_173 = tpu.memref_squeeze %dma_start3A_172 : memref<1x128xi32, #tpu.memory_space<vmem>> -> memref<128xi32, #tpu.memory_space<vmem>>
        %dma_start3A_174 = arith.constant 0 : i32
        %dma_start3A_175 = arith.constant 0 : i32
        %dma_start3A_176 = tpu.memref_slice %arg8[%dma_start3A_174, %dma_start3A_175] : memref<10240x64xf32, #tpu.memory_space<vmem_shared>> -> memref<10240x64xf32, #tpu.memory_space<vmem_shared>>
        tpu.enqueue_indirect_dma source(%arg11 : memref<128x64xf32, #tpu.memory_space<vmem>>) target(%dma_start3A_176 : memref<10240x64xf32, #tpu.memory_space<vmem_shared>>) offsets(%dma_start3A_173 : memref<128xi32, #tpu.memory_space<vmem>>) semaphore(%run_scoped3A_171 : memref<!tpu.dma_semaphore, #tpu.memory_space<semaphore_mem>>) {add = true}
        %dma_wait3A = arith.constant 0 : i32
        %dma_wait3A_177 = tpu.memref_slice %arg10[%run_scoped3A_156, %dma_wait3A] : memref<16x128xi32, #tpu.memory_space<vmem>> -> memref<1x128xi32, #tpu.memory_space<vmem>>
        %dma_wait3A_178 = tpu.memref_squeeze %dma_wait3A_177 : memref<1x128xi32, #tpu.memory_space<vmem>> -> memref<128xi32, #tpu.memory_space<vmem>>
        %dma_wait3A_179 = arith.constant 0 : i32
        %dma_wait3A_180 = arith.constant 0 : i32
        %dma_wait3A_181 = tpu.memref_slice %arg8[%dma_wait3A_179, %dma_wait3A_180] : memref<10240x64xf32, #tpu.memory_space<vmem_shared>> -> memref<10240x64xf32, #tpu.memory_space<vmem_shared>>
        tpu.wait_indirect_dma semaphore(%run_scoped3A_171 : memref<!tpu.dma_semaphore, #tpu.memory_space<semaphore_mem>>) src(%arg11 : memref<128x64xf32, #tpu.memory_space<vmem>>) dst(%dma_wait3A_181 : memref<10240x64xf32, #tpu.memory_space<vmem_shared>>)
        tpu.yield
      }) : () -> ()
      %run_scoped3A_157 = arith.constant 9 : i32
      "tpu.region"() ({
        %run_scoped3A_171 = tpu.sem_alloc : memref<!tpu.dma_semaphore, #tpu.memory_space<semaphore_mem>>
        %dma_start3A = arith.constant 0 : i32
        %dma_start3A_172 = tpu.memref_slice %arg9[%run_scoped3A_157, %dma_start3A] : memref<16x128xi32, #tpu.memory_space<vmem>> -> memref<1x128xi32, #tpu.memory_space<vmem>>
        %dma_start3A_173 = tpu.memref_squeeze %dma_start3A_172 : memref<1x128xi32, #tpu.memory_space<vmem>> -> memref<128xi32, #tpu.memory_space<vmem>>
        %dma_start3A_174 = arith.constant 0 : i32
        %dma_start3A_175 = arith.constant 0 : i32
        %dma_start3A_176 = tpu.memref_slice %arg7[%dma_start3A_174, %dma_start3A_175] : memref<10240x64xf32, #tpu.memory_space<vmem_shared>> -> memref<10240x64xf32, #tpu.memory_space<vmem_shared>>
        tpu.enqueue_indirect_dma source(%dma_start3A_176 : memref<10240x64xf32, #tpu.memory_space<vmem_shared>>) target(%arg12 : memref<128x64xf32, #tpu.memory_space<vmem>>) offsets(%dma_start3A_173 : memref<128xi32, #tpu.memory_space<vmem>>) semaphore(%run_scoped3A_171 : memref<!tpu.dma_semaphore, #tpu.memory_space<semaphore_mem>>)
        %dma_wait3A = arith.constant 0 : i32
        %dma_wait3A_177 = tpu.memref_slice %arg9[%run_scoped3A_157, %dma_wait3A] : memref<16x128xi32, #tpu.memory_space<vmem>> -> memref<1x128xi32, #tpu.memory_space<vmem>>
        %dma_wait3A_178 = tpu.memref_squeeze %dma_wait3A_177 : memref<1x128xi32, #tpu.memory_space<vmem>> -> memref<128xi32, #tpu.memory_space<vmem>>
        %dma_wait3A_179 = arith.constant 0 : i32
        %dma_wait3A_180 = arith.constant 0 : i32
        %dma_wait3A_181 = tpu.memref_slice %arg7[%dma_wait3A_179, %dma_wait3A_180] : memref<10240x64xf32, #tpu.memory_space<vmem_shared>> -> memref<10240x64xf32, #tpu.memory_space<vmem_shared>>
        tpu.wait_indirect_dma semaphore(%run_scoped3A_171 : memref<!tpu.dma_semaphore, #tpu.memory_space<semaphore_mem>>) src(%dma_wait3A_181 : memref<10240x64xf32, #tpu.memory_space<vmem_shared>>) dst(%arg12 : memref<128x64xf32, #tpu.memory_space<vmem>>)
        tpu.yield
      }) : () -> ()
      %run_scoped3A_158 = arith.constant 9 : i32
      "tpu.region"() ({
        %run_scoped3A_171 = tpu.sem_alloc : memref<!tpu.dma_semaphore, #tpu.memory_space<semaphore_mem>>
        %dma_start3A = arith.constant 0 : i32
        %dma_start3A_172 = tpu.memref_slice %arg10[%run_scoped3A_158, %dma_start3A] : memref<16x128xi32, #tpu.memory_space<vmem>> -> memref<1x128xi32, #tpu.memory_space<vmem>>
        %dma_start3A_173 = tpu.memref_squeeze %dma_start3A_172 : memref<1x128xi32, #tpu.memory_space<vmem>> -> memref<128xi32, #tpu.memory_space<vmem>>
        %dma_start3A_174 = arith.constant 0 : i32
        %dma_start3A_175 = arith.constant 0 : i32
        %dma_start3A_176 = tpu.memref_slice %arg8[%dma_start3A_174, %dma_start3A_175] : memref<10240x64xf32, #tpu.memory_space<vmem_shared>> -> memref<10240x64xf32, #tpu.memory_space<vmem_shared>>
        tpu.enqueue_indirect_dma source(%arg12 : memref<128x64xf32, #tpu.memory_space<vmem>>) target(%dma_start3A_176 : memref<10240x64xf32, #tpu.memory_space<vmem_shared>>) offsets(%dma_start3A_173 : memref<128xi32, #tpu.memory_space<vmem>>) semaphore(%run_scoped3A_171 : memref<!tpu.dma_semaphore, #tpu.memory_space<semaphore_mem>>) {add = true}
        %dma_wait3A = arith.constant 0 : i32
        %dma_wait3A_177 = tpu.memref_slice %arg10[%run_scoped3A_158, %dma_wait3A] : memref<16x128xi32, #tpu.memory_space<vmem>> -> memref<1x128xi32, #tpu.memory_space<vmem>>
        %dma_wait3A_178 = tpu.memref_squeeze %dma_wait3A_177 : memref<1x128xi32, #tpu.memory_space<vmem>> -> memref<128xi32, #tpu.memory_space<vmem>>
        %dma_wait3A_179 = arith.constant 0 : i32
        %dma_wait3A_180 = arith.constant 0 : i32
        %dma_wait3A_181 = tpu.memref_slice %arg8[%dma_wait3A_179, %dma_wait3A_180] : memref<10240x64xf32, #tpu.memory_space<vmem_shared>> -> memref<10240x64xf32, #tpu.memory_space<vmem_shared>>
        tpu.wait_indirect_dma semaphore(%run_scoped3A_171 : memref<!tpu.dma_semaphore, #tpu.memory_space<semaphore_mem>>) src(%arg12 : memref<128x64xf32, #tpu.memory_space<vmem>>) dst(%dma_wait3A_181 : memref<10240x64xf32, #tpu.memory_space<vmem_shared>>)
        tpu.yield
      }) : () -> ()
      %run_scoped3A_159 = arith.constant 10 : i32
      "tpu.region"() ({
        %run_scoped3A_171 = tpu.sem_alloc : memref<!tpu.dma_semaphore, #tpu.memory_space<semaphore_mem>>
        %dma_start3A = arith.constant 0 : i32
        %dma_start3A_172 = tpu.memref_slice %arg9[%run_scoped3A_159, %dma_start3A] : memref<16x128xi32, #tpu.memory_space<vmem>> -> memref<1x128xi32, #tpu.memory_space<vmem>>
        %dma_start3A_173 = tpu.memref_squeeze %dma_start3A_172 : memref<1x128xi32, #tpu.memory_space<vmem>> -> memref<128xi32, #tpu.memory_space<vmem>>
        %dma_start3A_174 = arith.constant 0 : i32
        %dma_start3A_175 = arith.constant 0 : i32
        %dma_start3A_176 = tpu.memref_slice %arg7[%dma_start3A_174, %dma_start3A_175] : memref<10240x64xf32, #tpu.memory_space<vmem_shared>> -> memref<10240x64xf32, #tpu.memory_space<vmem_shared>>
        tpu.enqueue_indirect_dma source(%dma_start3A_176 : memref<10240x64xf32, #tpu.memory_space<vmem_shared>>) target(%arg11 : memref<128x64xf32, #tpu.memory_space<vmem>>) offsets(%dma_start3A_173 : memref<128xi32, #tpu.memory_space<vmem>>) semaphore(%run_scoped3A_171 : memref<!tpu.dma_semaphore, #tpu.memory_space<semaphore_mem>>)
        %dma_wait3A = arith.constant 0 : i32
        %dma_wait3A_177 = tpu.memref_slice %arg9[%run_scoped3A_159, %dma_wait3A] : memref<16x128xi32, #tpu.memory_space<vmem>> -> memref<1x128xi32, #tpu.memory_space<vmem>>
        %dma_wait3A_178 = tpu.memref_squeeze %dma_wait3A_177 : memref<1x128xi32, #tpu.memory_space<vmem>> -> memref<128xi32, #tpu.memory_space<vmem>>
        %dma_wait3A_179 = arith.constant 0 : i32
        %dma_wait3A_180 = arith.constant 0 : i32
        %dma_wait3A_181 = tpu.memref_slice %arg7[%dma_wait3A_179, %dma_wait3A_180] : memref<10240x64xf32, #tpu.memory_space<vmem_shared>> -> memref<10240x64xf32, #tpu.memory_space<vmem_shared>>
        tpu.wait_indirect_dma semaphore(%run_scoped3A_171 : memref<!tpu.dma_semaphore, #tpu.memory_space<semaphore_mem>>) src(%dma_wait3A_181 : memref<10240x64xf32, #tpu.memory_space<vmem_shared>>) dst(%arg11 : memref<128x64xf32, #tpu.memory_space<vmem>>)
        tpu.yield
      }) : () -> ()
      %run_scoped3A_160 = arith.constant 10 : i32
      "tpu.region"() ({
        %run_scoped3A_171 = tpu.sem_alloc : memref<!tpu.dma_semaphore, #tpu.memory_space<semaphore_mem>>
        %dma_start3A = arith.constant 0 : i32
        %dma_start3A_172 = tpu.memref_slice %arg10[%run_scoped3A_160, %dma_start3A] : memref<16x128xi32, #tpu.memory_space<vmem>> -> memref<1x128xi32, #tpu.memory_space<vmem>>
        %dma_start3A_173 = tpu.memref_squeeze %dma_start3A_172 : memref<1x128xi32, #tpu.memory_space<vmem>> -> memref<128xi32, #tpu.memory_space<vmem>>
        %dma_start3A_174 = arith.constant 0 : i32
        %dma_start3A_175 = arith.constant 0 : i32
        %dma_start3A_176 = tpu.memref_slice %arg8[%dma_start3A_174, %dma_start3A_175] : memref<10240x64xf32, #tpu.memory_space<vmem_shared>> -> memref<10240x64xf32, #tpu.memory_space<vmem_shared>>
        tpu.enqueue_indirect_dma source(%arg11 : memref<128x64xf32, #tpu.memory_space<vmem>>) target(%dma_start3A_176 : memref<10240x64xf32, #tpu.memory_space<vmem_shared>>) offsets(%dma_start3A_173 : memref<128xi32, #tpu.memory_space<vmem>>) semaphore(%run_scoped3A_171 : memref<!tpu.dma_semaphore, #tpu.memory_space<semaphore_mem>>) {add = true}
        %dma_wait3A = arith.constant 0 : i32
        %dma_wait3A_177 = tpu.memref_slice %arg10[%run_scoped3A_160, %dma_wait3A] : memref<16x128xi32, #tpu.memory_space<vmem>> -> memref<1x128xi32, #tpu.memory_space<vmem>>
        %dma_wait3A_178 = tpu.memref_squeeze %dma_wait3A_177 : memref<1x128xi32, #tpu.memory_space<vmem>> -> memref<128xi32, #tpu.memory_space<vmem>>
        %dma_wait3A_179 = arith.constant 0 : i32
        %dma_wait3A_180 = arith.constant 0 : i32
        %dma_wait3A_181 = tpu.memref_slice %arg8[%dma_wait3A_179, %dma_wait3A_180] : memref<10240x64xf32, #tpu.memory_space<vmem_shared>> -> memref<10240x64xf32, #tpu.memory_space<vmem_shared>>
        tpu.wait_indirect_dma semaphore(%run_scoped3A_171 : memref<!tpu.dma_semaphore, #tpu.memory_space<semaphore_mem>>) src(%arg11 : memref<128x64xf32, #tpu.memory_space<vmem>>) dst(%dma_wait3A_181 : memref<10240x64xf32, #tpu.memory_space<vmem_shared>>)
        tpu.yield
      }) : () -> ()
      %run_scoped3A_161 = arith.constant 11 : i32
      "tpu.region"() ({
        %run_scoped3A_171 = tpu.sem_alloc : memref<!tpu.dma_semaphore, #tpu.memory_space<semaphore_mem>>
        %dma_start3A = arith.constant 0 : i32
        %dma_start3A_172 = tpu.memref_slice %arg9[%run_scoped3A_161, %dma_start3A] : memref<16x128xi32, #tpu.memory_space<vmem>> -> memref<1x128xi32, #tpu.memory_space<vmem>>
        %dma_start3A_173 = tpu.memref_squeeze %dma_start3A_172 : memref<1x128xi32, #tpu.memory_space<vmem>> -> memref<128xi32, #tpu.memory_space<vmem>>
        %dma_start3A_174 = arith.constant 0 : i32
        %dma_start3A_175 = arith.constant 0 : i32
        %dma_start3A_176 = tpu.memref_slice %arg7[%dma_start3A_174, %dma_start3A_175] : memref<10240x64xf32, #tpu.memory_space<vmem_shared>> -> memref<10240x64xf32, #tpu.memory_space<vmem_shared>>
        tpu.enqueue_indirect_dma source(%dma_start3A_176 : memref<10240x64xf32, #tpu.memory_space<vmem_shared>>) target(%arg12 : memref<128x64xf32, #tpu.memory_space<vmem>>) offsets(%dma_start3A_173 : memref<128xi32, #tpu.memory_space<vmem>>) semaphore(%run_scoped3A_171 : memref<!tpu.dma_semaphore, #tpu.memory_space<semaphore_mem>>)
        %dma_wait3A = arith.constant 0 : i32
        %dma_wait3A_177 = tpu.memref_slice %arg9[%run_scoped3A_161, %dma_wait3A] : memref<16x128xi32, #tpu.memory_space<vmem>> -> memref<1x128xi32, #tpu.memory_space<vmem>>
        %dma_wait3A_178 = tpu.memref_squeeze %dma_wait3A_177 : memref<1x128xi32, #tpu.memory_space<vmem>> -> memref<128xi32, #tpu.memory_space<vmem>>
        %dma_wait3A_179 = arith.constant 0 : i32
        %dma_wait3A_180 = arith.constant 0 : i32
        %dma_wait3A_181 = tpu.memref_slice %arg7[%dma_wait3A_179, %dma_wait3A_180] : memref<10240x64xf32, #tpu.memory_space<vmem_shared>> -> memref<10240x64xf32, #tpu.memory_space<vmem_shared>>
        tpu.wait_indirect_dma semaphore(%run_scoped3A_171 : memref<!tpu.dma_semaphore, #tpu.memory_space<semaphore_mem>>) src(%dma_wait3A_181 : memref<10240x64xf32, #tpu.memory_space<vmem_shared>>) dst(%arg12 : memref<128x64xf32, #tpu.memory_space<vmem>>)
        tpu.yield
      }) : () -> ()
      %run_scoped3A_162 = arith.constant 11 : i32
      "tpu.region"() ({
        %run_scoped3A_171 = tpu.sem_alloc : memref<!tpu.dma_semaphore, #tpu.memory_space<semaphore_mem>>
        %dma_start3A = arith.constant 0 : i32
        %dma_start3A_172 = tpu.memref_slice %arg10[%run_scoped3A_162, %dma_start3A] : memref<16x128xi32, #tpu.memory_space<vmem>> -> memref<1x128xi32, #tpu.memory_space<vmem>>
        %dma_start3A_173 = tpu.memref_squeeze %dma_start3A_172 : memref<1x128xi32, #tpu.memory_space<vmem>> -> memref<128xi32, #tpu.memory_space<vmem>>
        %dma_start3A_174 = arith.constant 0 : i32
        %dma_start3A_175 = arith.constant 0 : i32
        %dma_start3A_176 = tpu.memref_slice %arg8[%dma_start3A_174, %dma_start3A_175] : memref<10240x64xf32, #tpu.memory_space<vmem_shared>> -> memref<10240x64xf32, #tpu.memory_space<vmem_shared>>
        tpu.enqueue_indirect_dma source(%arg12 : memref<128x64xf32, #tpu.memory_space<vmem>>) target(%dma_start3A_176 : memref<10240x64xf32, #tpu.memory_space<vmem_shared>>) offsets(%dma_start3A_173 : memref<128xi32, #tpu.memory_space<vmem>>) semaphore(%run_scoped3A_171 : memref<!tpu.dma_semaphore, #tpu.memory_space<semaphore_mem>>) {add = true}
        %dma_wait3A = arith.constant 0 : i32
        %dma_wait3A_177 = tpu.memref_slice %arg10[%run_scoped3A_162, %dma_wait3A] : memref<16x128xi32, #tpu.memory_space<vmem>> -> memref<1x128xi32, #tpu.memory_space<vmem>>
        %dma_wait3A_178 = tpu.memref_squeeze %dma_wait3A_177 : memref<1x128xi32, #tpu.memory_space<vmem>> -> memref<128xi32, #tpu.memory_space<vmem>>
        %dma_wait3A_179 = arith.constant 0 : i32
        %dma_wait3A_180 = arith.constant 0 : i32
        %dma_wait3A_181 = tpu.memref_slice %arg8[%dma_wait3A_179, %dma_wait3A_180] : memref<10240x64xf32, #tpu.memory_space<vmem_shared>> -> memref<10240x64xf32, #tpu.memory_space<vmem_shared>>
        tpu.wait_indirect_dma semaphore(%run_scoped3A_171 : memref<!tpu.dma_semaphore, #tpu.memory_space<semaphore_mem>>) src(%arg12 : memref<128x64xf32, #tpu.memory_space<vmem>>) dst(%dma_wait3A_181 : memref<10240x64xf32, #tpu.memory_space<vmem_shared>>)
        tpu.yield
      }) : () -> ()
      %run_scoped3A_163 = arith.constant 12 : i32
      "tpu.region"() ({
        %run_scoped3A_171 = tpu.sem_alloc : memref<!tpu.dma_semaphore, #tpu.memory_space<semaphore_mem>>
        %dma_start3A = arith.constant 0 : i32
        %dma_start3A_172 = tpu.memref_slice %arg9[%run_scoped3A_163, %dma_start3A] : memref<16x128xi32, #tpu.memory_space<vmem>> -> memref<1x128xi32, #tpu.memory_space<vmem>>
        %dma_start3A_173 = tpu.memref_squeeze %dma_start3A_172 : memref<1x128xi32, #tpu.memory_space<vmem>> -> memref<128xi32, #tpu.memory_space<vmem>>
        %dma_start3A_174 = arith.constant 0 : i32
        %dma_start3A_175 = arith.constant 0 : i32
        %dma_start3A_176 = tpu.memref_slice %arg7[%dma_start3A_174, %dma_start3A_175] : memref<10240x64xf32, #tpu.memory_space<vmem_shared>> -> memref<10240x64xf32, #tpu.memory_space<vmem_shared>>
        tpu.enqueue_indirect_dma source(%dma_start3A_176 : memref<10240x64xf32, #tpu.memory_space<vmem_shared>>) target(%arg11 : memref<128x64xf32, #tpu.memory_space<vmem>>) offsets(%dma_start3A_173 : memref<128xi32, #tpu.memory_space<vmem>>) semaphore(%run_scoped3A_171 : memref<!tpu.dma_semaphore, #tpu.memory_space<semaphore_mem>>)
        %dma_wait3A = arith.constant 0 : i32
        %dma_wait3A_177 = tpu.memref_slice %arg9[%run_scoped3A_163, %dma_wait3A] : memref<16x128xi32, #tpu.memory_space<vmem>> -> memref<1x128xi32, #tpu.memory_space<vmem>>
        %dma_wait3A_178 = tpu.memref_squeeze %dma_wait3A_177 : memref<1x128xi32, #tpu.memory_space<vmem>> -> memref<128xi32, #tpu.memory_space<vmem>>
        %dma_wait3A_179 = arith.constant 0 : i32
        %dma_wait3A_180 = arith.constant 0 : i32
        %dma_wait3A_181 = tpu.memref_slice %arg7[%dma_wait3A_179, %dma_wait3A_180] : memref<10240x64xf32, #tpu.memory_space<vmem_shared>> -> memref<10240x64xf32, #tpu.memory_space<vmem_shared>>
        tpu.wait_indirect_dma semaphore(%run_scoped3A_171 : memref<!tpu.dma_semaphore, #tpu.memory_space<semaphore_mem>>) src(%dma_wait3A_181 : memref<10240x64xf32, #tpu.memory_space<vmem_shared>>) dst(%arg11 : memref<128x64xf32, #tpu.memory_space<vmem>>)
        tpu.yield
      }) : () -> ()
      %run_scoped3A_164 = arith.constant 12 : i32
      "tpu.region"() ({
        %run_scoped3A_171 = tpu.sem_alloc : memref<!tpu.dma_semaphore, #tpu.memory_space<semaphore_mem>>
        %dma_start3A = arith.constant 0 : i32
        %dma_start3A_172 = tpu.memref_slice %arg10[%run_scoped3A_164, %dma_start3A] : memref<16x128xi32, #tpu.memory_space<vmem>> -> memref<1x128xi32, #tpu.memory_space<vmem>>
        %dma_start3A_173 = tpu.memref_squeeze %dma_start3A_172 : memref<1x128xi32, #tpu.memory_space<vmem>> -> memref<128xi32, #tpu.memory_space<vmem>>
        %dma_start3A_174 = arith.constant 0 : i32
        %dma_start3A_175 = arith.constant 0 : i32
        %dma_start3A_176 = tpu.memref_slice %arg8[%dma_start3A_174, %dma_start3A_175] : memref<10240x64xf32, #tpu.memory_space<vmem_shared>> -> memref<10240x64xf32, #tpu.memory_space<vmem_shared>>
        tpu.enqueue_indirect_dma source(%arg11 : memref<128x64xf32, #tpu.memory_space<vmem>>) target(%dma_start3A_176 : memref<10240x64xf32, #tpu.memory_space<vmem_shared>>) offsets(%dma_start3A_173 : memref<128xi32, #tpu.memory_space<vmem>>) semaphore(%run_scoped3A_171 : memref<!tpu.dma_semaphore, #tpu.memory_space<semaphore_mem>>) {add = true}
        %dma_wait3A = arith.constant 0 : i32
        %dma_wait3A_177 = tpu.memref_slice %arg10[%run_scoped3A_164, %dma_wait3A] : memref<16x128xi32, #tpu.memory_space<vmem>> -> memref<1x128xi32, #tpu.memory_space<vmem>>
        %dma_wait3A_178 = tpu.memref_squeeze %dma_wait3A_177 : memref<1x128xi32, #tpu.memory_space<vmem>> -> memref<128xi32, #tpu.memory_space<vmem>>
        %dma_wait3A_179 = arith.constant 0 : i32
        %dma_wait3A_180 = arith.constant 0 : i32
        %dma_wait3A_181 = tpu.memref_slice %arg8[%dma_wait3A_179, %dma_wait3A_180] : memref<10240x64xf32, #tpu.memory_space<vmem_shared>> -> memref<10240x64xf32, #tpu.memory_space<vmem_shared>>
        tpu.wait_indirect_dma semaphore(%run_scoped3A_171 : memref<!tpu.dma_semaphore, #tpu.memory_space<semaphore_mem>>) src(%arg11 : memref<128x64xf32, #tpu.memory_space<vmem>>) dst(%dma_wait3A_181 : memref<10240x64xf32, #tpu.memory_space<vmem_shared>>)
        tpu.yield
      }) : () -> ()
      %run_scoped3A_165 = arith.constant 13 : i32
      "tpu.region"() ({
        %run_scoped3A_171 = tpu.sem_alloc : memref<!tpu.dma_semaphore, #tpu.memory_space<semaphore_mem>>
        %dma_start3A = arith.constant 0 : i32
        %dma_start3A_172 = tpu.memref_slice %arg9[%run_scoped3A_165, %dma_start3A] : memref<16x128xi32, #tpu.memory_space<vmem>> -> memref<1x128xi32, #tpu.memory_space<vmem>>
        %dma_start3A_173 = tpu.memref_squeeze %dma_start3A_172 : memref<1x128xi32, #tpu.memory_space<vmem>> -> memref<128xi32, #tpu.memory_space<vmem>>
        %dma_start3A_174 = arith.constant 0 : i32
        %dma_start3A_175 = arith.constant 0 : i32
        %dma_start3A_176 = tpu.memref_slice %arg7[%dma_start3A_174, %dma_start3A_175] : memref<10240x64xf32, #tpu.memory_space<vmem_shared>> -> memref<10240x64xf32, #tpu.memory_space<vmem_shared>>
        tpu.enqueue_indirect_dma source(%dma_start3A_176 : memref<10240x64xf32, #tpu.memory_space<vmem_shared>>) target(%arg12 : memref<128x64xf32, #tpu.memory_space<vmem>>) offsets(%dma_start3A_173 : memref<128xi32, #tpu.memory_space<vmem>>) semaphore(%run_scoped3A_171 : memref<!tpu.dma_semaphore, #tpu.memory_space<semaphore_mem>>)
        %dma_wait3A = arith.constant 0 : i32
        %dma_wait3A_177 = tpu.memref_slice %arg9[%run_scoped3A_165, %dma_wait3A] : memref<16x128xi32, #tpu.memory_space<vmem>> -> memref<1x128xi32, #tpu.memory_space<vmem>>
        %dma_wait3A_178 = tpu.memref_squeeze %dma_wait3A_177 : memref<1x128xi32, #tpu.memory_space<vmem>> -> memref<128xi32, #tpu.memory_space<vmem>>
        %dma_wait3A_179 = arith.constant 0 : i32
        %dma_wait3A_180 = arith.constant 0 : i32
        %dma_wait3A_181 = tpu.memref_slice %arg7[%dma_wait3A_179, %dma_wait3A_180] : memref<10240x64xf32, #tpu.memory_space<vmem_shared>> -> memref<10240x64xf32, #tpu.memory_space<vmem_shared>>
        tpu.wait_indirect_dma semaphore(%run_scoped3A_171 : memref<!tpu.dma_semaphore, #tpu.memory_space<semaphore_mem>>) src(%dma_wait3A_181 : memref<10240x64xf32, #tpu.memory_space<vmem_shared>>) dst(%arg12 : memref<128x64xf32, #tpu.memory_space<vmem>>)
        tpu.yield
      }) : () -> ()
      %run_scoped3A_166 = arith.constant 13 : i32
      "tpu.region"() ({
        %run_scoped3A_171 = tpu.sem_alloc : memref<!tpu.dma_semaphore, #tpu.memory_space<semaphore_mem>>
        %dma_start3A = arith.constant 0 : i32
        %dma_start3A_172 = tpu.memref_slice %arg10[%run_scoped3A_166, %dma_start3A] : memref<16x128xi32, #tpu.memory_space<vmem>> -> memref<1x128xi32, #tpu.memory_space<vmem>>
        %dma_start3A_173 = tpu.memref_squeeze %dma_start3A_172 : memref<1x128xi32, #tpu.memory_space<vmem>> -> memref<128xi32, #tpu.memory_space<vmem>>
        %dma_start3A_174 = arith.constant 0 : i32
        %dma_start3A_175 = arith.constant 0 : i32
        %dma_start3A_176 = tpu.memref_slice %arg8[%dma_start3A_174, %dma_start3A_175] : memref<10240x64xf32, #tpu.memory_space<vmem_shared>> -> memref<10240x64xf32, #tpu.memory_space<vmem_shared>>
        tpu.enqueue_indirect_dma source(%arg12 : memref<128x64xf32, #tpu.memory_space<vmem>>) target(%dma_start3A_176 : memref<10240x64xf32, #tpu.memory_space<vmem_shared>>) offsets(%dma_start3A_173 : memref<128xi32, #tpu.memory_space<vmem>>) semaphore(%run_scoped3A_171 : memref<!tpu.dma_semaphore, #tpu.memory_space<semaphore_mem>>) {add = true}
        %dma_wait3A = arith.constant 0 : i32
        %dma_wait3A_177 = tpu.memref_slice %arg10[%run_scoped3A_166, %dma_wait3A] : memref<16x128xi32, #tpu.memory_space<vmem>> -> memref<1x128xi32, #tpu.memory_space<vmem>>
        %dma_wait3A_178 = tpu.memref_squeeze %dma_wait3A_177 : memref<1x128xi32, #tpu.memory_space<vmem>> -> memref<128xi32, #tpu.memory_space<vmem>>
        %dma_wait3A_179 = arith.constant 0 : i32
        %dma_wait3A_180 = arith.constant 0 : i32
        %dma_wait3A_181 = tpu.memref_slice %arg8[%dma_wait3A_179, %dma_wait3A_180] : memref<10240x64xf32, #tpu.memory_space<vmem_shared>> -> memref<10240x64xf32, #tpu.memory_space<vmem_shared>>
        tpu.wait_indirect_dma semaphore(%run_scoped3A_171 : memref<!tpu.dma_semaphore, #tpu.memory_space<semaphore_mem>>) src(%arg12 : memref<128x64xf32, #tpu.memory_space<vmem>>) dst(%dma_wait3A_181 : memref<10240x64xf32, #tpu.memory_space<vmem_shared>>)
        tpu.yield
      }) : () -> ()
      %run_scoped3A_167 = arith.constant 14 : i32
      "tpu.region"() ({
        %run_scoped3A_171 = tpu.sem_alloc : memref<!tpu.dma_semaphore, #tpu.memory_space<semaphore_mem>>
        %dma_start3A = arith.constant 0 : i32
        %dma_start3A_172 = tpu.memref_slice %arg9[%run_scoped3A_167, %dma_start3A] : memref<16x128xi32, #tpu.memory_space<vmem>> -> memref<1x128xi32, #tpu.memory_space<vmem>>
        %dma_start3A_173 = tpu.memref_squeeze %dma_start3A_172 : memref<1x128xi32, #tpu.memory_space<vmem>> -> memref<128xi32, #tpu.memory_space<vmem>>
        %dma_start3A_174 = arith.constant 0 : i32
        %dma_start3A_175 = arith.constant 0 : i32
        %dma_start3A_176 = tpu.memref_slice %arg7[%dma_start3A_174, %dma_start3A_175] : memref<10240x64xf32, #tpu.memory_space<vmem_shared>> -> memref<10240x64xf32, #tpu.memory_space<vmem_shared>>
        tpu.enqueue_indirect_dma source(%dma_start3A_176 : memref<10240x64xf32, #tpu.memory_space<vmem_shared>>) target(%arg11 : memref<128x64xf32, #tpu.memory_space<vmem>>) offsets(%dma_start3A_173 : memref<128xi32, #tpu.memory_space<vmem>>) semaphore(%run_scoped3A_171 : memref<!tpu.dma_semaphore, #tpu.memory_space<semaphore_mem>>)
        %dma_wait3A = arith.constant 0 : i32
        %dma_wait3A_177 = tpu.memref_slice %arg9[%run_scoped3A_167, %dma_wait3A] : memref<16x128xi32, #tpu.memory_space<vmem>> -> memref<1x128xi32, #tpu.memory_space<vmem>>
        %dma_wait3A_178 = tpu.memref_squeeze %dma_wait3A_177 : memref<1x128xi32, #tpu.memory_space<vmem>> -> memref<128xi32, #tpu.memory_space<vmem>>
        %dma_wait3A_179 = arith.constant 0 : i32
        %dma_wait3A_180 = arith.constant 0 : i32
        %dma_wait3A_181 = tpu.memref_slice %arg7[%dma_wait3A_179, %dma_wait3A_180] : memref<10240x64xf32, #tpu.memory_space<vmem_shared>> -> memref<10240x64xf32, #tpu.memory_space<vmem_shared>>
        tpu.wait_indirect_dma semaphore(%run_scoped3A_171 : memref<!tpu.dma_semaphore, #tpu.memory_space<semaphore_mem>>) src(%dma_wait3A_181 : memref<10240x64xf32, #tpu.memory_space<vmem_shared>>) dst(%arg11 : memref<128x64xf32, #tpu.memory_space<vmem>>)
        tpu.yield
      }) : () -> ()
      %run_scoped3A_168 = arith.constant 14 : i32
      "tpu.region"() ({
        %run_scoped3A_171 = tpu.sem_alloc : memref<!tpu.dma_semaphore, #tpu.memory_space<semaphore_mem>>
        %dma_start3A = arith.constant 0 : i32
        %dma_start3A_172 = tpu.memref_slice %arg10[%run_scoped3A_168, %dma_start3A] : memref<16x128xi32, #tpu.memory_space<vmem>> -> memref<1x128xi32, #tpu.memory_space<vmem>>
        %dma_start3A_173 = tpu.memref_squeeze %dma_start3A_172 : memref<1x128xi32, #tpu.memory_space<vmem>> -> memref<128xi32, #tpu.memory_space<vmem>>
        %dma_start3A_174 = arith.constant 0 : i32
        %dma_start3A_175 = arith.constant 0 : i32
        %dma_start3A_176 = tpu.memref_slice %arg8[%dma_start3A_174, %dma_start3A_175] : memref<10240x64xf32, #tpu.memory_space<vmem_shared>> -> memref<10240x64xf32, #tpu.memory_space<vmem_shared>>
        tpu.enqueue_indirect_dma source(%arg11 : memref<128x64xf32, #tpu.memory_space<vmem>>) target(%dma_start3A_176 : memref<10240x64xf32, #tpu.memory_space<vmem_shared>>) offsets(%dma_start3A_173 : memref<128xi32, #tpu.memory_space<vmem>>) semaphore(%run_scoped3A_171 : memref<!tpu.dma_semaphore, #tpu.memory_space<semaphore_mem>>) {add = true}
        %dma_wait3A = arith.constant 0 : i32
        %dma_wait3A_177 = tpu.memref_slice %arg10[%run_scoped3A_168, %dma_wait3A] : memref<16x128xi32, #tpu.memory_space<vmem>> -> memref<1x128xi32, #tpu.memory_space<vmem>>
        %dma_wait3A_178 = tpu.memref_squeeze %dma_wait3A_177 : memref<1x128xi32, #tpu.memory_space<vmem>> -> memref<128xi32, #tpu.memory_space<vmem>>
        %dma_wait3A_179 = arith.constant 0 : i32
        %dma_wait3A_180 = arith.constant 0 : i32
        %dma_wait3A_181 = tpu.memref_slice %arg8[%dma_wait3A_179, %dma_wait3A_180] : memref<10240x64xf32, #tpu.memory_space<vmem_shared>> -> memref<10240x64xf32, #tpu.memory_space<vmem_shared>>
        tpu.wait_indirect_dma semaphore(%run_scoped3A_171 : memref<!tpu.dma_semaphore, #tpu.memory_space<semaphore_mem>>) src(%arg11 : memref<128x64xf32, #tpu.memory_space<vmem>>) dst(%dma_wait3A_181 : memref<10240x64xf32, #tpu.memory_space<vmem_shared>>)
        tpu.yield
      }) : () -> ()
      %run_scoped3A_169 = arith.constant 15 : i32
      "tpu.region"() ({
        %run_scoped3A_171 = tpu.sem_alloc : memref<!tpu.dma_semaphore, #tpu.memory_space<semaphore_mem>>
        %dma_start3A = arith.constant 0 : i32
        %dma_start3A_172 = tpu.memref_slice %arg9[%run_scoped3A_169, %dma_start3A] : memref<16x128xi32, #tpu.memory_space<vmem>> -> memref<1x128xi32, #tpu.memory_space<vmem>>
        %dma_start3A_173 = tpu.memref_squeeze %dma_start3A_172 : memref<1x128xi32, #tpu.memory_space<vmem>> -> memref<128xi32, #tpu.memory_space<vmem>>
        %dma_start3A_174 = arith.constant 0 : i32
        %dma_start3A_175 = arith.constant 0 : i32
        %dma_start3A_176 = tpu.memref_slice %arg7[%dma_start3A_174, %dma_start3A_175] : memref<10240x64xf32, #tpu.memory_space<vmem_shared>> -> memref<10240x64xf32, #tpu.memory_space<vmem_shared>>
        tpu.enqueue_indirect_dma source(%dma_start3A_176 : memref<10240x64xf32, #tpu.memory_space<vmem_shared>>) target(%arg12 : memref<128x64xf32, #tpu.memory_space<vmem>>) offsets(%dma_start3A_173 : memref<128xi32, #tpu.memory_space<vmem>>) semaphore(%run_scoped3A_171 : memref<!tpu.dma_semaphore, #tpu.memory_space<semaphore_mem>>)
        %dma_wait3A = arith.constant 0 : i32
        %dma_wait3A_177 = tpu.memref_slice %arg9[%run_scoped3A_169, %dma_wait3A] : memref<16x128xi32, #tpu.memory_space<vmem>> -> memref<1x128xi32, #tpu.memory_space<vmem>>
        %dma_wait3A_178 = tpu.memref_squeeze %dma_wait3A_177 : memref<1x128xi32, #tpu.memory_space<vmem>> -> memref<128xi32, #tpu.memory_space<vmem>>
        %dma_wait3A_179 = arith.constant 0 : i32
        %dma_wait3A_180 = arith.constant 0 : i32
        %dma_wait3A_181 = tpu.memref_slice %arg7[%dma_wait3A_179, %dma_wait3A_180] : memref<10240x64xf32, #tpu.memory_space<vmem_shared>> -> memref<10240x64xf32, #tpu.memory_space<vmem_shared>>
        tpu.wait_indirect_dma semaphore(%run_scoped3A_171 : memref<!tpu.dma_semaphore, #tpu.memory_space<semaphore_mem>>) src(%dma_wait3A_181 : memref<10240x64xf32, #tpu.memory_space<vmem_shared>>) dst(%arg12 : memref<128x64xf32, #tpu.memory_space<vmem>>)
        tpu.yield
      }) : () -> ()
      %run_scoped3A_170 = arith.constant 15 : i32
      "tpu.region"() ({
        %run_scoped3A_171 = tpu.sem_alloc : memref<!tpu.dma_semaphore, #tpu.memory_space<semaphore_mem>>
        %dma_start3A = arith.constant 0 : i32
        %dma_start3A_172 = tpu.memref_slice %arg10[%run_scoped3A_170, %dma_start3A] : memref<16x128xi32, #tpu.memory_space<vmem>> -> memref<1x128xi32, #tpu.memory_space<vmem>>
        %dma_start3A_173 = tpu.memref_squeeze %dma_start3A_172 : memref<1x128xi32, #tpu.memory_space<vmem>> -> memref<128xi32, #tpu.memory_space<vmem>>
        %dma_start3A_174 = arith.constant 0 : i32
        %dma_start3A_175 = arith.constant 0 : i32
        %dma_start3A_176 = tpu.memref_slice %arg8[%dma_start3A_174, %dma_start3A_175] : memref<10240x64xf32, #tpu.memory_space<vmem_shared>> -> memref<10240x64xf32, #tpu.memory_space<vmem_shared>>
        tpu.enqueue_indirect_dma source(%arg12 : memref<128x64xf32, #tpu.memory_space<vmem>>) target(%dma_start3A_176 : memref<10240x64xf32, #tpu.memory_space<vmem_shared>>) offsets(%dma_start3A_173 : memref<128xi32, #tpu.memory_space<vmem>>) semaphore(%run_scoped3A_171 : memref<!tpu.dma_semaphore, #tpu.memory_space<semaphore_mem>>) {add = true}
        %dma_wait3A = arith.constant 0 : i32
        %dma_wait3A_177 = tpu.memref_slice %arg10[%run_scoped3A_170, %dma_wait3A] : memref<16x128xi32, #tpu.memory_space<vmem>> -> memref<1x128xi32, #tpu.memory_space<vmem>>
        %dma_wait3A_178 = tpu.memref_squeeze %dma_wait3A_177 : memref<1x128xi32, #tpu.memory_space<vmem>> -> memref<128xi32, #tpu.memory_space<vmem>>
        %dma_wait3A_179 = arith.constant 0 : i32
        %dma_wait3A_180 = arith.constant 0 : i32
        %dma_wait3A_181 = tpu.memref_slice %arg8[%dma_wait3A_179, %dma_wait3A_180] : memref<10240x64xf32, #tpu.memory_space<vmem_shared>> -> memref<10240x64xf32, #tpu.memory_space<vmem_shared>>
        tpu.wait_indirect_dma semaphore(%run_scoped3A_171 : memref<!tpu.dma_semaphore, #tpu.memory_space<semaphore_mem>>) src(%arg12 : memref<128x64xf32, #tpu.memory_space<vmem>>) dst(%dma_wait3A_181 : memref<10240x64xf32, #tpu.memory_space<vmem_shared>>)
        tpu.yield
      }) : () -> ()
    }
    %scan3A_29 = arith.constant 10 : i32
    %barrier3A_30 = arith.constant 0 : index
    tpu.barrier barrier_id(%barrier3A_30)
    %add3A_31 = arith.constant 0 : i32
    %add3A_32 = arith.addi %mul3A_0, %add3A_31 : i32
    "tpu.region"() ({
      %run_scoped3A = tpu.sem_alloc : memref<!tpu.dma_semaphore, #tpu.memory_space<semaphore_mem>>
      %dma_start3A = arith.constant 0 : i32
      %dma_start3A_135 = tpu.memref_slice %arg7[%add3A_32, %dma_start3A] : memref<10240x64xf32, #tpu.memory_space<vmem_shared>> -> memref<128x64xf32, #tpu.memory_space<vmem_shared>>
      %dma_start3A_136 = arith.constant 0 : i32
      %dma_start3A_137 = tpu.memref_slice %arg7[%add3A_32, %dma_start3A_136] : memref<10240x64xf32, #tpu.memory_space<vmem_shared>> -> memref<128x64xf32, #tpu.memory_space<vmem_shared>>
      tpu.enqueue_dma source(%dma_start3A_137 : memref<128x64xf32, #tpu.memory_space<vmem_shared>>) target(%arg11 : memref<128x64xf32, #tpu.memory_space<vmem>>) target_semaphore(%run_scoped3A : memref<!tpu.dma_semaphore, #tpu.memory_space<semaphore_mem>>)
      %dma_wait3A = arith.constant 0 : i32
      %dma_wait3A_138 = tpu.memref_slice %arg7[%add3A_32, %dma_wait3A] : memref<10240x64xf32, #tpu.memory_space<vmem_shared>> -> memref<128x64xf32, #tpu.memory_space<vmem_shared>>
      %dma_wait3A_139 = arith.constant 0 : i32
      %dma_wait3A_140 = tpu.memref_slice %arg7[%add3A_32, %dma_wait3A_139] : memref<10240x64xf32, #tpu.memory_space<vmem_shared>> -> memref<128x64xf32, #tpu.memory_space<vmem_shared>>
      tpu.wait_dma2 semaphore(%run_scoped3A : memref<!tpu.dma_semaphore, #tpu.memory_space<semaphore_mem>>) src(%dma_wait3A_140 : memref<128x64xf32, #tpu.memory_space<vmem_shared>>) dst(%arg11 : memref<128x64xf32, #tpu.memory_space<vmem>>)
      tpu.yield
    }) : () -> ()
    "tpu.region"() ({
      %run_scoped3A = tpu.sem_alloc : memref<!tpu.dma_semaphore, #tpu.memory_space<semaphore_mem>>
      %dma_start3A = arith.constant 0 : i32
      %dma_start3A_135 = tpu.memref_slice %arg8[%add3A_32, %dma_start3A] : memref<10240x64xf32, #tpu.memory_space<vmem_shared>> -> memref<128x64xf32, #tpu.memory_space<vmem_shared>>
      %dma_start3A_136 = arith.constant 0 : i32
      %dma_start3A_137 = tpu.memref_slice %arg8[%add3A_32, %dma_start3A_136] : memref<10240x64xf32, #tpu.memory_space<vmem_shared>> -> memref<128x64xf32, #tpu.memory_space<vmem_shared>>
      tpu.enqueue_dma source(%dma_start3A_137 : memref<128x64xf32, #tpu.memory_space<vmem_shared>>) target(%arg12 : memref<128x64xf32, #tpu.memory_space<vmem>>) target_semaphore(%run_scoped3A : memref<!tpu.dma_semaphore, #tpu.memory_space<semaphore_mem>>)
      %dma_wait3A = arith.constant 0 : i32
      %dma_wait3A_138 = tpu.memref_slice %arg8[%add3A_32, %dma_wait3A] : memref<10240x64xf32, #tpu.memory_space<vmem_shared>> -> memref<128x64xf32, #tpu.memory_space<vmem_shared>>
      %dma_wait3A_139 = arith.constant 0 : i32
      %dma_wait3A_140 = tpu.memref_slice %arg8[%add3A_32, %dma_wait3A_139] : memref<10240x64xf32, #tpu.memory_space<vmem_shared>> -> memref<128x64xf32, #tpu.memory_space<vmem_shared>>
      tpu.wait_dma2 semaphore(%run_scoped3A : memref<!tpu.dma_semaphore, #tpu.memory_space<semaphore_mem>>) src(%dma_wait3A_140 : memref<128x64xf32, #tpu.memory_space<vmem_shared>>) dst(%arg12 : memref<128x64xf32, #tpu.memory_space<vmem>>)
      tpu.yield
    }) : () -> ()
    %scan3A_33 = arith.constant 0 : i32
    %scan3A_34 = arith.constant 128 : i32
    %scan3A_35 = arith.addi %scan3A_33, %scan3A_34 : i32
    %scan3A_36 = arith.constant 1 : i32
    scf.for %scan3A_135 = %scan3A_33 to %scan3A_35 step %scan3A_36  : i32 {
      %add3A_136 = arith.constant 0 : i32
      %add3A_137 = arith.addi %add3A_136, %scan3A_135 : i32
      %get3A = arith.index_cast %add3A_137 : i32 to index
      %get3A_138 = tpu.vector_load %arg13[%get3A] {strides = array<i32>} : memref<656xf32, #tpu.memory_space<vmem>>, vector<16xf32>,
      %get3A_139 = vector.shape_cast %get3A_138 : vector<16xf32> to vector<16xf32>
      %slice3A = vector.extract_strided_slice %get3A_139 {offsets = [0], sizes = [1], strides = [1]} : vector<16xf32> to vector<1xf32>
      %squeeze3A = vector.extract %slice3A[0] : f32 from vector<1xf32>
      %broadcast_in_dim3A = vector.broadcast %squeeze3A : f32 to vector<16xf32>
      %get3A_140 = arith.index_cast %scan3A_135 : i32 to index
      %get3A_141 = arith.constant 0 : index
      %get3A_142 = tpu.vector_load %arg11[%get3A_140, %get3A_141] {strides = array<i32>} : memref<128x64xf32, #tpu.memory_space<vmem>>, vector<1x16xf32>,
      %get3A_143 = vector.shape_cast %get3A_142 : vector<1x16xf32> to vector<16xf32>
      %get3A_144 = arith.index_cast %scan3A_135 : i32 to index
      %get3A_145 = arith.constant 0 : index
      %get3A_146 = tpu.vector_load %arg12[%get3A_144, %get3A_145] {strides = array<i32>} : memref<128x64xf32, #tpu.memory_space<vmem>>, vector<1x16xf32>,
      %get3A_147 = vector.shape_cast %get3A_146 : vector<1x16xf32> to vector<16xf32>
      %mul3A_148 = arith.constant 1.000000e-01 : f32
      %mul3A_149 = vector.broadcast %mul3A_148 : f32 to vector<16xf32>
      %mul3A_150 = arith.mulf %mul3A_149, %get3A_147 : vector<16xf32>
      %add3A_151 = arith.addf %get3A_143, %mul3A_150 : vector<16xf32>
      %mul3A_152 = arith.mulf %add3A_151, %broadcast_in_dim3A : vector<16xf32>
      %swap3A = arith.index_cast %scan3A_135 : i32 to index
      %swap3A_153 = arith.constant 0 : index
      %swap3A_154 = tpu.vector_load %arg11[%swap3A, %swap3A_153] {strides = array<i32>} : memref<128x64xf32, #tpu.memory_space<vmem>>, vector<1x16xf32>,
      %swap3A_155 = vector.shape_cast %swap3A_154 : vector<1x16xf32> to vector<16xf32>
      %swap3A_156 = vector.shape_cast %mul3A_152 : vector<16xf32> to vector<1x16xf32>
      tpu.vector_store %arg11[%swap3A, %swap3A_153], %swap3A_156 {strides = array<i32>} : memref<128x64xf32, #tpu.memory_space<vmem>>, vector<1x16xf32>,
      %get3A_157 = arith.index_cast %scan3A_135 : i32 to index
      %get3A_158 = arith.constant 16 : index
      %get3A_159 = tpu.vector_load %arg11[%get3A_157, %get3A_158] {strides = array<i32>} : memref<128x64xf32, #tpu.memory_space<vmem>>, vector<1x16xf32>,
      %get3A_160 = vector.shape_cast %get3A_159 : vector<1x16xf32> to vector<16xf32>
      %get3A_161 = arith.index_cast %scan3A_135 : i32 to index
      %get3A_162 = arith.constant 16 : index
      %get3A_163 = tpu.vector_load %arg12[%get3A_161, %get3A_162] {strides = array<i32>} : memref<128x64xf32, #tpu.memory_space<vmem>>, vector<1x16xf32>,
      %get3A_164 = vector.shape_cast %get3A_163 : vector<1x16xf32> to vector<16xf32>
      %mul3A_165 = arith.constant 1.000000e-01 : f32
      %mul3A_166 = vector.broadcast %mul3A_165 : f32 to vector<16xf32>
      %mul3A_167 = arith.mulf %mul3A_166, %get3A_164 : vector<16xf32>
      %add3A_168 = arith.addf %get3A_160, %mul3A_167 : vector<16xf32>
      %mul3A_169 = arith.mulf %add3A_168, %broadcast_in_dim3A : vector<16xf32>
      %swap3A_170 = arith.index_cast %scan3A_135 : i32 to index
      %swap3A_171 = arith.constant 16 : index
      %swap3A_172 = tpu.vector_load %arg11[%swap3A_170, %swap3A_171] {strides = array<i32>} : memref<128x64xf32, #tpu.memory_space<vmem>>, vector<1x16xf32>,
      %swap3A_173 = vector.shape_cast %swap3A_172 : vector<1x16xf32> to vector<16xf32>
      %swap3A_174 = vector.shape_cast %mul3A_169 : vector<16xf32> to vector<1x16xf32>
      tpu.vector_store %arg11[%swap3A_170, %swap3A_171], %swap3A_174 {strides = array<i32>} : memref<128x64xf32, #tpu.memory_space<vmem>>, vector<1x16xf32>,
      %get3A_175 = arith.index_cast %scan3A_135 : i32 to index
      %get3A_176 = arith.constant 32 : index
      %get3A_177 = tpu.vector_load %arg11[%get3A_175, %get3A_176] {strides = array<i32>} : memref<128x64xf32, #tpu.memory_space<vmem>>, vector<1x16xf32>,
      %get3A_178 = vector.shape_cast %get3A_177 : vector<1x16xf32> to vector<16xf32>
      %get3A_179 = arith.index_cast %scan3A_135 : i32 to index
      %get3A_180 = arith.constant 32 : index
      %get3A_181 = tpu.vector_load %arg12[%get3A_179, %get3A_180] {strides = array<i32>} : memref<128x64xf32, #tpu.memory_space<vmem>>, vector<1x16xf32>,
      %get3A_182 = vector.shape_cast %get3A_181 : vector<1x16xf32> to vector<16xf32>
      %mul3A_183 = arith.constant 1.000000e-01 : f32
      %mul3A_184 = vector.broadcast %mul3A_183 : f32 to vector<16xf32>
      %mul3A_185 = arith.mulf %mul3A_184, %get3A_182 : vector<16xf32>
      %add3A_186 = arith.addf %get3A_178, %mul3A_185 : vector<16xf32>
      %mul3A_187 = arith.mulf %add3A_186, %broadcast_in_dim3A : vector<16xf32>
      %swap3A_188 = arith.index_cast %scan3A_135 : i32 to index
      %swap3A_189 = arith.constant 32 : index
      %swap3A_190 = tpu.vector_load %arg11[%swap3A_188, %swap3A_189] {strides = array<i32>} : memref<128x64xf32, #tpu.memory_space<vmem>>, vector<1x16xf32>,
      %swap3A_191 = vector.shape_cast %swap3A_190 : vector<1x16xf32> to vector<16xf32>
      %swap3A_192 = vector.shape_cast %mul3A_187 : vector<16xf32> to vector<1x16xf32>
      tpu.vector_store %arg11[%swap3A_188, %swap3A_189], %swap3A_192 {strides = array<i32>} : memref<128x64xf32, #tpu.memory_space<vmem>>, vector<1x16xf32>,
      %get3A_193 = arith.index_cast %scan3A_135 : i32 to index
      %get3A_194 = arith.constant 48 : index
      %get3A_195 = tpu.vector_load %arg11[%get3A_193, %get3A_194] {strides = array<i32>} : memref<128x64xf32, #tpu.memory_space<vmem>>, vector<1x16xf32>,
      %get3A_196 = vector.shape_cast %get3A_195 : vector<1x16xf32> to vector<16xf32>
      %get3A_197 = arith.index_cast %scan3A_135 : i32 to index
      %get3A_198 = arith.constant 48 : index
      %get3A_199 = tpu.vector_load %arg12[%get3A_197, %get3A_198] {strides = array<i32>} : memref<128x64xf32, #tpu.memory_space<vmem>>, vector<1x16xf32>,
      %get3A_200 = vector.shape_cast %get3A_199 : vector<1x16xf32> to vector<16xf32>
      %mul3A_201 = arith.constant 1.000000e-01 : f32
      %mul3A_202 = vector.broadcast %mul3A_201 : f32 to vector<16xf32>
      %mul3A_203 = arith.mulf %mul3A_202, %get3A_200 : vector<16xf32>
      %add3A_204 = arith.addf %get3A_196, %mul3A_203 : vector<16xf32>
      %mul3A_205 = arith.mulf %add3A_204, %broadcast_in_dim3A : vector<16xf32>
      %swap3A_206 = arith.index_cast %scan3A_135 : i32 to index
      %swap3A_207 = arith.constant 48 : index
      %swap3A_208 = tpu.vector_load %arg11[%swap3A_206, %swap3A_207] {strides = array<i32>} : memref<128x64xf32, #tpu.memory_space<vmem>>, vector<1x16xf32>,
      %swap3A_209 = vector.shape_cast %swap3A_208 : vector<1x16xf32> to vector<16xf32>
      %swap3A_210 = vector.shape_cast %mul3A_205 : vector<16xf32> to vector<1x16xf32>
      tpu.vector_store %arg11[%swap3A_206, %swap3A_207], %swap3A_210 {strides = array<i32>} : memref<128x64xf32, #tpu.memory_space<vmem>>, vector<1x16xf32>,
    }
    %scan3A_37 = arith.constant 128 : i32
    "tpu.region"() ({
      %run_scoped3A = tpu.sem_alloc : memref<!tpu.dma_semaphore, #tpu.memory_space<semaphore_mem>>
      %dma_start3A = arith.constant 0 : i32
      %dma_start3A_135 = tpu.memref_slice %arg7[%add3A_32, %dma_start3A] : memref<10240x64xf32, #tpu.memory_space<vmem_shared>> -> memref<128x64xf32, #tpu.memory_space<vmem_shared>>
      %dma_start3A_136 = arith.constant 0 : i32
      %dma_start3A_137 = tpu.memref_slice %arg7[%add3A_32, %dma_start3A_136] : memref<10240x64xf32, #tpu.memory_space<vmem_shared>> -> memref<128x64xf32, #tpu.memory_space<vmem_shared>>
      tpu.enqueue_dma source(%arg11 : memref<128x64xf32, #tpu.memory_space<vmem>>) target(%dma_start3A_137 : memref<128x64xf32, #tpu.memory_space<vmem_shared>>) target_semaphore(%run_scoped3A : memref<!tpu.dma_semaphore, #tpu.memory_space<semaphore_mem>>)
      %dma_wait3A = arith.constant 0 : i32
      %dma_wait3A_138 = tpu.memref_slice %arg7[%add3A_32, %dma_wait3A] : memref<10240x64xf32, #tpu.memory_space<vmem_shared>> -> memref<128x64xf32, #tpu.memory_space<vmem_shared>>
      %dma_wait3A_139 = arith.constant 0 : i32
      %dma_wait3A_140 = tpu.memref_slice %arg7[%add3A_32, %dma_wait3A_139] : memref<10240x64xf32, #tpu.memory_space<vmem_shared>> -> memref<128x64xf32, #tpu.memory_space<vmem_shared>>
      tpu.wait_dma2 semaphore(%run_scoped3A : memref<!tpu.dma_semaphore, #tpu.memory_space<semaphore_mem>>) src(%arg11 : memref<128x64xf32, #tpu.memory_space<vmem>>) dst(%dma_wait3A_140 : memref<128x64xf32, #tpu.memory_space<vmem_shared>>)
      tpu.yield
    }) : () -> ()
    %add3A_38 = arith.constant 128 : i32
    %add3A_39 = arith.addi %mul3A_0, %add3A_38 : i32
    "tpu.region"() ({
      %run_scoped3A = tpu.sem_alloc : memref<!tpu.dma_semaphore, #tpu.memory_space<semaphore_mem>>
      %dma_start3A = arith.constant 0 : i32
      %dma_start3A_135 = tpu.memref_slice %arg7[%add3A_39, %dma_start3A] : memref<10240x64xf32, #tpu.memory_space<vmem_shared>> -> memref<128x64xf32, #tpu.memory_space<vmem_shared>>
      %dma_start3A_136 = arith.constant 0 : i32
      %dma_start3A_137 = tpu.memref_slice %arg7[%add3A_39, %dma_start3A_136] : memref<10240x64xf32, #tpu.memory_space<vmem_shared>> -> memref<128x64xf32, #tpu.memory_space<vmem_shared>>
      tpu.enqueue_dma source(%dma_start3A_137 : memref<128x64xf32, #tpu.memory_space<vmem_shared>>) target(%arg11 : memref<128x64xf32, #tpu.memory_space<vmem>>) target_semaphore(%run_scoped3A : memref<!tpu.dma_semaphore, #tpu.memory_space<semaphore_mem>>)
      %dma_wait3A = arith.constant 0 : i32
      %dma_wait3A_138 = tpu.memref_slice %arg7[%add3A_39, %dma_wait3A] : memref<10240x64xf32, #tpu.memory_space<vmem_shared>> -> memref<128x64xf32, #tpu.memory_space<vmem_shared>>
      %dma_wait3A_139 = arith.constant 0 : i32
      %dma_wait3A_140 = tpu.memref_slice %arg7[%add3A_39, %dma_wait3A_139] : memref<10240x64xf32, #tpu.memory_space<vmem_shared>> -> memref<128x64xf32, #tpu.memory_space<vmem_shared>>
      tpu.wait_dma2 semaphore(%run_scoped3A : memref<!tpu.dma_semaphore, #tpu.memory_space<semaphore_mem>>) src(%dma_wait3A_140 : memref<128x64xf32, #tpu.memory_space<vmem_shared>>) dst(%arg11 : memref<128x64xf32, #tpu.memory_space<vmem>>)
      tpu.yield
    }) : () -> ()
    "tpu.region"() ({
      %run_scoped3A = tpu.sem_alloc : memref<!tpu.dma_semaphore, #tpu.memory_space<semaphore_mem>>
      %dma_start3A = arith.constant 0 : i32
      %dma_start3A_135 = tpu.memref_slice %arg8[%add3A_39, %dma_start3A] : memref<10240x64xf32, #tpu.memory_space<vmem_shared>> -> memref<128x64xf32, #tpu.memory_space<vmem_shared>>
      %dma_start3A_136 = arith.constant 0 : i32
      %dma_start3A_137 = tpu.memref_slice %arg8[%add3A_39, %dma_start3A_136] : memref<10240x64xf32, #tpu.memory_space<vmem_shared>> -> memref<128x64xf32, #tpu.memory_space<vmem_shared>>
      tpu.enqueue_dma source(%dma_start3A_137 : memref<128x64xf32, #tpu.memory_space<vmem_shared>>) target(%arg12 : memref<128x64xf32, #tpu.memory_space<vmem>>) target_semaphore(%run_scoped3A : memref<!tpu.dma_semaphore, #tpu.memory_space<semaphore_mem>>)
      %dma_wait3A = arith.constant 0 : i32
      %dma_wait3A_138 = tpu.memref_slice %arg8[%add3A_39, %dma_wait3A] : memref<10240x64xf32, #tpu.memory_space<vmem_shared>> -> memref<128x64xf32, #tpu.memory_space<vmem_shared>>
      %dma_wait3A_139 = arith.constant 0 : i32
      %dma_wait3A_140 = tpu.memref_slice %arg8[%add3A_39, %dma_wait3A_139] : memref<10240x64xf32, #tpu.memory_space<vmem_shared>> -> memref<128x64xf32, #tpu.memory_space<vmem_shared>>
      tpu.wait_dma2 semaphore(%run_scoped3A : memref<!tpu.dma_semaphore, #tpu.memory_space<semaphore_mem>>) src(%dma_wait3A_140 : memref<128x64xf32, #tpu.memory_space<vmem_shared>>) dst(%arg12 : memref<128x64xf32, #tpu.memory_space<vmem>>)
      tpu.yield
    }) : () -> ()
    %scan3A_40 = arith.constant 0 : i32
    %scan3A_41 = arith.constant 128 : i32
    %scan3A_42 = arith.addi %scan3A_40, %scan3A_41 : i32
    %scan3A_43 = arith.constant 1 : i32
    scf.for %scan3A_135 = %scan3A_40 to %scan3A_42 step %scan3A_43  : i32 {
      %add3A_136 = arith.constant 128 : i32
      %add3A_137 = arith.addi %add3A_136, %scan3A_135 : i32
      %get3A = arith.index_cast %add3A_137 : i32 to index
      %get3A_138 = tpu.vector_load %arg13[%get3A] {strides = array<i32>} : memref<656xf32, #tpu.memory_space<vmem>>, vector<16xf32>,
      %get3A_139 = vector.shape_cast %get3A_138 : vector<16xf32> to vector<16xf32>
      %slice3A = vector.extract_strided_slice %get3A_139 {offsets = [0], sizes = [1], strides = [1]} : vector<16xf32> to vector<1xf32>
      %squeeze3A = vector.extract %slice3A[0] : f32 from vector<1xf32>
      %broadcast_in_dim3A = vector.broadcast %squeeze3A : f32 to vector<16xf32>
      %get3A_140 = arith.index_cast %scan3A_135 : i32 to index
      %get3A_141 = arith.constant 0 : index
      %get3A_142 = tpu.vector_load %arg11[%get3A_140, %get3A_141] {strides = array<i32>} : memref<128x64xf32, #tpu.memory_space<vmem>>, vector<1x16xf32>,
      %get3A_143 = vector.shape_cast %get3A_142 : vector<1x16xf32> to vector<16xf32>
      %get3A_144 = arith.index_cast %scan3A_135 : i32 to index
      %get3A_145 = arith.constant 0 : index
      %get3A_146 = tpu.vector_load %arg12[%get3A_144, %get3A_145] {strides = array<i32>} : memref<128x64xf32, #tpu.memory_space<vmem>>, vector<1x16xf32>,
      %get3A_147 = vector.shape_cast %get3A_146 : vector<1x16xf32> to vector<16xf32>
      %mul3A_148 = arith.constant 1.000000e-01 : f32
      %mul3A_149 = vector.broadcast %mul3A_148 : f32 to vector<16xf32>
      %mul3A_150 = arith.mulf %mul3A_149, %get3A_147 : vector<16xf32>
      %add3A_151 = arith.addf %get3A_143, %mul3A_150 : vector<16xf32>
      %mul3A_152 = arith.mulf %add3A_151, %broadcast_in_dim3A : vector<16xf32>
      %swap3A = arith.index_cast %scan3A_135 : i32 to index
      %swap3A_153 = arith.constant 0 : index
      %swap3A_154 = tpu.vector_load %arg11[%swap3A, %swap3A_153] {strides = array<i32>} : memref<128x64xf32, #tpu.memory_space<vmem>>, vector<1x16xf32>,
      %swap3A_155 = vector.shape_cast %swap3A_154 : vector<1x16xf32> to vector<16xf32>
      %swap3A_156 = vector.shape_cast %mul3A_152 : vector<16xf32> to vector<1x16xf32>
      tpu.vector_store %arg11[%swap3A, %swap3A_153], %swap3A_156 {strides = array<i32>} : memref<128x64xf32, #tpu.memory_space<vmem>>, vector<1x16xf32>,
      %get3A_157 = arith.index_cast %scan3A_135 : i32 to index
      %get3A_158 = arith.constant 16 : index
      %get3A_159 = tpu.vector_load %arg11[%get3A_157, %get3A_158] {strides = array<i32>} : memref<128x64xf32, #tpu.memory_space<vmem>>, vector<1x16xf32>,
      %get3A_160 = vector.shape_cast %get3A_159 : vector<1x16xf32> to vector<16xf32>
      %get3A_161 = arith.index_cast %scan3A_135 : i32 to index
      %get3A_162 = arith.constant 16 : index
      %get3A_163 = tpu.vector_load %arg12[%get3A_161, %get3A_162] {strides = array<i32>} : memref<128x64xf32, #tpu.memory_space<vmem>>, vector<1x16xf32>,
      %get3A_164 = vector.shape_cast %get3A_163 : vector<1x16xf32> to vector<16xf32>
      %mul3A_165 = arith.constant 1.000000e-01 : f32
      %mul3A_166 = vector.broadcast %mul3A_165 : f32 to vector<16xf32>
      %mul3A_167 = arith.mulf %mul3A_166, %get3A_164 : vector<16xf32>
      %add3A_168 = arith.addf %get3A_160, %mul3A_167 : vector<16xf32>
      %mul3A_169 = arith.mulf %add3A_168, %broadcast_in_dim3A : vector<16xf32>
      %swap3A_170 = arith.index_cast %scan3A_135 : i32 to index
      %swap3A_171 = arith.constant 16 : index
      %swap3A_172 = tpu.vector_load %arg11[%swap3A_170, %swap3A_171] {strides = array<i32>} : memref<128x64xf32, #tpu.memory_space<vmem>>, vector<1x16xf32>,
      %swap3A_173 = vector.shape_cast %swap3A_172 : vector<1x16xf32> to vector<16xf32>
      %swap3A_174 = vector.shape_cast %mul3A_169 : vector<16xf32> to vector<1x16xf32>
      tpu.vector_store %arg11[%swap3A_170, %swap3A_171], %swap3A_174 {strides = array<i32>} : memref<128x64xf32, #tpu.memory_space<vmem>>, vector<1x16xf32>,
      %get3A_175 = arith.index_cast %scan3A_135 : i32 to index
      %get3A_176 = arith.constant 32 : index
      %get3A_177 = tpu.vector_load %arg11[%get3A_175, %get3A_176] {strides = array<i32>} : memref<128x64xf32, #tpu.memory_space<vmem>>, vector<1x16xf32>,
      %get3A_178 = vector.shape_cast %get3A_177 : vector<1x16xf32> to vector<16xf32>
      %get3A_179 = arith.index_cast %scan3A_135 : i32 to index
      %get3A_180 = arith.constant 32 : index
      %get3A_181 = tpu.vector_load %arg12[%get3A_179, %get3A_180] {strides = array<i32>} : memref<128x64xf32, #tpu.memory_space<vmem>>, vector<1x16xf32>,
      %get3A_182 = vector.shape_cast %get3A_181 : vector<1x16xf32> to vector<16xf32>
      %mul3A_183 = arith.constant 1.000000e-01 : f32
      %mul3A_184 = vector.broadcast %mul3A_183 : f32 to vector<16xf32>
      %mul3A_185 = arith.mulf %mul3A_184, %get3A_182 : vector<16xf32>
      %add3A_186 = arith.addf %get3A_178, %mul3A_185 : vector<16xf32>
      %mul3A_187 = arith.mulf %add3A_186, %broadcast_in_dim3A : vector<16xf32>
      %swap3A_188 = arith.index_cast %scan3A_135 : i32 to index
      %swap3A_189 = arith.constant 32 : index
      %swap3A_190 = tpu.vector_load %arg11[%swap3A_188, %swap3A_189] {strides = array<i32>} : memref<128x64xf32, #tpu.memory_space<vmem>>, vector<1x16xf32>,
      %swap3A_191 = vector.shape_cast %swap3A_190 : vector<1x16xf32> to vector<16xf32>
      %swap3A_192 = vector.shape_cast %mul3A_187 : vector<16xf32> to vector<1x16xf32>
      tpu.vector_store %arg11[%swap3A_188, %swap3A_189], %swap3A_192 {strides = array<i32>} : memref<128x64xf32, #tpu.memory_space<vmem>>, vector<1x16xf32>,
      %get3A_193 = arith.index_cast %scan3A_135 : i32 to index
      %get3A_194 = arith.constant 48 : index
      %get3A_195 = tpu.vector_load %arg11[%get3A_193, %get3A_194] {strides = array<i32>} : memref<128x64xf32, #tpu.memory_space<vmem>>, vector<1x16xf32>,
      %get3A_196 = vector.shape_cast %get3A_195 : vector<1x16xf32> to vector<16xf32>
      %get3A_197 = arith.index_cast %scan3A_135 : i32 to index
      %get3A_198 = arith.constant 48 : index
      %get3A_199 = tpu.vector_load %arg12[%get3A_197, %get3A_198] {strides = array<i32>} : memref<128x64xf32, #tpu.memory_space<vmem>>, vector<1x16xf32>,
      %get3A_200 = vector.shape_cast %get3A_199 : vector<1x16xf32> to vector<16xf32>
      %mul3A_201 = arith.constant 1.000000e-01 : f32
      %mul3A_202 = vector.broadcast %mul3A_201 : f32 to vector<16xf32>
      %mul3A_203 = arith.mulf %mul3A_202, %get3A_200 : vector<16xf32>
      %add3A_204 = arith.addf %get3A_196, %mul3A_203 : vector<16xf32>
      %mul3A_205 = arith.mulf %add3A_204, %broadcast_in_dim3A : vector<16xf32>
      %swap3A_206 = arith.index_cast %scan3A_135 : i32 to index
      %swap3A_207 = arith.constant 48 : index
      %swap3A_208 = tpu.vector_load %arg11[%swap3A_206, %swap3A_207] {strides = array<i32>} : memref<128x64xf32, #tpu.memory_space<vmem>>, vector<1x16xf32>,
      %swap3A_209 = vector.shape_cast %swap3A_208 : vector<1x16xf32> to vector<16xf32>
      %swap3A_210 = vector.shape_cast %mul3A_205 : vector<16xf32> to vector<1x16xf32>
      tpu.vector_store %arg11[%swap3A_206, %swap3A_207], %swap3A_210 {strides = array<i32>} : memref<128x64xf32, #tpu.memory_space<vmem>>, vector<1x16xf32>,
    }
    %scan3A_44 = arith.constant 128 : i32
    "tpu.region"() ({
      %run_scoped3A = tpu.sem_alloc : memref<!tpu.dma_semaphore, #tpu.memory_space<semaphore_mem>>
      %dma_start3A = arith.constant 0 : i32
      %dma_start3A_135 = tpu.memref_slice %arg7[%add3A_39, %dma_start3A] : memref<10240x64xf32, #tpu.memory_space<vmem_shared>> -> memref<128x64xf32, #tpu.memory_space<vmem_shared>>
      %dma_start3A_136 = arith.constant 0 : i32
      %dma_start3A_137 = tpu.memref_slice %arg7[%add3A_39, %dma_start3A_136] : memref<10240x64xf32, #tpu.memory_space<vmem_shared>> -> memref<128x64xf32, #tpu.memory_space<vmem_shared>>
      tpu.enqueue_dma source(%arg11 : memref<128x64xf32, #tpu.memory_space<vmem>>) target(%dma_start3A_137 : memref<128x64xf32, #tpu.memory_space<vmem_shared>>) target_semaphore(%run_scoped3A : memref<!tpu.dma_semaphore, #tpu.memory_space<semaphore_mem>>)
      %dma_wait3A = arith.constant 0 : i32
      %dma_wait3A_138 = tpu.memref_slice %arg7[%add3A_39, %dma_wait3A] : memref<10240x64xf32, #tpu.memory_space<vmem_shared>> -> memref<128x64xf32, #tpu.memory_space<vmem_shared>>
      %dma_wait3A_139 = arith.constant 0 : i32
      %dma_wait3A_140 = tpu.memref_slice %arg7[%add3A_39, %dma_wait3A_139] : memref<10240x64xf32, #tpu.memory_space<vmem_shared>> -> memref<128x64xf32, #tpu.memory_space<vmem_shared>>
      tpu.wait_dma2 semaphore(%run_scoped3A : memref<!tpu.dma_semaphore, #tpu.memory_space<semaphore_mem>>) src(%arg11 : memref<128x64xf32, #tpu.memory_space<vmem>>) dst(%dma_wait3A_140 : memref<128x64xf32, #tpu.memory_space<vmem_shared>>)
      tpu.yield
    }) : () -> ()
    %add3A_45 = arith.constant 256 : i32
    %add3A_46 = arith.addi %mul3A_0, %add3A_45 : i32
    "tpu.region"() ({
      %run_scoped3A = tpu.sem_alloc : memref<!tpu.dma_semaphore, #tpu.memory_space<semaphore_mem>>
      %dma_start3A = arith.constant 0 : i32
      %dma_start3A_135 = tpu.memref_slice %arg7[%add3A_46, %dma_start3A] : memref<10240x64xf32, #tpu.memory_space<vmem_shared>> -> memref<128x64xf32, #tpu.memory_space<vmem_shared>>
      %dma_start3A_136 = arith.constant 0 : i32
      %dma_start3A_137 = tpu.memref_slice %arg7[%add3A_46, %dma_start3A_136] : memref<10240x64xf32, #tpu.memory_space<vmem_shared>> -> memref<128x64xf32, #tpu.memory_space<vmem_shared>>
      tpu.enqueue_dma source(%dma_start3A_137 : memref<128x64xf32, #tpu.memory_space<vmem_shared>>) target(%arg11 : memref<128x64xf32, #tpu.memory_space<vmem>>) target_semaphore(%run_scoped3A : memref<!tpu.dma_semaphore, #tpu.memory_space<semaphore_mem>>)
      %dma_wait3A = arith.constant 0 : i32
      %dma_wait3A_138 = tpu.memref_slice %arg7[%add3A_46, %dma_wait3A] : memref<10240x64xf32, #tpu.memory_space<vmem_shared>> -> memref<128x64xf32, #tpu.memory_space<vmem_shared>>
      %dma_wait3A_139 = arith.constant 0 : i32
      %dma_wait3A_140 = tpu.memref_slice %arg7[%add3A_46, %dma_wait3A_139] : memref<10240x64xf32, #tpu.memory_space<vmem_shared>> -> memref<128x64xf32, #tpu.memory_space<vmem_shared>>
      tpu.wait_dma2 semaphore(%run_scoped3A : memref<!tpu.dma_semaphore, #tpu.memory_space<semaphore_mem>>) src(%dma_wait3A_140 : memref<128x64xf32, #tpu.memory_space<vmem_shared>>) dst(%arg11 : memref<128x64xf32, #tpu.memory_space<vmem>>)
      tpu.yield
    }) : () -> ()
    "tpu.region"() ({
      %run_scoped3A = tpu.sem_alloc : memref<!tpu.dma_semaphore, #tpu.memory_space<semaphore_mem>>
      %dma_start3A = arith.constant 0 : i32
      %dma_start3A_135 = tpu.memref_slice %arg8[%add3A_46, %dma_start3A] : memref<10240x64xf32, #tpu.memory_space<vmem_shared>> -> memref<128x64xf32, #tpu.memory_space<vmem_shared>>
      %dma_start3A_136 = arith.constant 0 : i32
      %dma_start3A_137 = tpu.memref_slice %arg8[%add3A_46, %dma_start3A_136] : memref<10240x64xf32, #tpu.memory_space<vmem_shared>> -> memref<128x64xf32, #tpu.memory_space<vmem_shared>>
      tpu.enqueue_dma source(%dma_start3A_137 : memref<128x64xf32, #tpu.memory_space<vmem_shared>>) target(%arg12 : memref<128x64xf32, #tpu.memory_space<vmem>>) target_semaphore(%run_scoped3A : memref<!tpu.dma_semaphore, #tpu.memory_space<semaphore_mem>>)
      %dma_wait3A = arith.constant 0 : i32
      %dma_wait3A_138 = tpu.memref_slice %arg8[%add3A_46, %dma_wait3A] : memref<10240x64xf32, #tpu.memory_space<vmem_shared>> -> memref<128x64xf32, #tpu.memory_space<vmem_shared>>
      %dma_wait3A_139 = arith.constant 0 : i32
      %dma_wait3A_140 = tpu.memref_slice %arg8[%add3A_46, %dma_wait3A_139] : memref<10240x64xf32, #tpu.memory_space<vmem_shared>> -> memref<128x64xf32, #tpu.memory_space<vmem_shared>>
      tpu.wait_dma2 semaphore(%run_scoped3A : memref<!tpu.dma_semaphore, #tpu.memory_space<semaphore_mem>>) src(%dma_wait3A_140 : memref<128x64xf32, #tpu.memory_space<vmem_shared>>) dst(%arg12 : memref<128x64xf32, #tpu.memory_space<vmem>>)
      tpu.yield
    }) : () -> ()
    %scan3A_47 = arith.constant 0 : i32
    %scan3A_48 = arith.constant 128 : i32
    %scan3A_49 = arith.addi %scan3A_47, %scan3A_48 : i32
    %scan3A_50 = arith.constant 1 : i32
    scf.for %scan3A_135 = %scan3A_47 to %scan3A_49 step %scan3A_50  : i32 {
      %add3A_136 = arith.constant 256 : i32
      %add3A_137 = arith.addi %add3A_136, %scan3A_135 : i32
      %get3A = arith.index_cast %add3A_137 : i32 to index
      %get3A_138 = tpu.vector_load %arg13[%get3A] {strides = array<i32>} : memref<656xf32, #tpu.memory_space<vmem>>, vector<16xf32>,
      %get3A_139 = vector.shape_cast %get3A_138 : vector<16xf32> to vector<16xf32>
      %slice3A = vector.extract_strided_slice %get3A_139 {offsets = [0], sizes = [1], strides = [1]} : vector<16xf32> to vector<1xf32>
      %squeeze3A = vector.extract %slice3A[0] : f32 from vector<1xf32>
      %broadcast_in_dim3A = vector.broadcast %squeeze3A : f32 to vector<16xf32>
      %get3A_140 = arith.index_cast %scan3A_135 : i32 to index
      %get3A_141 = arith.constant 0 : index
      %get3A_142 = tpu.vector_load %arg11[%get3A_140, %get3A_141] {strides = array<i32>} : memref<128x64xf32, #tpu.memory_space<vmem>>, vector<1x16xf32>,
      %get3A_143 = vector.shape_cast %get3A_142 : vector<1x16xf32> to vector<16xf32>
      %get3A_144 = arith.index_cast %scan3A_135 : i32 to index
      %get3A_145 = arith.constant 0 : index
      %get3A_146 = tpu.vector_load %arg12[%get3A_144, %get3A_145] {strides = array<i32>} : memref<128x64xf32, #tpu.memory_space<vmem>>, vector<1x16xf32>,
      %get3A_147 = vector.shape_cast %get3A_146 : vector<1x16xf32> to vector<16xf32>
      %mul3A_148 = arith.constant 1.000000e-01 : f32
      %mul3A_149 = vector.broadcast %mul3A_148 : f32 to vector<16xf32>
      %mul3A_150 = arith.mulf %mul3A_149, %get3A_147 : vector<16xf32>
      %add3A_151 = arith.addf %get3A_143, %mul3A_150 : vector<16xf32>
      %mul3A_152 = arith.mulf %add3A_151, %broadcast_in_dim3A : vector<16xf32>
      %swap3A = arith.index_cast %scan3A_135 : i32 to index
      %swap3A_153 = arith.constant 0 : index
      %swap3A_154 = tpu.vector_load %arg11[%swap3A, %swap3A_153] {strides = array<i32>} : memref<128x64xf32, #tpu.memory_space<vmem>>, vector<1x16xf32>,
      %swap3A_155 = vector.shape_cast %swap3A_154 : vector<1x16xf32> to vector<16xf32>
      %swap3A_156 = vector.shape_cast %mul3A_152 : vector<16xf32> to vector<1x16xf32>
      tpu.vector_store %arg11[%swap3A, %swap3A_153], %swap3A_156 {strides = array<i32>} : memref<128x64xf32, #tpu.memory_space<vmem>>, vector<1x16xf32>,
      %get3A_157 = arith.index_cast %scan3A_135 : i32 to index
      %get3A_158 = arith.constant 16 : index
      %get3A_159 = tpu.vector_load %arg11[%get3A_157, %get3A_158] {strides = array<i32>} : memref<128x64xf32, #tpu.memory_space<vmem>>, vector<1x16xf32>,
      %get3A_160 = vector.shape_cast %get3A_159 : vector<1x16xf32> to vector<16xf32>
      %get3A_161 = arith.index_cast %scan3A_135 : i32 to index
      %get3A_162 = arith.constant 16 : index
      %get3A_163 = tpu.vector_load %arg12[%get3A_161, %get3A_162] {strides = array<i32>} : memref<128x64xf32, #tpu.memory_space<vmem>>, vector<1x16xf32>,
      %get3A_164 = vector.shape_cast %get3A_163 : vector<1x16xf32> to vector<16xf32>
      %mul3A_165 = arith.constant 1.000000e-01 : f32
      %mul3A_166 = vector.broadcast %mul3A_165 : f32 to vector<16xf32>
      %mul3A_167 = arith.mulf %mul3A_166, %get3A_164 : vector<16xf32>
      %add3A_168 = arith.addf %get3A_160, %mul3A_167 : vector<16xf32>
      %mul3A_169 = arith.mulf %add3A_168, %broadcast_in_dim3A : vector<16xf32>
      %swap3A_170 = arith.index_cast %scan3A_135 : i32 to index
      %swap3A_171 = arith.constant 16 : index
      %swap3A_172 = tpu.vector_load %arg11[%swap3A_170, %swap3A_171] {strides = array<i32>} : memref<128x64xf32, #tpu.memory_space<vmem>>, vector<1x16xf32>,
      %swap3A_173 = vector.shape_cast %swap3A_172 : vector<1x16xf32> to vector<16xf32>
      %swap3A_174 = vector.shape_cast %mul3A_169 : vector<16xf32> to vector<1x16xf32>
      tpu.vector_store %arg11[%swap3A_170, %swap3A_171], %swap3A_174 {strides = array<i32>} : memref<128x64xf32, #tpu.memory_space<vmem>>, vector<1x16xf32>,
      %get3A_175 = arith.index_cast %scan3A_135 : i32 to index
      %get3A_176 = arith.constant 32 : index
      %get3A_177 = tpu.vector_load %arg11[%get3A_175, %get3A_176] {strides = array<i32>} : memref<128x64xf32, #tpu.memory_space<vmem>>, vector<1x16xf32>,
      %get3A_178 = vector.shape_cast %get3A_177 : vector<1x16xf32> to vector<16xf32>
      %get3A_179 = arith.index_cast %scan3A_135 : i32 to index
      %get3A_180 = arith.constant 32 : index
      %get3A_181 = tpu.vector_load %arg12[%get3A_179, %get3A_180] {strides = array<i32>} : memref<128x64xf32, #tpu.memory_space<vmem>>, vector<1x16xf32>,
      %get3A_182 = vector.shape_cast %get3A_181 : vector<1x16xf32> to vector<16xf32>
      %mul3A_183 = arith.constant 1.000000e-01 : f32
      %mul3A_184 = vector.broadcast %mul3A_183 : f32 to vector<16xf32>
      %mul3A_185 = arith.mulf %mul3A_184, %get3A_182 : vector<16xf32>
      %add3A_186 = arith.addf %get3A_178, %mul3A_185 : vector<16xf32>
      %mul3A_187 = arith.mulf %add3A_186, %broadcast_in_dim3A : vector<16xf32>
      %swap3A_188 = arith.index_cast %scan3A_135 : i32 to index
      %swap3A_189 = arith.constant 32 : index
      %swap3A_190 = tpu.vector_load %arg11[%swap3A_188, %swap3A_189] {strides = array<i32>} : memref<128x64xf32, #tpu.memory_space<vmem>>, vector<1x16xf32>,
      %swap3A_191 = vector.shape_cast %swap3A_190 : vector<1x16xf32> to vector<16xf32>
      %swap3A_192 = vector.shape_cast %mul3A_187 : vector<16xf32> to vector<1x16xf32>
      tpu.vector_store %arg11[%swap3A_188, %swap3A_189], %swap3A_192 {strides = array<i32>} : memref<128x64xf32, #tpu.memory_space<vmem>>, vector<1x16xf32>,
      %get3A_193 = arith.index_cast %scan3A_135 : i32 to index
      %get3A_194 = arith.constant 48 : index
      %get3A_195 = tpu.vector_load %arg11[%get3A_193, %get3A_194] {strides = array<i32>} : memref<128x64xf32, #tpu.memory_space<vmem>>, vector<1x16xf32>,
      %get3A_196 = vector.shape_cast %get3A_195 : vector<1x16xf32> to vector<16xf32>
      %get3A_197 = arith.index_cast %scan3A_135 : i32 to index
      %get3A_198 = arith.constant 48 : index
      %get3A_199 = tpu.vector_load %arg12[%get3A_197, %get3A_198] {strides = array<i32>} : memref<128x64xf32, #tpu.memory_space<vmem>>, vector<1x16xf32>,
      %get3A_200 = vector.shape_cast %get3A_199 : vector<1x16xf32> to vector<16xf32>
      %mul3A_201 = arith.constant 1.000000e-01 : f32
      %mul3A_202 = vector.broadcast %mul3A_201 : f32 to vector<16xf32>
      %mul3A_203 = arith.mulf %mul3A_202, %get3A_200 : vector<16xf32>
      %add3A_204 = arith.addf %get3A_196, %mul3A_203 : vector<16xf32>
      %mul3A_205 = arith.mulf %add3A_204, %broadcast_in_dim3A : vector<16xf32>
      %swap3A_206 = arith.index_cast %scan3A_135 : i32 to index
      %swap3A_207 = arith.constant 48 : index
      %swap3A_208 = tpu.vector_load %arg11[%swap3A_206, %swap3A_207] {strides = array<i32>} : memref<128x64xf32, #tpu.memory_space<vmem>>, vector<1x16xf32>,
      %swap3A_209 = vector.shape_cast %swap3A_208 : vector<1x16xf32> to vector<16xf32>
      %swap3A_210 = vector.shape_cast %mul3A_205 : vector<16xf32> to vector<1x16xf32>
      tpu.vector_store %arg11[%swap3A_206, %swap3A_207], %swap3A_210 {strides = array<i32>} : memref<128x64xf32, #tpu.memory_space<vmem>>, vector<1x16xf32>,
    }
    %scan3A_51 = arith.constant 128 : i32
    "tpu.region"() ({
      %run_scoped3A = tpu.sem_alloc : memref<!tpu.dma_semaphore, #tpu.memory_space<semaphore_mem>>
      %dma_start3A = arith.constant 0 : i32
      %dma_start3A_135 = tpu.memref_slice %arg7[%add3A_46, %dma_start3A] : memref<10240x64xf32, #tpu.memory_space<vmem_shared>> -> memref<128x64xf32, #tpu.memory_space<vmem_shared>>
      %dma_start3A_136 = arith.constant 0 : i32
      %dma_start3A_137 = tpu.memref_slice %arg7[%add3A_46, %dma_start3A_136] : memref<10240x64xf32, #tpu.memory_space<vmem_shared>> -> memref<128x64xf32, #tpu.memory_space<vmem_shared>>
      tpu.enqueue_dma source(%arg11 : memref<128x64xf32, #tpu.memory_space<vmem>>) target(%dma_start3A_137 : memref<128x64xf32, #tpu.memory_space<vmem_shared>>) target_semaphore(%run_scoped3A : memref<!tpu.dma_semaphore, #tpu.memory_space<semaphore_mem>>)
      %dma_wait3A = arith.constant 0 : i32
      %dma_wait3A_138 = tpu.memref_slice %arg7[%add3A_46, %dma_wait3A] : memref<10240x64xf32, #tpu.memory_space<vmem_shared>> -> memref<128x64xf32, #tpu.memory_space<vmem_shared>>
      %dma_wait3A_139 = arith.constant 0 : i32
      %dma_wait3A_140 = tpu.memref_slice %arg7[%add3A_46, %dma_wait3A_139] : memref<10240x64xf32, #tpu.memory_space<vmem_shared>> -> memref<128x64xf32, #tpu.memory_space<vmem_shared>>
      tpu.wait_dma2 semaphore(%run_scoped3A : memref<!tpu.dma_semaphore, #tpu.memory_space<semaphore_mem>>) src(%arg11 : memref<128x64xf32, #tpu.memory_space<vmem>>) dst(%dma_wait3A_140 : memref<128x64xf32, #tpu.memory_space<vmem_shared>>)
      tpu.yield
    }) : () -> ()
    %add3A_52 = arith.constant 384 : i32
    %add3A_53 = arith.addi %mul3A_0, %add3A_52 : i32
    "tpu.region"() ({
      %run_scoped3A = tpu.sem_alloc : memref<!tpu.dma_semaphore, #tpu.memory_space<semaphore_mem>>
      %dma_start3A = arith.constant 0 : i32
      %dma_start3A_135 = tpu.memref_slice %arg7[%add3A_53, %dma_start3A] : memref<10240x64xf32, #tpu.memory_space<vmem_shared>> -> memref<128x64xf32, #tpu.memory_space<vmem_shared>>
      %dma_start3A_136 = arith.constant 0 : i32
      %dma_start3A_137 = tpu.memref_slice %arg7[%add3A_53, %dma_start3A_136] : memref<10240x64xf32, #tpu.memory_space<vmem_shared>> -> memref<128x64xf32, #tpu.memory_space<vmem_shared>>
      tpu.enqueue_dma source(%dma_start3A_137 : memref<128x64xf32, #tpu.memory_space<vmem_shared>>) target(%arg11 : memref<128x64xf32, #tpu.memory_space<vmem>>) target_semaphore(%run_scoped3A : memref<!tpu.dma_semaphore, #tpu.memory_space<semaphore_mem>>)
      %dma_wait3A = arith.constant 0 : i32
      %dma_wait3A_138 = tpu.memref_slice %arg7[%add3A_53, %dma_wait3A] : memref<10240x64xf32, #tpu.memory_space<vmem_shared>> -> memref<128x64xf32, #tpu.memory_space<vmem_shared>>
      %dma_wait3A_139 = arith.constant 0 : i32
      %dma_wait3A_140 = tpu.memref_slice %arg7[%add3A_53, %dma_wait3A_139] : memref<10240x64xf32, #tpu.memory_space<vmem_shared>> -> memref<128x64xf32, #tpu.memory_space<vmem_shared>>
      tpu.wait_dma2 semaphore(%run_scoped3A : memref<!tpu.dma_semaphore, #tpu.memory_space<semaphore_mem>>) src(%dma_wait3A_140 : memref<128x64xf32, #tpu.memory_space<vmem_shared>>) dst(%arg11 : memref<128x64xf32, #tpu.memory_space<vmem>>)
      tpu.yield
    }) : () -> ()
    "tpu.region"() ({
      %run_scoped3A = tpu.sem_alloc : memref<!tpu.dma_semaphore, #tpu.memory_space<semaphore_mem>>
      %dma_start3A = arith.constant 0 : i32
      %dma_start3A_135 = tpu.memref_slice %arg8[%add3A_53, %dma_start3A] : memref<10240x64xf32, #tpu.memory_space<vmem_shared>> -> memref<128x64xf32, #tpu.memory_space<vmem_shared>>
      %dma_start3A_136 = arith.constant 0 : i32
      %dma_start3A_137 = tpu.memref_slice %arg8[%add3A_53, %dma_start3A_136] : memref<10240x64xf32, #tpu.memory_space<vmem_shared>> -> memref<128x64xf32, #tpu.memory_space<vmem_shared>>
      tpu.enqueue_dma source(%dma_start3A_137 : memref<128x64xf32, #tpu.memory_space<vmem_shared>>) target(%arg12 : memref<128x64xf32, #tpu.memory_space<vmem>>) target_semaphore(%run_scoped3A : memref<!tpu.dma_semaphore, #tpu.memory_space<semaphore_mem>>)
      %dma_wait3A = arith.constant 0 : i32
      %dma_wait3A_138 = tpu.memref_slice %arg8[%add3A_53, %dma_wait3A] : memref<10240x64xf32, #tpu.memory_space<vmem_shared>> -> memref<128x64xf32, #tpu.memory_space<vmem_shared>>
      %dma_wait3A_139 = arith.constant 0 : i32
      %dma_wait3A_140 = tpu.memref_slice %arg8[%add3A_53, %dma_wait3A_139] : memref<10240x64xf32, #tpu.memory_space<vmem_shared>> -> memref<128x64xf32, #tpu.memory_space<vmem_shared>>
      tpu.wait_dma2 semaphore(%run_scoped3A : memref<!tpu.dma_semaphore, #tpu.memory_space<semaphore_mem>>) src(%dma_wait3A_140 : memref<128x64xf32, #tpu.memory_space<vmem_shared>>) dst(%arg12 : memref<128x64xf32, #tpu.memory_space<vmem>>)
      tpu.yield
    }) : () -> ()
    %scan3A_54 = arith.constant 0 : i32
    %scan3A_55 = arith.constant 128 : i32
    %scan3A_56 = arith.addi %scan3A_54, %scan3A_55 : i32
    %scan3A_57 = arith.constant 1 : i32
    scf.for %scan3A_135 = %scan3A_54 to %scan3A_56 step %scan3A_57  : i32 {
      %add3A_136 = arith.constant 384 : i32
      %add3A_137 = arith.addi %add3A_136, %scan3A_135 : i32
      %get3A = arith.index_cast %add3A_137 : i32 to index
      %get3A_138 = tpu.vector_load %arg13[%get3A] {strides = array<i32>} : memref<656xf32, #tpu.memory_space<vmem>>, vector<16xf32>,
      %get3A_139 = vector.shape_cast %get3A_138 : vector<16xf32> to vector<16xf32>
      %slice3A = vector.extract_strided_slice %get3A_139 {offsets = [0], sizes = [1], strides = [1]} : vector<16xf32> to vector<1xf32>
      %squeeze3A = vector.extract %slice3A[0] : f32 from vector<1xf32>
      %broadcast_in_dim3A = vector.broadcast %squeeze3A : f32 to vector<16xf32>
      %get3A_140 = arith.index_cast %scan3A_135 : i32 to index
      %get3A_141 = arith.constant 0 : index
      %get3A_142 = tpu.vector_load %arg11[%get3A_140, %get3A_141] {strides = array<i32>} : memref<128x64xf32, #tpu.memory_space<vmem>>, vector<1x16xf32>,
      %get3A_143 = vector.shape_cast %get3A_142 : vector<1x16xf32> to vector<16xf32>
      %get3A_144 = arith.index_cast %scan3A_135 : i32 to index
      %get3A_145 = arith.constant 0 : index
      %get3A_146 = tpu.vector_load %arg12[%get3A_144, %get3A_145] {strides = array<i32>} : memref<128x64xf32, #tpu.memory_space<vmem>>, vector<1x16xf32>,
      %get3A_147 = vector.shape_cast %get3A_146 : vector<1x16xf32> to vector<16xf32>
      %mul3A_148 = arith.constant 1.000000e-01 : f32
      %mul3A_149 = vector.broadcast %mul3A_148 : f32 to vector<16xf32>
      %mul3A_150 = arith.mulf %mul3A_149, %get3A_147 : vector<16xf32>
      %add3A_151 = arith.addf %get3A_143, %mul3A_150 : vector<16xf32>
      %mul3A_152 = arith.mulf %add3A_151, %broadcast_in_dim3A : vector<16xf32>
      %swap3A = arith.index_cast %scan3A_135 : i32 to index
      %swap3A_153 = arith.constant 0 : index
      %swap3A_154 = tpu.vector_load %arg11[%swap3A, %swap3A_153] {strides = array<i32>} : memref<128x64xf32, #tpu.memory_space<vmem>>, vector<1x16xf32>,
      %swap3A_155 = vector.shape_cast %swap3A_154 : vector<1x16xf32> to vector<16xf32>
      %swap3A_156 = vector.shape_cast %mul3A_152 : vector<16xf32> to vector<1x16xf32>
      tpu.vector_store %arg11[%swap3A, %swap3A_153], %swap3A_156 {strides = array<i32>} : memref<128x64xf32, #tpu.memory_space<vmem>>, vector<1x16xf32>,
      %get3A_157 = arith.index_cast %scan3A_135 : i32 to index
      %get3A_158 = arith.constant 16 : index
      %get3A_159 = tpu.vector_load %arg11[%get3A_157, %get3A_158] {strides = array<i32>} : memref<128x64xf32, #tpu.memory_space<vmem>>, vector<1x16xf32>,
      %get3A_160 = vector.shape_cast %get3A_159 : vector<1x16xf32> to vector<16xf32>
      %get3A_161 = arith.index_cast %scan3A_135 : i32 to index
      %get3A_162 = arith.constant 16 : index
      %get3A_163 = tpu.vector_load %arg12[%get3A_161, %get3A_162] {strides = array<i32>} : memref<128x64xf32, #tpu.memory_space<vmem>>, vector<1x16xf32>,
      %get3A_164 = vector.shape_cast %get3A_163 : vector<1x16xf32> to vector<16xf32>
      %mul3A_165 = arith.constant 1.000000e-01 : f32
      %mul3A_166 = vector.broadcast %mul3A_165 : f32 to vector<16xf32>
      %mul3A_167 = arith.mulf %mul3A_166, %get3A_164 : vector<16xf32>
      %add3A_168 = arith.addf %get3A_160, %mul3A_167 : vector<16xf32>
      %mul3A_169 = arith.mulf %add3A_168, %broadcast_in_dim3A : vector<16xf32>
      %swap3A_170 = arith.index_cast %scan3A_135 : i32 to index
      %swap3A_171 = arith.constant 16 : index
      %swap3A_172 = tpu.vector_load %arg11[%swap3A_170, %swap3A_171] {strides = array<i32>} : memref<128x64xf32, #tpu.memory_space<vmem>>, vector<1x16xf32>,
      %swap3A_173 = vector.shape_cast %swap3A_172 : vector<1x16xf32> to vector<16xf32>
      %swap3A_174 = vector.shape_cast %mul3A_169 : vector<16xf32> to vector<1x16xf32>
      tpu.vector_store %arg11[%swap3A_170, %swap3A_171], %swap3A_174 {strides = array<i32>} : memref<128x64xf32, #tpu.memory_space<vmem>>, vector<1x16xf32>,
      %get3A_175 = arith.index_cast %scan3A_135 : i32 to index
      %get3A_176 = arith.constant 32 : index
      %get3A_177 = tpu.vector_load %arg11[%get3A_175, %get3A_176] {strides = array<i32>} : memref<128x64xf32, #tpu.memory_space<vmem>>, vector<1x16xf32>,
      %get3A_178 = vector.shape_cast %get3A_177 : vector<1x16xf32> to vector<16xf32>
      %get3A_179 = arith.index_cast %scan3A_135 : i32 to index
      %get3A_180 = arith.constant 32 : index
      %get3A_181 = tpu.vector_load %arg12[%get3A_179, %get3A_180] {strides = array<i32>} : memref<128x64xf32, #tpu.memory_space<vmem>>, vector<1x16xf32>,
      %get3A_182 = vector.shape_cast %get3A_181 : vector<1x16xf32> to vector<16xf32>
      %mul3A_183 = arith.constant 1.000000e-01 : f32
      %mul3A_184 = vector.broadcast %mul3A_183 : f32 to vector<16xf32>
      %mul3A_185 = arith.mulf %mul3A_184, %get3A_182 : vector<16xf32>
      %add3A_186 = arith.addf %get3A_178, %mul3A_185 : vector<16xf32>
      %mul3A_187 = arith.mulf %add3A_186, %broadcast_in_dim3A : vector<16xf32>
      %swap3A_188 = arith.index_cast %scan3A_135 : i32 to index
      %swap3A_189 = arith.constant 32 : index
      %swap3A_190 = tpu.vector_load %arg11[%swap3A_188, %swap3A_189] {strides = array<i32>} : memref<128x64xf32, #tpu.memory_space<vmem>>, vector<1x16xf32>,
      %swap3A_191 = vector.shape_cast %swap3A_190 : vector<1x16xf32> to vector<16xf32>
      %swap3A_192 = vector.shape_cast %mul3A_187 : vector<16xf32> to vector<1x16xf32>
      tpu.vector_store %arg11[%swap3A_188, %swap3A_189], %swap3A_192 {strides = array<i32>} : memref<128x64xf32, #tpu.memory_space<vmem>>, vector<1x16xf32>,
      %get3A_193 = arith.index_cast %scan3A_135 : i32 to index
      %get3A_194 = arith.constant 48 : index
      %get3A_195 = tpu.vector_load %arg11[%get3A_193, %get3A_194] {strides = array<i32>} : memref<128x64xf32, #tpu.memory_space<vmem>>, vector<1x16xf32>,
      %get3A_196 = vector.shape_cast %get3A_195 : vector<1x16xf32> to vector<16xf32>
      %get3A_197 = arith.index_cast %scan3A_135 : i32 to index
      %get3A_198 = arith.constant 48 : index
      %get3A_199 = tpu.vector_load %arg12[%get3A_197, %get3A_198] {strides = array<i32>} : memref<128x64xf32, #tpu.memory_space<vmem>>, vector<1x16xf32>,
      %get3A_200 = vector.shape_cast %get3A_199 : vector<1x16xf32> to vector<16xf32>
      %mul3A_201 = arith.constant 1.000000e-01 : f32
      %mul3A_202 = vector.broadcast %mul3A_201 : f32 to vector<16xf32>
      %mul3A_203 = arith.mulf %mul3A_202, %get3A_200 : vector<16xf32>
      %add3A_204 = arith.addf %get3A_196, %mul3A_203 : vector<16xf32>
      %mul3A_205 = arith.mulf %add3A_204, %broadcast_in_dim3A : vector<16xf32>
      %swap3A_206 = arith.index_cast %scan3A_135 : i32 to index
      %swap3A_207 = arith.constant 48 : index
      %swap3A_208 = tpu.vector_load %arg11[%swap3A_206, %swap3A_207] {strides = array<i32>} : memref<128x64xf32, #tpu.memory_space<vmem>>, vector<1x16xf32>,
      %swap3A_209 = vector.shape_cast %swap3A_208 : vector<1x16xf32> to vector<16xf32>
      %swap3A_210 = vector.shape_cast %mul3A_205 : vector<16xf32> to vector<1x16xf32>
      tpu.vector_store %arg11[%swap3A_206, %swap3A_207], %swap3A_210 {strides = array<i32>} : memref<128x64xf32, #tpu.memory_space<vmem>>, vector<1x16xf32>,
    }
    %scan3A_58 = arith.constant 128 : i32
    "tpu.region"() ({
      %run_scoped3A = tpu.sem_alloc : memref<!tpu.dma_semaphore, #tpu.memory_space<semaphore_mem>>
      %dma_start3A = arith.constant 0 : i32
      %dma_start3A_135 = tpu.memref_slice %arg7[%add3A_53, %dma_start3A] : memref<10240x64xf32, #tpu.memory_space<vmem_shared>> -> memref<128x64xf32, #tpu.memory_space<vmem_shared>>
      %dma_start3A_136 = arith.constant 0 : i32
      %dma_start3A_137 = tpu.memref_slice %arg7[%add3A_53, %dma_start3A_136] : memref<10240x64xf32, #tpu.memory_space<vmem_shared>> -> memref<128x64xf32, #tpu.memory_space<vmem_shared>>
      tpu.enqueue_dma source(%arg11 : memref<128x64xf32, #tpu.memory_space<vmem>>) target(%dma_start3A_137 : memref<128x64xf32, #tpu.memory_space<vmem_shared>>) target_semaphore(%run_scoped3A : memref<!tpu.dma_semaphore, #tpu.memory_space<semaphore_mem>>)
      %dma_wait3A = arith.constant 0 : i32
      %dma_wait3A_138 = tpu.memref_slice %arg7[%add3A_53, %dma_wait3A] : memref<10240x64xf32, #tpu.memory_space<vmem_shared>> -> memref<128x64xf32, #tpu.memory_space<vmem_shared>>
      %dma_wait3A_139 = arith.constant 0 : i32
      %dma_wait3A_140 = tpu.memref_slice %arg7[%add3A_53, %dma_wait3A_139] : memref<10240x64xf32, #tpu.memory_space<vmem_shared>> -> memref<128x64xf32, #tpu.memory_space<vmem_shared>>
      tpu.wait_dma2 semaphore(%run_scoped3A : memref<!tpu.dma_semaphore, #tpu.memory_space<semaphore_mem>>) src(%arg11 : memref<128x64xf32, #tpu.memory_space<vmem>>) dst(%dma_wait3A_140 : memref<128x64xf32, #tpu.memory_space<vmem_shared>>)
      tpu.yield
    }) : () -> ()
    %add3A_59 = arith.constant 512 : i32
    %add3A_60 = arith.addi %mul3A_0, %add3A_59 : i32
    "tpu.region"() ({
      %run_scoped3A = tpu.sem_alloc : memref<!tpu.dma_semaphore, #tpu.memory_space<semaphore_mem>>
      %dma_start3A = arith.constant 0 : i32
      %dma_start3A_135 = tpu.memref_slice %arg7[%add3A_60, %dma_start3A] : memref<10240x64xf32, #tpu.memory_space<vmem_shared>> -> memref<128x64xf32, #tpu.memory_space<vmem_shared>>
      %dma_start3A_136 = arith.constant 0 : i32
      %dma_start3A_137 = tpu.memref_slice %arg7[%add3A_60, %dma_start3A_136] : memref<10240x64xf32, #tpu.memory_space<vmem_shared>> -> memref<128x64xf32, #tpu.memory_space<vmem_shared>>
      tpu.enqueue_dma source(%dma_start3A_137 : memref<128x64xf32, #tpu.memory_space<vmem_shared>>) target(%arg11 : memref<128x64xf32, #tpu.memory_space<vmem>>) target_semaphore(%run_scoped3A : memref<!tpu.dma_semaphore, #tpu.memory_space<semaphore_mem>>)
      %dma_wait3A = arith.constant 0 : i32
      %dma_wait3A_138 = tpu.memref_slice %arg7[%add3A_60, %dma_wait3A] : memref<10240x64xf32, #tpu.memory_space<vmem_shared>> -> memref<128x64xf32, #tpu.memory_space<vmem_shared>>
      %dma_wait3A_139 = arith.constant 0 : i32
      %dma_wait3A_140 = tpu.memref_slice %arg7[%add3A_60, %dma_wait3A_139] : memref<10240x64xf32, #tpu.memory_space<vmem_shared>> -> memref<128x64xf32, #tpu.memory_space<vmem_shared>>
      tpu.wait_dma2 semaphore(%run_scoped3A : memref<!tpu.dma_semaphore, #tpu.memory_space<semaphore_mem>>) src(%dma_wait3A_140 : memref<128x64xf32, #tpu.memory_space<vmem_shared>>) dst(%arg11 : memref<128x64xf32, #tpu.memory_space<vmem>>)
      tpu.yield
    }) : () -> ()
    "tpu.region"() ({
      %run_scoped3A = tpu.sem_alloc : memref<!tpu.dma_semaphore, #tpu.memory_space<semaphore_mem>>
      %dma_start3A = arith.constant 0 : i32
      %dma_start3A_135 = tpu.memref_slice %arg8[%add3A_60, %dma_start3A] : memref<10240x64xf32, #tpu.memory_space<vmem_shared>> -> memref<128x64xf32, #tpu.memory_space<vmem_shared>>
      %dma_start3A_136 = arith.constant 0 : i32
      %dma_start3A_137 = tpu.memref_slice %arg8[%add3A_60, %dma_start3A_136] : memref<10240x64xf32, #tpu.memory_space<vmem_shared>> -> memref<128x64xf32, #tpu.memory_space<vmem_shared>>
      tpu.enqueue_dma source(%dma_start3A_137 : memref<128x64xf32, #tpu.memory_space<vmem_shared>>) target(%arg12 : memref<128x64xf32, #tpu.memory_space<vmem>>) target_semaphore(%run_scoped3A : memref<!tpu.dma_semaphore, #tpu.memory_space<semaphore_mem>>)
      %dma_wait3A = arith.constant 0 : i32
      %dma_wait3A_138 = tpu.memref_slice %arg8[%add3A_60, %dma_wait3A] : memref<10240x64xf32, #tpu.memory_space<vmem_shared>> -> memref<128x64xf32, #tpu.memory_space<vmem_shared>>
      %dma_wait3A_139 = arith.constant 0 : i32
      %dma_wait3A_140 = tpu.memref_slice %arg8[%add3A_60, %dma_wait3A_139] : memref<10240x64xf32, #tpu.memory_space<vmem_shared>> -> memref<128x64xf32, #tpu.memory_space<vmem_shared>>
      tpu.wait_dma2 semaphore(%run_scoped3A : memref<!tpu.dma_semaphore, #tpu.memory_space<semaphore_mem>>) src(%dma_wait3A_140 : memref<128x64xf32, #tpu.memory_space<vmem_shared>>) dst(%arg12 : memref<128x64xf32, #tpu.memory_space<vmem>>)
      tpu.yield
    }) : () -> ()
    %scan3A_61 = arith.constant 0 : i32
    %scan3A_62 = arith.constant 128 : i32
    %scan3A_63 = arith.addi %scan3A_61, %scan3A_62 : i32
    %scan3A_64 = arith.constant 1 : i32
    scf.for %scan3A_135 = %scan3A_61 to %scan3A_63 step %scan3A_64  : i32 {
      %add3A_136 = arith.constant 512 : i32
      %add3A_137 = arith.addi %add3A_136, %scan3A_135 : i32
      %get3A = arith.index_cast %add3A_137 : i32 to index
      %get3A_138 = tpu.vector_load %arg13[%get3A] {strides = array<i32>} : memref<656xf32, #tpu.memory_space<vmem>>, vector<16xf32>,
      %get3A_139 = vector.shape_cast %get3A_138 : vector<16xf32> to vector<16xf32>
      %slice3A = vector.extract_strided_slice %get3A_139 {offsets = [0], sizes = [1], strides = [1]} : vector<16xf32> to vector<1xf32>
      %squeeze3A = vector.extract %slice3A[0] : f32 from vector<1xf32>
      %broadcast_in_dim3A = vector.broadcast %squeeze3A : f32 to vector<16xf32>
      %get3A_140 = arith.index_cast %scan3A_135 : i32 to index
      %get3A_141 = arith.constant 0 : index
      %get3A_142 = tpu.vector_load %arg11[%get3A_140, %get3A_141] {strides = array<i32>} : memref<128x64xf32, #tpu.memory_space<vmem>>, vector<1x16xf32>,
      %get3A_143 = vector.shape_cast %get3A_142 : vector<1x16xf32> to vector<16xf32>
      %get3A_144 = arith.index_cast %scan3A_135 : i32 to index
      %get3A_145 = arith.constant 0 : index
      %get3A_146 = tpu.vector_load %arg12[%get3A_144, %get3A_145] {strides = array<i32>} : memref<128x64xf32, #tpu.memory_space<vmem>>, vector<1x16xf32>,
      %get3A_147 = vector.shape_cast %get3A_146 : vector<1x16xf32> to vector<16xf32>
      %mul3A_148 = arith.constant 1.000000e-01 : f32
      %mul3A_149 = vector.broadcast %mul3A_148 : f32 to vector<16xf32>
      %mul3A_150 = arith.mulf %mul3A_149, %get3A_147 : vector<16xf32>
      %add3A_151 = arith.addf %get3A_143, %mul3A_150 : vector<16xf32>
      %mul3A_152 = arith.mulf %add3A_151, %broadcast_in_dim3A : vector<16xf32>
      %swap3A = arith.index_cast %scan3A_135 : i32 to index
      %swap3A_153 = arith.constant 0 : index
      %swap3A_154 = tpu.vector_load %arg11[%swap3A, %swap3A_153] {strides = array<i32>} : memref<128x64xf32, #tpu.memory_space<vmem>>, vector<1x16xf32>,
      %swap3A_155 = vector.shape_cast %swap3A_154 : vector<1x16xf32> to vector<16xf32>
      %swap3A_156 = vector.shape_cast %mul3A_152 : vector<16xf32> to vector<1x16xf32>
      tpu.vector_store %arg11[%swap3A, %swap3A_153], %swap3A_156 {strides = array<i32>} : memref<128x64xf32, #tpu.memory_space<vmem>>, vector<1x16xf32>,
      %get3A_157 = arith.index_cast %scan3A_135 : i32 to index
      %get3A_158 = arith.constant 16 : index
      %get3A_159 = tpu.vector_load %arg11[%get3A_157, %get3A_158] {strides = array<i32>} : memref<128x64xf32, #tpu.memory_space<vmem>>, vector<1x16xf32>,
      %get3A_160 = vector.shape_cast %get3A_159 : vector<1x16xf32> to vector<16xf32>
      %get3A_161 = arith.index_cast %scan3A_135 : i32 to index
      %get3A_162 = arith.constant 16 : index
      %get3A_163 = tpu.vector_load %arg12[%get3A_161, %get3A_162] {strides = array<i32>} : memref<128x64xf32, #tpu.memory_space<vmem>>, vector<1x16xf32>,
      %get3A_164 = vector.shape_cast %get3A_163 : vector<1x16xf32> to vector<16xf32>
      %mul3A_165 = arith.constant 1.000000e-01 : f32
      %mul3A_166 = vector.broadcast %mul3A_165 : f32 to vector<16xf32>
      %mul3A_167 = arith.mulf %mul3A_166, %get3A_164 : vector<16xf32>
      %add3A_168 = arith.addf %get3A_160, %mul3A_167 : vector<16xf32>
      %mul3A_169 = arith.mulf %add3A_168, %broadcast_in_dim3A : vector<16xf32>
      %swap3A_170 = arith.index_cast %scan3A_135 : i32 to index
      %swap3A_171 = arith.constant 16 : index
      %swap3A_172 = tpu.vector_load %arg11[%swap3A_170, %swap3A_171] {strides = array<i32>} : memref<128x64xf32, #tpu.memory_space<vmem>>, vector<1x16xf32>,
      %swap3A_173 = vector.shape_cast %swap3A_172 : vector<1x16xf32> to vector<16xf32>
      %swap3A_174 = vector.shape_cast %mul3A_169 : vector<16xf32> to vector<1x16xf32>
      tpu.vector_store %arg11[%swap3A_170, %swap3A_171], %swap3A_174 {strides = array<i32>} : memref<128x64xf32, #tpu.memory_space<vmem>>, vector<1x16xf32>,
      %get3A_175 = arith.index_cast %scan3A_135 : i32 to index
      %get3A_176 = arith.constant 32 : index
      %get3A_177 = tpu.vector_load %arg11[%get3A_175, %get3A_176] {strides = array<i32>} : memref<128x64xf32, #tpu.memory_space<vmem>>, vector<1x16xf32>,
      %get3A_178 = vector.shape_cast %get3A_177 : vector<1x16xf32> to vector<16xf32>
      %get3A_179 = arith.index_cast %scan3A_135 : i32 to index
      %get3A_180 = arith.constant 32 : index
      %get3A_181 = tpu.vector_load %arg12[%get3A_179, %get3A_180] {strides = array<i32>} : memref<128x64xf32, #tpu.memory_space<vmem>>, vector<1x16xf32>,
      %get3A_182 = vector.shape_cast %get3A_181 : vector<1x16xf32> to vector<16xf32>
      %mul3A_183 = arith.constant 1.000000e-01 : f32
      %mul3A_184 = vector.broadcast %mul3A_183 : f32 to vector<16xf32>
      %mul3A_185 = arith.mulf %mul3A_184, %get3A_182 : vector<16xf32>
      %add3A_186 = arith.addf %get3A_178, %mul3A_185 : vector<16xf32>
      %mul3A_187 = arith.mulf %add3A_186, %broadcast_in_dim3A : vector<16xf32>
      %swap3A_188 = arith.index_cast %scan3A_135 : i32 to index
      %swap3A_189 = arith.constant 32 : index
      %swap3A_190 = tpu.vector_load %arg11[%swap3A_188, %swap3A_189] {strides = array<i32>} : memref<128x64xf32, #tpu.memory_space<vmem>>, vector<1x16xf32>,
      %swap3A_191 = vector.shape_cast %swap3A_190 : vector<1x16xf32> to vector<16xf32>
      %swap3A_192 = vector.shape_cast %mul3A_187 : vector<16xf32> to vector<1x16xf32>
      tpu.vector_store %arg11[%swap3A_188, %swap3A_189], %swap3A_192 {strides = array<i32>} : memref<128x64xf32, #tpu.memory_space<vmem>>, vector<1x16xf32>,
      %get3A_193 = arith.index_cast %scan3A_135 : i32 to index
      %get3A_194 = arith.constant 48 : index
      %get3A_195 = tpu.vector_load %arg11[%get3A_193, %get3A_194] {strides = array<i32>} : memref<128x64xf32, #tpu.memory_space<vmem>>, vector<1x16xf32>,
      %get3A_196 = vector.shape_cast %get3A_195 : vector<1x16xf32> to vector<16xf32>
      %get3A_197 = arith.index_cast %scan3A_135 : i32 to index
      %get3A_198 = arith.constant 48 : index
      %get3A_199 = tpu.vector_load %arg12[%get3A_197, %get3A_198] {strides = array<i32>} : memref<128x64xf32, #tpu.memory_space<vmem>>, vector<1x16xf32>,
      %get3A_200 = vector.shape_cast %get3A_199 : vector<1x16xf32> to vector<16xf32>
      %mul3A_201 = arith.constant 1.000000e-01 : f32
      %mul3A_202 = vector.broadcast %mul3A_201 : f32 to vector<16xf32>
      %mul3A_203 = arith.mulf %mul3A_202, %get3A_200 : vector<16xf32>
      %add3A_204 = arith.addf %get3A_196, %mul3A_203 : vector<16xf32>
      %mul3A_205 = arith.mulf %add3A_204, %broadcast_in_dim3A : vector<16xf32>
      %swap3A_206 = arith.index_cast %scan3A_135 : i32 to index
      %swap3A_207 = arith.constant 48 : index
      %swap3A_208 = tpu.vector_load %arg11[%swap3A_206, %swap3A_207] {strides = array<i32>} : memref<128x64xf32, #tpu.memory_space<vmem>>, vector<1x16xf32>,
      %swap3A_209 = vector.shape_cast %swap3A_208 : vector<1x16xf32> to vector<16xf32>
      %swap3A_210 = vector.shape_cast %mul3A_205 : vector<16xf32> to vector<1x16xf32>
      tpu.vector_store %arg11[%swap3A_206, %swap3A_207], %swap3A_210 {strides = array<i32>} : memref<128x64xf32, #tpu.memory_space<vmem>>, vector<1x16xf32>,
    }
    %scan3A_65 = arith.constant 128 : i32
    "tpu.region"() ({
      %run_scoped3A = tpu.sem_alloc : memref<!tpu.dma_semaphore, #tpu.memory_space<semaphore_mem>>
      %dma_start3A = arith.constant 0 : i32
      %dma_start3A_135 = tpu.memref_slice %arg7[%add3A_60, %dma_start3A] : memref<10240x64xf32, #tpu.memory_space<vmem_shared>> -> memref<128x64xf32, #tpu.memory_space<vmem_shared>>
      %dma_start3A_136 = arith.constant 0 : i32
      %dma_start3A_137 = tpu.memref_slice %arg7[%add3A_60, %dma_start3A_136] : memref<10240x64xf32, #tpu.memory_space<vmem_shared>> -> memref<128x64xf32, #tpu.memory_space<vmem_shared>>
      tpu.enqueue_dma source(%arg11 : memref<128x64xf32, #tpu.memory_space<vmem>>) target(%dma_start3A_137 : memref<128x64xf32, #tpu.memory_space<vmem_shared>>) target_semaphore(%run_scoped3A : memref<!tpu.dma_semaphore, #tpu.memory_space<semaphore_mem>>)
      %dma_wait3A = arith.constant 0 : i32
      %dma_wait3A_138 = tpu.memref_slice %arg7[%add3A_60, %dma_wait3A] : memref<10240x64xf32, #tpu.memory_space<vmem_shared>> -> memref<128x64xf32, #tpu.memory_space<vmem_shared>>
      %dma_wait3A_139 = arith.constant 0 : i32
      %dma_wait3A_140 = tpu.memref_slice %arg7[%add3A_60, %dma_wait3A_139] : memref<10240x64xf32, #tpu.memory_space<vmem_shared>> -> memref<128x64xf32, #tpu.memory_space<vmem_shared>>
      tpu.wait_dma2 semaphore(%run_scoped3A : memref<!tpu.dma_semaphore, #tpu.memory_space<semaphore_mem>>) src(%arg11 : memref<128x64xf32, #tpu.memory_space<vmem>>) dst(%dma_wait3A_140 : memref<128x64xf32, #tpu.memory_space<vmem_shared>>)
      tpu.yield
    }) : () -> ()
    %barrier3A_66 = arith.constant 0 : index
    tpu.barrier barrier_id(%barrier3A_66)
    %scan3A_67 = arith.constant 0 : i32
    %scan3A_68 = arith.constant 128 : i32
    %scan3A_69 = arith.addi %scan3A_67, %scan3A_68 : i32
    %scan3A_70 = arith.constant 1 : i32
    scf.for %scan3A_135 = %scan3A_67 to %scan3A_69 step %scan3A_70  : i32 {
      %broadcast_in_dim3A = arith.constant 0.000000e+00 : f32
      %broadcast_in_dim3A_136 = vector.broadcast %broadcast_in_dim3A : f32 to vector<16xf32>
      %swap3A = arith.index_cast %scan3A_135 : i32 to index
      %swap3A_137 = arith.constant 0 : index
      %swap3A_138 = tpu.vector_load %arg12[%swap3A, %swap3A_137] {strides = array<i32>} : memref<128x64xf32, #tpu.memory_space<vmem>>, vector<1x16xf32>,
      %swap3A_139 = vector.shape_cast %swap3A_138 : vector<1x16xf32> to vector<16xf32>
      %swap3A_140 = vector.shape_cast %broadcast_in_dim3A_136 : vector<16xf32> to vector<1x16xf32>
      tpu.vector_store %arg12[%swap3A, %swap3A_137], %swap3A_140 {strides = array<i32>} : memref<128x64xf32, #tpu.memory_space<vmem>>, vector<1x16xf32>,
      %broadcast_in_dim3A_141 = arith.constant 0.000000e+00 : f32
      %broadcast_in_dim3A_142 = vector.broadcast %broadcast_in_dim3A_141 : f32 to vector<16xf32>
      %swap3A_143 = arith.index_cast %scan3A_135 : i32 to index
      %swap3A_144 = arith.constant 16 : index
      %swap3A_145 = tpu.vector_load %arg12[%swap3A_143, %swap3A_144] {strides = array<i32>} : memref<128x64xf32, #tpu.memory_space<vmem>>, vector<1x16xf32>,
      %swap3A_146 = vector.shape_cast %swap3A_145 : vector<1x16xf32> to vector<16xf32>
      %swap3A_147 = vector.shape_cast %broadcast_in_dim3A_142 : vector<16xf32> to vector<1x16xf32>
      tpu.vector_store %arg12[%swap3A_143, %swap3A_144], %swap3A_147 {strides = array<i32>} : memref<128x64xf32, #tpu.memory_space<vmem>>, vector<1x16xf32>,
      %broadcast_in_dim3A_148 = arith.constant 0.000000e+00 : f32
      %broadcast_in_dim3A_149 = vector.broadcast %broadcast_in_dim3A_148 : f32 to vector<16xf32>
      %swap3A_150 = arith.index_cast %scan3A_135 : i32 to index
      %swap3A_151 = arith.constant 32 : index
      %swap3A_152 = tpu.vector_load %arg12[%swap3A_150, %swap3A_151] {strides = array<i32>} : memref<128x64xf32, #tpu.memory_space<vmem>>, vector<1x16xf32>,
      %swap3A_153 = vector.shape_cast %swap3A_152 : vector<1x16xf32> to vector<16xf32>
      %swap3A_154 = vector.shape_cast %broadcast_in_dim3A_149 : vector<16xf32> to vector<1x16xf32>
      tpu.vector_store %arg12[%swap3A_150, %swap3A_151], %swap3A_154 {strides = array<i32>} : memref<128x64xf32, #tpu.memory_space<vmem>>, vector<1x16xf32>,
      %broadcast_in_dim3A_155 = arith.constant 0.000000e+00 : f32
      %broadcast_in_dim3A_156 = vector.broadcast %broadcast_in_dim3A_155 : f32 to vector<16xf32>
      %swap3A_157 = arith.index_cast %scan3A_135 : i32 to index
      %swap3A_158 = arith.constant 48 : index
      %swap3A_159 = tpu.vector_load %arg12[%swap3A_157, %swap3A_158] {strides = array<i32>} : memref<128x64xf32, #tpu.memory_space<vmem>>, vector<1x16xf32>,
      %swap3A_160 = vector.shape_cast %swap3A_159 : vector<1x16xf32> to vector<16xf32>
      %swap3A_161 = vector.shape_cast %broadcast_in_dim3A_156 : vector<16xf32> to vector<1x16xf32>
      tpu.vector_store %arg12[%swap3A_157, %swap3A_158], %swap3A_161 {strides = array<i32>} : memref<128x64xf32, #tpu.memory_space<vmem>>, vector<1x16xf32>,
    }
    %scan3A_71 = arith.constant 128 : i32
    %add3A_72 = arith.constant 0 : i32
    %add3A_73 = arith.addi %mul3A_0, %add3A_72 : i32
    "tpu.region"() ({
      %run_scoped3A = tpu.sem_alloc : memref<!tpu.dma_semaphore, #tpu.memory_space<semaphore_mem>>
      %dma_start3A = arith.constant 0 : i32
      %dma_start3A_135 = tpu.memref_slice %arg8[%add3A_73, %dma_start3A] : memref<10240x64xf32, #tpu.memory_space<vmem_shared>> -> memref<128x64xf32, #tpu.memory_space<vmem_shared>>
      %dma_start3A_136 = arith.constant 0 : i32
      %dma_start3A_137 = tpu.memref_slice %arg8[%add3A_73, %dma_start3A_136] : memref<10240x64xf32, #tpu.memory_space<vmem_shared>> -> memref<128x64xf32, #tpu.memory_space<vmem_shared>>
      tpu.enqueue_dma source(%arg12 : memref<128x64xf32, #tpu.memory_space<vmem>>) target(%dma_start3A_137 : memref<128x64xf32, #tpu.memory_space<vmem_shared>>) target_semaphore(%run_scoped3A : memref<!tpu.dma_semaphore, #tpu.memory_space<semaphore_mem>>)
      %dma_wait3A = arith.constant 0 : i32
      %dma_wait3A_138 = tpu.memref_slice %arg8[%add3A_73, %dma_wait3A] : memref<10240x64xf32, #tpu.memory_space<vmem_shared>> -> memref<128x64xf32, #tpu.memory_space<vmem_shared>>
      %dma_wait3A_139 = arith.constant 0 : i32
      %dma_wait3A_140 = tpu.memref_slice %arg8[%add3A_73, %dma_wait3A_139] : memref<10240x64xf32, #tpu.memory_space<vmem_shared>> -> memref<128x64xf32, #tpu.memory_space<vmem_shared>>
      tpu.wait_dma2 semaphore(%run_scoped3A : memref<!tpu.dma_semaphore, #tpu.memory_space<semaphore_mem>>) src(%arg12 : memref<128x64xf32, #tpu.memory_space<vmem>>) dst(%dma_wait3A_140 : memref<128x64xf32, #tpu.memory_space<vmem_shared>>)
      tpu.yield
    }) : () -> ()
    %add3A_74 = arith.constant 128 : i32
    %add3A_75 = arith.addi %mul3A_0, %add3A_74 : i32
    "tpu.region"() ({
      %run_scoped3A = tpu.sem_alloc : memref<!tpu.dma_semaphore, #tpu.memory_space<semaphore_mem>>
      %dma_start3A = arith.constant 0 : i32
      %dma_start3A_135 = tpu.memref_slice %arg8[%add3A_75, %dma_start3A] : memref<10240x64xf32, #tpu.memory_space<vmem_shared>> -> memref<128x64xf32, #tpu.memory_space<vmem_shared>>
      %dma_start3A_136 = arith.constant 0 : i32
      %dma_start3A_137 = tpu.memref_slice %arg8[%add3A_75, %dma_start3A_136] : memref<10240x64xf32, #tpu.memory_space<vmem_shared>> -> memref<128x64xf32, #tpu.memory_space<vmem_shared>>
      tpu.enqueue_dma source(%arg12 : memref<128x64xf32, #tpu.memory_space<vmem>>) target(%dma_start3A_137 : memref<128x64xf32, #tpu.memory_space<vmem_shared>>) target_semaphore(%run_scoped3A : memref<!tpu.dma_semaphore, #tpu.memory_space<semaphore_mem>>)
      %dma_wait3A = arith.constant 0 : i32
      %dma_wait3A_138 = tpu.memref_slice %arg8[%add3A_75, %dma_wait3A] : memref<10240x64xf32, #tpu.memory_space<vmem_shared>> -> memref<128x64xf32, #tpu.memory_space<vmem_shared>>
      %dma_wait3A_139 = arith.constant 0 : i32
      %dma_wait3A_140 = tpu.memref_slice %arg8[%add3A_75, %dma_wait3A_139] : memref<10240x64xf32, #tpu.memory_space<vmem_shared>> -> memref<128x64xf32, #tpu.memory_space<vmem_shared>>
      tpu.wait_dma2 semaphore(%run_scoped3A : memref<!tpu.dma_semaphore, #tpu.memory_space<semaphore_mem>>) src(%arg12 : memref<128x64xf32, #tpu.memory_space<vmem>>) dst(%dma_wait3A_140 : memref<128x64xf32, #tpu.memory_space<vmem_shared>>)
      tpu.yield
    }) : () -> ()
    %add3A_76 = arith.constant 256 : i32
    %add3A_77 = arith.addi %mul3A_0, %add3A_76 : i32
    "tpu.region"() ({
      %run_scoped3A = tpu.sem_alloc : memref<!tpu.dma_semaphore, #tpu.memory_space<semaphore_mem>>
      %dma_start3A = arith.constant 0 : i32
      %dma_start3A_135 = tpu.memref_slice %arg8[%add3A_77, %dma_start3A] : memref<10240x64xf32, #tpu.memory_space<vmem_shared>> -> memref<128x64xf32, #tpu.memory_space<vmem_shared>>
      %dma_start3A_136 = arith.constant 0 : i32
      %dma_start3A_137 = tpu.memref_slice %arg8[%add3A_77, %dma_start3A_136] : memref<10240x64xf32, #tpu.memory_space<vmem_shared>> -> memref<128x64xf32, #tpu.memory_space<vmem_shared>>
      tpu.enqueue_dma source(%arg12 : memref<128x64xf32, #tpu.memory_space<vmem>>) target(%dma_start3A_137 : memref<128x64xf32, #tpu.memory_space<vmem_shared>>) target_semaphore(%run_scoped3A : memref<!tpu.dma_semaphore, #tpu.memory_space<semaphore_mem>>)
      %dma_wait3A = arith.constant 0 : i32
      %dma_wait3A_138 = tpu.memref_slice %arg8[%add3A_77, %dma_wait3A] : memref<10240x64xf32, #tpu.memory_space<vmem_shared>> -> memref<128x64xf32, #tpu.memory_space<vmem_shared>>
      %dma_wait3A_139 = arith.constant 0 : i32
      %dma_wait3A_140 = tpu.memref_slice %arg8[%add3A_77, %dma_wait3A_139] : memref<10240x64xf32, #tpu.memory_space<vmem_shared>> -> memref<128x64xf32, #tpu.memory_space<vmem_shared>>
      tpu.wait_dma2 semaphore(%run_scoped3A : memref<!tpu.dma_semaphore, #tpu.memory_space<semaphore_mem>>) src(%arg12 : memref<128x64xf32, #tpu.memory_space<vmem>>) dst(%dma_wait3A_140 : memref<128x64xf32, #tpu.memory_space<vmem_shared>>)
      tpu.yield
    }) : () -> ()
    %add3A_78 = arith.constant 384 : i32
    %add3A_79 = arith.addi %mul3A_0, %add3A_78 : i32
    "tpu.region"() ({
      %run_scoped3A = tpu.sem_alloc : memref<!tpu.dma_semaphore, #tpu.memory_space<semaphore_mem>>
      %dma_start3A = arith.constant 0 : i32
      %dma_start3A_135 = tpu.memref_slice %arg8[%add3A_79, %dma_start3A] : memref<10240x64xf32, #tpu.memory_space<vmem_shared>> -> memref<128x64xf32, #tpu.memory_space<vmem_shared>>
      %dma_start3A_136 = arith.constant 0 : i32
      %dma_start3A_137 = tpu.memref_slice %arg8[%add3A_79, %dma_start3A_136] : memref<10240x64xf32, #tpu.memory_space<vmem_shared>> -> memref<128x64xf32, #tpu.memory_space<vmem_shared>>
      tpu.enqueue_dma source(%arg12 : memref<128x64xf32, #tpu.memory_space<vmem>>) target(%dma_start3A_137 : memref<128x64xf32, #tpu.memory_space<vmem_shared>>) target_semaphore(%run_scoped3A : memref<!tpu.dma_semaphore, #tpu.memory_space<semaphore_mem>>)
      %dma_wait3A = arith.constant 0 : i32
      %dma_wait3A_138 = tpu.memref_slice %arg8[%add3A_79, %dma_wait3A] : memref<10240x64xf32, #tpu.memory_space<vmem_shared>> -> memref<128x64xf32, #tpu.memory_space<vmem_shared>>
      %dma_wait3A_139 = arith.constant 0 : i32
      %dma_wait3A_140 = tpu.memref_slice %arg8[%add3A_79, %dma_wait3A_139] : memref<10240x64xf32, #tpu.memory_space<vmem_shared>> -> memref<128x64xf32, #tpu.memory_space<vmem_shared>>
      tpu.wait_dma2 semaphore(%run_scoped3A : memref<!tpu.dma_semaphore, #tpu.memory_space<semaphore_mem>>) src(%arg12 : memref<128x64xf32, #tpu.memory_space<vmem>>) dst(%dma_wait3A_140 : memref<128x64xf32, #tpu.memory_space<vmem_shared>>)
      tpu.yield
    }) : () -> ()
    %add3A_80 = arith.constant 512 : i32
    %add3A_81 = arith.addi %mul3A_0, %add3A_80 : i32
    "tpu.region"() ({
      %run_scoped3A = tpu.sem_alloc : memref<!tpu.dma_semaphore, #tpu.memory_space<semaphore_mem>>
      %dma_start3A = arith.constant 0 : i32
      %dma_start3A_135 = tpu.memref_slice %arg8[%add3A_81, %dma_start3A] : memref<10240x64xf32, #tpu.memory_space<vmem_shared>> -> memref<128x64xf32, #tpu.memory_space<vmem_shared>>
      %dma_start3A_136 = arith.constant 0 : i32
      %dma_start3A_137 = tpu.memref_slice %arg8[%add3A_81, %dma_start3A_136] : memref<10240x64xf32, #tpu.memory_space<vmem_shared>> -> memref<128x64xf32, #tpu.memory_space<vmem_shared>>
      tpu.enqueue_dma source(%arg12 : memref<128x64xf32, #tpu.memory_space<vmem>>) target(%dma_start3A_137 : memref<128x64xf32, #tpu.memory_space<vmem_shared>>) target_semaphore(%run_scoped3A : memref<!tpu.dma_semaphore, #tpu.memory_space<semaphore_mem>>)
      %dma_wait3A = arith.constant 0 : i32
      %dma_wait3A_138 = tpu.memref_slice %arg8[%add3A_81, %dma_wait3A] : memref<10240x64xf32, #tpu.memory_space<vmem_shared>> -> memref<128x64xf32, #tpu.memory_space<vmem_shared>>
      %dma_wait3A_139 = arith.constant 0 : i32
      %dma_wait3A_140 = tpu.memref_slice %arg8[%add3A_81, %dma_wait3A_139] : memref<10240x64xf32, #tpu.memory_space<vmem_shared>> -> memref<128x64xf32, #tpu.memory_space<vmem_shared>>
      tpu.wait_dma2 semaphore(%run_scoped3A : memref<!tpu.dma_semaphore, #tpu.memory_space<semaphore_mem>>) src(%arg12 : memref<128x64xf32, #tpu.memory_space<vmem>>) dst(%dma_wait3A_140 : memref<128x64xf32, #tpu.memory_space<vmem_shared>>)
      tpu.yield
    }) : () -> ()
    %barrier3A_82 = arith.constant 0 : index
    tpu.barrier barrier_id(%barrier3A_82)
    %scan3A_83 = arith.constant 0 : i32
    %scan3A_84 = arith.constant 10 : i32
    %scan3A_85 = arith.addi %scan3A_83, %scan3A_84 : i32
    %scan3A_86 = arith.constant 1 : i32
    scf.for %scan3A_135 = %scan3A_83 to %scan3A_85 step %scan3A_86  : i32 {
      %mul3A_136 = arith.constant 16 : i32
      %mul3A_137 = arith.muli %scan3A_135, %mul3A_136 : i32
      "tpu.region"() ({
        %run_scoped3A_171 = tpu.sem_alloc : memref<!tpu.dma_semaphore, #tpu.memory_space<semaphore_mem>>
        %dma_start3A = arith.constant 0 : i32
        %dma_start3A_172 = arith.constant 0 : i32
        %dma_start3A_173 = tpu.memref_slice %arg3[%arg1, %dma_start3A, %dma_start3A_172] : memref<16x160x128xi32, #tpu.memory_space<hbm>> -> memref<1x160x128xi32, #tpu.memory_space<hbm>>
        %dma_start3A_174 = tpu.memref_squeeze %dma_start3A_173 : memref<1x160x128xi32, #tpu.memory_space<hbm>> -> memref<160x128xi32, #tpu.memory_space<hbm>>
        %dma_start3A_175 = arith.constant 0 : i32
        %dma_start3A_176 = tpu.memref_slice %dma_start3A_174[%mul3A_137, %dma_start3A_175] : memref<160x128xi32, #tpu.memory_space<hbm>> -> memref<16x128xi32, #tpu.memory_space<hbm>>
        %dma_start3A_177 = arith.constant 0 : i32
        %dma_start3A_178 = arith.constant 0 : i32
        %dma_start3A_179 = tpu.memref_slice %arg3[%arg1, %dma_start3A_177, %dma_start3A_178] : memref<16x160x128xi32, #tpu.memory_space<hbm>> -> memref<1x160x128xi32, #tpu.memory_space<hbm>>
        %dma_start3A_180 = tpu.memref_squeeze %dma_start3A_179 : memref<1x160x128xi32, #tpu.memory_space<hbm>> -> memref<160x128xi32, #tpu.memory_space<hbm>>
        %dma_start3A_181 = arith.constant 0 : i32
        %dma_start3A_182 = tpu.memref_slice %dma_start3A_180[%mul3A_137, %dma_start3A_181] : memref<160x128xi32, #tpu.memory_space<hbm>> -> memref<16x128xi32, #tpu.memory_space<hbm>>
        tpu.enqueue_dma source(%dma_start3A_182 : memref<16x128xi32, #tpu.memory_space<hbm>>) target(%arg9 : memref<16x128xi32, #tpu.memory_space<vmem>>) target_semaphore(%run_scoped3A_171 : memref<!tpu.dma_semaphore, #tpu.memory_space<semaphore_mem>>)
        %dma_wait3A = arith.constant 0 : i32
        %dma_wait3A_183 = arith.constant 0 : i32
        %dma_wait3A_184 = tpu.memref_slice %arg3[%arg1, %dma_wait3A, %dma_wait3A_183] : memref<16x160x128xi32, #tpu.memory_space<hbm>> -> memref<1x160x128xi32, #tpu.memory_space<hbm>>
        %dma_wait3A_185 = tpu.memref_squeeze %dma_wait3A_184 : memref<1x160x128xi32, #tpu.memory_space<hbm>> -> memref<160x128xi32, #tpu.memory_space<hbm>>
        %dma_wait3A_186 = arith.constant 0 : i32
        %dma_wait3A_187 = tpu.memref_slice %dma_wait3A_185[%mul3A_137, %dma_wait3A_186] : memref<160x128xi32, #tpu.memory_space<hbm>> -> memref<16x128xi32, #tpu.memory_space<hbm>>
        %dma_wait3A_188 = arith.constant 0 : i32
        %dma_wait3A_189 = arith.constant 0 : i32
        %dma_wait3A_190 = tpu.memref_slice %arg3[%arg1, %dma_wait3A_188, %dma_wait3A_189] : memref<16x160x128xi32, #tpu.memory_space<hbm>> -> memref<1x160x128xi32, #tpu.memory_space<hbm>>
        %dma_wait3A_191 = tpu.memref_squeeze %dma_wait3A_190 : memref<1x160x128xi32, #tpu.memory_space<hbm>> -> memref<160x128xi32, #tpu.memory_space<hbm>>
        %dma_wait3A_192 = arith.constant 0 : i32
        %dma_wait3A_193 = tpu.memref_slice %dma_wait3A_191[%mul3A_137, %dma_wait3A_192] : memref<160x128xi32, #tpu.memory_space<hbm>> -> memref<16x128xi32, #tpu.memory_space<hbm>>
        tpu.wait_dma2 semaphore(%run_scoped3A_171 : memref<!tpu.dma_semaphore, #tpu.memory_space<semaphore_mem>>) src(%dma_wait3A_193 : memref<16x128xi32, #tpu.memory_space<hbm>>) dst(%arg9 : memref<16x128xi32, #tpu.memory_space<vmem>>)
        tpu.yield
      }) : () -> ()
      %mul3A_138 = arith.constant 16 : i32
      %mul3A_139 = arith.muli %scan3A_135, %mul3A_138 : i32
      "tpu.region"() ({
        %run_scoped3A_171 = tpu.sem_alloc : memref<!tpu.dma_semaphore, #tpu.memory_space<semaphore_mem>>
        %dma_start3A = arith.constant 0 : i32
        %dma_start3A_172 = arith.constant 0 : i32
        %dma_start3A_173 = tpu.memref_slice %arg4[%arg1, %dma_start3A, %dma_start3A_172] : memref<16x160x128xi32, #tpu.memory_space<hbm>> -> memref<1x160x128xi32, #tpu.memory_space<hbm>>
        %dma_start3A_174 = tpu.memref_squeeze %dma_start3A_173 : memref<1x160x128xi32, #tpu.memory_space<hbm>> -> memref<160x128xi32, #tpu.memory_space<hbm>>
        %dma_start3A_175 = arith.constant 0 : i32
        %dma_start3A_176 = tpu.memref_slice %dma_start3A_174[%mul3A_139, %dma_start3A_175] : memref<160x128xi32, #tpu.memory_space<hbm>> -> memref<16x128xi32, #tpu.memory_space<hbm>>
        %dma_start3A_177 = arith.constant 0 : i32
        %dma_start3A_178 = arith.constant 0 : i32
        %dma_start3A_179 = tpu.memref_slice %arg4[%arg1, %dma_start3A_177, %dma_start3A_178] : memref<16x160x128xi32, #tpu.memory_space<hbm>> -> memref<1x160x128xi32, #tpu.memory_space<hbm>>
        %dma_start3A_180 = tpu.memref_squeeze %dma_start3A_179 : memref<1x160x128xi32, #tpu.memory_space<hbm>> -> memref<160x128xi32, #tpu.memory_space<hbm>>
        %dma_start3A_181 = arith.constant 0 : i32
        %dma_start3A_182 = tpu.memref_slice %dma_start3A_180[%mul3A_139, %dma_start3A_181] : memref<160x128xi32, #tpu.memory_space<hbm>> -> memref<16x128xi32, #tpu.memory_space<hbm>>
        tpu.enqueue_dma source(%dma_start3A_182 : memref<16x128xi32, #tpu.memory_space<hbm>>) target(%arg10 : memref<16x128xi32, #tpu.memory_space<vmem>>) target_semaphore(%run_scoped3A_171 : memref<!tpu.dma_semaphore, #tpu.memory_space<semaphore_mem>>)
        %dma_wait3A = arith.constant 0 : i32
        %dma_wait3A_183 = arith.constant 0 : i32
        %dma_wait3A_184 = tpu.memref_slice %arg4[%arg1, %dma_wait3A, %dma_wait3A_183] : memref<16x160x128xi32, #tpu.memory_space<hbm>> -> memref<1x160x128xi32, #tpu.memory_space<hbm>>
        %dma_wait3A_185 = tpu.memref_squeeze %dma_wait3A_184 : memref<1x160x128xi32, #tpu.memory_space<hbm>> -> memref<160x128xi32, #tpu.memory_space<hbm>>
        %dma_wait3A_186 = arith.constant 0 : i32
        %dma_wait3A_187 = tpu.memref_slice %dma_wait3A_185[%mul3A_139, %dma_wait3A_186] : memref<160x128xi32, #tpu.memory_space<hbm>> -> memref<16x128xi32, #tpu.memory_space<hbm>>
        %dma_wait3A_188 = arith.constant 0 : i32
        %dma_wait3A_189 = arith.constant 0 : i32
        %dma_wait3A_190 = tpu.memref_slice %arg4[%arg1, %dma_wait3A_188, %dma_wait3A_189] : memref<16x160x128xi32, #tpu.memory_space<hbm>> -> memref<1x160x128xi32, #tpu.memory_space<hbm>>
        %dma_wait3A_191 = tpu.memref_squeeze %dma_wait3A_190 : memref<1x160x128xi32, #tpu.memory_space<hbm>> -> memref<160x128xi32, #tpu.memory_space<hbm>>
        %dma_wait3A_192 = arith.constant 0 : i32
        %dma_wait3A_193 = tpu.memref_slice %dma_wait3A_191[%mul3A_139, %dma_wait3A_192] : memref<160x128xi32, #tpu.memory_space<hbm>> -> memref<16x128xi32, #tpu.memory_space<hbm>>
        tpu.wait_dma2 semaphore(%run_scoped3A_171 : memref<!tpu.dma_semaphore, #tpu.memory_space<semaphore_mem>>) src(%dma_wait3A_193 : memref<16x128xi32, #tpu.memory_space<hbm>>) dst(%arg10 : memref<16x128xi32, #tpu.memory_space<vmem>>)
        tpu.yield
      }) : () -> ()
      %run_scoped3A = arith.constant 0 : i32
      "tpu.region"() ({
        %run_scoped3A_171 = tpu.sem_alloc : memref<!tpu.dma_semaphore, #tpu.memory_space<semaphore_mem>>
        %dma_start3A = arith.constant 0 : i32
        %dma_start3A_172 = tpu.memref_slice %arg9[%run_scoped3A, %dma_start3A] : memref<16x128xi32, #tpu.memory_space<vmem>> -> memref<1x128xi32, #tpu.memory_space<vmem>>
        %dma_start3A_173 = tpu.memref_squeeze %dma_start3A_172 : memref<1x128xi32, #tpu.memory_space<vmem>> -> memref<128xi32, #tpu.memory_space<vmem>>
        %dma_start3A_174 = arith.constant 0 : i32
        %dma_start3A_175 = arith.constant 0 : i32
        %dma_start3A_176 = tpu.memref_slice %arg7[%dma_start3A_174, %dma_start3A_175] : memref<10240x64xf32, #tpu.memory_space<vmem_shared>> -> memref<10240x64xf32, #tpu.memory_space<vmem_shared>>
        tpu.enqueue_indirect_dma source(%dma_start3A_176 : memref<10240x64xf32, #tpu.memory_space<vmem_shared>>) target(%arg11 : memref<128x64xf32, #tpu.memory_space<vmem>>) offsets(%dma_start3A_173 : memref<128xi32, #tpu.memory_space<vmem>>) semaphore(%run_scoped3A_171 : memref<!tpu.dma_semaphore, #tpu.memory_space<semaphore_mem>>)
        %dma_wait3A = arith.constant 0 : i32
        %dma_wait3A_177 = tpu.memref_slice %arg9[%run_scoped3A, %dma_wait3A] : memref<16x128xi32, #tpu.memory_space<vmem>> -> memref<1x128xi32, #tpu.memory_space<vmem>>
        %dma_wait3A_178 = tpu.memref_squeeze %dma_wait3A_177 : memref<1x128xi32, #tpu.memory_space<vmem>> -> memref<128xi32, #tpu.memory_space<vmem>>
        %dma_wait3A_179 = arith.constant 0 : i32
        %dma_wait3A_180 = arith.constant 0 : i32
        %dma_wait3A_181 = tpu.memref_slice %arg7[%dma_wait3A_179, %dma_wait3A_180] : memref<10240x64xf32, #tpu.memory_space<vmem_shared>> -> memref<10240x64xf32, #tpu.memory_space<vmem_shared>>
        tpu.wait_indirect_dma semaphore(%run_scoped3A_171 : memref<!tpu.dma_semaphore, #tpu.memory_space<semaphore_mem>>) src(%dma_wait3A_181 : memref<10240x64xf32, #tpu.memory_space<vmem_shared>>) dst(%arg11 : memref<128x64xf32, #tpu.memory_space<vmem>>)
        tpu.yield
      }) : () -> ()
      %run_scoped3A_140 = arith.constant 0 : i32
      "tpu.region"() ({
        %run_scoped3A_171 = tpu.sem_alloc : memref<!tpu.dma_semaphore, #tpu.memory_space<semaphore_mem>>
        %dma_start3A = arith.constant 0 : i32
        %dma_start3A_172 = tpu.memref_slice %arg10[%run_scoped3A_140, %dma_start3A] : memref<16x128xi32, #tpu.memory_space<vmem>> -> memref<1x128xi32, #tpu.memory_space<vmem>>
        %dma_start3A_173 = tpu.memref_squeeze %dma_start3A_172 : memref<1x128xi32, #tpu.memory_space<vmem>> -> memref<128xi32, #tpu.memory_space<vmem>>
        %dma_start3A_174 = arith.constant 0 : i32
        %dma_start3A_175 = arith.constant 0 : i32
        %dma_start3A_176 = tpu.memref_slice %arg8[%dma_start3A_174, %dma_start3A_175] : memref<10240x64xf32, #tpu.memory_space<vmem_shared>> -> memref<10240x64xf32, #tpu.memory_space<vmem_shared>>
        tpu.enqueue_indirect_dma source(%arg11 : memref<128x64xf32, #tpu.memory_space<vmem>>) target(%dma_start3A_176 : memref<10240x64xf32, #tpu.memory_space<vmem_shared>>) offsets(%dma_start3A_173 : memref<128xi32, #tpu.memory_space<vmem>>) semaphore(%run_scoped3A_171 : memref<!tpu.dma_semaphore, #tpu.memory_space<semaphore_mem>>) {add = true}
        %dma_wait3A = arith.constant 0 : i32
        %dma_wait3A_177 = tpu.memref_slice %arg10[%run_scoped3A_140, %dma_wait3A] : memref<16x128xi32, #tpu.memory_space<vmem>> -> memref<1x128xi32, #tpu.memory_space<vmem>>
        %dma_wait3A_178 = tpu.memref_squeeze %dma_wait3A_177 : memref<1x128xi32, #tpu.memory_space<vmem>> -> memref<128xi32, #tpu.memory_space<vmem>>
        %dma_wait3A_179 = arith.constant 0 : i32
        %dma_wait3A_180 = arith.constant 0 : i32
        %dma_wait3A_181 = tpu.memref_slice %arg8[%dma_wait3A_179, %dma_wait3A_180] : memref<10240x64xf32, #tpu.memory_space<vmem_shared>> -> memref<10240x64xf32, #tpu.memory_space<vmem_shared>>
        tpu.wait_indirect_dma semaphore(%run_scoped3A_171 : memref<!tpu.dma_semaphore, #tpu.memory_space<semaphore_mem>>) src(%arg11 : memref<128x64xf32, #tpu.memory_space<vmem>>) dst(%dma_wait3A_181 : memref<10240x64xf32, #tpu.memory_space<vmem_shared>>)
        tpu.yield
      }) : () -> ()
      %run_scoped3A_141 = arith.constant 1 : i32
      "tpu.region"() ({
        %run_scoped3A_171 = tpu.sem_alloc : memref<!tpu.dma_semaphore, #tpu.memory_space<semaphore_mem>>
        %dma_start3A = arith.constant 0 : i32
        %dma_start3A_172 = tpu.memref_slice %arg9[%run_scoped3A_141, %dma_start3A] : memref<16x128xi32, #tpu.memory_space<vmem>> -> memref<1x128xi32, #tpu.memory_space<vmem>>
        %dma_start3A_173 = tpu.memref_squeeze %dma_start3A_172 : memref<1x128xi32, #tpu.memory_space<vmem>> -> memref<128xi32, #tpu.memory_space<vmem>>
        %dma_start3A_174 = arith.constant 0 : i32
        %dma_start3A_175 = arith.constant 0 : i32
        %dma_start3A_176 = tpu.memref_slice %arg7[%dma_start3A_174, %dma_start3A_175] : memref<10240x64xf32, #tpu.memory_space<vmem_shared>> -> memref<10240x64xf32, #tpu.memory_space<vmem_shared>>
        tpu.enqueue_indirect_dma source(%dma_start3A_176 : memref<10240x64xf32, #tpu.memory_space<vmem_shared>>) target(%arg12 : memref<128x64xf32, #tpu.memory_space<vmem>>) offsets(%dma_start3A_173 : memref<128xi32, #tpu.memory_space<vmem>>) semaphore(%run_scoped3A_171 : memref<!tpu.dma_semaphore, #tpu.memory_space<semaphore_mem>>)
        %dma_wait3A = arith.constant 0 : i32
        %dma_wait3A_177 = tpu.memref_slice %arg9[%run_scoped3A_141, %dma_wait3A] : memref<16x128xi32, #tpu.memory_space<vmem>> -> memref<1x128xi32, #tpu.memory_space<vmem>>
        %dma_wait3A_178 = tpu.memref_squeeze %dma_wait3A_177 : memref<1x128xi32, #tpu.memory_space<vmem>> -> memref<128xi32, #tpu.memory_space<vmem>>
        %dma_wait3A_179 = arith.constant 0 : i32
        %dma_wait3A_180 = arith.constant 0 : i32
        %dma_wait3A_181 = tpu.memref_slice %arg7[%dma_wait3A_179, %dma_wait3A_180] : memref<10240x64xf32, #tpu.memory_space<vmem_shared>> -> memref<10240x64xf32, #tpu.memory_space<vmem_shared>>
        tpu.wait_indirect_dma semaphore(%run_scoped3A_171 : memref<!tpu.dma_semaphore, #tpu.memory_space<semaphore_mem>>) src(%dma_wait3A_181 : memref<10240x64xf32, #tpu.memory_space<vmem_shared>>) dst(%arg12 : memref<128x64xf32, #tpu.memory_space<vmem>>)
        tpu.yield
      }) : () -> ()
      %run_scoped3A_142 = arith.constant 1 : i32
      "tpu.region"() ({
        %run_scoped3A_171 = tpu.sem_alloc : memref<!tpu.dma_semaphore, #tpu.memory_space<semaphore_mem>>
        %dma_start3A = arith.constant 0 : i32
        %dma_start3A_172 = tpu.memref_slice %arg10[%run_scoped3A_142, %dma_start3A] : memref<16x128xi32, #tpu.memory_space<vmem>> -> memref<1x128xi32, #tpu.memory_space<vmem>>
        %dma_start3A_173 = tpu.memref_squeeze %dma_start3A_172 : memref<1x128xi32, #tpu.memory_space<vmem>> -> memref<128xi32, #tpu.memory_space<vmem>>
        %dma_start3A_174 = arith.constant 0 : i32
        %dma_start3A_175 = arith.constant 0 : i32
        %dma_start3A_176 = tpu.memref_slice %arg8[%dma_start3A_174, %dma_start3A_175] : memref<10240x64xf32, #tpu.memory_space<vmem_shared>> -> memref<10240x64xf32, #tpu.memory_space<vmem_shared>>
        tpu.enqueue_indirect_dma source(%arg12 : memref<128x64xf32, #tpu.memory_space<vmem>>) target(%dma_start3A_176 : memref<10240x64xf32, #tpu.memory_space<vmem_shared>>) offsets(%dma_start3A_173 : memref<128xi32, #tpu.memory_space<vmem>>) semaphore(%run_scoped3A_171 : memref<!tpu.dma_semaphore, #tpu.memory_space<semaphore_mem>>) {add = true}
        %dma_wait3A = arith.constant 0 : i32
        %dma_wait3A_177 = tpu.memref_slice %arg10[%run_scoped3A_142, %dma_wait3A] : memref<16x128xi32, #tpu.memory_space<vmem>> -> memref<1x128xi32, #tpu.memory_space<vmem>>
        %dma_wait3A_178 = tpu.memref_squeeze %dma_wait3A_177 : memref<1x128xi32, #tpu.memory_space<vmem>> -> memref<128xi32, #tpu.memory_space<vmem>>
        %dma_wait3A_179 = arith.constant 0 : i32
        %dma_wait3A_180 = arith.constant 0 : i32
        %dma_wait3A_181 = tpu.memref_slice %arg8[%dma_wait3A_179, %dma_wait3A_180] : memref<10240x64xf32, #tpu.memory_space<vmem_shared>> -> memref<10240x64xf32, #tpu.memory_space<vmem_shared>>
        tpu.wait_indirect_dma semaphore(%run_scoped3A_171 : memref<!tpu.dma_semaphore, #tpu.memory_space<semaphore_mem>>) src(%arg12 : memref<128x64xf32, #tpu.memory_space<vmem>>) dst(%dma_wait3A_181 : memref<10240x64xf32, #tpu.memory_space<vmem_shared>>)
        tpu.yield
      }) : () -> ()
      %run_scoped3A_143 = arith.constant 2 : i32
      "tpu.region"() ({
        %run_scoped3A_171 = tpu.sem_alloc : memref<!tpu.dma_semaphore, #tpu.memory_space<semaphore_mem>>
        %dma_start3A = arith.constant 0 : i32
        %dma_start3A_172 = tpu.memref_slice %arg9[%run_scoped3A_143, %dma_start3A] : memref<16x128xi32, #tpu.memory_space<vmem>> -> memref<1x128xi32, #tpu.memory_space<vmem>>
        %dma_start3A_173 = tpu.memref_squeeze %dma_start3A_172 : memref<1x128xi32, #tpu.memory_space<vmem>> -> memref<128xi32, #tpu.memory_space<vmem>>
        %dma_start3A_174 = arith.constant 0 : i32
        %dma_start3A_175 = arith.constant 0 : i32
        %dma_start3A_176 = tpu.memref_slice %arg7[%dma_start3A_174, %dma_start3A_175] : memref<10240x64xf32, #tpu.memory_space<vmem_shared>> -> memref<10240x64xf32, #tpu.memory_space<vmem_shared>>
        tpu.enqueue_indirect_dma source(%dma_start3A_176 : memref<10240x64xf32, #tpu.memory_space<vmem_shared>>) target(%arg11 : memref<128x64xf32, #tpu.memory_space<vmem>>) offsets(%dma_start3A_173 : memref<128xi32, #tpu.memory_space<vmem>>) semaphore(%run_scoped3A_171 : memref<!tpu.dma_semaphore, #tpu.memory_space<semaphore_mem>>)
        %dma_wait3A = arith.constant 0 : i32
        %dma_wait3A_177 = tpu.memref_slice %arg9[%run_scoped3A_143, %dma_wait3A] : memref<16x128xi32, #tpu.memory_space<vmem>> -> memref<1x128xi32, #tpu.memory_space<vmem>>
        %dma_wait3A_178 = tpu.memref_squeeze %dma_wait3A_177 : memref<1x128xi32, #tpu.memory_space<vmem>> -> memref<128xi32, #tpu.memory_space<vmem>>
        %dma_wait3A_179 = arith.constant 0 : i32
        %dma_wait3A_180 = arith.constant 0 : i32
        %dma_wait3A_181 = tpu.memref_slice %arg7[%dma_wait3A_179, %dma_wait3A_180] : memref<10240x64xf32, #tpu.memory_space<vmem_shared>> -> memref<10240x64xf32, #tpu.memory_space<vmem_shared>>
        tpu.wait_indirect_dma semaphore(%run_scoped3A_171 : memref<!tpu.dma_semaphore, #tpu.memory_space<semaphore_mem>>) src(%dma_wait3A_181 : memref<10240x64xf32, #tpu.memory_space<vmem_shared>>) dst(%arg11 : memref<128x64xf32, #tpu.memory_space<vmem>>)
        tpu.yield
      }) : () -> ()
      %run_scoped3A_144 = arith.constant 2 : i32
      "tpu.region"() ({
        %run_scoped3A_171 = tpu.sem_alloc : memref<!tpu.dma_semaphore, #tpu.memory_space<semaphore_mem>>
        %dma_start3A = arith.constant 0 : i32
        %dma_start3A_172 = tpu.memref_slice %arg10[%run_scoped3A_144, %dma_start3A] : memref<16x128xi32, #tpu.memory_space<vmem>> -> memref<1x128xi32, #tpu.memory_space<vmem>>
        %dma_start3A_173 = tpu.memref_squeeze %dma_start3A_172 : memref<1x128xi32, #tpu.memory_space<vmem>> -> memref<128xi32, #tpu.memory_space<vmem>>
        %dma_start3A_174 = arith.constant 0 : i32
        %dma_start3A_175 = arith.constant 0 : i32
        %dma_start3A_176 = tpu.memref_slice %arg8[%dma_start3A_174, %dma_start3A_175] : memref<10240x64xf32, #tpu.memory_space<vmem_shared>> -> memref<10240x64xf32, #tpu.memory_space<vmem_shared>>
        tpu.enqueue_indirect_dma source(%arg11 : memref<128x64xf32, #tpu.memory_space<vmem>>) target(%dma_start3A_176 : memref<10240x64xf32, #tpu.memory_space<vmem_shared>>) offsets(%dma_start3A_173 : memref<128xi32, #tpu.memory_space<vmem>>) semaphore(%run_scoped3A_171 : memref<!tpu.dma_semaphore, #tpu.memory_space<semaphore_mem>>) {add = true}
        %dma_wait3A = arith.constant 0 : i32
        %dma_wait3A_177 = tpu.memref_slice %arg10[%run_scoped3A_144, %dma_wait3A] : memref<16x128xi32, #tpu.memory_space<vmem>> -> memref<1x128xi32, #tpu.memory_space<vmem>>
        %dma_wait3A_178 = tpu.memref_squeeze %dma_wait3A_177 : memref<1x128xi32, #tpu.memory_space<vmem>> -> memref<128xi32, #tpu.memory_space<vmem>>
        %dma_wait3A_179 = arith.constant 0 : i32
        %dma_wait3A_180 = arith.constant 0 : i32
        %dma_wait3A_181 = tpu.memref_slice %arg8[%dma_wait3A_179, %dma_wait3A_180] : memref<10240x64xf32, #tpu.memory_space<vmem_shared>> -> memref<10240x64xf32, #tpu.memory_space<vmem_shared>>
        tpu.wait_indirect_dma semaphore(%run_scoped3A_171 : memref<!tpu.dma_semaphore, #tpu.memory_space<semaphore_mem>>) src(%arg11 : memref<128x64xf32, #tpu.memory_space<vmem>>) dst(%dma_wait3A_181 : memref<10240x64xf32, #tpu.memory_space<vmem_shared>>)
        tpu.yield
      }) : () -> ()
      %run_scoped3A_145 = arith.constant 3 : i32
      "tpu.region"() ({
        %run_scoped3A_171 = tpu.sem_alloc : memref<!tpu.dma_semaphore, #tpu.memory_space<semaphore_mem>>
        %dma_start3A = arith.constant 0 : i32
        %dma_start3A_172 = tpu.memref_slice %arg9[%run_scoped3A_145, %dma_start3A] : memref<16x128xi32, #tpu.memory_space<vmem>> -> memref<1x128xi32, #tpu.memory_space<vmem>>
        %dma_start3A_173 = tpu.memref_squeeze %dma_start3A_172 : memref<1x128xi32, #tpu.memory_space<vmem>> -> memref<128xi32, #tpu.memory_space<vmem>>
        %dma_start3A_174 = arith.constant 0 : i32
        %dma_start3A_175 = arith.constant 0 : i32
        %dma_start3A_176 = tpu.memref_slice %arg7[%dma_start3A_174, %dma_start3A_175] : memref<10240x64xf32, #tpu.memory_space<vmem_shared>> -> memref<10240x64xf32, #tpu.memory_space<vmem_shared>>
        tpu.enqueue_indirect_dma source(%dma_start3A_176 : memref<10240x64xf32, #tpu.memory_space<vmem_shared>>) target(%arg12 : memref<128x64xf32, #tpu.memory_space<vmem>>) offsets(%dma_start3A_173 : memref<128xi32, #tpu.memory_space<vmem>>) semaphore(%run_scoped3A_171 : memref<!tpu.dma_semaphore, #tpu.memory_space<semaphore_mem>>)
        %dma_wait3A = arith.constant 0 : i32
        %dma_wait3A_177 = tpu.memref_slice %arg9[%run_scoped3A_145, %dma_wait3A] : memref<16x128xi32, #tpu.memory_space<vmem>> -> memref<1x128xi32, #tpu.memory_space<vmem>>
        %dma_wait3A_178 = tpu.memref_squeeze %dma_wait3A_177 : memref<1x128xi32, #tpu.memory_space<vmem>> -> memref<128xi32, #tpu.memory_space<vmem>>
        %dma_wait3A_179 = arith.constant 0 : i32
        %dma_wait3A_180 = arith.constant 0 : i32
        %dma_wait3A_181 = tpu.memref_slice %arg7[%dma_wait3A_179, %dma_wait3A_180] : memref<10240x64xf32, #tpu.memory_space<vmem_shared>> -> memref<10240x64xf32, #tpu.memory_space<vmem_shared>>
        tpu.wait_indirect_dma semaphore(%run_scoped3A_171 : memref<!tpu.dma_semaphore, #tpu.memory_space<semaphore_mem>>) src(%dma_wait3A_181 : memref<10240x64xf32, #tpu.memory_space<vmem_shared>>) dst(%arg12 : memref<128x64xf32, #tpu.memory_space<vmem>>)
        tpu.yield
      }) : () -> ()
      %run_scoped3A_146 = arith.constant 3 : i32
      "tpu.region"() ({
        %run_scoped3A_171 = tpu.sem_alloc : memref<!tpu.dma_semaphore, #tpu.memory_space<semaphore_mem>>
        %dma_start3A = arith.constant 0 : i32
        %dma_start3A_172 = tpu.memref_slice %arg10[%run_scoped3A_146, %dma_start3A] : memref<16x128xi32, #tpu.memory_space<vmem>> -> memref<1x128xi32, #tpu.memory_space<vmem>>
        %dma_start3A_173 = tpu.memref_squeeze %dma_start3A_172 : memref<1x128xi32, #tpu.memory_space<vmem>> -> memref<128xi32, #tpu.memory_space<vmem>>
        %dma_start3A_174 = arith.constant 0 : i32
        %dma_start3A_175 = arith.constant 0 : i32
        %dma_start3A_176 = tpu.memref_slice %arg8[%dma_start3A_174, %dma_start3A_175] : memref<10240x64xf32, #tpu.memory_space<vmem_shared>> -> memref<10240x64xf32, #tpu.memory_space<vmem_shared>>
        tpu.enqueue_indirect_dma source(%arg12 : memref<128x64xf32, #tpu.memory_space<vmem>>) target(%dma_start3A_176 : memref<10240x64xf32, #tpu.memory_space<vmem_shared>>) offsets(%dma_start3A_173 : memref<128xi32, #tpu.memory_space<vmem>>) semaphore(%run_scoped3A_171 : memref<!tpu.dma_semaphore, #tpu.memory_space<semaphore_mem>>) {add = true}
        %dma_wait3A = arith.constant 0 : i32
        %dma_wait3A_177 = tpu.memref_slice %arg10[%run_scoped3A_146, %dma_wait3A] : memref<16x128xi32, #tpu.memory_space<vmem>> -> memref<1x128xi32, #tpu.memory_space<vmem>>
        %dma_wait3A_178 = tpu.memref_squeeze %dma_wait3A_177 : memref<1x128xi32, #tpu.memory_space<vmem>> -> memref<128xi32, #tpu.memory_space<vmem>>
        %dma_wait3A_179 = arith.constant 0 : i32
        %dma_wait3A_180 = arith.constant 0 : i32
        %dma_wait3A_181 = tpu.memref_slice %arg8[%dma_wait3A_179, %dma_wait3A_180] : memref<10240x64xf32, #tpu.memory_space<vmem_shared>> -> memref<10240x64xf32, #tpu.memory_space<vmem_shared>>
        tpu.wait_indirect_dma semaphore(%run_scoped3A_171 : memref<!tpu.dma_semaphore, #tpu.memory_space<semaphore_mem>>) src(%arg12 : memref<128x64xf32, #tpu.memory_space<vmem>>) dst(%dma_wait3A_181 : memref<10240x64xf32, #tpu.memory_space<vmem_shared>>)
        tpu.yield
      }) : () -> ()
      %run_scoped3A_147 = arith.constant 4 : i32
      "tpu.region"() ({
        %run_scoped3A_171 = tpu.sem_alloc : memref<!tpu.dma_semaphore, #tpu.memory_space<semaphore_mem>>
        %dma_start3A = arith.constant 0 : i32
        %dma_start3A_172 = tpu.memref_slice %arg9[%run_scoped3A_147, %dma_start3A] : memref<16x128xi32, #tpu.memory_space<vmem>> -> memref<1x128xi32, #tpu.memory_space<vmem>>
        %dma_start3A_173 = tpu.memref_squeeze %dma_start3A_172 : memref<1x128xi32, #tpu.memory_space<vmem>> -> memref<128xi32, #tpu.memory_space<vmem>>
        %dma_start3A_174 = arith.constant 0 : i32
        %dma_start3A_175 = arith.constant 0 : i32
        %dma_start3A_176 = tpu.memref_slice %arg7[%dma_start3A_174, %dma_start3A_175] : memref<10240x64xf32, #tpu.memory_space<vmem_shared>> -> memref<10240x64xf32, #tpu.memory_space<vmem_shared>>
        tpu.enqueue_indirect_dma source(%dma_start3A_176 : memref<10240x64xf32, #tpu.memory_space<vmem_shared>>) target(%arg11 : memref<128x64xf32, #tpu.memory_space<vmem>>) offsets(%dma_start3A_173 : memref<128xi32, #tpu.memory_space<vmem>>) semaphore(%run_scoped3A_171 : memref<!tpu.dma_semaphore, #tpu.memory_space<semaphore_mem>>)
        %dma_wait3A = arith.constant 0 : i32
        %dma_wait3A_177 = tpu.memref_slice %arg9[%run_scoped3A_147, %dma_wait3A] : memref<16x128xi32, #tpu.memory_space<vmem>> -> memref<1x128xi32, #tpu.memory_space<vmem>>
        %dma_wait3A_178 = tpu.memref_squeeze %dma_wait3A_177 : memref<1x128xi32, #tpu.memory_space<vmem>> -> memref<128xi32, #tpu.memory_space<vmem>>
        %dma_wait3A_179 = arith.constant 0 : i32
        %dma_wait3A_180 = arith.constant 0 : i32
        %dma_wait3A_181 = tpu.memref_slice %arg7[%dma_wait3A_179, %dma_wait3A_180] : memref<10240x64xf32, #tpu.memory_space<vmem_shared>> -> memref<10240x64xf32, #tpu.memory_space<vmem_shared>>
        tpu.wait_indirect_dma semaphore(%run_scoped3A_171 : memref<!tpu.dma_semaphore, #tpu.memory_space<semaphore_mem>>) src(%dma_wait3A_181 : memref<10240x64xf32, #tpu.memory_space<vmem_shared>>) dst(%arg11 : memref<128x64xf32, #tpu.memory_space<vmem>>)
        tpu.yield
      }) : () -> ()
      %run_scoped3A_148 = arith.constant 4 : i32
      "tpu.region"() ({
        %run_scoped3A_171 = tpu.sem_alloc : memref<!tpu.dma_semaphore, #tpu.memory_space<semaphore_mem>>
        %dma_start3A = arith.constant 0 : i32
        %dma_start3A_172 = tpu.memref_slice %arg10[%run_scoped3A_148, %dma_start3A] : memref<16x128xi32, #tpu.memory_space<vmem>> -> memref<1x128xi32, #tpu.memory_space<vmem>>
        %dma_start3A_173 = tpu.memref_squeeze %dma_start3A_172 : memref<1x128xi32, #tpu.memory_space<vmem>> -> memref<128xi32, #tpu.memory_space<vmem>>
        %dma_start3A_174 = arith.constant 0 : i32
        %dma_start3A_175 = arith.constant 0 : i32
        %dma_start3A_176 = tpu.memref_slice %arg8[%dma_start3A_174, %dma_start3A_175] : memref<10240x64xf32, #tpu.memory_space<vmem_shared>> -> memref<10240x64xf32, #tpu.memory_space<vmem_shared>>
        tpu.enqueue_indirect_dma source(%arg11 : memref<128x64xf32, #tpu.memory_space<vmem>>) target(%dma_start3A_176 : memref<10240x64xf32, #tpu.memory_space<vmem_shared>>) offsets(%dma_start3A_173 : memref<128xi32, #tpu.memory_space<vmem>>) semaphore(%run_scoped3A_171 : memref<!tpu.dma_semaphore, #tpu.memory_space<semaphore_mem>>) {add = true}
        %dma_wait3A = arith.constant 0 : i32
        %dma_wait3A_177 = tpu.memref_slice %arg10[%run_scoped3A_148, %dma_wait3A] : memref<16x128xi32, #tpu.memory_space<vmem>> -> memref<1x128xi32, #tpu.memory_space<vmem>>
        %dma_wait3A_178 = tpu.memref_squeeze %dma_wait3A_177 : memref<1x128xi32, #tpu.memory_space<vmem>> -> memref<128xi32, #tpu.memory_space<vmem>>
        %dma_wait3A_179 = arith.constant 0 : i32
        %dma_wait3A_180 = arith.constant 0 : i32
        %dma_wait3A_181 = tpu.memref_slice %arg8[%dma_wait3A_179, %dma_wait3A_180] : memref<10240x64xf32, #tpu.memory_space<vmem_shared>> -> memref<10240x64xf32, #tpu.memory_space<vmem_shared>>
        tpu.wait_indirect_dma semaphore(%run_scoped3A_171 : memref<!tpu.dma_semaphore, #tpu.memory_space<semaphore_mem>>) src(%arg11 : memref<128x64xf32, #tpu.memory_space<vmem>>) dst(%dma_wait3A_181 : memref<10240x64xf32, #tpu.memory_space<vmem_shared>>)
        tpu.yield
      }) : () -> ()
      %run_scoped3A_149 = arith.constant 5 : i32
      "tpu.region"() ({
        %run_scoped3A_171 = tpu.sem_alloc : memref<!tpu.dma_semaphore, #tpu.memory_space<semaphore_mem>>
        %dma_start3A = arith.constant 0 : i32
        %dma_start3A_172 = tpu.memref_slice %arg9[%run_scoped3A_149, %dma_start3A] : memref<16x128xi32, #tpu.memory_space<vmem>> -> memref<1x128xi32, #tpu.memory_space<vmem>>
        %dma_start3A_173 = tpu.memref_squeeze %dma_start3A_172 : memref<1x128xi32, #tpu.memory_space<vmem>> -> memref<128xi32, #tpu.memory_space<vmem>>
        %dma_start3A_174 = arith.constant 0 : i32
        %dma_start3A_175 = arith.constant 0 : i32
        %dma_start3A_176 = tpu.memref_slice %arg7[%dma_start3A_174, %dma_start3A_175] : memref<10240x64xf32, #tpu.memory_space<vmem_shared>> -> memref<10240x64xf32, #tpu.memory_space<vmem_shared>>
        tpu.enqueue_indirect_dma source(%dma_start3A_176 : memref<10240x64xf32, #tpu.memory_space<vmem_shared>>) target(%arg12 : memref<128x64xf32, #tpu.memory_space<vmem>>) offsets(%dma_start3A_173 : memref<128xi32, #tpu.memory_space<vmem>>) semaphore(%run_scoped3A_171 : memref<!tpu.dma_semaphore, #tpu.memory_space<semaphore_mem>>)
        %dma_wait3A = arith.constant 0 : i32
        %dma_wait3A_177 = tpu.memref_slice %arg9[%run_scoped3A_149, %dma_wait3A] : memref<16x128xi32, #tpu.memory_space<vmem>> -> memref<1x128xi32, #tpu.memory_space<vmem>>
        %dma_wait3A_178 = tpu.memref_squeeze %dma_wait3A_177 : memref<1x128xi32, #tpu.memory_space<vmem>> -> memref<128xi32, #tpu.memory_space<vmem>>
        %dma_wait3A_179 = arith.constant 0 : i32
        %dma_wait3A_180 = arith.constant 0 : i32
        %dma_wait3A_181 = tpu.memref_slice %arg7[%dma_wait3A_179, %dma_wait3A_180] : memref<10240x64xf32, #tpu.memory_space<vmem_shared>> -> memref<10240x64xf32, #tpu.memory_space<vmem_shared>>
        tpu.wait_indirect_dma semaphore(%run_scoped3A_171 : memref<!tpu.dma_semaphore, #tpu.memory_space<semaphore_mem>>) src(%dma_wait3A_181 : memref<10240x64xf32, #tpu.memory_space<vmem_shared>>) dst(%arg12 : memref<128x64xf32, #tpu.memory_space<vmem>>)
        tpu.yield
      }) : () -> ()
      %run_scoped3A_150 = arith.constant 5 : i32
      "tpu.region"() ({
        %run_scoped3A_171 = tpu.sem_alloc : memref<!tpu.dma_semaphore, #tpu.memory_space<semaphore_mem>>
        %dma_start3A = arith.constant 0 : i32
        %dma_start3A_172 = tpu.memref_slice %arg10[%run_scoped3A_150, %dma_start3A] : memref<16x128xi32, #tpu.memory_space<vmem>> -> memref<1x128xi32, #tpu.memory_space<vmem>>
        %dma_start3A_173 = tpu.memref_squeeze %dma_start3A_172 : memref<1x128xi32, #tpu.memory_space<vmem>> -> memref<128xi32, #tpu.memory_space<vmem>>
        %dma_start3A_174 = arith.constant 0 : i32
        %dma_start3A_175 = arith.constant 0 : i32
        %dma_start3A_176 = tpu.memref_slice %arg8[%dma_start3A_174, %dma_start3A_175] : memref<10240x64xf32, #tpu.memory_space<vmem_shared>> -> memref<10240x64xf32, #tpu.memory_space<vmem_shared>>
        tpu.enqueue_indirect_dma source(%arg12 : memref<128x64xf32, #tpu.memory_space<vmem>>) target(%dma_start3A_176 : memref<10240x64xf32, #tpu.memory_space<vmem_shared>>) offsets(%dma_start3A_173 : memref<128xi32, #tpu.memory_space<vmem>>) semaphore(%run_scoped3A_171 : memref<!tpu.dma_semaphore, #tpu.memory_space<semaphore_mem>>) {add = true}
        %dma_wait3A = arith.constant 0 : i32
        %dma_wait3A_177 = tpu.memref_slice %arg10[%run_scoped3A_150, %dma_wait3A] : memref<16x128xi32, #tpu.memory_space<vmem>> -> memref<1x128xi32, #tpu.memory_space<vmem>>
        %dma_wait3A_178 = tpu.memref_squeeze %dma_wait3A_177 : memref<1x128xi32, #tpu.memory_space<vmem>> -> memref<128xi32, #tpu.memory_space<vmem>>
        %dma_wait3A_179 = arith.constant 0 : i32
        %dma_wait3A_180 = arith.constant 0 : i32
        %dma_wait3A_181 = tpu.memref_slice %arg8[%dma_wait3A_179, %dma_wait3A_180] : memref<10240x64xf32, #tpu.memory_space<vmem_shared>> -> memref<10240x64xf32, #tpu.memory_space<vmem_shared>>
        tpu.wait_indirect_dma semaphore(%run_scoped3A_171 : memref<!tpu.dma_semaphore, #tpu.memory_space<semaphore_mem>>) src(%arg12 : memref<128x64xf32, #tpu.memory_space<vmem>>) dst(%dma_wait3A_181 : memref<10240x64xf32, #tpu.memory_space<vmem_shared>>)
        tpu.yield
      }) : () -> ()
      %run_scoped3A_151 = arith.constant 6 : i32
      "tpu.region"() ({
        %run_scoped3A_171 = tpu.sem_alloc : memref<!tpu.dma_semaphore, #tpu.memory_space<semaphore_mem>>
        %dma_start3A = arith.constant 0 : i32
        %dma_start3A_172 = tpu.memref_slice %arg9[%run_scoped3A_151, %dma_start3A] : memref<16x128xi32, #tpu.memory_space<vmem>> -> memref<1x128xi32, #tpu.memory_space<vmem>>
        %dma_start3A_173 = tpu.memref_squeeze %dma_start3A_172 : memref<1x128xi32, #tpu.memory_space<vmem>> -> memref<128xi32, #tpu.memory_space<vmem>>
        %dma_start3A_174 = arith.constant 0 : i32
        %dma_start3A_175 = arith.constant 0 : i32
        %dma_start3A_176 = tpu.memref_slice %arg7[%dma_start3A_174, %dma_start3A_175] : memref<10240x64xf32, #tpu.memory_space<vmem_shared>> -> memref<10240x64xf32, #tpu.memory_space<vmem_shared>>
        tpu.enqueue_indirect_dma source(%dma_start3A_176 : memref<10240x64xf32, #tpu.memory_space<vmem_shared>>) target(%arg11 : memref<128x64xf32, #tpu.memory_space<vmem>>) offsets(%dma_start3A_173 : memref<128xi32, #tpu.memory_space<vmem>>) semaphore(%run_scoped3A_171 : memref<!tpu.dma_semaphore, #tpu.memory_space<semaphore_mem>>)
        %dma_wait3A = arith.constant 0 : i32
        %dma_wait3A_177 = tpu.memref_slice %arg9[%run_scoped3A_151, %dma_wait3A] : memref<16x128xi32, #tpu.memory_space<vmem>> -> memref<1x128xi32, #tpu.memory_space<vmem>>
        %dma_wait3A_178 = tpu.memref_squeeze %dma_wait3A_177 : memref<1x128xi32, #tpu.memory_space<vmem>> -> memref<128xi32, #tpu.memory_space<vmem>>
        %dma_wait3A_179 = arith.constant 0 : i32
        %dma_wait3A_180 = arith.constant 0 : i32
        %dma_wait3A_181 = tpu.memref_slice %arg7[%dma_wait3A_179, %dma_wait3A_180] : memref<10240x64xf32, #tpu.memory_space<vmem_shared>> -> memref<10240x64xf32, #tpu.memory_space<vmem_shared>>
        tpu.wait_indirect_dma semaphore(%run_scoped3A_171 : memref<!tpu.dma_semaphore, #tpu.memory_space<semaphore_mem>>) src(%dma_wait3A_181 : memref<10240x64xf32, #tpu.memory_space<vmem_shared>>) dst(%arg11 : memref<128x64xf32, #tpu.memory_space<vmem>>)
        tpu.yield
      }) : () -> ()
      %run_scoped3A_152 = arith.constant 6 : i32
      "tpu.region"() ({
        %run_scoped3A_171 = tpu.sem_alloc : memref<!tpu.dma_semaphore, #tpu.memory_space<semaphore_mem>>
        %dma_start3A = arith.constant 0 : i32
        %dma_start3A_172 = tpu.memref_slice %arg10[%run_scoped3A_152, %dma_start3A] : memref<16x128xi32, #tpu.memory_space<vmem>> -> memref<1x128xi32, #tpu.memory_space<vmem>>
        %dma_start3A_173 = tpu.memref_squeeze %dma_start3A_172 : memref<1x128xi32, #tpu.memory_space<vmem>> -> memref<128xi32, #tpu.memory_space<vmem>>
        %dma_start3A_174 = arith.constant 0 : i32
        %dma_start3A_175 = arith.constant 0 : i32
        %dma_start3A_176 = tpu.memref_slice %arg8[%dma_start3A_174, %dma_start3A_175] : memref<10240x64xf32, #tpu.memory_space<vmem_shared>> -> memref<10240x64xf32, #tpu.memory_space<vmem_shared>>
        tpu.enqueue_indirect_dma source(%arg11 : memref<128x64xf32, #tpu.memory_space<vmem>>) target(%dma_start3A_176 : memref<10240x64xf32, #tpu.memory_space<vmem_shared>>) offsets(%dma_start3A_173 : memref<128xi32, #tpu.memory_space<vmem>>) semaphore(%run_scoped3A_171 : memref<!tpu.dma_semaphore, #tpu.memory_space<semaphore_mem>>) {add = true}
        %dma_wait3A = arith.constant 0 : i32
        %dma_wait3A_177 = tpu.memref_slice %arg10[%run_scoped3A_152, %dma_wait3A] : memref<16x128xi32, #tpu.memory_space<vmem>> -> memref<1x128xi32, #tpu.memory_space<vmem>>
        %dma_wait3A_178 = tpu.memref_squeeze %dma_wait3A_177 : memref<1x128xi32, #tpu.memory_space<vmem>> -> memref<128xi32, #tpu.memory_space<vmem>>
        %dma_wait3A_179 = arith.constant 0 : i32
        %dma_wait3A_180 = arith.constant 0 : i32
        %dma_wait3A_181 = tpu.memref_slice %arg8[%dma_wait3A_179, %dma_wait3A_180] : memref<10240x64xf32, #tpu.memory_space<vmem_shared>> -> memref<10240x64xf32, #tpu.memory_space<vmem_shared>>
        tpu.wait_indirect_dma semaphore(%run_scoped3A_171 : memref<!tpu.dma_semaphore, #tpu.memory_space<semaphore_mem>>) src(%arg11 : memref<128x64xf32, #tpu.memory_space<vmem>>) dst(%dma_wait3A_181 : memref<10240x64xf32, #tpu.memory_space<vmem_shared>>)
        tpu.yield
      }) : () -> ()
      %run_scoped3A_153 = arith.constant 7 : i32
      "tpu.region"() ({
        %run_scoped3A_171 = tpu.sem_alloc : memref<!tpu.dma_semaphore, #tpu.memory_space<semaphore_mem>>
        %dma_start3A = arith.constant 0 : i32
        %dma_start3A_172 = tpu.memref_slice %arg9[%run_scoped3A_153, %dma_start3A] : memref<16x128xi32, #tpu.memory_space<vmem>> -> memref<1x128xi32, #tpu.memory_space<vmem>>
        %dma_start3A_173 = tpu.memref_squeeze %dma_start3A_172 : memref<1x128xi32, #tpu.memory_space<vmem>> -> memref<128xi32, #tpu.memory_space<vmem>>
        %dma_start3A_174 = arith.constant 0 : i32
        %dma_start3A_175 = arith.constant 0 : i32
        %dma_start3A_176 = tpu.memref_slice %arg7[%dma_start3A_174, %dma_start3A_175] : memref<10240x64xf32, #tpu.memory_space<vmem_shared>> -> memref<10240x64xf32, #tpu.memory_space<vmem_shared>>
        tpu.enqueue_indirect_dma source(%dma_start3A_176 : memref<10240x64xf32, #tpu.memory_space<vmem_shared>>) target(%arg12 : memref<128x64xf32, #tpu.memory_space<vmem>>) offsets(%dma_start3A_173 : memref<128xi32, #tpu.memory_space<vmem>>) semaphore(%run_scoped3A_171 : memref<!tpu.dma_semaphore, #tpu.memory_space<semaphore_mem>>)
        %dma_wait3A = arith.constant 0 : i32
        %dma_wait3A_177 = tpu.memref_slice %arg9[%run_scoped3A_153, %dma_wait3A] : memref<16x128xi32, #tpu.memory_space<vmem>> -> memref<1x128xi32, #tpu.memory_space<vmem>>
        %dma_wait3A_178 = tpu.memref_squeeze %dma_wait3A_177 : memref<1x128xi32, #tpu.memory_space<vmem>> -> memref<128xi32, #tpu.memory_space<vmem>>
        %dma_wait3A_179 = arith.constant 0 : i32
        %dma_wait3A_180 = arith.constant 0 : i32
        %dma_wait3A_181 = tpu.memref_slice %arg7[%dma_wait3A_179, %dma_wait3A_180] : memref<10240x64xf32, #tpu.memory_space<vmem_shared>> -> memref<10240x64xf32, #tpu.memory_space<vmem_shared>>
        tpu.wait_indirect_dma semaphore(%run_scoped3A_171 : memref<!tpu.dma_semaphore, #tpu.memory_space<semaphore_mem>>) src(%dma_wait3A_181 : memref<10240x64xf32, #tpu.memory_space<vmem_shared>>) dst(%arg12 : memref<128x64xf32, #tpu.memory_space<vmem>>)
        tpu.yield
      }) : () -> ()
      %run_scoped3A_154 = arith.constant 7 : i32
      "tpu.region"() ({
        %run_scoped3A_171 = tpu.sem_alloc : memref<!tpu.dma_semaphore, #tpu.memory_space<semaphore_mem>>
        %dma_start3A = arith.constant 0 : i32
        %dma_start3A_172 = tpu.memref_slice %arg10[%run_scoped3A_154, %dma_start3A] : memref<16x128xi32, #tpu.memory_space<vmem>> -> memref<1x128xi32, #tpu.memory_space<vmem>>
        %dma_start3A_173 = tpu.memref_squeeze %dma_start3A_172 : memref<1x128xi32, #tpu.memory_space<vmem>> -> memref<128xi32, #tpu.memory_space<vmem>>
        %dma_start3A_174 = arith.constant 0 : i32
        %dma_start3A_175 = arith.constant 0 : i32
        %dma_start3A_176 = tpu.memref_slice %arg8[%dma_start3A_174, %dma_start3A_175] : memref<10240x64xf32, #tpu.memory_space<vmem_shared>> -> memref<10240x64xf32, #tpu.memory_space<vmem_shared>>
        tpu.enqueue_indirect_dma source(%arg12 : memref<128x64xf32, #tpu.memory_space<vmem>>) target(%dma_start3A_176 : memref<10240x64xf32, #tpu.memory_space<vmem_shared>>) offsets(%dma_start3A_173 : memref<128xi32, #tpu.memory_space<vmem>>) semaphore(%run_scoped3A_171 : memref<!tpu.dma_semaphore, #tpu.memory_space<semaphore_mem>>) {add = true}
        %dma_wait3A = arith.constant 0 : i32
        %dma_wait3A_177 = tpu.memref_slice %arg10[%run_scoped3A_154, %dma_wait3A] : memref<16x128xi32, #tpu.memory_space<vmem>> -> memref<1x128xi32, #tpu.memory_space<vmem>>
        %dma_wait3A_178 = tpu.memref_squeeze %dma_wait3A_177 : memref<1x128xi32, #tpu.memory_space<vmem>> -> memref<128xi32, #tpu.memory_space<vmem>>
        %dma_wait3A_179 = arith.constant 0 : i32
        %dma_wait3A_180 = arith.constant 0 : i32
        %dma_wait3A_181 = tpu.memref_slice %arg8[%dma_wait3A_179, %dma_wait3A_180] : memref<10240x64xf32, #tpu.memory_space<vmem_shared>> -> memref<10240x64xf32, #tpu.memory_space<vmem_shared>>
        tpu.wait_indirect_dma semaphore(%run_scoped3A_171 : memref<!tpu.dma_semaphore, #tpu.memory_space<semaphore_mem>>) src(%arg12 : memref<128x64xf32, #tpu.memory_space<vmem>>) dst(%dma_wait3A_181 : memref<10240x64xf32, #tpu.memory_space<vmem_shared>>)
        tpu.yield
      }) : () -> ()
      %run_scoped3A_155 = arith.constant 8 : i32
      "tpu.region"() ({
        %run_scoped3A_171 = tpu.sem_alloc : memref<!tpu.dma_semaphore, #tpu.memory_space<semaphore_mem>>
        %dma_start3A = arith.constant 0 : i32
        %dma_start3A_172 = tpu.memref_slice %arg9[%run_scoped3A_155, %dma_start3A] : memref<16x128xi32, #tpu.memory_space<vmem>> -> memref<1x128xi32, #tpu.memory_space<vmem>>
        %dma_start3A_173 = tpu.memref_squeeze %dma_start3A_172 : memref<1x128xi32, #tpu.memory_space<vmem>> -> memref<128xi32, #tpu.memory_space<vmem>>
        %dma_start3A_174 = arith.constant 0 : i32
        %dma_start3A_175 = arith.constant 0 : i32
        %dma_start3A_176 = tpu.memref_slice %arg7[%dma_start3A_174, %dma_start3A_175] : memref<10240x64xf32, #tpu.memory_space<vmem_shared>> -> memref<10240x64xf32, #tpu.memory_space<vmem_shared>>
        tpu.enqueue_indirect_dma source(%dma_start3A_176 : memref<10240x64xf32, #tpu.memory_space<vmem_shared>>) target(%arg11 : memref<128x64xf32, #tpu.memory_space<vmem>>) offsets(%dma_start3A_173 : memref<128xi32, #tpu.memory_space<vmem>>) semaphore(%run_scoped3A_171 : memref<!tpu.dma_semaphore, #tpu.memory_space<semaphore_mem>>)
        %dma_wait3A = arith.constant 0 : i32
        %dma_wait3A_177 = tpu.memref_slice %arg9[%run_scoped3A_155, %dma_wait3A] : memref<16x128xi32, #tpu.memory_space<vmem>> -> memref<1x128xi32, #tpu.memory_space<vmem>>
        %dma_wait3A_178 = tpu.memref_squeeze %dma_wait3A_177 : memref<1x128xi32, #tpu.memory_space<vmem>> -> memref<128xi32, #tpu.memory_space<vmem>>
        %dma_wait3A_179 = arith.constant 0 : i32
        %dma_wait3A_180 = arith.constant 0 : i32
        %dma_wait3A_181 = tpu.memref_slice %arg7[%dma_wait3A_179, %dma_wait3A_180] : memref<10240x64xf32, #tpu.memory_space<vmem_shared>> -> memref<10240x64xf32, #tpu.memory_space<vmem_shared>>
        tpu.wait_indirect_dma semaphore(%run_scoped3A_171 : memref<!tpu.dma_semaphore, #tpu.memory_space<semaphore_mem>>) src(%dma_wait3A_181 : memref<10240x64xf32, #tpu.memory_space<vmem_shared>>) dst(%arg11 : memref<128x64xf32, #tpu.memory_space<vmem>>)
        tpu.yield
      }) : () -> ()
      %run_scoped3A_156 = arith.constant 8 : i32
      "tpu.region"() ({
        %run_scoped3A_171 = tpu.sem_alloc : memref<!tpu.dma_semaphore, #tpu.memory_space<semaphore_mem>>
        %dma_start3A = arith.constant 0 : i32
        %dma_start3A_172 = tpu.memref_slice %arg10[%run_scoped3A_156, %dma_start3A] : memref<16x128xi32, #tpu.memory_space<vmem>> -> memref<1x128xi32, #tpu.memory_space<vmem>>
        %dma_start3A_173 = tpu.memref_squeeze %dma_start3A_172 : memref<1x128xi32, #tpu.memory_space<vmem>> -> memref<128xi32, #tpu.memory_space<vmem>>
        %dma_start3A_174 = arith.constant 0 : i32
        %dma_start3A_175 = arith.constant 0 : i32
        %dma_start3A_176 = tpu.memref_slice %arg8[%dma_start3A_174, %dma_start3A_175] : memref<10240x64xf32, #tpu.memory_space<vmem_shared>> -> memref<10240x64xf32, #tpu.memory_space<vmem_shared>>
        tpu.enqueue_indirect_dma source(%arg11 : memref<128x64xf32, #tpu.memory_space<vmem>>) target(%dma_start3A_176 : memref<10240x64xf32, #tpu.memory_space<vmem_shared>>) offsets(%dma_start3A_173 : memref<128xi32, #tpu.memory_space<vmem>>) semaphore(%run_scoped3A_171 : memref<!tpu.dma_semaphore, #tpu.memory_space<semaphore_mem>>) {add = true}
        %dma_wait3A = arith.constant 0 : i32
        %dma_wait3A_177 = tpu.memref_slice %arg10[%run_scoped3A_156, %dma_wait3A] : memref<16x128xi32, #tpu.memory_space<vmem>> -> memref<1x128xi32, #tpu.memory_space<vmem>>
        %dma_wait3A_178 = tpu.memref_squeeze %dma_wait3A_177 : memref<1x128xi32, #tpu.memory_space<vmem>> -> memref<128xi32, #tpu.memory_space<vmem>>
        %dma_wait3A_179 = arith.constant 0 : i32
        %dma_wait3A_180 = arith.constant 0 : i32
        %dma_wait3A_181 = tpu.memref_slice %arg8[%dma_wait3A_179, %dma_wait3A_180] : memref<10240x64xf32, #tpu.memory_space<vmem_shared>> -> memref<10240x64xf32, #tpu.memory_space<vmem_shared>>
        tpu.wait_indirect_dma semaphore(%run_scoped3A_171 : memref<!tpu.dma_semaphore, #tpu.memory_space<semaphore_mem>>) src(%arg11 : memref<128x64xf32, #tpu.memory_space<vmem>>) dst(%dma_wait3A_181 : memref<10240x64xf32, #tpu.memory_space<vmem_shared>>)
        tpu.yield
      }) : () -> ()
      %run_scoped3A_157 = arith.constant 9 : i32
      "tpu.region"() ({
        %run_scoped3A_171 = tpu.sem_alloc : memref<!tpu.dma_semaphore, #tpu.memory_space<semaphore_mem>>
        %dma_start3A = arith.constant 0 : i32
        %dma_start3A_172 = tpu.memref_slice %arg9[%run_scoped3A_157, %dma_start3A] : memref<16x128xi32, #tpu.memory_space<vmem>> -> memref<1x128xi32, #tpu.memory_space<vmem>>
        %dma_start3A_173 = tpu.memref_squeeze %dma_start3A_172 : memref<1x128xi32, #tpu.memory_space<vmem>> -> memref<128xi32, #tpu.memory_space<vmem>>
        %dma_start3A_174 = arith.constant 0 : i32
        %dma_start3A_175 = arith.constant 0 : i32
        %dma_start3A_176 = tpu.memref_slice %arg7[%dma_start3A_174, %dma_start3A_175] : memref<10240x64xf32, #tpu.memory_space<vmem_shared>> -> memref<10240x64xf32, #tpu.memory_space<vmem_shared>>
        tpu.enqueue_indirect_dma source(%dma_start3A_176 : memref<10240x64xf32, #tpu.memory_space<vmem_shared>>) target(%arg12 : memref<128x64xf32, #tpu.memory_space<vmem>>) offsets(%dma_start3A_173 : memref<128xi32, #tpu.memory_space<vmem>>) semaphore(%run_scoped3A_171 : memref<!tpu.dma_semaphore, #tpu.memory_space<semaphore_mem>>)
        %dma_wait3A = arith.constant 0 : i32
        %dma_wait3A_177 = tpu.memref_slice %arg9[%run_scoped3A_157, %dma_wait3A] : memref<16x128xi32, #tpu.memory_space<vmem>> -> memref<1x128xi32, #tpu.memory_space<vmem>>
        %dma_wait3A_178 = tpu.memref_squeeze %dma_wait3A_177 : memref<1x128xi32, #tpu.memory_space<vmem>> -> memref<128xi32, #tpu.memory_space<vmem>>
        %dma_wait3A_179 = arith.constant 0 : i32
        %dma_wait3A_180 = arith.constant 0 : i32
        %dma_wait3A_181 = tpu.memref_slice %arg7[%dma_wait3A_179, %dma_wait3A_180] : memref<10240x64xf32, #tpu.memory_space<vmem_shared>> -> memref<10240x64xf32, #tpu.memory_space<vmem_shared>>
        tpu.wait_indirect_dma semaphore(%run_scoped3A_171 : memref<!tpu.dma_semaphore, #tpu.memory_space<semaphore_mem>>) src(%dma_wait3A_181 : memref<10240x64xf32, #tpu.memory_space<vmem_shared>>) dst(%arg12 : memref<128x64xf32, #tpu.memory_space<vmem>>)
        tpu.yield
      }) : () -> ()
      %run_scoped3A_158 = arith.constant 9 : i32
      "tpu.region"() ({
        %run_scoped3A_171 = tpu.sem_alloc : memref<!tpu.dma_semaphore, #tpu.memory_space<semaphore_mem>>
        %dma_start3A = arith.constant 0 : i32
        %dma_start3A_172 = tpu.memref_slice %arg10[%run_scoped3A_158, %dma_start3A] : memref<16x128xi32, #tpu.memory_space<vmem>> -> memref<1x128xi32, #tpu.memory_space<vmem>>
        %dma_start3A_173 = tpu.memref_squeeze %dma_start3A_172 : memref<1x128xi32, #tpu.memory_space<vmem>> -> memref<128xi32, #tpu.memory_space<vmem>>
        %dma_start3A_174 = arith.constant 0 : i32
        %dma_start3A_175 = arith.constant 0 : i32
        %dma_start3A_176 = tpu.memref_slice %arg8[%dma_start3A_174, %dma_start3A_175] : memref<10240x64xf32, #tpu.memory_space<vmem_shared>> -> memref<10240x64xf32, #tpu.memory_space<vmem_shared>>
        tpu.enqueue_indirect_dma source(%arg12 : memref<128x64xf32, #tpu.memory_space<vmem>>) target(%dma_start3A_176 : memref<10240x64xf32, #tpu.memory_space<vmem_shared>>) offsets(%dma_start3A_173 : memref<128xi32, #tpu.memory_space<vmem>>) semaphore(%run_scoped3A_171 : memref<!tpu.dma_semaphore, #tpu.memory_space<semaphore_mem>>) {add = true}
        %dma_wait3A = arith.constant 0 : i32
        %dma_wait3A_177 = tpu.memref_slice %arg10[%run_scoped3A_158, %dma_wait3A] : memref<16x128xi32, #tpu.memory_space<vmem>> -> memref<1x128xi32, #tpu.memory_space<vmem>>
        %dma_wait3A_178 = tpu.memref_squeeze %dma_wait3A_177 : memref<1x128xi32, #tpu.memory_space<vmem>> -> memref<128xi32, #tpu.memory_space<vmem>>
        %dma_wait3A_179 = arith.constant 0 : i32
        %dma_wait3A_180 = arith.constant 0 : i32
        %dma_wait3A_181 = tpu.memref_slice %arg8[%dma_wait3A_179, %dma_wait3A_180] : memref<10240x64xf32, #tpu.memory_space<vmem_shared>> -> memref<10240x64xf32, #tpu.memory_space<vmem_shared>>
        tpu.wait_indirect_dma semaphore(%run_scoped3A_171 : memref<!tpu.dma_semaphore, #tpu.memory_space<semaphore_mem>>) src(%arg12 : memref<128x64xf32, #tpu.memory_space<vmem>>) dst(%dma_wait3A_181 : memref<10240x64xf32, #tpu.memory_space<vmem_shared>>)
        tpu.yield
      }) : () -> ()
      %run_scoped3A_159 = arith.constant 10 : i32
      "tpu.region"() ({
        %run_scoped3A_171 = tpu.sem_alloc : memref<!tpu.dma_semaphore, #tpu.memory_space<semaphore_mem>>
        %dma_start3A = arith.constant 0 : i32
        %dma_start3A_172 = tpu.memref_slice %arg9[%run_scoped3A_159, %dma_start3A] : memref<16x128xi32, #tpu.memory_space<vmem>> -> memref<1x128xi32, #tpu.memory_space<vmem>>
        %dma_start3A_173 = tpu.memref_squeeze %dma_start3A_172 : memref<1x128xi32, #tpu.memory_space<vmem>> -> memref<128xi32, #tpu.memory_space<vmem>>
        %dma_start3A_174 = arith.constant 0 : i32
        %dma_start3A_175 = arith.constant 0 : i32
        %dma_start3A_176 = tpu.memref_slice %arg7[%dma_start3A_174, %dma_start3A_175] : memref<10240x64xf32, #tpu.memory_space<vmem_shared>> -> memref<10240x64xf32, #tpu.memory_space<vmem_shared>>
        tpu.enqueue_indirect_dma source(%dma_start3A_176 : memref<10240x64xf32, #tpu.memory_space<vmem_shared>>) target(%arg11 : memref<128x64xf32, #tpu.memory_space<vmem>>) offsets(%dma_start3A_173 : memref<128xi32, #tpu.memory_space<vmem>>) semaphore(%run_scoped3A_171 : memref<!tpu.dma_semaphore, #tpu.memory_space<semaphore_mem>>)
        %dma_wait3A = arith.constant 0 : i32
        %dma_wait3A_177 = tpu.memref_slice %arg9[%run_scoped3A_159, %dma_wait3A] : memref<16x128xi32, #tpu.memory_space<vmem>> -> memref<1x128xi32, #tpu.memory_space<vmem>>
        %dma_wait3A_178 = tpu.memref_squeeze %dma_wait3A_177 : memref<1x128xi32, #tpu.memory_space<vmem>> -> memref<128xi32, #tpu.memory_space<vmem>>
        %dma_wait3A_179 = arith.constant 0 : i32
        %dma_wait3A_180 = arith.constant 0 : i32
        %dma_wait3A_181 = tpu.memref_slice %arg7[%dma_wait3A_179, %dma_wait3A_180] : memref<10240x64xf32, #tpu.memory_space<vmem_shared>> -> memref<10240x64xf32, #tpu.memory_space<vmem_shared>>
        tpu.wait_indirect_dma semaphore(%run_scoped3A_171 : memref<!tpu.dma_semaphore, #tpu.memory_space<semaphore_mem>>) src(%dma_wait3A_181 : memref<10240x64xf32, #tpu.memory_space<vmem_shared>>) dst(%arg11 : memref<128x64xf32, #tpu.memory_space<vmem>>)
        tpu.yield
      }) : () -> ()
      %run_scoped3A_160 = arith.constant 10 : i32
      "tpu.region"() ({
        %run_scoped3A_171 = tpu.sem_alloc : memref<!tpu.dma_semaphore, #tpu.memory_space<semaphore_mem>>
        %dma_start3A = arith.constant 0 : i32
        %dma_start3A_172 = tpu.memref_slice %arg10[%run_scoped3A_160, %dma_start3A] : memref<16x128xi32, #tpu.memory_space<vmem>> -> memref<1x128xi32, #tpu.memory_space<vmem>>
        %dma_start3A_173 = tpu.memref_squeeze %dma_start3A_172 : memref<1x128xi32, #tpu.memory_space<vmem>> -> memref<128xi32, #tpu.memory_space<vmem>>
        %dma_start3A_174 = arith.constant 0 : i32
        %dma_start3A_175 = arith.constant 0 : i32
        %dma_start3A_176 = tpu.memref_slice %arg8[%dma_start3A_174, %dma_start3A_175] : memref<10240x64xf32, #tpu.memory_space<vmem_shared>> -> memref<10240x64xf32, #tpu.memory_space<vmem_shared>>
        tpu.enqueue_indirect_dma source(%arg11 : memref<128x64xf32, #tpu.memory_space<vmem>>) target(%dma_start3A_176 : memref<10240x64xf32, #tpu.memory_space<vmem_shared>>) offsets(%dma_start3A_173 : memref<128xi32, #tpu.memory_space<vmem>>) semaphore(%run_scoped3A_171 : memref<!tpu.dma_semaphore, #tpu.memory_space<semaphore_mem>>) {add = true}
        %dma_wait3A = arith.constant 0 : i32
        %dma_wait3A_177 = tpu.memref_slice %arg10[%run_scoped3A_160, %dma_wait3A] : memref<16x128xi32, #tpu.memory_space<vmem>> -> memref<1x128xi32, #tpu.memory_space<vmem>>
        %dma_wait3A_178 = tpu.memref_squeeze %dma_wait3A_177 : memref<1x128xi32, #tpu.memory_space<vmem>> -> memref<128xi32, #tpu.memory_space<vmem>>
        %dma_wait3A_179 = arith.constant 0 : i32
        %dma_wait3A_180 = arith.constant 0 : i32
        %dma_wait3A_181 = tpu.memref_slice %arg8[%dma_wait3A_179, %dma_wait3A_180] : memref<10240x64xf32, #tpu.memory_space<vmem_shared>> -> memref<10240x64xf32, #tpu.memory_space<vmem_shared>>
        tpu.wait_indirect_dma semaphore(%run_scoped3A_171 : memref<!tpu.dma_semaphore, #tpu.memory_space<semaphore_mem>>) src(%arg11 : memref<128x64xf32, #tpu.memory_space<vmem>>) dst(%dma_wait3A_181 : memref<10240x64xf32, #tpu.memory_space<vmem_shared>>)
        tpu.yield
      }) : () -> ()
      %run_scoped3A_161 = arith.constant 11 : i32
      "tpu.region"() ({
        %run_scoped3A_171 = tpu.sem_alloc : memref<!tpu.dma_semaphore, #tpu.memory_space<semaphore_mem>>
        %dma_start3A = arith.constant 0 : i32
        %dma_start3A_172 = tpu.memref_slice %arg9[%run_scoped3A_161, %dma_start3A] : memref<16x128xi32, #tpu.memory_space<vmem>> -> memref<1x128xi32, #tpu.memory_space<vmem>>
        %dma_start3A_173 = tpu.memref_squeeze %dma_start3A_172 : memref<1x128xi32, #tpu.memory_space<vmem>> -> memref<128xi32, #tpu.memory_space<vmem>>
        %dma_start3A_174 = arith.constant 0 : i32
        %dma_start3A_175 = arith.constant 0 : i32
        %dma_start3A_176 = tpu.memref_slice %arg7[%dma_start3A_174, %dma_start3A_175] : memref<10240x64xf32, #tpu.memory_space<vmem_shared>> -> memref<10240x64xf32, #tpu.memory_space<vmem_shared>>
        tpu.enqueue_indirect_dma source(%dma_start3A_176 : memref<10240x64xf32, #tpu.memory_space<vmem_shared>>) target(%arg12 : memref<128x64xf32, #tpu.memory_space<vmem>>) offsets(%dma_start3A_173 : memref<128xi32, #tpu.memory_space<vmem>>) semaphore(%run_scoped3A_171 : memref<!tpu.dma_semaphore, #tpu.memory_space<semaphore_mem>>)
        %dma_wait3A = arith.constant 0 : i32
        %dma_wait3A_177 = tpu.memref_slice %arg9[%run_scoped3A_161, %dma_wait3A] : memref<16x128xi32, #tpu.memory_space<vmem>> -> memref<1x128xi32, #tpu.memory_space<vmem>>
        %dma_wait3A_178 = tpu.memref_squeeze %dma_wait3A_177 : memref<1x128xi32, #tpu.memory_space<vmem>> -> memref<128xi32, #tpu.memory_space<vmem>>
        %dma_wait3A_179 = arith.constant 0 : i32
        %dma_wait3A_180 = arith.constant 0 : i32
        %dma_wait3A_181 = tpu.memref_slice %arg7[%dma_wait3A_179, %dma_wait3A_180] : memref<10240x64xf32, #tpu.memory_space<vmem_shared>> -> memref<10240x64xf32, #tpu.memory_space<vmem_shared>>
        tpu.wait_indirect_dma semaphore(%run_scoped3A_171 : memref<!tpu.dma_semaphore, #tpu.memory_space<semaphore_mem>>) src(%dma_wait3A_181 : memref<10240x64xf32, #tpu.memory_space<vmem_shared>>) dst(%arg12 : memref<128x64xf32, #tpu.memory_space<vmem>>)
        tpu.yield
      }) : () -> ()
      %run_scoped3A_162 = arith.constant 11 : i32
      "tpu.region"() ({
        %run_scoped3A_171 = tpu.sem_alloc : memref<!tpu.dma_semaphore, #tpu.memory_space<semaphore_mem>>
        %dma_start3A = arith.constant 0 : i32
        %dma_start3A_172 = tpu.memref_slice %arg10[%run_scoped3A_162, %dma_start3A] : memref<16x128xi32, #tpu.memory_space<vmem>> -> memref<1x128xi32, #tpu.memory_space<vmem>>
        %dma_start3A_173 = tpu.memref_squeeze %dma_start3A_172 : memref<1x128xi32, #tpu.memory_space<vmem>> -> memref<128xi32, #tpu.memory_space<vmem>>
        %dma_start3A_174 = arith.constant 0 : i32
        %dma_start3A_175 = arith.constant 0 : i32
        %dma_start3A_176 = tpu.memref_slice %arg8[%dma_start3A_174, %dma_start3A_175] : memref<10240x64xf32, #tpu.memory_space<vmem_shared>> -> memref<10240x64xf32, #tpu.memory_space<vmem_shared>>
        tpu.enqueue_indirect_dma source(%arg12 : memref<128x64xf32, #tpu.memory_space<vmem>>) target(%dma_start3A_176 : memref<10240x64xf32, #tpu.memory_space<vmem_shared>>) offsets(%dma_start3A_173 : memref<128xi32, #tpu.memory_space<vmem>>) semaphore(%run_scoped3A_171 : memref<!tpu.dma_semaphore, #tpu.memory_space<semaphore_mem>>) {add = true}
        %dma_wait3A = arith.constant 0 : i32
        %dma_wait3A_177 = tpu.memref_slice %arg10[%run_scoped3A_162, %dma_wait3A] : memref<16x128xi32, #tpu.memory_space<vmem>> -> memref<1x128xi32, #tpu.memory_space<vmem>>
        %dma_wait3A_178 = tpu.memref_squeeze %dma_wait3A_177 : memref<1x128xi32, #tpu.memory_space<vmem>> -> memref<128xi32, #tpu.memory_space<vmem>>
        %dma_wait3A_179 = arith.constant 0 : i32
        %dma_wait3A_180 = arith.constant 0 : i32
        %dma_wait3A_181 = tpu.memref_slice %arg8[%dma_wait3A_179, %dma_wait3A_180] : memref<10240x64xf32, #tpu.memory_space<vmem_shared>> -> memref<10240x64xf32, #tpu.memory_space<vmem_shared>>
        tpu.wait_indirect_dma semaphore(%run_scoped3A_171 : memref<!tpu.dma_semaphore, #tpu.memory_space<semaphore_mem>>) src(%arg12 : memref<128x64xf32, #tpu.memory_space<vmem>>) dst(%dma_wait3A_181 : memref<10240x64xf32, #tpu.memory_space<vmem_shared>>)
        tpu.yield
      }) : () -> ()
      %run_scoped3A_163 = arith.constant 12 : i32
      "tpu.region"() ({
        %run_scoped3A_171 = tpu.sem_alloc : memref<!tpu.dma_semaphore, #tpu.memory_space<semaphore_mem>>
        %dma_start3A = arith.constant 0 : i32
        %dma_start3A_172 = tpu.memref_slice %arg9[%run_scoped3A_163, %dma_start3A] : memref<16x128xi32, #tpu.memory_space<vmem>> -> memref<1x128xi32, #tpu.memory_space<vmem>>
        %dma_start3A_173 = tpu.memref_squeeze %dma_start3A_172 : memref<1x128xi32, #tpu.memory_space<vmem>> -> memref<128xi32, #tpu.memory_space<vmem>>
        %dma_start3A_174 = arith.constant 0 : i32
        %dma_start3A_175 = arith.constant 0 : i32
        %dma_start3A_176 = tpu.memref_slice %arg7[%dma_start3A_174, %dma_start3A_175] : memref<10240x64xf32, #tpu.memory_space<vmem_shared>> -> memref<10240x64xf32, #tpu.memory_space<vmem_shared>>
        tpu.enqueue_indirect_dma source(%dma_start3A_176 : memref<10240x64xf32, #tpu.memory_space<vmem_shared>>) target(%arg11 : memref<128x64xf32, #tpu.memory_space<vmem>>) offsets(%dma_start3A_173 : memref<128xi32, #tpu.memory_space<vmem>>) semaphore(%run_scoped3A_171 : memref<!tpu.dma_semaphore, #tpu.memory_space<semaphore_mem>>)
        %dma_wait3A = arith.constant 0 : i32
        %dma_wait3A_177 = tpu.memref_slice %arg9[%run_scoped3A_163, %dma_wait3A] : memref<16x128xi32, #tpu.memory_space<vmem>> -> memref<1x128xi32, #tpu.memory_space<vmem>>
        %dma_wait3A_178 = tpu.memref_squeeze %dma_wait3A_177 : memref<1x128xi32, #tpu.memory_space<vmem>> -> memref<128xi32, #tpu.memory_space<vmem>>
        %dma_wait3A_179 = arith.constant 0 : i32
        %dma_wait3A_180 = arith.constant 0 : i32
        %dma_wait3A_181 = tpu.memref_slice %arg7[%dma_wait3A_179, %dma_wait3A_180] : memref<10240x64xf32, #tpu.memory_space<vmem_shared>> -> memref<10240x64xf32, #tpu.memory_space<vmem_shared>>
        tpu.wait_indirect_dma semaphore(%run_scoped3A_171 : memref<!tpu.dma_semaphore, #tpu.memory_space<semaphore_mem>>) src(%dma_wait3A_181 : memref<10240x64xf32, #tpu.memory_space<vmem_shared>>) dst(%arg11 : memref<128x64xf32, #tpu.memory_space<vmem>>)
        tpu.yield
      }) : () -> ()
      %run_scoped3A_164 = arith.constant 12 : i32
      "tpu.region"() ({
        %run_scoped3A_171 = tpu.sem_alloc : memref<!tpu.dma_semaphore, #tpu.memory_space<semaphore_mem>>
        %dma_start3A = arith.constant 0 : i32
        %dma_start3A_172 = tpu.memref_slice %arg10[%run_scoped3A_164, %dma_start3A] : memref<16x128xi32, #tpu.memory_space<vmem>> -> memref<1x128xi32, #tpu.memory_space<vmem>>
        %dma_start3A_173 = tpu.memref_squeeze %dma_start3A_172 : memref<1x128xi32, #tpu.memory_space<vmem>> -> memref<128xi32, #tpu.memory_space<vmem>>
        %dma_start3A_174 = arith.constant 0 : i32
        %dma_start3A_175 = arith.constant 0 : i32
        %dma_start3A_176 = tpu.memref_slice %arg8[%dma_start3A_174, %dma_start3A_175] : memref<10240x64xf32, #tpu.memory_space<vmem_shared>> -> memref<10240x64xf32, #tpu.memory_space<vmem_shared>>
        tpu.enqueue_indirect_dma source(%arg11 : memref<128x64xf32, #tpu.memory_space<vmem>>) target(%dma_start3A_176 : memref<10240x64xf32, #tpu.memory_space<vmem_shared>>) offsets(%dma_start3A_173 : memref<128xi32, #tpu.memory_space<vmem>>) semaphore(%run_scoped3A_171 : memref<!tpu.dma_semaphore, #tpu.memory_space<semaphore_mem>>) {add = true}
        %dma_wait3A = arith.constant 0 : i32
        %dma_wait3A_177 = tpu.memref_slice %arg10[%run_scoped3A_164, %dma_wait3A] : memref<16x128xi32, #tpu.memory_space<vmem>> -> memref<1x128xi32, #tpu.memory_space<vmem>>
        %dma_wait3A_178 = tpu.memref_squeeze %dma_wait3A_177 : memref<1x128xi32, #tpu.memory_space<vmem>> -> memref<128xi32, #tpu.memory_space<vmem>>
        %dma_wait3A_179 = arith.constant 0 : i32
        %dma_wait3A_180 = arith.constant 0 : i32
        %dma_wait3A_181 = tpu.memref_slice %arg8[%dma_wait3A_179, %dma_wait3A_180] : memref<10240x64xf32, #tpu.memory_space<vmem_shared>> -> memref<10240x64xf32, #tpu.memory_space<vmem_shared>>
        tpu.wait_indirect_dma semaphore(%run_scoped3A_171 : memref<!tpu.dma_semaphore, #tpu.memory_space<semaphore_mem>>) src(%arg11 : memref<128x64xf32, #tpu.memory_space<vmem>>) dst(%dma_wait3A_181 : memref<10240x64xf32, #tpu.memory_space<vmem_shared>>)
        tpu.yield
      }) : () -> ()
      %run_scoped3A_165 = arith.constant 13 : i32
      "tpu.region"() ({
        %run_scoped3A_171 = tpu.sem_alloc : memref<!tpu.dma_semaphore, #tpu.memory_space<semaphore_mem>>
        %dma_start3A = arith.constant 0 : i32
        %dma_start3A_172 = tpu.memref_slice %arg9[%run_scoped3A_165, %dma_start3A] : memref<16x128xi32, #tpu.memory_space<vmem>> -> memref<1x128xi32, #tpu.memory_space<vmem>>
        %dma_start3A_173 = tpu.memref_squeeze %dma_start3A_172 : memref<1x128xi32, #tpu.memory_space<vmem>> -> memref<128xi32, #tpu.memory_space<vmem>>
        %dma_start3A_174 = arith.constant 0 : i32
        %dma_start3A_175 = arith.constant 0 : i32
        %dma_start3A_176 = tpu.memref_slice %arg7[%dma_start3A_174, %dma_start3A_175] : memref<10240x64xf32, #tpu.memory_space<vmem_shared>> -> memref<10240x64xf32, #tpu.memory_space<vmem_shared>>
        tpu.enqueue_indirect_dma source(%dma_start3A_176 : memref<10240x64xf32, #tpu.memory_space<vmem_shared>>) target(%arg12 : memref<128x64xf32, #tpu.memory_space<vmem>>) offsets(%dma_start3A_173 : memref<128xi32, #tpu.memory_space<vmem>>) semaphore(%run_scoped3A_171 : memref<!tpu.dma_semaphore, #tpu.memory_space<semaphore_mem>>)
        %dma_wait3A = arith.constant 0 : i32
        %dma_wait3A_177 = tpu.memref_slice %arg9[%run_scoped3A_165, %dma_wait3A] : memref<16x128xi32, #tpu.memory_space<vmem>> -> memref<1x128xi32, #tpu.memory_space<vmem>>
        %dma_wait3A_178 = tpu.memref_squeeze %dma_wait3A_177 : memref<1x128xi32, #tpu.memory_space<vmem>> -> memref<128xi32, #tpu.memory_space<vmem>>
        %dma_wait3A_179 = arith.constant 0 : i32
        %dma_wait3A_180 = arith.constant 0 : i32
        %dma_wait3A_181 = tpu.memref_slice %arg7[%dma_wait3A_179, %dma_wait3A_180] : memref<10240x64xf32, #tpu.memory_space<vmem_shared>> -> memref<10240x64xf32, #tpu.memory_space<vmem_shared>>
        tpu.wait_indirect_dma semaphore(%run_scoped3A_171 : memref<!tpu.dma_semaphore, #tpu.memory_space<semaphore_mem>>) src(%dma_wait3A_181 : memref<10240x64xf32, #tpu.memory_space<vmem_shared>>) dst(%arg12 : memref<128x64xf32, #tpu.memory_space<vmem>>)
        tpu.yield
      }) : () -> ()
      %run_scoped3A_166 = arith.constant 13 : i32
      "tpu.region"() ({
        %run_scoped3A_171 = tpu.sem_alloc : memref<!tpu.dma_semaphore, #tpu.memory_space<semaphore_mem>>
        %dma_start3A = arith.constant 0 : i32
        %dma_start3A_172 = tpu.memref_slice %arg10[%run_scoped3A_166, %dma_start3A] : memref<16x128xi32, #tpu.memory_space<vmem>> -> memref<1x128xi32, #tpu.memory_space<vmem>>
        %dma_start3A_173 = tpu.memref_squeeze %dma_start3A_172 : memref<1x128xi32, #tpu.memory_space<vmem>> -> memref<128xi32, #tpu.memory_space<vmem>>
        %dma_start3A_174 = arith.constant 0 : i32
        %dma_start3A_175 = arith.constant 0 : i32
        %dma_start3A_176 = tpu.memref_slice %arg8[%dma_start3A_174, %dma_start3A_175] : memref<10240x64xf32, #tpu.memory_space<vmem_shared>> -> memref<10240x64xf32, #tpu.memory_space<vmem_shared>>
        tpu.enqueue_indirect_dma source(%arg12 : memref<128x64xf32, #tpu.memory_space<vmem>>) target(%dma_start3A_176 : memref<10240x64xf32, #tpu.memory_space<vmem_shared>>) offsets(%dma_start3A_173 : memref<128xi32, #tpu.memory_space<vmem>>) semaphore(%run_scoped3A_171 : memref<!tpu.dma_semaphore, #tpu.memory_space<semaphore_mem>>) {add = true}
        %dma_wait3A = arith.constant 0 : i32
        %dma_wait3A_177 = tpu.memref_slice %arg10[%run_scoped3A_166, %dma_wait3A] : memref<16x128xi32, #tpu.memory_space<vmem>> -> memref<1x128xi32, #tpu.memory_space<vmem>>
        %dma_wait3A_178 = tpu.memref_squeeze %dma_wait3A_177 : memref<1x128xi32, #tpu.memory_space<vmem>> -> memref<128xi32, #tpu.memory_space<vmem>>
        %dma_wait3A_179 = arith.constant 0 : i32
        %dma_wait3A_180 = arith.constant 0 : i32
        %dma_wait3A_181 = tpu.memref_slice %arg8[%dma_wait3A_179, %dma_wait3A_180] : memref<10240x64xf32, #tpu.memory_space<vmem_shared>> -> memref<10240x64xf32, #tpu.memory_space<vmem_shared>>
        tpu.wait_indirect_dma semaphore(%run_scoped3A_171 : memref<!tpu.dma_semaphore, #tpu.memory_space<semaphore_mem>>) src(%arg12 : memref<128x64xf32, #tpu.memory_space<vmem>>) dst(%dma_wait3A_181 : memref<10240x64xf32, #tpu.memory_space<vmem_shared>>)
        tpu.yield
      }) : () -> ()
      %run_scoped3A_167 = arith.constant 14 : i32
      "tpu.region"() ({
        %run_scoped3A_171 = tpu.sem_alloc : memref<!tpu.dma_semaphore, #tpu.memory_space<semaphore_mem>>
        %dma_start3A = arith.constant 0 : i32
        %dma_start3A_172 = tpu.memref_slice %arg9[%run_scoped3A_167, %dma_start3A] : memref<16x128xi32, #tpu.memory_space<vmem>> -> memref<1x128xi32, #tpu.memory_space<vmem>>
        %dma_start3A_173 = tpu.memref_squeeze %dma_start3A_172 : memref<1x128xi32, #tpu.memory_space<vmem>> -> memref<128xi32, #tpu.memory_space<vmem>>
        %dma_start3A_174 = arith.constant 0 : i32
        %dma_start3A_175 = arith.constant 0 : i32
        %dma_start3A_176 = tpu.memref_slice %arg7[%dma_start3A_174, %dma_start3A_175] : memref<10240x64xf32, #tpu.memory_space<vmem_shared>> -> memref<10240x64xf32, #tpu.memory_space<vmem_shared>>
        tpu.enqueue_indirect_dma source(%dma_start3A_176 : memref<10240x64xf32, #tpu.memory_space<vmem_shared>>) target(%arg11 : memref<128x64xf32, #tpu.memory_space<vmem>>) offsets(%dma_start3A_173 : memref<128xi32, #tpu.memory_space<vmem>>) semaphore(%run_scoped3A_171 : memref<!tpu.dma_semaphore, #tpu.memory_space<semaphore_mem>>)
        %dma_wait3A = arith.constant 0 : i32
        %dma_wait3A_177 = tpu.memref_slice %arg9[%run_scoped3A_167, %dma_wait3A] : memref<16x128xi32, #tpu.memory_space<vmem>> -> memref<1x128xi32, #tpu.memory_space<vmem>>
        %dma_wait3A_178 = tpu.memref_squeeze %dma_wait3A_177 : memref<1x128xi32, #tpu.memory_space<vmem>> -> memref<128xi32, #tpu.memory_space<vmem>>
        %dma_wait3A_179 = arith.constant 0 : i32
        %dma_wait3A_180 = arith.constant 0 : i32
        %dma_wait3A_181 = tpu.memref_slice %arg7[%dma_wait3A_179, %dma_wait3A_180] : memref<10240x64xf32, #tpu.memory_space<vmem_shared>> -> memref<10240x64xf32, #tpu.memory_space<vmem_shared>>
        tpu.wait_indirect_dma semaphore(%run_scoped3A_171 : memref<!tpu.dma_semaphore, #tpu.memory_space<semaphore_mem>>) src(%dma_wait3A_181 : memref<10240x64xf32, #tpu.memory_space<vmem_shared>>) dst(%arg11 : memref<128x64xf32, #tpu.memory_space<vmem>>)
        tpu.yield
      }) : () -> ()
      %run_scoped3A_168 = arith.constant 14 : i32
      "tpu.region"() ({
        %run_scoped3A_171 = tpu.sem_alloc : memref<!tpu.dma_semaphore, #tpu.memory_space<semaphore_mem>>
        %dma_start3A = arith.constant 0 : i32
        %dma_start3A_172 = tpu.memref_slice %arg10[%run_scoped3A_168, %dma_start3A] : memref<16x128xi32, #tpu.memory_space<vmem>> -> memref<1x128xi32, #tpu.memory_space<vmem>>
        %dma_start3A_173 = tpu.memref_squeeze %dma_start3A_172 : memref<1x128xi32, #tpu.memory_space<vmem>> -> memref<128xi32, #tpu.memory_space<vmem>>
        %dma_start3A_174 = arith.constant 0 : i32
        %dma_start3A_175 = arith.constant 0 : i32
        %dma_start3A_176 = tpu.memref_slice %arg8[%dma_start3A_174, %dma_start3A_175] : memref<10240x64xf32, #tpu.memory_space<vmem_shared>> -> memref<10240x64xf32, #tpu.memory_space<vmem_shared>>
        tpu.enqueue_indirect_dma source(%arg11 : memref<128x64xf32, #tpu.memory_space<vmem>>) target(%dma_start3A_176 : memref<10240x64xf32, #tpu.memory_space<vmem_shared>>) offsets(%dma_start3A_173 : memref<128xi32, #tpu.memory_space<vmem>>) semaphore(%run_scoped3A_171 : memref<!tpu.dma_semaphore, #tpu.memory_space<semaphore_mem>>) {add = true}
        %dma_wait3A = arith.constant 0 : i32
        %dma_wait3A_177 = tpu.memref_slice %arg10[%run_scoped3A_168, %dma_wait3A] : memref<16x128xi32, #tpu.memory_space<vmem>> -> memref<1x128xi32, #tpu.memory_space<vmem>>
        %dma_wait3A_178 = tpu.memref_squeeze %dma_wait3A_177 : memref<1x128xi32, #tpu.memory_space<vmem>> -> memref<128xi32, #tpu.memory_space<vmem>>
        %dma_wait3A_179 = arith.constant 0 : i32
        %dma_wait3A_180 = arith.constant 0 : i32
        %dma_wait3A_181 = tpu.memref_slice %arg8[%dma_wait3A_179, %dma_wait3A_180] : memref<10240x64xf32, #tpu.memory_space<vmem_shared>> -> memref<10240x64xf32, #tpu.memory_space<vmem_shared>>
        tpu.wait_indirect_dma semaphore(%run_scoped3A_171 : memref<!tpu.dma_semaphore, #tpu.memory_space<semaphore_mem>>) src(%arg11 : memref<128x64xf32, #tpu.memory_space<vmem>>) dst(%dma_wait3A_181 : memref<10240x64xf32, #tpu.memory_space<vmem_shared>>)
        tpu.yield
      }) : () -> ()
      %run_scoped3A_169 = arith.constant 15 : i32
      "tpu.region"() ({
        %run_scoped3A_171 = tpu.sem_alloc : memref<!tpu.dma_semaphore, #tpu.memory_space<semaphore_mem>>
        %dma_start3A = arith.constant 0 : i32
        %dma_start3A_172 = tpu.memref_slice %arg9[%run_scoped3A_169, %dma_start3A] : memref<16x128xi32, #tpu.memory_space<vmem>> -> memref<1x128xi32, #tpu.memory_space<vmem>>
        %dma_start3A_173 = tpu.memref_squeeze %dma_start3A_172 : memref<1x128xi32, #tpu.memory_space<vmem>> -> memref<128xi32, #tpu.memory_space<vmem>>
        %dma_start3A_174 = arith.constant 0 : i32
        %dma_start3A_175 = arith.constant 0 : i32
        %dma_start3A_176 = tpu.memref_slice %arg7[%dma_start3A_174, %dma_start3A_175] : memref<10240x64xf32, #tpu.memory_space<vmem_shared>> -> memref<10240x64xf32, #tpu.memory_space<vmem_shared>>
        tpu.enqueue_indirect_dma source(%dma_start3A_176 : memref<10240x64xf32, #tpu.memory_space<vmem_shared>>) target(%arg12 : memref<128x64xf32, #tpu.memory_space<vmem>>) offsets(%dma_start3A_173 : memref<128xi32, #tpu.memory_space<vmem>>) semaphore(%run_scoped3A_171 : memref<!tpu.dma_semaphore, #tpu.memory_space<semaphore_mem>>)
        %dma_wait3A = arith.constant 0 : i32
        %dma_wait3A_177 = tpu.memref_slice %arg9[%run_scoped3A_169, %dma_wait3A] : memref<16x128xi32, #tpu.memory_space<vmem>> -> memref<1x128xi32, #tpu.memory_space<vmem>>
        %dma_wait3A_178 = tpu.memref_squeeze %dma_wait3A_177 : memref<1x128xi32, #tpu.memory_space<vmem>> -> memref<128xi32, #tpu.memory_space<vmem>>
        %dma_wait3A_179 = arith.constant 0 : i32
        %dma_wait3A_180 = arith.constant 0 : i32
        %dma_wait3A_181 = tpu.memref_slice %arg7[%dma_wait3A_179, %dma_wait3A_180] : memref<10240x64xf32, #tpu.memory_space<vmem_shared>> -> memref<10240x64xf32, #tpu.memory_space<vmem_shared>>
        tpu.wait_indirect_dma semaphore(%run_scoped3A_171 : memref<!tpu.dma_semaphore, #tpu.memory_space<semaphore_mem>>) src(%dma_wait3A_181 : memref<10240x64xf32, #tpu.memory_space<vmem_shared>>) dst(%arg12 : memref<128x64xf32, #tpu.memory_space<vmem>>)
        tpu.yield
      }) : () -> ()
      %run_scoped3A_170 = arith.constant 15 : i32
      "tpu.region"() ({
        %run_scoped3A_171 = tpu.sem_alloc : memref<!tpu.dma_semaphore, #tpu.memory_space<semaphore_mem>>
        %dma_start3A = arith.constant 0 : i32
        %dma_start3A_172 = tpu.memref_slice %arg10[%run_scoped3A_170, %dma_start3A] : memref<16x128xi32, #tpu.memory_space<vmem>> -> memref<1x128xi32, #tpu.memory_space<vmem>>
        %dma_start3A_173 = tpu.memref_squeeze %dma_start3A_172 : memref<1x128xi32, #tpu.memory_space<vmem>> -> memref<128xi32, #tpu.memory_space<vmem>>
        %dma_start3A_174 = arith.constant 0 : i32
        %dma_start3A_175 = arith.constant 0 : i32
        %dma_start3A_176 = tpu.memref_slice %arg8[%dma_start3A_174, %dma_start3A_175] : memref<10240x64xf32, #tpu.memory_space<vmem_shared>> -> memref<10240x64xf32, #tpu.memory_space<vmem_shared>>
        tpu.enqueue_indirect_dma source(%arg12 : memref<128x64xf32, #tpu.memory_space<vmem>>) target(%dma_start3A_176 : memref<10240x64xf32, #tpu.memory_space<vmem_shared>>) offsets(%dma_start3A_173 : memref<128xi32, #tpu.memory_space<vmem>>) semaphore(%run_scoped3A_171 : memref<!tpu.dma_semaphore, #tpu.memory_space<semaphore_mem>>) {add = true}
        %dma_wait3A = arith.constant 0 : i32
        %dma_wait3A_177 = tpu.memref_slice %arg10[%run_scoped3A_170, %dma_wait3A] : memref<16x128xi32, #tpu.memory_space<vmem>> -> memref<1x128xi32, #tpu.memory_space<vmem>>
        %dma_wait3A_178 = tpu.memref_squeeze %dma_wait3A_177 : memref<1x128xi32, #tpu.memory_space<vmem>> -> memref<128xi32, #tpu.memory_space<vmem>>
        %dma_wait3A_179 = arith.constant 0 : i32
        %dma_wait3A_180 = arith.constant 0 : i32
        %dma_wait3A_181 = tpu.memref_slice %arg8[%dma_wait3A_179, %dma_wait3A_180] : memref<10240x64xf32, #tpu.memory_space<vmem_shared>> -> memref<10240x64xf32, #tpu.memory_space<vmem_shared>>
        tpu.wait_indirect_dma semaphore(%run_scoped3A_171 : memref<!tpu.dma_semaphore, #tpu.memory_space<semaphore_mem>>) src(%arg12 : memref<128x64xf32, #tpu.memory_space<vmem>>) dst(%dma_wait3A_181 : memref<10240x64xf32, #tpu.memory_space<vmem_shared>>)
        tpu.yield
      }) : () -> ()
    }
    %scan3A_87 = arith.constant 10 : i32
    %barrier3A_88 = arith.constant 0 : index
    tpu.barrier barrier_id(%barrier3A_88)
    %add3A_89 = arith.constant 0 : i32
    %add3A_90 = arith.addi %mul3A_0, %add3A_89 : i32
    "tpu.region"() ({
      %run_scoped3A = tpu.sem_alloc : memref<!tpu.dma_semaphore, #tpu.memory_space<semaphore_mem>>
      %dma_start3A = arith.constant 0 : i32
      %dma_start3A_135 = tpu.memref_slice %arg7[%add3A_90, %dma_start3A] : memref<10240x64xf32, #tpu.memory_space<vmem_shared>> -> memref<128x64xf32, #tpu.memory_space<vmem_shared>>
      %dma_start3A_136 = arith.constant 0 : i32
      %dma_start3A_137 = tpu.memref_slice %arg7[%add3A_90, %dma_start3A_136] : memref<10240x64xf32, #tpu.memory_space<vmem_shared>> -> memref<128x64xf32, #tpu.memory_space<vmem_shared>>
      tpu.enqueue_dma source(%dma_start3A_137 : memref<128x64xf32, #tpu.memory_space<vmem_shared>>) target(%arg11 : memref<128x64xf32, #tpu.memory_space<vmem>>) target_semaphore(%run_scoped3A : memref<!tpu.dma_semaphore, #tpu.memory_space<semaphore_mem>>)
      %dma_wait3A = arith.constant 0 : i32
      %dma_wait3A_138 = tpu.memref_slice %arg7[%add3A_90, %dma_wait3A] : memref<10240x64xf32, #tpu.memory_space<vmem_shared>> -> memref<128x64xf32, #tpu.memory_space<vmem_shared>>
      %dma_wait3A_139 = arith.constant 0 : i32
      %dma_wait3A_140 = tpu.memref_slice %arg7[%add3A_90, %dma_wait3A_139] : memref<10240x64xf32, #tpu.memory_space<vmem_shared>> -> memref<128x64xf32, #tpu.memory_space<vmem_shared>>
      tpu.wait_dma2 semaphore(%run_scoped3A : memref<!tpu.dma_semaphore, #tpu.memory_space<semaphore_mem>>) src(%dma_wait3A_140 : memref<128x64xf32, #tpu.memory_space<vmem_shared>>) dst(%arg11 : memref<128x64xf32, #tpu.memory_space<vmem>>)
      tpu.yield
    }) : () -> ()
    "tpu.region"() ({
      %run_scoped3A = tpu.sem_alloc : memref<!tpu.dma_semaphore, #tpu.memory_space<semaphore_mem>>
      %dma_start3A = arith.constant 0 : i32
      %dma_start3A_135 = tpu.memref_slice %arg8[%add3A_90, %dma_start3A] : memref<10240x64xf32, #tpu.memory_space<vmem_shared>> -> memref<128x64xf32, #tpu.memory_space<vmem_shared>>
      %dma_start3A_136 = arith.constant 0 : i32
      %dma_start3A_137 = tpu.memref_slice %arg8[%add3A_90, %dma_start3A_136] : memref<10240x64xf32, #tpu.memory_space<vmem_shared>> -> memref<128x64xf32, #tpu.memory_space<vmem_shared>>
      tpu.enqueue_dma source(%dma_start3A_137 : memref<128x64xf32, #tpu.memory_space<vmem_shared>>) target(%arg12 : memref<128x64xf32, #tpu.memory_space<vmem>>) target_semaphore(%run_scoped3A : memref<!tpu.dma_semaphore, #tpu.memory_space<semaphore_mem>>)
      %dma_wait3A = arith.constant 0 : i32
      %dma_wait3A_138 = tpu.memref_slice %arg8[%add3A_90, %dma_wait3A] : memref<10240x64xf32, #tpu.memory_space<vmem_shared>> -> memref<128x64xf32, #tpu.memory_space<vmem_shared>>
      %dma_wait3A_139 = arith.constant 0 : i32
      %dma_wait3A_140 = tpu.memref_slice %arg8[%add3A_90, %dma_wait3A_139] : memref<10240x64xf32, #tpu.memory_space<vmem_shared>> -> memref<128x64xf32, #tpu.memory_space<vmem_shared>>
      tpu.wait_dma2 semaphore(%run_scoped3A : memref<!tpu.dma_semaphore, #tpu.memory_space<semaphore_mem>>) src(%dma_wait3A_140 : memref<128x64xf32, #tpu.memory_space<vmem_shared>>) dst(%arg12 : memref<128x64xf32, #tpu.memory_space<vmem>>)
      tpu.yield
    }) : () -> ()
    %scan3A_91 = arith.constant 0 : i32
    %scan3A_92 = arith.constant 128 : i32
    %scan3A_93 = arith.addi %scan3A_91, %scan3A_92 : i32
    %scan3A_94 = arith.constant 1 : i32
    scf.for %scan3A_135 = %scan3A_91 to %scan3A_93 step %scan3A_94  : i32 {
      %add3A_136 = arith.constant 0 : i32
      %add3A_137 = arith.addi %add3A_136, %scan3A_135 : i32
      %get3A = arith.index_cast %add3A_137 : i32 to index
      %get3A_138 = tpu.vector_load %arg13[%get3A] {strides = array<i32>} : memref<656xf32, #tpu.memory_space<vmem>>, vector<16xf32>,
      %get3A_139 = vector.shape_cast %get3A_138 : vector<16xf32> to vector<16xf32>
      %slice3A = vector.extract_strided_slice %get3A_139 {offsets = [0], sizes = [1], strides = [1]} : vector<16xf32> to vector<1xf32>
      %squeeze3A = vector.extract %slice3A[0] : f32 from vector<1xf32>
      %broadcast_in_dim3A = vector.broadcast %squeeze3A : f32 to vector<16xf32>
      %get3A_140 = arith.index_cast %scan3A_135 : i32 to index
      %get3A_141 = arith.constant 0 : index
      %get3A_142 = tpu.vector_load %arg11[%get3A_140, %get3A_141] {strides = array<i32>} : memref<128x64xf32, #tpu.memory_space<vmem>>, vector<1x16xf32>,
      %get3A_143 = vector.shape_cast %get3A_142 : vector<1x16xf32> to vector<16xf32>
      %get3A_144 = arith.index_cast %scan3A_135 : i32 to index
      %get3A_145 = arith.constant 0 : index
      %get3A_146 = tpu.vector_load %arg12[%get3A_144, %get3A_145] {strides = array<i32>} : memref<128x64xf32, #tpu.memory_space<vmem>>, vector<1x16xf32>,
      %get3A_147 = vector.shape_cast %get3A_146 : vector<1x16xf32> to vector<16xf32>
      %mul3A_148 = arith.constant 1.000000e-01 : f32
      %mul3A_149 = vector.broadcast %mul3A_148 : f32 to vector<16xf32>
      %mul3A_150 = arith.mulf %mul3A_149, %get3A_147 : vector<16xf32>
      %add3A_151 = arith.addf %get3A_143, %mul3A_150 : vector<16xf32>
      %mul3A_152 = arith.mulf %add3A_151, %broadcast_in_dim3A : vector<16xf32>
      %swap3A = arith.index_cast %scan3A_135 : i32 to index
      %swap3A_153 = arith.constant 0 : index
      %swap3A_154 = tpu.vector_load %arg11[%swap3A, %swap3A_153] {strides = array<i32>} : memref<128x64xf32, #tpu.memory_space<vmem>>, vector<1x16xf32>,
      %swap3A_155 = vector.shape_cast %swap3A_154 : vector<1x16xf32> to vector<16xf32>
      %swap3A_156 = vector.shape_cast %mul3A_152 : vector<16xf32> to vector<1x16xf32>
      tpu.vector_store %arg11[%swap3A, %swap3A_153], %swap3A_156 {strides = array<i32>} : memref<128x64xf32, #tpu.memory_space<vmem>>, vector<1x16xf32>,
      %get3A_157 = arith.index_cast %scan3A_135 : i32 to index
      %get3A_158 = arith.constant 16 : index
      %get3A_159 = tpu.vector_load %arg11[%get3A_157, %get3A_158] {strides = array<i32>} : memref<128x64xf32, #tpu.memory_space<vmem>>, vector<1x16xf32>,
      %get3A_160 = vector.shape_cast %get3A_159 : vector<1x16xf32> to vector<16xf32>
      %get3A_161 = arith.index_cast %scan3A_135 : i32 to index
      %get3A_162 = arith.constant 16 : index
      %get3A_163 = tpu.vector_load %arg12[%get3A_161, %get3A_162] {strides = array<i32>} : memref<128x64xf32, #tpu.memory_space<vmem>>, vector<1x16xf32>,
      %get3A_164 = vector.shape_cast %get3A_163 : vector<1x16xf32> to vector<16xf32>
      %mul3A_165 = arith.constant 1.000000e-01 : f32
      %mul3A_166 = vector.broadcast %mul3A_165 : f32 to vector<16xf32>
      %mul3A_167 = arith.mulf %mul3A_166, %get3A_164 : vector<16xf32>
      %add3A_168 = arith.addf %get3A_160, %mul3A_167 : vector<16xf32>
      %mul3A_169 = arith.mulf %add3A_168, %broadcast_in_dim3A : vector<16xf32>
      %swap3A_170 = arith.index_cast %scan3A_135 : i32 to index
      %swap3A_171 = arith.constant 16 : index
      %swap3A_172 = tpu.vector_load %arg11[%swap3A_170, %swap3A_171] {strides = array<i32>} : memref<128x64xf32, #tpu.memory_space<vmem>>, vector<1x16xf32>,
      %swap3A_173 = vector.shape_cast %swap3A_172 : vector<1x16xf32> to vector<16xf32>
      %swap3A_174 = vector.shape_cast %mul3A_169 : vector<16xf32> to vector<1x16xf32>
      tpu.vector_store %arg11[%swap3A_170, %swap3A_171], %swap3A_174 {strides = array<i32>} : memref<128x64xf32, #tpu.memory_space<vmem>>, vector<1x16xf32>,
      %get3A_175 = arith.index_cast %scan3A_135 : i32 to index
      %get3A_176 = arith.constant 32 : index
      %get3A_177 = tpu.vector_load %arg11[%get3A_175, %get3A_176] {strides = array<i32>} : memref<128x64xf32, #tpu.memory_space<vmem>>, vector<1x16xf32>,
      %get3A_178 = vector.shape_cast %get3A_177 : vector<1x16xf32> to vector<16xf32>
      %get3A_179 = arith.index_cast %scan3A_135 : i32 to index
      %get3A_180 = arith.constant 32 : index
      %get3A_181 = tpu.vector_load %arg12[%get3A_179, %get3A_180] {strides = array<i32>} : memref<128x64xf32, #tpu.memory_space<vmem>>, vector<1x16xf32>,
      %get3A_182 = vector.shape_cast %get3A_181 : vector<1x16xf32> to vector<16xf32>
      %mul3A_183 = arith.constant 1.000000e-01 : f32
      %mul3A_184 = vector.broadcast %mul3A_183 : f32 to vector<16xf32>
      %mul3A_185 = arith.mulf %mul3A_184, %get3A_182 : vector<16xf32>
      %add3A_186 = arith.addf %get3A_178, %mul3A_185 : vector<16xf32>
      %mul3A_187 = arith.mulf %add3A_186, %broadcast_in_dim3A : vector<16xf32>
      %swap3A_188 = arith.index_cast %scan3A_135 : i32 to index
      %swap3A_189 = arith.constant 32 : index
      %swap3A_190 = tpu.vector_load %arg11[%swap3A_188, %swap3A_189] {strides = array<i32>} : memref<128x64xf32, #tpu.memory_space<vmem>>, vector<1x16xf32>,
      %swap3A_191 = vector.shape_cast %swap3A_190 : vector<1x16xf32> to vector<16xf32>
      %swap3A_192 = vector.shape_cast %mul3A_187 : vector<16xf32> to vector<1x16xf32>
      tpu.vector_store %arg11[%swap3A_188, %swap3A_189], %swap3A_192 {strides = array<i32>} : memref<128x64xf32, #tpu.memory_space<vmem>>, vector<1x16xf32>,
      %get3A_193 = arith.index_cast %scan3A_135 : i32 to index
      %get3A_194 = arith.constant 48 : index
      %get3A_195 = tpu.vector_load %arg11[%get3A_193, %get3A_194] {strides = array<i32>} : memref<128x64xf32, #tpu.memory_space<vmem>>, vector<1x16xf32>,
      %get3A_196 = vector.shape_cast %get3A_195 : vector<1x16xf32> to vector<16xf32>
      %get3A_197 = arith.index_cast %scan3A_135 : i32 to index
      %get3A_198 = arith.constant 48 : index
      %get3A_199 = tpu.vector_load %arg12[%get3A_197, %get3A_198] {strides = array<i32>} : memref<128x64xf32, #tpu.memory_space<vmem>>, vector<1x16xf32>,
      %get3A_200 = vector.shape_cast %get3A_199 : vector<1x16xf32> to vector<16xf32>
      %mul3A_201 = arith.constant 1.000000e-01 : f32
      %mul3A_202 = vector.broadcast %mul3A_201 : f32 to vector<16xf32>
      %mul3A_203 = arith.mulf %mul3A_202, %get3A_200 : vector<16xf32>
      %add3A_204 = arith.addf %get3A_196, %mul3A_203 : vector<16xf32>
      %mul3A_205 = arith.mulf %add3A_204, %broadcast_in_dim3A : vector<16xf32>
      %swap3A_206 = arith.index_cast %scan3A_135 : i32 to index
      %swap3A_207 = arith.constant 48 : index
      %swap3A_208 = tpu.vector_load %arg11[%swap3A_206, %swap3A_207] {strides = array<i32>} : memref<128x64xf32, #tpu.memory_space<vmem>>, vector<1x16xf32>,
      %swap3A_209 = vector.shape_cast %swap3A_208 : vector<1x16xf32> to vector<16xf32>
      %swap3A_210 = vector.shape_cast %mul3A_205 : vector<16xf32> to vector<1x16xf32>
      tpu.vector_store %arg11[%swap3A_206, %swap3A_207], %swap3A_210 {strides = array<i32>} : memref<128x64xf32, #tpu.memory_space<vmem>>, vector<1x16xf32>,
    }
    %scan3A_95 = arith.constant 128 : i32
    "tpu.region"() ({
      %run_scoped3A = tpu.sem_alloc : memref<!tpu.dma_semaphore, #tpu.memory_space<semaphore_mem>>
      %dma_start3A = arith.constant 0 : i32
      %dma_start3A_135 = tpu.memref_slice %arg7[%add3A_90, %dma_start3A] : memref<10240x64xf32, #tpu.memory_space<vmem_shared>> -> memref<128x64xf32, #tpu.memory_space<vmem_shared>>
      %dma_start3A_136 = arith.constant 0 : i32
      %dma_start3A_137 = tpu.memref_slice %arg7[%add3A_90, %dma_start3A_136] : memref<10240x64xf32, #tpu.memory_space<vmem_shared>> -> memref<128x64xf32, #tpu.memory_space<vmem_shared>>
      tpu.enqueue_dma source(%arg11 : memref<128x64xf32, #tpu.memory_space<vmem>>) target(%dma_start3A_137 : memref<128x64xf32, #tpu.memory_space<vmem_shared>>) target_semaphore(%run_scoped3A : memref<!tpu.dma_semaphore, #tpu.memory_space<semaphore_mem>>)
      %dma_wait3A = arith.constant 0 : i32
      %dma_wait3A_138 = tpu.memref_slice %arg7[%add3A_90, %dma_wait3A] : memref<10240x64xf32, #tpu.memory_space<vmem_shared>> -> memref<128x64xf32, #tpu.memory_space<vmem_shared>>
      %dma_wait3A_139 = arith.constant 0 : i32
      %dma_wait3A_140 = tpu.memref_slice %arg7[%add3A_90, %dma_wait3A_139] : memref<10240x64xf32, #tpu.memory_space<vmem_shared>> -> memref<128x64xf32, #tpu.memory_space<vmem_shared>>
      tpu.wait_dma2 semaphore(%run_scoped3A : memref<!tpu.dma_semaphore, #tpu.memory_space<semaphore_mem>>) src(%arg11 : memref<128x64xf32, #tpu.memory_space<vmem>>) dst(%dma_wait3A_140 : memref<128x64xf32, #tpu.memory_space<vmem_shared>>)
      tpu.yield
    }) : () -> ()
    %add3A_96 = arith.constant 128 : i32
    %add3A_97 = arith.addi %mul3A_0, %add3A_96 : i32
    "tpu.region"() ({
      %run_scoped3A = tpu.sem_alloc : memref<!tpu.dma_semaphore, #tpu.memory_space<semaphore_mem>>
      %dma_start3A = arith.constant 0 : i32
      %dma_start3A_135 = tpu.memref_slice %arg7[%add3A_97, %dma_start3A] : memref<10240x64xf32, #tpu.memory_space<vmem_shared>> -> memref<128x64xf32, #tpu.memory_space<vmem_shared>>
      %dma_start3A_136 = arith.constant 0 : i32
      %dma_start3A_137 = tpu.memref_slice %arg7[%add3A_97, %dma_start3A_136] : memref<10240x64xf32, #tpu.memory_space<vmem_shared>> -> memref<128x64xf32, #tpu.memory_space<vmem_shared>>
      tpu.enqueue_dma source(%dma_start3A_137 : memref<128x64xf32, #tpu.memory_space<vmem_shared>>) target(%arg11 : memref<128x64xf32, #tpu.memory_space<vmem>>) target_semaphore(%run_scoped3A : memref<!tpu.dma_semaphore, #tpu.memory_space<semaphore_mem>>)
      %dma_wait3A = arith.constant 0 : i32
      %dma_wait3A_138 = tpu.memref_slice %arg7[%add3A_97, %dma_wait3A] : memref<10240x64xf32, #tpu.memory_space<vmem_shared>> -> memref<128x64xf32, #tpu.memory_space<vmem_shared>>
      %dma_wait3A_139 = arith.constant 0 : i32
      %dma_wait3A_140 = tpu.memref_slice %arg7[%add3A_97, %dma_wait3A_139] : memref<10240x64xf32, #tpu.memory_space<vmem_shared>> -> memref<128x64xf32, #tpu.memory_space<vmem_shared>>
      tpu.wait_dma2 semaphore(%run_scoped3A : memref<!tpu.dma_semaphore, #tpu.memory_space<semaphore_mem>>) src(%dma_wait3A_140 : memref<128x64xf32, #tpu.memory_space<vmem_shared>>) dst(%arg11 : memref<128x64xf32, #tpu.memory_space<vmem>>)
      tpu.yield
    }) : () -> ()
    "tpu.region"() ({
      %run_scoped3A = tpu.sem_alloc : memref<!tpu.dma_semaphore, #tpu.memory_space<semaphore_mem>>
      %dma_start3A = arith.constant 0 : i32
      %dma_start3A_135 = tpu.memref_slice %arg8[%add3A_97, %dma_start3A] : memref<10240x64xf32, #tpu.memory_space<vmem_shared>> -> memref<128x64xf32, #tpu.memory_space<vmem_shared>>
      %dma_start3A_136 = arith.constant 0 : i32
      %dma_start3A_137 = tpu.memref_slice %arg8[%add3A_97, %dma_start3A_136] : memref<10240x64xf32, #tpu.memory_space<vmem_shared>> -> memref<128x64xf32, #tpu.memory_space<vmem_shared>>
      tpu.enqueue_dma source(%dma_start3A_137 : memref<128x64xf32, #tpu.memory_space<vmem_shared>>) target(%arg12 : memref<128x64xf32, #tpu.memory_space<vmem>>) target_semaphore(%run_scoped3A : memref<!tpu.dma_semaphore, #tpu.memory_space<semaphore_mem>>)
      %dma_wait3A = arith.constant 0 : i32
      %dma_wait3A_138 = tpu.memref_slice %arg8[%add3A_97, %dma_wait3A] : memref<10240x64xf32, #tpu.memory_space<vmem_shared>> -> memref<128x64xf32, #tpu.memory_space<vmem_shared>>
      %dma_wait3A_139 = arith.constant 0 : i32
      %dma_wait3A_140 = tpu.memref_slice %arg8[%add3A_97, %dma_wait3A_139] : memref<10240x64xf32, #tpu.memory_space<vmem_shared>> -> memref<128x64xf32, #tpu.memory_space<vmem_shared>>
      tpu.wait_dma2 semaphore(%run_scoped3A : memref<!tpu.dma_semaphore, #tpu.memory_space<semaphore_mem>>) src(%dma_wait3A_140 : memref<128x64xf32, #tpu.memory_space<vmem_shared>>) dst(%arg12 : memref<128x64xf32, #tpu.memory_space<vmem>>)
      tpu.yield
    }) : () -> ()
    %scan3A_98 = arith.constant 0 : i32
    %scan3A_99 = arith.constant 128 : i32
    %scan3A_100 = arith.addi %scan3A_98, %scan3A_99 : i32
    %scan3A_101 = arith.constant 1 : i32
    scf.for %scan3A_135 = %scan3A_98 to %scan3A_100 step %scan3A_101  : i32 {
      %add3A_136 = arith.constant 128 : i32
      %add3A_137 = arith.addi %add3A_136, %scan3A_135 : i32
      %get3A = arith.index_cast %add3A_137 : i32 to index
      %get3A_138 = tpu.vector_load %arg13[%get3A] {strides = array<i32>} : memref<656xf32, #tpu.memory_space<vmem>>, vector<16xf32>,
      %get3A_139 = vector.shape_cast %get3A_138 : vector<16xf32> to vector<16xf32>
      %slice3A = vector.extract_strided_slice %get3A_139 {offsets = [0], sizes = [1], strides = [1]} : vector<16xf32> to vector<1xf32>
      %squeeze3A = vector.extract %slice3A[0] : f32 from vector<1xf32>
      %broadcast_in_dim3A = vector.broadcast %squeeze3A : f32 to vector<16xf32>
      %get3A_140 = arith.index_cast %scan3A_135 : i32 to index
      %get3A_141 = arith.constant 0 : index
      %get3A_142 = tpu.vector_load %arg11[%get3A_140, %get3A_141] {strides = array<i32>} : memref<128x64xf32, #tpu.memory_space<vmem>>, vector<1x16xf32>,
      %get3A_143 = vector.shape_cast %get3A_142 : vector<1x16xf32> to vector<16xf32>
      %get3A_144 = arith.index_cast %scan3A_135 : i32 to index
      %get3A_145 = arith.constant 0 : index
      %get3A_146 = tpu.vector_load %arg12[%get3A_144, %get3A_145] {strides = array<i32>} : memref<128x64xf32, #tpu.memory_space<vmem>>, vector<1x16xf32>,
      %get3A_147 = vector.shape_cast %get3A_146 : vector<1x16xf32> to vector<16xf32>
      %mul3A_148 = arith.constant 1.000000e-01 : f32
      %mul3A_149 = vector.broadcast %mul3A_148 : f32 to vector<16xf32>
      %mul3A_150 = arith.mulf %mul3A_149, %get3A_147 : vector<16xf32>
      %add3A_151 = arith.addf %get3A_143, %mul3A_150 : vector<16xf32>
      %mul3A_152 = arith.mulf %add3A_151, %broadcast_in_dim3A : vector<16xf32>
      %swap3A = arith.index_cast %scan3A_135 : i32 to index
      %swap3A_153 = arith.constant 0 : index
      %swap3A_154 = tpu.vector_load %arg11[%swap3A, %swap3A_153] {strides = array<i32>} : memref<128x64xf32, #tpu.memory_space<vmem>>, vector<1x16xf32>,
      %swap3A_155 = vector.shape_cast %swap3A_154 : vector<1x16xf32> to vector<16xf32>
      %swap3A_156 = vector.shape_cast %mul3A_152 : vector<16xf32> to vector<1x16xf32>
      tpu.vector_store %arg11[%swap3A, %swap3A_153], %swap3A_156 {strides = array<i32>} : memref<128x64xf32, #tpu.memory_space<vmem>>, vector<1x16xf32>,
      %get3A_157 = arith.index_cast %scan3A_135 : i32 to index
      %get3A_158 = arith.constant 16 : index
      %get3A_159 = tpu.vector_load %arg11[%get3A_157, %get3A_158] {strides = array<i32>} : memref<128x64xf32, #tpu.memory_space<vmem>>, vector<1x16xf32>,
      %get3A_160 = vector.shape_cast %get3A_159 : vector<1x16xf32> to vector<16xf32>
      %get3A_161 = arith.index_cast %scan3A_135 : i32 to index
      %get3A_162 = arith.constant 16 : index
      %get3A_163 = tpu.vector_load %arg12[%get3A_161, %get3A_162] {strides = array<i32>} : memref<128x64xf32, #tpu.memory_space<vmem>>, vector<1x16xf32>,
      %get3A_164 = vector.shape_cast %get3A_163 : vector<1x16xf32> to vector<16xf32>
      %mul3A_165 = arith.constant 1.000000e-01 : f32
      %mul3A_166 = vector.broadcast %mul3A_165 : f32 to vector<16xf32>
      %mul3A_167 = arith.mulf %mul3A_166, %get3A_164 : vector<16xf32>
      %add3A_168 = arith.addf %get3A_160, %mul3A_167 : vector<16xf32>
      %mul3A_169 = arith.mulf %add3A_168, %broadcast_in_dim3A : vector<16xf32>
      %swap3A_170 = arith.index_cast %scan3A_135 : i32 to index
      %swap3A_171 = arith.constant 16 : index
      %swap3A_172 = tpu.vector_load %arg11[%swap3A_170, %swap3A_171] {strides = array<i32>} : memref<128x64xf32, #tpu.memory_space<vmem>>, vector<1x16xf32>,
      %swap3A_173 = vector.shape_cast %swap3A_172 : vector<1x16xf32> to vector<16xf32>
      %swap3A_174 = vector.shape_cast %mul3A_169 : vector<16xf32> to vector<1x16xf32>
      tpu.vector_store %arg11[%swap3A_170, %swap3A_171], %swap3A_174 {strides = array<i32>} : memref<128x64xf32, #tpu.memory_space<vmem>>, vector<1x16xf32>,
      %get3A_175 = arith.index_cast %scan3A_135 : i32 to index
      %get3A_176 = arith.constant 32 : index
      %get3A_177 = tpu.vector_load %arg11[%get3A_175, %get3A_176] {strides = array<i32>} : memref<128x64xf32, #tpu.memory_space<vmem>>, vector<1x16xf32>,
      %get3A_178 = vector.shape_cast %get3A_177 : vector<1x16xf32> to vector<16xf32>
      %get3A_179 = arith.index_cast %scan3A_135 : i32 to index
      %get3A_180 = arith.constant 32 : index
      %get3A_181 = tpu.vector_load %arg12[%get3A_179, %get3A_180] {strides = array<i32>} : memref<128x64xf32, #tpu.memory_space<vmem>>, vector<1x16xf32>,
      %get3A_182 = vector.shape_cast %get3A_181 : vector<1x16xf32> to vector<16xf32>
      %mul3A_183 = arith.constant 1.000000e-01 : f32
      %mul3A_184 = vector.broadcast %mul3A_183 : f32 to vector<16xf32>
      %mul3A_185 = arith.mulf %mul3A_184, %get3A_182 : vector<16xf32>
      %add3A_186 = arith.addf %get3A_178, %mul3A_185 : vector<16xf32>
      %mul3A_187 = arith.mulf %add3A_186, %broadcast_in_dim3A : vector<16xf32>
      %swap3A_188 = arith.index_cast %scan3A_135 : i32 to index
      %swap3A_189 = arith.constant 32 : index
      %swap3A_190 = tpu.vector_load %arg11[%swap3A_188, %swap3A_189] {strides = array<i32>} : memref<128x64xf32, #tpu.memory_space<vmem>>, vector<1x16xf32>,
      %swap3A_191 = vector.shape_cast %swap3A_190 : vector<1x16xf32> to vector<16xf32>
      %swap3A_192 = vector.shape_cast %mul3A_187 : vector<16xf32> to vector<1x16xf32>
      tpu.vector_store %arg11[%swap3A_188, %swap3A_189], %swap3A_192 {strides = array<i32>} : memref<128x64xf32, #tpu.memory_space<vmem>>, vector<1x16xf32>,
      %get3A_193 = arith.index_cast %scan3A_135 : i32 to index
      %get3A_194 = arith.constant 48 : index
      %get3A_195 = tpu.vector_load %arg11[%get3A_193, %get3A_194] {strides = array<i32>} : memref<128x64xf32, #tpu.memory_space<vmem>>, vector<1x16xf32>,
      %get3A_196 = vector.shape_cast %get3A_195 : vector<1x16xf32> to vector<16xf32>
      %get3A_197 = arith.index_cast %scan3A_135 : i32 to index
      %get3A_198 = arith.constant 48 : index
      %get3A_199 = tpu.vector_load %arg12[%get3A_197, %get3A_198] {strides = array<i32>} : memref<128x64xf32, #tpu.memory_space<vmem>>, vector<1x16xf32>,
      %get3A_200 = vector.shape_cast %get3A_199 : vector<1x16xf32> to vector<16xf32>
      %mul3A_201 = arith.constant 1.000000e-01 : f32
      %mul3A_202 = vector.broadcast %mul3A_201 : f32 to vector<16xf32>
      %mul3A_203 = arith.mulf %mul3A_202, %get3A_200 : vector<16xf32>
      %add3A_204 = arith.addf %get3A_196, %mul3A_203 : vector<16xf32>
      %mul3A_205 = arith.mulf %add3A_204, %broadcast_in_dim3A : vector<16xf32>
      %swap3A_206 = arith.index_cast %scan3A_135 : i32 to index
      %swap3A_207 = arith.constant 48 : index
      %swap3A_208 = tpu.vector_load %arg11[%swap3A_206, %swap3A_207] {strides = array<i32>} : memref<128x64xf32, #tpu.memory_space<vmem>>, vector<1x16xf32>,
      %swap3A_209 = vector.shape_cast %swap3A_208 : vector<1x16xf32> to vector<16xf32>
      %swap3A_210 = vector.shape_cast %mul3A_205 : vector<16xf32> to vector<1x16xf32>
      tpu.vector_store %arg11[%swap3A_206, %swap3A_207], %swap3A_210 {strides = array<i32>} : memref<128x64xf32, #tpu.memory_space<vmem>>, vector<1x16xf32>,
    }
    %scan3A_102 = arith.constant 128 : i32
    "tpu.region"() ({
      %run_scoped3A = tpu.sem_alloc : memref<!tpu.dma_semaphore, #tpu.memory_space<semaphore_mem>>
      %dma_start3A = arith.constant 0 : i32
      %dma_start3A_135 = tpu.memref_slice %arg7[%add3A_97, %dma_start3A] : memref<10240x64xf32, #tpu.memory_space<vmem_shared>> -> memref<128x64xf32, #tpu.memory_space<vmem_shared>>
      %dma_start3A_136 = arith.constant 0 : i32
      %dma_start3A_137 = tpu.memref_slice %arg7[%add3A_97, %dma_start3A_136] : memref<10240x64xf32, #tpu.memory_space<vmem_shared>> -> memref<128x64xf32, #tpu.memory_space<vmem_shared>>
      tpu.enqueue_dma source(%arg11 : memref<128x64xf32, #tpu.memory_space<vmem>>) target(%dma_start3A_137 : memref<128x64xf32, #tpu.memory_space<vmem_shared>>) target_semaphore(%run_scoped3A : memref<!tpu.dma_semaphore, #tpu.memory_space<semaphore_mem>>)
      %dma_wait3A = arith.constant 0 : i32
      %dma_wait3A_138 = tpu.memref_slice %arg7[%add3A_97, %dma_wait3A] : memref<10240x64xf32, #tpu.memory_space<vmem_shared>> -> memref<128x64xf32, #tpu.memory_space<vmem_shared>>
      %dma_wait3A_139 = arith.constant 0 : i32
      %dma_wait3A_140 = tpu.memref_slice %arg7[%add3A_97, %dma_wait3A_139] : memref<10240x64xf32, #tpu.memory_space<vmem_shared>> -> memref<128x64xf32, #tpu.memory_space<vmem_shared>>
      tpu.wait_dma2 semaphore(%run_scoped3A : memref<!tpu.dma_semaphore, #tpu.memory_space<semaphore_mem>>) src(%arg11 : memref<128x64xf32, #tpu.memory_space<vmem>>) dst(%dma_wait3A_140 : memref<128x64xf32, #tpu.memory_space<vmem_shared>>)
      tpu.yield
    }) : () -> ()
    %add3A_103 = arith.constant 256 : i32
    %add3A_104 = arith.addi %mul3A_0, %add3A_103 : i32
    "tpu.region"() ({
      %run_scoped3A = tpu.sem_alloc : memref<!tpu.dma_semaphore, #tpu.memory_space<semaphore_mem>>
      %dma_start3A = arith.constant 0 : i32
      %dma_start3A_135 = tpu.memref_slice %arg7[%add3A_104, %dma_start3A] : memref<10240x64xf32, #tpu.memory_space<vmem_shared>> -> memref<128x64xf32, #tpu.memory_space<vmem_shared>>
      %dma_start3A_136 = arith.constant 0 : i32
      %dma_start3A_137 = tpu.memref_slice %arg7[%add3A_104, %dma_start3A_136] : memref<10240x64xf32, #tpu.memory_space<vmem_shared>> -> memref<128x64xf32, #tpu.memory_space<vmem_shared>>
      tpu.enqueue_dma source(%dma_start3A_137 : memref<128x64xf32, #tpu.memory_space<vmem_shared>>) target(%arg11 : memref<128x64xf32, #tpu.memory_space<vmem>>) target_semaphore(%run_scoped3A : memref<!tpu.dma_semaphore, #tpu.memory_space<semaphore_mem>>)
      %dma_wait3A = arith.constant 0 : i32
      %dma_wait3A_138 = tpu.memref_slice %arg7[%add3A_104, %dma_wait3A] : memref<10240x64xf32, #tpu.memory_space<vmem_shared>> -> memref<128x64xf32, #tpu.memory_space<vmem_shared>>
      %dma_wait3A_139 = arith.constant 0 : i32
      %dma_wait3A_140 = tpu.memref_slice %arg7[%add3A_104, %dma_wait3A_139] : memref<10240x64xf32, #tpu.memory_space<vmem_shared>> -> memref<128x64xf32, #tpu.memory_space<vmem_shared>>
      tpu.wait_dma2 semaphore(%run_scoped3A : memref<!tpu.dma_semaphore, #tpu.memory_space<semaphore_mem>>) src(%dma_wait3A_140 : memref<128x64xf32, #tpu.memory_space<vmem_shared>>) dst(%arg11 : memref<128x64xf32, #tpu.memory_space<vmem>>)
      tpu.yield
    }) : () -> ()
    "tpu.region"() ({
      %run_scoped3A = tpu.sem_alloc : memref<!tpu.dma_semaphore, #tpu.memory_space<semaphore_mem>>
      %dma_start3A = arith.constant 0 : i32
      %dma_start3A_135 = tpu.memref_slice %arg8[%add3A_104, %dma_start3A] : memref<10240x64xf32, #tpu.memory_space<vmem_shared>> -> memref<128x64xf32, #tpu.memory_space<vmem_shared>>
      %dma_start3A_136 = arith.constant 0 : i32
      %dma_start3A_137 = tpu.memref_slice %arg8[%add3A_104, %dma_start3A_136] : memref<10240x64xf32, #tpu.memory_space<vmem_shared>> -> memref<128x64xf32, #tpu.memory_space<vmem_shared>>
      tpu.enqueue_dma source(%dma_start3A_137 : memref<128x64xf32, #tpu.memory_space<vmem_shared>>) target(%arg12 : memref<128x64xf32, #tpu.memory_space<vmem>>) target_semaphore(%run_scoped3A : memref<!tpu.dma_semaphore, #tpu.memory_space<semaphore_mem>>)
      %dma_wait3A = arith.constant 0 : i32
      %dma_wait3A_138 = tpu.memref_slice %arg8[%add3A_104, %dma_wait3A] : memref<10240x64xf32, #tpu.memory_space<vmem_shared>> -> memref<128x64xf32, #tpu.memory_space<vmem_shared>>
      %dma_wait3A_139 = arith.constant 0 : i32
      %dma_wait3A_140 = tpu.memref_slice %arg8[%add3A_104, %dma_wait3A_139] : memref<10240x64xf32, #tpu.memory_space<vmem_shared>> -> memref<128x64xf32, #tpu.memory_space<vmem_shared>>
      tpu.wait_dma2 semaphore(%run_scoped3A : memref<!tpu.dma_semaphore, #tpu.memory_space<semaphore_mem>>) src(%dma_wait3A_140 : memref<128x64xf32, #tpu.memory_space<vmem_shared>>) dst(%arg12 : memref<128x64xf32, #tpu.memory_space<vmem>>)
      tpu.yield
    }) : () -> ()
    %scan3A_105 = arith.constant 0 : i32
    %scan3A_106 = arith.constant 128 : i32
    %scan3A_107 = arith.addi %scan3A_105, %scan3A_106 : i32
    %scan3A_108 = arith.constant 1 : i32
    scf.for %scan3A_135 = %scan3A_105 to %scan3A_107 step %scan3A_108  : i32 {
      %add3A_136 = arith.constant 256 : i32
      %add3A_137 = arith.addi %add3A_136, %scan3A_135 : i32
      %get3A = arith.index_cast %add3A_137 : i32 to index
      %get3A_138 = tpu.vector_load %arg13[%get3A] {strides = array<i32>} : memref<656xf32, #tpu.memory_space<vmem>>, vector<16xf32>,
      %get3A_139 = vector.shape_cast %get3A_138 : vector<16xf32> to vector<16xf32>
      %slice3A = vector.extract_strided_slice %get3A_139 {offsets = [0], sizes = [1], strides = [1]} : vector<16xf32> to vector<1xf32>
      %squeeze3A = vector.extract %slice3A[0] : f32 from vector<1xf32>
      %broadcast_in_dim3A = vector.broadcast %squeeze3A : f32 to vector<16xf32>
      %get3A_140 = arith.index_cast %scan3A_135 : i32 to index
      %get3A_141 = arith.constant 0 : index
      %get3A_142 = tpu.vector_load %arg11[%get3A_140, %get3A_141] {strides = array<i32>} : memref<128x64xf32, #tpu.memory_space<vmem>>, vector<1x16xf32>,
      %get3A_143 = vector.shape_cast %get3A_142 : vector<1x16xf32> to vector<16xf32>
      %get3A_144 = arith.index_cast %scan3A_135 : i32 to index
      %get3A_145 = arith.constant 0 : index
      %get3A_146 = tpu.vector_load %arg12[%get3A_144, %get3A_145] {strides = array<i32>} : memref<128x64xf32, #tpu.memory_space<vmem>>, vector<1x16xf32>,
      %get3A_147 = vector.shape_cast %get3A_146 : vector<1x16xf32> to vector<16xf32>
      %mul3A_148 = arith.constant 1.000000e-01 : f32
      %mul3A_149 = vector.broadcast %mul3A_148 : f32 to vector<16xf32>
      %mul3A_150 = arith.mulf %mul3A_149, %get3A_147 : vector<16xf32>
      %add3A_151 = arith.addf %get3A_143, %mul3A_150 : vector<16xf32>
      %mul3A_152 = arith.mulf %add3A_151, %broadcast_in_dim3A : vector<16xf32>
      %swap3A = arith.index_cast %scan3A_135 : i32 to index
      %swap3A_153 = arith.constant 0 : index
      %swap3A_154 = tpu.vector_load %arg11[%swap3A, %swap3A_153] {strides = array<i32>} : memref<128x64xf32, #tpu.memory_space<vmem>>, vector<1x16xf32>,
      %swap3A_155 = vector.shape_cast %swap3A_154 : vector<1x16xf32> to vector<16xf32>
      %swap3A_156 = vector.shape_cast %mul3A_152 : vector<16xf32> to vector<1x16xf32>
      tpu.vector_store %arg11[%swap3A, %swap3A_153], %swap3A_156 {strides = array<i32>} : memref<128x64xf32, #tpu.memory_space<vmem>>, vector<1x16xf32>,
      %get3A_157 = arith.index_cast %scan3A_135 : i32 to index
      %get3A_158 = arith.constant 16 : index
      %get3A_159 = tpu.vector_load %arg11[%get3A_157, %get3A_158] {strides = array<i32>} : memref<128x64xf32, #tpu.memory_space<vmem>>, vector<1x16xf32>,
      %get3A_160 = vector.shape_cast %get3A_159 : vector<1x16xf32> to vector<16xf32>
      %get3A_161 = arith.index_cast %scan3A_135 : i32 to index
      %get3A_162 = arith.constant 16 : index
      %get3A_163 = tpu.vector_load %arg12[%get3A_161, %get3A_162] {strides = array<i32>} : memref<128x64xf32, #tpu.memory_space<vmem>>, vector<1x16xf32>,
      %get3A_164 = vector.shape_cast %get3A_163 : vector<1x16xf32> to vector<16xf32>
      %mul3A_165 = arith.constant 1.000000e-01 : f32
      %mul3A_166 = vector.broadcast %mul3A_165 : f32 to vector<16xf32>
      %mul3A_167 = arith.mulf %mul3A_166, %get3A_164 : vector<16xf32>
      %add3A_168 = arith.addf %get3A_160, %mul3A_167 : vector<16xf32>
      %mul3A_169 = arith.mulf %add3A_168, %broadcast_in_dim3A : vector<16xf32>
      %swap3A_170 = arith.index_cast %scan3A_135 : i32 to index
      %swap3A_171 = arith.constant 16 : index
      %swap3A_172 = tpu.vector_load %arg11[%swap3A_170, %swap3A_171] {strides = array<i32>} : memref<128x64xf32, #tpu.memory_space<vmem>>, vector<1x16xf32>,
      %swap3A_173 = vector.shape_cast %swap3A_172 : vector<1x16xf32> to vector<16xf32>
      %swap3A_174 = vector.shape_cast %mul3A_169 : vector<16xf32> to vector<1x16xf32>
      tpu.vector_store %arg11[%swap3A_170, %swap3A_171], %swap3A_174 {strides = array<i32>} : memref<128x64xf32, #tpu.memory_space<vmem>>, vector<1x16xf32>,
      %get3A_175 = arith.index_cast %scan3A_135 : i32 to index
      %get3A_176 = arith.constant 32 : index
      %get3A_177 = tpu.vector_load %arg11[%get3A_175, %get3A_176] {strides = array<i32>} : memref<128x64xf32, #tpu.memory_space<vmem>>, vector<1x16xf32>,
      %get3A_178 = vector.shape_cast %get3A_177 : vector<1x16xf32> to vector<16xf32>
      %get3A_179 = arith.index_cast %scan3A_135 : i32 to index
      %get3A_180 = arith.constant 32 : index
      %get3A_181 = tpu.vector_load %arg12[%get3A_179, %get3A_180] {strides = array<i32>} : memref<128x64xf32, #tpu.memory_space<vmem>>, vector<1x16xf32>,
      %get3A_182 = vector.shape_cast %get3A_181 : vector<1x16xf32> to vector<16xf32>
      %mul3A_183 = arith.constant 1.000000e-01 : f32
      %mul3A_184 = vector.broadcast %mul3A_183 : f32 to vector<16xf32>
      %mul3A_185 = arith.mulf %mul3A_184, %get3A_182 : vector<16xf32>
      %add3A_186 = arith.addf %get3A_178, %mul3A_185 : vector<16xf32>
      %mul3A_187 = arith.mulf %add3A_186, %broadcast_in_dim3A : vector<16xf32>
      %swap3A_188 = arith.index_cast %scan3A_135 : i32 to index
      %swap3A_189 = arith.constant 32 : index
      %swap3A_190 = tpu.vector_load %arg11[%swap3A_188, %swap3A_189] {strides = array<i32>} : memref<128x64xf32, #tpu.memory_space<vmem>>, vector<1x16xf32>,
      %swap3A_191 = vector.shape_cast %swap3A_190 : vector<1x16xf32> to vector<16xf32>
      %swap3A_192 = vector.shape_cast %mul3A_187 : vector<16xf32> to vector<1x16xf32>
      tpu.vector_store %arg11[%swap3A_188, %swap3A_189], %swap3A_192 {strides = array<i32>} : memref<128x64xf32, #tpu.memory_space<vmem>>, vector<1x16xf32>,
      %get3A_193 = arith.index_cast %scan3A_135 : i32 to index
      %get3A_194 = arith.constant 48 : index
      %get3A_195 = tpu.vector_load %arg11[%get3A_193, %get3A_194] {strides = array<i32>} : memref<128x64xf32, #tpu.memory_space<vmem>>, vector<1x16xf32>,
      %get3A_196 = vector.shape_cast %get3A_195 : vector<1x16xf32> to vector<16xf32>
      %get3A_197 = arith.index_cast %scan3A_135 : i32 to index
      %get3A_198 = arith.constant 48 : index
      %get3A_199 = tpu.vector_load %arg12[%get3A_197, %get3A_198] {strides = array<i32>} : memref<128x64xf32, #tpu.memory_space<vmem>>, vector<1x16xf32>,
      %get3A_200 = vector.shape_cast %get3A_199 : vector<1x16xf32> to vector<16xf32>
      %mul3A_201 = arith.constant 1.000000e-01 : f32
      %mul3A_202 = vector.broadcast %mul3A_201 : f32 to vector<16xf32>
      %mul3A_203 = arith.mulf %mul3A_202, %get3A_200 : vector<16xf32>
      %add3A_204 = arith.addf %get3A_196, %mul3A_203 : vector<16xf32>
      %mul3A_205 = arith.mulf %add3A_204, %broadcast_in_dim3A : vector<16xf32>
      %swap3A_206 = arith.index_cast %scan3A_135 : i32 to index
      %swap3A_207 = arith.constant 48 : index
      %swap3A_208 = tpu.vector_load %arg11[%swap3A_206, %swap3A_207] {strides = array<i32>} : memref<128x64xf32, #tpu.memory_space<vmem>>, vector<1x16xf32>,
      %swap3A_209 = vector.shape_cast %swap3A_208 : vector<1x16xf32> to vector<16xf32>
      %swap3A_210 = vector.shape_cast %mul3A_205 : vector<16xf32> to vector<1x16xf32>
      tpu.vector_store %arg11[%swap3A_206, %swap3A_207], %swap3A_210 {strides = array<i32>} : memref<128x64xf32, #tpu.memory_space<vmem>>, vector<1x16xf32>,
    }
    %scan3A_109 = arith.constant 128 : i32
    "tpu.region"() ({
      %run_scoped3A = tpu.sem_alloc : memref<!tpu.dma_semaphore, #tpu.memory_space<semaphore_mem>>
      %dma_start3A = arith.constant 0 : i32
      %dma_start3A_135 = tpu.memref_slice %arg7[%add3A_104, %dma_start3A] : memref<10240x64xf32, #tpu.memory_space<vmem_shared>> -> memref<128x64xf32, #tpu.memory_space<vmem_shared>>
      %dma_start3A_136 = arith.constant 0 : i32
      %dma_start3A_137 = tpu.memref_slice %arg7[%add3A_104, %dma_start3A_136] : memref<10240x64xf32, #tpu.memory_space<vmem_shared>> -> memref<128x64xf32, #tpu.memory_space<vmem_shared>>
      tpu.enqueue_dma source(%arg11 : memref<128x64xf32, #tpu.memory_space<vmem>>) target(%dma_start3A_137 : memref<128x64xf32, #tpu.memory_space<vmem_shared>>) target_semaphore(%run_scoped3A : memref<!tpu.dma_semaphore, #tpu.memory_space<semaphore_mem>>)
      %dma_wait3A = arith.constant 0 : i32
      %dma_wait3A_138 = tpu.memref_slice %arg7[%add3A_104, %dma_wait3A] : memref<10240x64xf32, #tpu.memory_space<vmem_shared>> -> memref<128x64xf32, #tpu.memory_space<vmem_shared>>
      %dma_wait3A_139 = arith.constant 0 : i32
      %dma_wait3A_140 = tpu.memref_slice %arg7[%add3A_104, %dma_wait3A_139] : memref<10240x64xf32, #tpu.memory_space<vmem_shared>> -> memref<128x64xf32, #tpu.memory_space<vmem_shared>>
      tpu.wait_dma2 semaphore(%run_scoped3A : memref<!tpu.dma_semaphore, #tpu.memory_space<semaphore_mem>>) src(%arg11 : memref<128x64xf32, #tpu.memory_space<vmem>>) dst(%dma_wait3A_140 : memref<128x64xf32, #tpu.memory_space<vmem_shared>>)
      tpu.yield
    }) : () -> ()
    %add3A_110 = arith.constant 384 : i32
    %add3A_111 = arith.addi %mul3A_0, %add3A_110 : i32
    "tpu.region"() ({
      %run_scoped3A = tpu.sem_alloc : memref<!tpu.dma_semaphore, #tpu.memory_space<semaphore_mem>>
      %dma_start3A = arith.constant 0 : i32
      %dma_start3A_135 = tpu.memref_slice %arg7[%add3A_111, %dma_start3A] : memref<10240x64xf32, #tpu.memory_space<vmem_shared>> -> memref<128x64xf32, #tpu.memory_space<vmem_shared>>
      %dma_start3A_136 = arith.constant 0 : i32
      %dma_start3A_137 = tpu.memref_slice %arg7[%add3A_111, %dma_start3A_136] : memref<10240x64xf32, #tpu.memory_space<vmem_shared>> -> memref<128x64xf32, #tpu.memory_space<vmem_shared>>
      tpu.enqueue_dma source(%dma_start3A_137 : memref<128x64xf32, #tpu.memory_space<vmem_shared>>) target(%arg11 : memref<128x64xf32, #tpu.memory_space<vmem>>) target_semaphore(%run_scoped3A : memref<!tpu.dma_semaphore, #tpu.memory_space<semaphore_mem>>)
      %dma_wait3A = arith.constant 0 : i32
      %dma_wait3A_138 = tpu.memref_slice %arg7[%add3A_111, %dma_wait3A] : memref<10240x64xf32, #tpu.memory_space<vmem_shared>> -> memref<128x64xf32, #tpu.memory_space<vmem_shared>>
      %dma_wait3A_139 = arith.constant 0 : i32
      %dma_wait3A_140 = tpu.memref_slice %arg7[%add3A_111, %dma_wait3A_139] : memref<10240x64xf32, #tpu.memory_space<vmem_shared>> -> memref<128x64xf32, #tpu.memory_space<vmem_shared>>
      tpu.wait_dma2 semaphore(%run_scoped3A : memref<!tpu.dma_semaphore, #tpu.memory_space<semaphore_mem>>) src(%dma_wait3A_140 : memref<128x64xf32, #tpu.memory_space<vmem_shared>>) dst(%arg11 : memref<128x64xf32, #tpu.memory_space<vmem>>)
      tpu.yield
    }) : () -> ()
    "tpu.region"() ({
      %run_scoped3A = tpu.sem_alloc : memref<!tpu.dma_semaphore, #tpu.memory_space<semaphore_mem>>
      %dma_start3A = arith.constant 0 : i32
      %dma_start3A_135 = tpu.memref_slice %arg8[%add3A_111, %dma_start3A] : memref<10240x64xf32, #tpu.memory_space<vmem_shared>> -> memref<128x64xf32, #tpu.memory_space<vmem_shared>>
      %dma_start3A_136 = arith.constant 0 : i32
      %dma_start3A_137 = tpu.memref_slice %arg8[%add3A_111, %dma_start3A_136] : memref<10240x64xf32, #tpu.memory_space<vmem_shared>> -> memref<128x64xf32, #tpu.memory_space<vmem_shared>>
      tpu.enqueue_dma source(%dma_start3A_137 : memref<128x64xf32, #tpu.memory_space<vmem_shared>>) target(%arg12 : memref<128x64xf32, #tpu.memory_space<vmem>>) target_semaphore(%run_scoped3A : memref<!tpu.dma_semaphore, #tpu.memory_space<semaphore_mem>>)
      %dma_wait3A = arith.constant 0 : i32
      %dma_wait3A_138 = tpu.memref_slice %arg8[%add3A_111, %dma_wait3A] : memref<10240x64xf32, #tpu.memory_space<vmem_shared>> -> memref<128x64xf32, #tpu.memory_space<vmem_shared>>
      %dma_wait3A_139 = arith.constant 0 : i32
      %dma_wait3A_140 = tpu.memref_slice %arg8[%add3A_111, %dma_wait3A_139] : memref<10240x64xf32, #tpu.memory_space<vmem_shared>> -> memref<128x64xf32, #tpu.memory_space<vmem_shared>>
      tpu.wait_dma2 semaphore(%run_scoped3A : memref<!tpu.dma_semaphore, #tpu.memory_space<semaphore_mem>>) src(%dma_wait3A_140 : memref<128x64xf32, #tpu.memory_space<vmem_shared>>) dst(%arg12 : memref<128x64xf32, #tpu.memory_space<vmem>>)
      tpu.yield
    }) : () -> ()
    %scan3A_112 = arith.constant 0 : i32
    %scan3A_113 = arith.constant 128 : i32
    %scan3A_114 = arith.addi %scan3A_112, %scan3A_113 : i32
    %scan3A_115 = arith.constant 1 : i32
    scf.for %scan3A_135 = %scan3A_112 to %scan3A_114 step %scan3A_115  : i32 {
      %add3A_136 = arith.constant 384 : i32
      %add3A_137 = arith.addi %add3A_136, %scan3A_135 : i32
      %get3A = arith.index_cast %add3A_137 : i32 to index
      %get3A_138 = tpu.vector_load %arg13[%get3A] {strides = array<i32>} : memref<656xf32, #tpu.memory_space<vmem>>, vector<16xf32>,
      %get3A_139 = vector.shape_cast %get3A_138 : vector<16xf32> to vector<16xf32>
      %slice3A = vector.extract_strided_slice %get3A_139 {offsets = [0], sizes = [1], strides = [1]} : vector<16xf32> to vector<1xf32>
      %squeeze3A = vector.extract %slice3A[0] : f32 from vector<1xf32>
      %broadcast_in_dim3A = vector.broadcast %squeeze3A : f32 to vector<16xf32>
      %get3A_140 = arith.index_cast %scan3A_135 : i32 to index
      %get3A_141 = arith.constant 0 : index
      %get3A_142 = tpu.vector_load %arg11[%get3A_140, %get3A_141] {strides = array<i32>} : memref<128x64xf32, #tpu.memory_space<vmem>>, vector<1x16xf32>,
      %get3A_143 = vector.shape_cast %get3A_142 : vector<1x16xf32> to vector<16xf32>
      %get3A_144 = arith.index_cast %scan3A_135 : i32 to index
      %get3A_145 = arith.constant 0 : index
      %get3A_146 = tpu.vector_load %arg12[%get3A_144, %get3A_145] {strides = array<i32>} : memref<128x64xf32, #tpu.memory_space<vmem>>, vector<1x16xf32>,
      %get3A_147 = vector.shape_cast %get3A_146 : vector<1x16xf32> to vector<16xf32>
      %mul3A_148 = arith.constant 1.000000e-01 : f32
      %mul3A_149 = vector.broadcast %mul3A_148 : f32 to vector<16xf32>
      %mul3A_150 = arith.mulf %mul3A_149, %get3A_147 : vector<16xf32>
      %add3A_151 = arith.addf %get3A_143, %mul3A_150 : vector<16xf32>
      %mul3A_152 = arith.mulf %add3A_151, %broadcast_in_dim3A : vector<16xf32>
      %swap3A = arith.index_cast %scan3A_135 : i32 to index
      %swap3A_153 = arith.constant 0 : index
      %swap3A_154 = tpu.vector_load %arg11[%swap3A, %swap3A_153] {strides = array<i32>} : memref<128x64xf32, #tpu.memory_space<vmem>>, vector<1x16xf32>,
      %swap3A_155 = vector.shape_cast %swap3A_154 : vector<1x16xf32> to vector<16xf32>
      %swap3A_156 = vector.shape_cast %mul3A_152 : vector<16xf32> to vector<1x16xf32>
      tpu.vector_store %arg11[%swap3A, %swap3A_153], %swap3A_156 {strides = array<i32>} : memref<128x64xf32, #tpu.memory_space<vmem>>, vector<1x16xf32>,
      %get3A_157 = arith.index_cast %scan3A_135 : i32 to index
      %get3A_158 = arith.constant 16 : index
      %get3A_159 = tpu.vector_load %arg11[%get3A_157, %get3A_158] {strides = array<i32>} : memref<128x64xf32, #tpu.memory_space<vmem>>, vector<1x16xf32>,
      %get3A_160 = vector.shape_cast %get3A_159 : vector<1x16xf32> to vector<16xf32>
      %get3A_161 = arith.index_cast %scan3A_135 : i32 to index
      %get3A_162 = arith.constant 16 : index
      %get3A_163 = tpu.vector_load %arg12[%get3A_161, %get3A_162] {strides = array<i32>} : memref<128x64xf32, #tpu.memory_space<vmem>>, vector<1x16xf32>,
      %get3A_164 = vector.shape_cast %get3A_163 : vector<1x16xf32> to vector<16xf32>
      %mul3A_165 = arith.constant 1.000000e-01 : f32
      %mul3A_166 = vector.broadcast %mul3A_165 : f32 to vector<16xf32>
      %mul3A_167 = arith.mulf %mul3A_166, %get3A_164 : vector<16xf32>
      %add3A_168 = arith.addf %get3A_160, %mul3A_167 : vector<16xf32>
      %mul3A_169 = arith.mulf %add3A_168, %broadcast_in_dim3A : vector<16xf32>
      %swap3A_170 = arith.index_cast %scan3A_135 : i32 to index
      %swap3A_171 = arith.constant 16 : index
      %swap3A_172 = tpu.vector_load %arg11[%swap3A_170, %swap3A_171] {strides = array<i32>} : memref<128x64xf32, #tpu.memory_space<vmem>>, vector<1x16xf32>,
      %swap3A_173 = vector.shape_cast %swap3A_172 : vector<1x16xf32> to vector<16xf32>
      %swap3A_174 = vector.shape_cast %mul3A_169 : vector<16xf32> to vector<1x16xf32>
      tpu.vector_store %arg11[%swap3A_170, %swap3A_171], %swap3A_174 {strides = array<i32>} : memref<128x64xf32, #tpu.memory_space<vmem>>, vector<1x16xf32>,
      %get3A_175 = arith.index_cast %scan3A_135 : i32 to index
      %get3A_176 = arith.constant 32 : index
      %get3A_177 = tpu.vector_load %arg11[%get3A_175, %get3A_176] {strides = array<i32>} : memref<128x64xf32, #tpu.memory_space<vmem>>, vector<1x16xf32>,
      %get3A_178 = vector.shape_cast %get3A_177 : vector<1x16xf32> to vector<16xf32>
      %get3A_179 = arith.index_cast %scan3A_135 : i32 to index
      %get3A_180 = arith.constant 32 : index
      %get3A_181 = tpu.vector_load %arg12[%get3A_179, %get3A_180] {strides = array<i32>} : memref<128x64xf32, #tpu.memory_space<vmem>>, vector<1x16xf32>,
      %get3A_182 = vector.shape_cast %get3A_181 : vector<1x16xf32> to vector<16xf32>
      %mul3A_183 = arith.constant 1.000000e-01 : f32
      %mul3A_184 = vector.broadcast %mul3A_183 : f32 to vector<16xf32>
      %mul3A_185 = arith.mulf %mul3A_184, %get3A_182 : vector<16xf32>
      %add3A_186 = arith.addf %get3A_178, %mul3A_185 : vector<16xf32>
      %mul3A_187 = arith.mulf %add3A_186, %broadcast_in_dim3A : vector<16xf32>
      %swap3A_188 = arith.index_cast %scan3A_135 : i32 to index
      %swap3A_189 = arith.constant 32 : index
      %swap3A_190 = tpu.vector_load %arg11[%swap3A_188, %swap3A_189] {strides = array<i32>} : memref<128x64xf32, #tpu.memory_space<vmem>>, vector<1x16xf32>,
      %swap3A_191 = vector.shape_cast %swap3A_190 : vector<1x16xf32> to vector<16xf32>
      %swap3A_192 = vector.shape_cast %mul3A_187 : vector<16xf32> to vector<1x16xf32>
      tpu.vector_store %arg11[%swap3A_188, %swap3A_189], %swap3A_192 {strides = array<i32>} : memref<128x64xf32, #tpu.memory_space<vmem>>, vector<1x16xf32>,
      %get3A_193 = arith.index_cast %scan3A_135 : i32 to index
      %get3A_194 = arith.constant 48 : index
      %get3A_195 = tpu.vector_load %arg11[%get3A_193, %get3A_194] {strides = array<i32>} : memref<128x64xf32, #tpu.memory_space<vmem>>, vector<1x16xf32>,
      %get3A_196 = vector.shape_cast %get3A_195 : vector<1x16xf32> to vector<16xf32>
      %get3A_197 = arith.index_cast %scan3A_135 : i32 to index
      %get3A_198 = arith.constant 48 : index
      %get3A_199 = tpu.vector_load %arg12[%get3A_197, %get3A_198] {strides = array<i32>} : memref<128x64xf32, #tpu.memory_space<vmem>>, vector<1x16xf32>,
      %get3A_200 = vector.shape_cast %get3A_199 : vector<1x16xf32> to vector<16xf32>
      %mul3A_201 = arith.constant 1.000000e-01 : f32
      %mul3A_202 = vector.broadcast %mul3A_201 : f32 to vector<16xf32>
      %mul3A_203 = arith.mulf %mul3A_202, %get3A_200 : vector<16xf32>
      %add3A_204 = arith.addf %get3A_196, %mul3A_203 : vector<16xf32>
      %mul3A_205 = arith.mulf %add3A_204, %broadcast_in_dim3A : vector<16xf32>
      %swap3A_206 = arith.index_cast %scan3A_135 : i32 to index
      %swap3A_207 = arith.constant 48 : index
      %swap3A_208 = tpu.vector_load %arg11[%swap3A_206, %swap3A_207] {strides = array<i32>} : memref<128x64xf32, #tpu.memory_space<vmem>>, vector<1x16xf32>,
      %swap3A_209 = vector.shape_cast %swap3A_208 : vector<1x16xf32> to vector<16xf32>
      %swap3A_210 = vector.shape_cast %mul3A_205 : vector<16xf32> to vector<1x16xf32>
      tpu.vector_store %arg11[%swap3A_206, %swap3A_207], %swap3A_210 {strides = array<i32>} : memref<128x64xf32, #tpu.memory_space<vmem>>, vector<1x16xf32>,
    }
    %scan3A_116 = arith.constant 128 : i32
    "tpu.region"() ({
      %run_scoped3A = tpu.sem_alloc : memref<!tpu.dma_semaphore, #tpu.memory_space<semaphore_mem>>
      %dma_start3A = arith.constant 0 : i32
      %dma_start3A_135 = tpu.memref_slice %arg7[%add3A_111, %dma_start3A] : memref<10240x64xf32, #tpu.memory_space<vmem_shared>> -> memref<128x64xf32, #tpu.memory_space<vmem_shared>>
      %dma_start3A_136 = arith.constant 0 : i32
      %dma_start3A_137 = tpu.memref_slice %arg7[%add3A_111, %dma_start3A_136] : memref<10240x64xf32, #tpu.memory_space<vmem_shared>> -> memref<128x64xf32, #tpu.memory_space<vmem_shared>>
      tpu.enqueue_dma source(%arg11 : memref<128x64xf32, #tpu.memory_space<vmem>>) target(%dma_start3A_137 : memref<128x64xf32, #tpu.memory_space<vmem_shared>>) target_semaphore(%run_scoped3A : memref<!tpu.dma_semaphore, #tpu.memory_space<semaphore_mem>>)
      %dma_wait3A = arith.constant 0 : i32
      %dma_wait3A_138 = tpu.memref_slice %arg7[%add3A_111, %dma_wait3A] : memref<10240x64xf32, #tpu.memory_space<vmem_shared>> -> memref<128x64xf32, #tpu.memory_space<vmem_shared>>
      %dma_wait3A_139 = arith.constant 0 : i32
      %dma_wait3A_140 = tpu.memref_slice %arg7[%add3A_111, %dma_wait3A_139] : memref<10240x64xf32, #tpu.memory_space<vmem_shared>> -> memref<128x64xf32, #tpu.memory_space<vmem_shared>>
      tpu.wait_dma2 semaphore(%run_scoped3A : memref<!tpu.dma_semaphore, #tpu.memory_space<semaphore_mem>>) src(%arg11 : memref<128x64xf32, #tpu.memory_space<vmem>>) dst(%dma_wait3A_140 : memref<128x64xf32, #tpu.memory_space<vmem_shared>>)
      tpu.yield
    }) : () -> ()
    %add3A_117 = arith.constant 512 : i32
    %add3A_118 = arith.addi %mul3A_0, %add3A_117 : i32
    "tpu.region"() ({
      %run_scoped3A = tpu.sem_alloc : memref<!tpu.dma_semaphore, #tpu.memory_space<semaphore_mem>>
      %dma_start3A = arith.constant 0 : i32
      %dma_start3A_135 = tpu.memref_slice %arg7[%add3A_118, %dma_start3A] : memref<10240x64xf32, #tpu.memory_space<vmem_shared>> -> memref<128x64xf32, #tpu.memory_space<vmem_shared>>
      %dma_start3A_136 = arith.constant 0 : i32
      %dma_start3A_137 = tpu.memref_slice %arg7[%add3A_118, %dma_start3A_136] : memref<10240x64xf32, #tpu.memory_space<vmem_shared>> -> memref<128x64xf32, #tpu.memory_space<vmem_shared>>
      tpu.enqueue_dma source(%dma_start3A_137 : memref<128x64xf32, #tpu.memory_space<vmem_shared>>) target(%arg11 : memref<128x64xf32, #tpu.memory_space<vmem>>) target_semaphore(%run_scoped3A : memref<!tpu.dma_semaphore, #tpu.memory_space<semaphore_mem>>)
      %dma_wait3A = arith.constant 0 : i32
      %dma_wait3A_138 = tpu.memref_slice %arg7[%add3A_118, %dma_wait3A] : memref<10240x64xf32, #tpu.memory_space<vmem_shared>> -> memref<128x64xf32, #tpu.memory_space<vmem_shared>>
      %dma_wait3A_139 = arith.constant 0 : i32
      %dma_wait3A_140 = tpu.memref_slice %arg7[%add3A_118, %dma_wait3A_139] : memref<10240x64xf32, #tpu.memory_space<vmem_shared>> -> memref<128x64xf32, #tpu.memory_space<vmem_shared>>
      tpu.wait_dma2 semaphore(%run_scoped3A : memref<!tpu.dma_semaphore, #tpu.memory_space<semaphore_mem>>) src(%dma_wait3A_140 : memref<128x64xf32, #tpu.memory_space<vmem_shared>>) dst(%arg11 : memref<128x64xf32, #tpu.memory_space<vmem>>)
      tpu.yield
    }) : () -> ()
    "tpu.region"() ({
      %run_scoped3A = tpu.sem_alloc : memref<!tpu.dma_semaphore, #tpu.memory_space<semaphore_mem>>
      %dma_start3A = arith.constant 0 : i32
      %dma_start3A_135 = tpu.memref_slice %arg8[%add3A_118, %dma_start3A] : memref<10240x64xf32, #tpu.memory_space<vmem_shared>> -> memref<128x64xf32, #tpu.memory_space<vmem_shared>>
      %dma_start3A_136 = arith.constant 0 : i32
      %dma_start3A_137 = tpu.memref_slice %arg8[%add3A_118, %dma_start3A_136] : memref<10240x64xf32, #tpu.memory_space<vmem_shared>> -> memref<128x64xf32, #tpu.memory_space<vmem_shared>>
      tpu.enqueue_dma source(%dma_start3A_137 : memref<128x64xf32, #tpu.memory_space<vmem_shared>>) target(%arg12 : memref<128x64xf32, #tpu.memory_space<vmem>>) target_semaphore(%run_scoped3A : memref<!tpu.dma_semaphore, #tpu.memory_space<semaphore_mem>>)
      %dma_wait3A = arith.constant 0 : i32
      %dma_wait3A_138 = tpu.memref_slice %arg8[%add3A_118, %dma_wait3A] : memref<10240x64xf32, #tpu.memory_space<vmem_shared>> -> memref<128x64xf32, #tpu.memory_space<vmem_shared>>
      %dma_wait3A_139 = arith.constant 0 : i32
      %dma_wait3A_140 = tpu.memref_slice %arg8[%add3A_118, %dma_wait3A_139] : memref<10240x64xf32, #tpu.memory_space<vmem_shared>> -> memref<128x64xf32, #tpu.memory_space<vmem_shared>>
      tpu.wait_dma2 semaphore(%run_scoped3A : memref<!tpu.dma_semaphore, #tpu.memory_space<semaphore_mem>>) src(%dma_wait3A_140 : memref<128x64xf32, #tpu.memory_space<vmem_shared>>) dst(%arg12 : memref<128x64xf32, #tpu.memory_space<vmem>>)
      tpu.yield
    }) : () -> ()
    %scan3A_119 = arith.constant 0 : i32
    %scan3A_120 = arith.constant 128 : i32
    %scan3A_121 = arith.addi %scan3A_119, %scan3A_120 : i32
    %scan3A_122 = arith.constant 1 : i32
    scf.for %scan3A_135 = %scan3A_119 to %scan3A_121 step %scan3A_122  : i32 {
      %add3A_136 = arith.constant 512 : i32
      %add3A_137 = arith.addi %add3A_136, %scan3A_135 : i32
      %get3A = arith.index_cast %add3A_137 : i32 to index
      %get3A_138 = tpu.vector_load %arg13[%get3A] {strides = array<i32>} : memref<656xf32, #tpu.memory_space<vmem>>, vector<16xf32>,
      %get3A_139 = vector.shape_cast %get3A_138 : vector<16xf32> to vector<16xf32>
      %slice3A = vector.extract_strided_slice %get3A_139 {offsets = [0], sizes = [1], strides = [1]} : vector<16xf32> to vector<1xf32>
      %squeeze3A = vector.extract %slice3A[0] : f32 from vector<1xf32>
      %broadcast_in_dim3A = vector.broadcast %squeeze3A : f32 to vector<16xf32>
      %get3A_140 = arith.index_cast %scan3A_135 : i32 to index
      %get3A_141 = arith.constant 0 : index
      %get3A_142 = tpu.vector_load %arg11[%get3A_140, %get3A_141] {strides = array<i32>} : memref<128x64xf32, #tpu.memory_space<vmem>>, vector<1x16xf32>,
      %get3A_143 = vector.shape_cast %get3A_142 : vector<1x16xf32> to vector<16xf32>
      %get3A_144 = arith.index_cast %scan3A_135 : i32 to index
      %get3A_145 = arith.constant 0 : index
      %get3A_146 = tpu.vector_load %arg12[%get3A_144, %get3A_145] {strides = array<i32>} : memref<128x64xf32, #tpu.memory_space<vmem>>, vector<1x16xf32>,
      %get3A_147 = vector.shape_cast %get3A_146 : vector<1x16xf32> to vector<16xf32>
      %mul3A_148 = arith.constant 1.000000e-01 : f32
      %mul3A_149 = vector.broadcast %mul3A_148 : f32 to vector<16xf32>
      %mul3A_150 = arith.mulf %mul3A_149, %get3A_147 : vector<16xf32>
      %add3A_151 = arith.addf %get3A_143, %mul3A_150 : vector<16xf32>
      %mul3A_152 = arith.mulf %add3A_151, %broadcast_in_dim3A : vector<16xf32>
      %swap3A = arith.index_cast %scan3A_135 : i32 to index
      %swap3A_153 = arith.constant 0 : index
      %swap3A_154 = tpu.vector_load %arg11[%swap3A, %swap3A_153] {strides = array<i32>} : memref<128x64xf32, #tpu.memory_space<vmem>>, vector<1x16xf32>,
      %swap3A_155 = vector.shape_cast %swap3A_154 : vector<1x16xf32> to vector<16xf32>
      %swap3A_156 = vector.shape_cast %mul3A_152 : vector<16xf32> to vector<1x16xf32>
      tpu.vector_store %arg11[%swap3A, %swap3A_153], %swap3A_156 {strides = array<i32>} : memref<128x64xf32, #tpu.memory_space<vmem>>, vector<1x16xf32>,
      %get3A_157 = arith.index_cast %scan3A_135 : i32 to index
      %get3A_158 = arith.constant 16 : index
      %get3A_159 = tpu.vector_load %arg11[%get3A_157, %get3A_158] {strides = array<i32>} : memref<128x64xf32, #tpu.memory_space<vmem>>, vector<1x16xf32>,
      %get3A_160 = vector.shape_cast %get3A_159 : vector<1x16xf32> to vector<16xf32>
      %get3A_161 = arith.index_cast %scan3A_135 : i32 to index
      %get3A_162 = arith.constant 16 : index
      %get3A_163 = tpu.vector_load %arg12[%get3A_161, %get3A_162] {strides = array<i32>} : memref<128x64xf32, #tpu.memory_space<vmem>>, vector<1x16xf32>,
      %get3A_164 = vector.shape_cast %get3A_163 : vector<1x16xf32> to vector<16xf32>
      %mul3A_165 = arith.constant 1.000000e-01 : f32
      %mul3A_166 = vector.broadcast %mul3A_165 : f32 to vector<16xf32>
      %mul3A_167 = arith.mulf %mul3A_166, %get3A_164 : vector<16xf32>
      %add3A_168 = arith.addf %get3A_160, %mul3A_167 : vector<16xf32>
      %mul3A_169 = arith.mulf %add3A_168, %broadcast_in_dim3A : vector<16xf32>
      %swap3A_170 = arith.index_cast %scan3A_135 : i32 to index
      %swap3A_171 = arith.constant 16 : index
      %swap3A_172 = tpu.vector_load %arg11[%swap3A_170, %swap3A_171] {strides = array<i32>} : memref<128x64xf32, #tpu.memory_space<vmem>>, vector<1x16xf32>,
      %swap3A_173 = vector.shape_cast %swap3A_172 : vector<1x16xf32> to vector<16xf32>
      %swap3A_174 = vector.shape_cast %mul3A_169 : vector<16xf32> to vector<1x16xf32>
      tpu.vector_store %arg11[%swap3A_170, %swap3A_171], %swap3A_174 {strides = array<i32>} : memref<128x64xf32, #tpu.memory_space<vmem>>, vector<1x16xf32>,
      %get3A_175 = arith.index_cast %scan3A_135 : i32 to index
      %get3A_176 = arith.constant 32 : index
      %get3A_177 = tpu.vector_load %arg11[%get3A_175, %get3A_176] {strides = array<i32>} : memref<128x64xf32, #tpu.memory_space<vmem>>, vector<1x16xf32>,
      %get3A_178 = vector.shape_cast %get3A_177 : vector<1x16xf32> to vector<16xf32>
      %get3A_179 = arith.index_cast %scan3A_135 : i32 to index
      %get3A_180 = arith.constant 32 : index
      %get3A_181 = tpu.vector_load %arg12[%get3A_179, %get3A_180] {strides = array<i32>} : memref<128x64xf32, #tpu.memory_space<vmem>>, vector<1x16xf32>,
      %get3A_182 = vector.shape_cast %get3A_181 : vector<1x16xf32> to vector<16xf32>
      %mul3A_183 = arith.constant 1.000000e-01 : f32
      %mul3A_184 = vector.broadcast %mul3A_183 : f32 to vector<16xf32>
      %mul3A_185 = arith.mulf %mul3A_184, %get3A_182 : vector<16xf32>
      %add3A_186 = arith.addf %get3A_178, %mul3A_185 : vector<16xf32>
      %mul3A_187 = arith.mulf %add3A_186, %broadcast_in_dim3A : vector<16xf32>
      %swap3A_188 = arith.index_cast %scan3A_135 : i32 to index
      %swap3A_189 = arith.constant 32 : index
      %swap3A_190 = tpu.vector_load %arg11[%swap3A_188, %swap3A_189] {strides = array<i32>} : memref<128x64xf32, #tpu.memory_space<vmem>>, vector<1x16xf32>,
      %swap3A_191 = vector.shape_cast %swap3A_190 : vector<1x16xf32> to vector<16xf32>
      %swap3A_192 = vector.shape_cast %mul3A_187 : vector<16xf32> to vector<1x16xf32>
      tpu.vector_store %arg11[%swap3A_188, %swap3A_189], %swap3A_192 {strides = array<i32>} : memref<128x64xf32, #tpu.memory_space<vmem>>, vector<1x16xf32>,
      %get3A_193 = arith.index_cast %scan3A_135 : i32 to index
      %get3A_194 = arith.constant 48 : index
      %get3A_195 = tpu.vector_load %arg11[%get3A_193, %get3A_194] {strides = array<i32>} : memref<128x64xf32, #tpu.memory_space<vmem>>, vector<1x16xf32>,
      %get3A_196 = vector.shape_cast %get3A_195 : vector<1x16xf32> to vector<16xf32>
      %get3A_197 = arith.index_cast %scan3A_135 : i32 to index
      %get3A_198 = arith.constant 48 : index
      %get3A_199 = tpu.vector_load %arg12[%get3A_197, %get3A_198] {strides = array<i32>} : memref<128x64xf32, #tpu.memory_space<vmem>>, vector<1x16xf32>,
      %get3A_200 = vector.shape_cast %get3A_199 : vector<1x16xf32> to vector<16xf32>
      %mul3A_201 = arith.constant 1.000000e-01 : f32
      %mul3A_202 = vector.broadcast %mul3A_201 : f32 to vector<16xf32>
      %mul3A_203 = arith.mulf %mul3A_202, %get3A_200 : vector<16xf32>
      %add3A_204 = arith.addf %get3A_196, %mul3A_203 : vector<16xf32>
      %mul3A_205 = arith.mulf %add3A_204, %broadcast_in_dim3A : vector<16xf32>
      %swap3A_206 = arith.index_cast %scan3A_135 : i32 to index
      %swap3A_207 = arith.constant 48 : index
      %swap3A_208 = tpu.vector_load %arg11[%swap3A_206, %swap3A_207] {strides = array<i32>} : memref<128x64xf32, #tpu.memory_space<vmem>>, vector<1x16xf32>,
      %swap3A_209 = vector.shape_cast %swap3A_208 : vector<1x16xf32> to vector<16xf32>
      %swap3A_210 = vector.shape_cast %mul3A_205 : vector<16xf32> to vector<1x16xf32>
      tpu.vector_store %arg11[%swap3A_206, %swap3A_207], %swap3A_210 {strides = array<i32>} : memref<128x64xf32, #tpu.memory_space<vmem>>, vector<1x16xf32>,
    }
    %scan3A_123 = arith.constant 128 : i32
    "tpu.region"() ({
      %run_scoped3A = tpu.sem_alloc : memref<!tpu.dma_semaphore, #tpu.memory_space<semaphore_mem>>
      %dma_start3A = arith.constant 0 : i32
      %dma_start3A_135 = tpu.memref_slice %arg7[%add3A_118, %dma_start3A] : memref<10240x64xf32, #tpu.memory_space<vmem_shared>> -> memref<128x64xf32, #tpu.memory_space<vmem_shared>>
      %dma_start3A_136 = arith.constant 0 : i32
      %dma_start3A_137 = tpu.memref_slice %arg7[%add3A_118, %dma_start3A_136] : memref<10240x64xf32, #tpu.memory_space<vmem_shared>> -> memref<128x64xf32, #tpu.memory_space<vmem_shared>>
      tpu.enqueue_dma source(%arg11 : memref<128x64xf32, #tpu.memory_space<vmem>>) target(%dma_start3A_137 : memref<128x64xf32, #tpu.memory_space<vmem_shared>>) target_semaphore(%run_scoped3A : memref<!tpu.dma_semaphore, #tpu.memory_space<semaphore_mem>>)
      %dma_wait3A = arith.constant 0 : i32
      %dma_wait3A_138 = tpu.memref_slice %arg7[%add3A_118, %dma_wait3A] : memref<10240x64xf32, #tpu.memory_space<vmem_shared>> -> memref<128x64xf32, #tpu.memory_space<vmem_shared>>
      %dma_wait3A_139 = arith.constant 0 : i32
      %dma_wait3A_140 = tpu.memref_slice %arg7[%add3A_118, %dma_wait3A_139] : memref<10240x64xf32, #tpu.memory_space<vmem_shared>> -> memref<128x64xf32, #tpu.memory_space<vmem_shared>>
      tpu.wait_dma2 semaphore(%run_scoped3A : memref<!tpu.dma_semaphore, #tpu.memory_space<semaphore_mem>>) src(%arg11 : memref<128x64xf32, #tpu.memory_space<vmem>>) dst(%dma_wait3A_140 : memref<128x64xf32, #tpu.memory_space<vmem_shared>>)
      tpu.yield
    }) : () -> ()
    %barrier3A_124 = arith.constant 0 : index
    tpu.barrier barrier_id(%barrier3A_124)
    %lt3A_125 = arith.constant 15 : i32
    %lt3A_126 = arith.cmpi slt, %arg1, %lt3A_125 : i32
    %convert_element_type3A_127 = arith.extui %lt3A_126 : i1 to i32
    %cond3A_128 = arith.constant 0 : i32
    %cond3A_129 = arith.cmpi ne, %convert_element_type3A_127, %cond3A_128 : i32
    scf.if %cond3A_129 {
      "tpu.region"() ({
        %run_scoped3A = tpu.sem_alloc : memref<!tpu.dma_semaphore, #tpu.memory_space<semaphore_mem>>
        %dma_start3A = arith.constant 0 : i32
        %dma_start3A_135 = arith.constant 0 : i32
        %dma_start3A_136 = tpu.memref_slice %arg6[%arg0, %dma_start3A, %dma_start3A_135] : memref<2x10000x64xf32, #tpu.memory_space<hbm>> -> memref<1x10000x64xf32, #tpu.memory_space<hbm>>
        %dma_start3A_137 = tpu.memref_squeeze %dma_start3A_136 : memref<1x10000x64xf32, #tpu.memory_space<hbm>> -> memref<10000x64xf32, #tpu.memory_space<hbm>>
        %dma_start3A_138 = arith.constant 0 : i32
        %dma_start3A_139 = tpu.memref_slice %dma_start3A_137[%mul3A_0, %dma_start3A_138] : memref<10000x64xf32, #tpu.memory_space<hbm>> -> memref<640x64xf32, #tpu.memory_space<hbm>>
        %dma_start3A_140 = arith.constant 0 : i32
        %dma_start3A_141 = tpu.memref_slice %arg7[%mul3A_0, %dma_start3A_140] : memref<10240x64xf32, #tpu.memory_space<vmem_shared>> -> memref<640x64xf32, #tpu.memory_space<vmem_shared>>
        tpu.enqueue_dma source(%dma_start3A_141 : memref<640x64xf32, #tpu.memory_space<vmem_shared>>) target(%dma_start3A_139 : memref<640x64xf32, #tpu.memory_space<hbm>>) target_semaphore(%run_scoped3A : memref<!tpu.dma_semaphore, #tpu.memory_space<semaphore_mem>>)
        %dma_wait3A = arith.constant 0 : i32
        %dma_wait3A_142 = arith.constant 0 : i32
        %dma_wait3A_143 = tpu.memref_slice %arg6[%arg0, %dma_wait3A, %dma_wait3A_142] : memref<2x10000x64xf32, #tpu.memory_space<hbm>> -> memref<1x10000x64xf32, #tpu.memory_space<hbm>>
        %dma_wait3A_144 = tpu.memref_squeeze %dma_wait3A_143 : memref<1x10000x64xf32, #tpu.memory_space<hbm>> -> memref<10000x64xf32, #tpu.memory_space<hbm>>
        %dma_wait3A_145 = arith.constant 0 : i32
        %dma_wait3A_146 = tpu.memref_slice %dma_wait3A_144[%mul3A_0, %dma_wait3A_145] : memref<10000x64xf32, #tpu.memory_space<hbm>> -> memref<640x64xf32, #tpu.memory_space<hbm>>
        %dma_wait3A_147 = arith.constant 0 : i32
        %dma_wait3A_148 = tpu.memref_slice %arg7[%mul3A_0, %dma_wait3A_147] : memref<10240x64xf32, #tpu.memory_space<vmem_shared>> -> memref<640x64xf32, #tpu.memory_space<vmem_shared>>
        tpu.wait_dma2 semaphore(%run_scoped3A : memref<!tpu.dma_semaphore, #tpu.memory_space<semaphore_mem>>) src(%dma_wait3A_148 : memref<640x64xf32, #tpu.memory_space<vmem_shared>>) dst(%dma_wait3A_146 : memref<640x64xf32, #tpu.memory_space<hbm>>)
        tpu.yield
      }) : () -> ()
    } else {
    }
    %eq3A_130 = arith.constant 15 : i32
    %eq3A_131 = arith.cmpi eq, %arg1, %eq3A_130 : i32
    %convert_element_type3A_132 = arith.extui %eq3A_131 : i1 to i32
    %cond3A_133 = arith.constant 0 : i32
    %cond3A_134 = arith.cmpi ne, %convert_element_type3A_132, %cond3A_133 : i32
    scf.if %cond3A_134 {
      "tpu.region"() ({
        %run_scoped3A = tpu.sem_alloc : memref<!tpu.dma_semaphore, #tpu.memory_space<semaphore_mem>>
        %dma_start3A = arith.constant 0 : i32
        %dma_start3A_135 = arith.constant 0 : i32
        %dma_start3A_136 = tpu.memref_slice %arg6[%arg0, %dma_start3A, %dma_start3A_135] : memref<2x10000x64xf32, #tpu.memory_space<hbm>> -> memref<1x10000x64xf32, #tpu.memory_space<hbm>>
        %dma_start3A_137 = tpu.memref_squeeze %dma_start3A_136 : memref<1x10000x64xf32, #tpu.memory_space<hbm>> -> memref<10000x64xf32, #tpu.memory_space<hbm>>
        %dma_start3A_138 = arith.constant 0 : i32
        %dma_start3A_139 = tpu.memref_slice %dma_start3A_137[%mul3A_0, %dma_start3A_138] : memref<10000x64xf32, #tpu.memory_space<hbm>> -> memref<400x64xf32, #tpu.memory_space<hbm>>
        %dma_start3A_140 = arith.constant 0 : i32
        %dma_start3A_141 = tpu.memref_slice %arg7[%mul3A_0, %dma_start3A_140] : memref<10240x64xf32, #tpu.memory_space<vmem_shared>> -> memref<400x64xf32, #tpu.memory_space<vmem_shared>>
        tpu.enqueue_dma source(%dma_start3A_141 : memref<400x64xf32, #tpu.memory_space<vmem_shared>>) target(%dma_start3A_139 : memref<400x64xf32, #tpu.memory_space<hbm>>) target_semaphore(%run_scoped3A : memref<!tpu.dma_semaphore, #tpu.memory_space<semaphore_mem>>)
        %dma_wait3A = arith.constant 0 : i32
        %dma_wait3A_142 = arith.constant 0 : i32
        %dma_wait3A_143 = tpu.memref_slice %arg6[%arg0, %dma_wait3A, %dma_wait3A_142] : memref<2x10000x64xf32, #tpu.memory_space<hbm>> -> memref<1x10000x64xf32, #tpu.memory_space<hbm>>
        %dma_wait3A_144 = tpu.memref_squeeze %dma_wait3A_143 : memref<1x10000x64xf32, #tpu.memory_space<hbm>> -> memref<10000x64xf32, #tpu.memory_space<hbm>>
        %dma_wait3A_145 = arith.constant 0 : i32
        %dma_wait3A_146 = tpu.memref_slice %dma_wait3A_144[%mul3A_0, %dma_wait3A_145] : memref<10000x64xf32, #tpu.memory_space<hbm>> -> memref<400x64xf32, #tpu.memory_space<hbm>>
        %dma_wait3A_147 = arith.constant 0 : i32
        %dma_wait3A_148 = tpu.memref_slice %arg7[%mul3A_0, %dma_wait3A_147] : memref<10240x64xf32, #tpu.memory_space<vmem_shared>> -> memref<400x64xf32, #tpu.memory_space<vmem_shared>>
        tpu.wait_dma2 semaphore(%run_scoped3A : memref<!tpu.dma_semaphore, #tpu.memory_space<semaphore_mem>>) src(%dma_wait3A_148 : memref<400x64xf32, #tpu.memory_space<vmem_shared>>) dst(%dma_wait3A_146 : memref<400x64xf32, #tpu.memory_space<hbm>>)
        tpu.yield
      }) : () -> ()
    } else {
    }
    return
  }
}

</mosaic_0001>

<sc_bundles>
// kernel: kernel.3.cloned.1.call-start
scs
__scs_entry_jumppad:
0x0: {  	(pc) =	sbr.rel $0x88, $3  }
0x1: {  	(tag) =	ssettag $0x0;
	lr =	simm.s32 $0x1  }
0x2: {  	[smem:$0x3F9E] =	sst lr;
	_ =	strace $0xD0000000  }
0x3: {  	_ = 	snop  }
0x4: {  	_ = 	snop  }
0x5: {  	_ = 	snop  }
0x6: {  	_ = 	snop  }
0x7: {  	_ = 	snop  }
__scs_overlays_trampoline_lowered:
0x8: {  	[smem:$0x3FAD] =	sst s0  }
0x9: {  	[smem:$0x3FAE] =	sst s1  }
0xa: {  	[smem:$0x3FAF] =	sst s2  }
0xb: {  	[smem:$0x3FB0] =	sst s3  }
0xc: {  	[smem:$0x3FB1] =	sst s4  }
0xd: {  	[smem:$0x3FB2] =	sst s5  }
0xe: {  	[smem:$0x3FB3] =	sst s6  }
0xf: {  	[smem:$0x3FB4] =	sst s7  }
0x10: {  	[smem:$0x3FB5] =	sst s8  }
0x11: {  	[smem:$0x3FB6] =	sst s9;
	s0 =	simm.s32 @!p0 $0x0  }
0x12: {  	s1 =	sld [smem:$0x3F9C];
	s0 =	simm.s32 @p0 $0x1  }
0x13: {  	[smem:$0x3FB7] =	sst s0;
	s0 =	simm.s32 @!p1 $0x0  }
0x14: {  	s2 =	sld [smem:$0x3F9B];
	s0 =	simm.s32 @p1 $0x1  }
0x15: {  	[smem:$0x3FB8] =	sst s0;
	s0 =	simm.s32 @!p2 $0x0  }
0x16: {  	s3 =	sld [smem:$0x3FDB];
	s0 =	simm.s32 @p2 $0x1  }
0x17: {  	s4 =	simm.s32 $0x1BF5;
	[smem:$0x3FBA] =	sst s0  }
0x18: {  	s0 =	sld [smem:$0x3F9D];
	_ =	swait.ge [sflag:s4], $0x0  }
0x19: {  	s7 =	sld [smem:$0x3F9E]  }
0x1a: {  	s8 =	sadd.s32 $0xFFFFE003, lr  }
0x1b: {  	s9 =	sadd.s32 $0xFFFFFEF7, lr;
	s5 =	simm.s32 $0xFFFFFFFF;
	p2 =	slt.u32 s8, $0xFFFFF086  }
0x1c: {  	p1 =	slt.u32 s9, $0xF7A;
	s5 =	simm.s32 @!p2 $0x0  }
0x1d: {  	s5 =	simm.s32 @p1 $0x1;
	p0 =	seq.s32 s7, s2  }
0x1e: {  	s7 =	smul.u32 @!p0 $0xF7A, s2;
	p2 =	seq.s32 @!p0 s5, $0x0  }
0x1f: {  	s9 =	smul.u32 $0xF7A, s1;
	s8 =	simm.s32 @!p0 $0x1BF5;
	p2 =	por !p2, p0  }
0x20: {  	[sflag:s8] =	ssyncset.s32 @!p0 $0xFFFFF086;
	s6 =	sadd.s32 @!p0 s3, s7;
	s7 =	simm.s32 @!p0 $0x108  }
0x21: {  	s3 =	sadd.s32 s3, s9;
	s6 =	sadd.s32 @!p0 $0x88, s6;
	s7 =	simm.s32 @p2 $0x1082  }
0x22: {  	[simem:s7], [sflag:s8] =	dma.local @!p0 [hbm:s6], $0xF7A  }
0x23: {  	s9 =	sor.u32 $0xD0000000, s2;
	s6 =	simm.s32 $0x108;
	_ =	swait.ge @!p0 [sflag:s8], $0x0  }
0x24: {  	s3 =	sadd.s32 $0x88, s3;
	s6 =	simm.s32 @!p1 $0x1082;
	[sflag:s4] =	ssyncset.s32 $0xFFFFF086  }
0x25: {  	[simem:s6], [sflag:s4] =	dma.local [hbm:s3], $0xF7A  }
0x26: {  	[smem:$0x3F9E] =	sst s1;
	(tag) =	ssettag s2;
	_ =	strace s9  }
0x27: {  	s1 =	sld [smem:$0x3FAE]  }
0x28: {  	s2 =	sld [smem:$0x3FAF]  }
0x29: {  	s4 =	sld [smem:$0x3FB1]  }
0x2a: {  	p0 =	seq.s32 s5, $0x0;
	s5 =	sld [smem:$0x3FB2]  }
0x2b: {  	s6 =	sld [smem:$0x3FB3]  }
0x2c: {  	s7 =	sld [smem:$0x3FB4]  }
0x2d: {  	s3 =	simm.s32 $0x108;
	s8 =	sld [smem:$0x3FB5]  }
0x2e: {  	s3 =	simm.s32 @!p0 $0x1082;
	s9 =	sld [smem:$0x3FB6]  }
0x2f: {  	lr =	sadd.s32 s0, s3;
	s0 =	sld [smem:$0x3FAD]  }
0x30: {  	s3 =	sld [smem:$0x3FB0]  }
0x31: {  	[smem:$0x3FB9] =	sst s10  }
0x32: {  	s10 =	sld [smem:$0x3FB7];
	_ =	sdelay $0x3  }
0x33: {  	p0 =	seq.s32 s10, $0x1;
	s10 =	sld [smem:$0x3FB9];
	_ =	sdelay $0x3  }
0x34: {  	[smem:$0x3FB9] =	sst s10  }
0x35: {  	s10 =	sld [smem:$0x3FB8];
	_ =	sdelay $0x3  }
0x36: {  	p1 =	seq.s32 s10, $0x1;
	s10 =	sld [smem:$0x3FB9];
	_ =	sdelay $0x3  }
0x37: {  	[smem:$0x3FB9] =	sst s10  }
0x38: {  	s10 =	sld [smem:$0x3FBA]  }
0x39: {  	_ = 	snop;
	(pc) =	sbr.ind lr, $3  }
0x3a: {  	_ = 	snop  }
0x3b: {  	_ = 	snop  }
0x3c: {  	p2 =	seq.s32 s10, $0x1;
	s10 =	sld [smem:$0x3FB9]  }
0x3d: {  	_ =	shalt  }
0x3e: {  	_ =	shalt  }
0x3f: {  	_ =	shalt  }
0x40: {  	_ =	shalt  }
0x41: {  	_ =	shalt  }
0x42: {  	_ =	shalt  }
0x43: {  	_ =	shalt  }
0x44: {  	_ =	shalt  }
0x45: {  	_ =	shalt  }
0x46: {  	_ =	shalt  }
0x47: {  	_ =	shalt  }
0x48: {  	_ =	shalt  }
0x49: {  	_ =	shalt  }
0x4a: {  	_ =	shalt  }
0x4b: {  	_ =	shalt  }
0x4c: {  	_ =	shalt  }
0x4d: {  	_ =	shalt  }
0x4e: {  	_ =	shalt  }
0x4f: {  	_ =	shalt  }
0x50: {  	_ =	shalt  }
0x51: {  	_ =	shalt  }
0x52: {  	_ =	shalt  }
0x53: {  	_ =	shalt  }
0x54: {  	_ =	shalt  }
0x55: {  	_ =	shalt  }
0x56: {  	_ =	shalt  }
0x57: {  	_ =	shalt  }
0x58: {  	_ =	shalt  }
0x59: {  	_ =	shalt  }
0x5a: {  	_ =	shalt  }
0x5b: {  	_ =	shalt  }
0x5c: {  	_ =	shalt  }
0x5d: {  	_ =	shalt  }
0x5e: {  	_ =	shalt  }
0x5f: {  	_ =	shalt  }
0x60: {  	_ =	shalt  }
0x61: {  	_ =	shalt  }
0x62: {  	_ =	shalt  }
0x63: {  	_ =	shalt  }
0x64: {  	_ =	shalt  }
0x65: {  	_ =	shalt  }
0x66: {  	_ =	shalt  }
0x67: {  	_ =	shalt  }
0x68: {  	_ =	shalt  }
0x69: {  	_ =	shalt  }
0x6a: {  	_ =	shalt  }
0x6b: {  	_ =	shalt  }
0x6c: {  	_ =	shalt  }
0x6d: {  	_ =	shalt  }
0x6e: {  	_ =	shalt  }
0x6f: {  	_ =	shalt  }
0x70: {  	_ =	shalt  }
0x71: {  	_ =	shalt  }
0x72: {  	_ =	shalt  }
0x73: {  	_ =	shalt  }
0x74: {  	_ =	shalt  }
0x75: {  	_ =	shalt  }
0x76: {  	_ =	shalt  }
0x77: {  	_ =	shalt  }
0x78: {  	_ =	shalt  }
0x79: {  	_ =	shalt  }
0x7a: {  	_ =	shalt  }
0x7b: {  	_ =	shalt  }
0x7c: {  	_ =	shalt  }
0x7d: {  	_ =	shalt  }
0x7e: {  	_ =	shalt  }
0x7f: {  	_ =	shalt  }
0x80: {  	_ =	shalt  }
0x81: {  	_ =	shalt  }
0x82: {  	_ =	shalt  }
0x83: {  	_ =	shalt  }
0x84: {  	_ =	shalt  }
0x85: {  	_ =	shalt  }
0x86: {  	_ =	shalt  }
0x87: {  	_ =	shalt  }
.Lfunc_end0:
.L_simem_size_0:
called_computation_lowered:
.L_overlay_start_0:
0x88: {  	s2 =	sld [smem:$0x3FD9]  }
0x89: {  	s3 =	sld [smem:$0x3FFE];
	_ =	sdelay $0x1  }
0x8a: {  	s1 =	srdreg.scid  }
0x8b: {  	s0 =	sand.u32 $0x1, s1  }
0x8c: {  	s17 =	sshll.u32 s0, $0xA;
	s2 =	sadd.s32 s3, s2  }
0x8d: {  	s2 =	sadd.s32 s2, s17  }
0x8e: {  	[smem:$0x3FC5] =	sst s2  }
0x8f: {  	_ = 	snop  }
0x90: {  	s2 =	sld [smem:$0x3FD0];
	(tm) =	ssettm $0x1  }
0x91: {  	s18 =	sld [smem:$0x3FFB];
	_ =	sdelay $0x3  }
0x92: {  	_ =	strace s18  }
0x93: {  	s3 =	sld [smem:$0x3FFC];
	_ =	sdelay $0x3  }
0x94: {  	_ =	strace s3  }
0x95: {  	s3 =	sld [smem:$0x3FFD];
	_ =	sdelay $0x3  }
0x96: {  	_ =	strace s3  }
0x97: {  	_ =	strace $0x8FFFFFFF  }
0x98: {  	s19 =	sld [smem:$0x3FDB];
	_ =	sdelay $0x1  }
0x99: {  	s4 =	simm.s32 $_scs_section_size  }
0x9a: {  	s5 =	simm.s32 $_size__tile_overlayer_lowered;
	s6 =	simm.s32 $_tile_overlayer_lowered  }
0x9b: {  	s22 =	simm.s32 $0x1BFF;
	s21 =	sshll.u32 s6, $0x1;
	s3 =	sadd.s32 s4, s19  }
0x9c: {  	s7 =	simm.s32 $0x0;
	s20 =	sshll.u32 s5, $0x1;
	s5 =	sadd.s32 s21, s3  }
0x9d: {  	[timem:s7], [sflag:s22] =	dma.local [hbm:s5], s20  }
0x9e: {  	_ =	swait.ge [sflag:s22], s20  }
0x9f: {  	s4 =	ssub.s32 $0x0, s20;
	[sflag:s22] =	ssyncset.done $0x0  }
0xa0: {  	[sflag:s22] =	ssyncadd.s32 s4;
	_ =	sdelay $0x1  }
0xa1: {  	s23 =	simm.s32 $0x1B8B  }
0xa2: {  	_ =	swait.ge [sflag:s23], $0x1  }
0xa3: {  	[sflag:s23] =	ssyncset.done $0x0  }
0xa4: {  	s25 =	simm.s32 $0x1B8E;
	s24 =	sld [smem:$0x3FFE];
	[sflag:s23] =	ssyncadd.s32 $0xFFFFFFFF  }
0xa5: {  	s26 =	simm.s32 $execute0_lowered;
	[smem:$0x3FD2] =	sst s25  }
0xa6: {  	s5 =	sshll.u32 s26, $0x1;
	_ =	strace $0x80000046;
	[dreg:$0x1] =	wrdreg $0xFFFFFFFF  }
0xa7: {  	s28 =	simm.s32 $_size_execute0_lowered;
	s3 =	sadd.s32 s3, s5;
	[dreg:$0x0] =	wrdreg $0x0  }
0xa8: {  	s5 =	sshll.u32 s28, $0x1;
	[dreg:$0x2] =	wrdreg s3  }
0xa9: {  	[dreg:$0x3] =	wrdreg s5  }
0xaa: {  	[dreg:$0x4] =	wrdreg $0xC0  }
0xab: {  	_ =	task [dreg:s7], $0x5FFFF  }
0xac: {  	[dreg:$0x1] =	wrdreg $0xFFFFFFFF  }
0xad: {  	[dreg:$0x0] =	wrdreg $0x60  }
0xae: {  	[dreg:$0x2] =	wrdreg s24  }
0xaf: {  	[dreg:$0x3] =	wrdreg s2  }
0xb0: {  	[dreg:$0x4] =	wrdreg $0x0  }
0xb1: {  	[dreg:$0x5] =	wrdreg $0xA0000  }
0xb2: {  	[dreg:$0x6] =	wrdreg $0x9  }
0xb3: {  	_ =	task.clear_ibuf [dreg:s7], $0x7FFFF;
	_ =	strace $0x90000046  }
0xb4: {  	s29 =	simm.s32 $0x9;
	_ =	strace $0x80000048  }
0xb5: {  	_ =	swait.ge [sflag:s29], $0x1  }
0xb6: {  	[sflag:s29] =	ssyncadd.s32 $0xFFFFFFFF  }
0xb7: {  	_ =	strace $0x90000048  }
0xb8: {  	_ =	sfence  }
0xb9: {  	s30 =	sld [smem:$0x0];
	_ =	sdelay $0x2  }
0xba: {  	s31 =	sshll.u32 s1, $0xD;
	s1 =	sshrl.u32 s1, $0x2  }
0xbb: {  	s3 =	sand.u32 $0x4000, s31;
	s1 =	sadd.s32 s1, s30  }
0xbc: {  	s0 =	sor.u32 s3, s0;
	s1 =	sshll.u32 s1, $0x11  }
0xbd: {  	s0 =	sor.u32 s1, s0  }
0xbe: {  	s0 =	sadd.s32 $0x8F2B, s0  }
0xbf: {  	[sflag:s0] =	ssyncadd.remote.s32 $0x1  }
0xc0: {  	_ =	sfence.sel $0xFFFF  }
0xc1: {  	[dreg:$0x0] =	wrdreg $0xFFFFFFFF;
	(pc) =	sbr.abs _section_cstart, $3  }
0xc2: {  	[dreg:$0x1] =	wrdreg $0xFFFFFFFF  }
0xc3: {  	_ =	task.clear_ibuf [dreg:s7], $0x2FFFF;
	_ =	strace $0x9FFFFFFF  }
0xc4: {  	(tm) =	ssettm $0x7FFFFFFF  }
0xc5: {  	_ =	shalt  }
tec
execute0_lowered:
.L_overlay_start_1:
0x0: {  	(tag) =	ssettag $0x1  }
0x1: {  	s0 =	rddreg [dreg:$0x0]  }
0x2: {  	s1 =	rddreg [dreg:$0x1]  }
0x3: {  	s2 =	rddreg [dreg:$0x2]  }
0x4: {  	s3 =	rddreg [dreg:$0x3]  }
0x5: {  	s18 =	stileid.u32;
	s4 =	simm.s32 $0x0;
	s8 =	srdreg.scid  }
0x6: {  	s29 =	simm.s32 $0x1;
	s30 =	simm.s32 $0x19000;
	s7 =	smul.u32 $0xA00, s18  }
0x7: {  	s5 =	sshrl.u32 s18, $0x3;
	[smem:$0x7FF] =	sst s4;
	s10 =	smul.u32 $0x50000, s18  }
0x8: {  	s6 =	sshll.u32 s18, $0x7;
	s24 =	sand.u32 $0x1, s8;
	s11 =	smul.u32 $0x2800, s18  }
0x9: {  	s31 =	smul.u32 $0x14000, s18;
	s14 =	sadd.s32 $0x12C000, s2;
	p0 =	seq.s32 s18, $0xF  }
0xa: {  	s5 =	smul.u32 $0x1400, s5;
	s6 =	sand.u32 $0x380, s6;
	_ =	strace $0x80000047  }
0xb: {  	s9 =	smul.u32 $0x27100, s24;
	s25 =	sadd.s32 s7, s0;
	s28 =	sshrl.u32 s10, $0x2  }
0xc: {  	[dreg:$0x6] =	wrdreg s11;
	s12 =	sadd.s32 s31, s3;
	s13 =	sadd.s32 $0x4000, s31  }
0xd: {  	s15 =	sadd.s32 $0x8000, s31;
	s1 =	sadd.s32 s1, s7;
	[dreg:$0x8] =	wrdreg s12  }
0xe: {  	s16 =	sadd.s32 $0xC000, s31;
	s21 =	sadd.s32 s31, s2;
	[dreg:$0x5] =	wrdreg s1  }
0xf: {  	s10 =	simm.s32 $0x14880;
	s12 =	sadd.s32 s13, s3;
	[dreg:$0xd] =	wrdreg s21  }
0x10: {  	s5 =	sor.u32 s6, s5;
	s17 =	sadd.s32 s15, s3;
	[dreg:$0x9] =	wrdreg s12  }
0x11: {  	s6 =	ssub.s32 $0x2, s24;
	s19 =	sadd.s32 s16, s3;
	[dreg:$0xa] =	wrdreg s17  }
0x12: {  	s22 =	sadd.s32 s13, s2;
	s23 =	sadd.s32 s15, s2;
	[dreg:$0xb] =	wrdreg s19  }
0x13: {  	s24 =	sadd.s32 s16, s2;
	s1 =	simm.s32 $0x14000;
	[dreg:$0xe] =	wrdreg s22  }
0x14: {  	s15 =	simm.s32 $0x14080;
	s5 =	sshrl.u32 s5, $0x3;
	[dreg:$0xf] =	wrdreg s23  }
0x15: {  	s17 =	sadd.s32 $0x10000, s31;
	s12 =	sadd.s32 $0xA00, s25;
	[dreg:$0x10] =	wrdreg s24  }
0x16: {  	s26 =	sshrl.u32 s6, $0x1;
	s20 =	sadd.s32 s17, s3;
	[dreg:$0x18] =	wrdreg s12  }
0x17: {  	s5 =	sadd.s32 s5, s0;
	s25 =	sadd.s32 s17, s2;
	[dreg:$0xc] =	wrdreg s20  }
0x18: {  	s0 =	sadd.s32 s9, s0;
	s5 =	sadd.s32 $0x400, s5;
	[dreg:$0x11] =	wrdreg s25  }
0x19: {  	s6 =	ssub.s32 s6, s26;
	s26 =	sadd.s32 $0x58C00, s0;
	[dreg:$0x7] =	wrdreg s5  }
0x1a: {  	s9 =	sadd.s32 s28, s2;
	s28 =	smax.u32 s6, $0x1;
	[dreg:$0x12] =	wrdreg s26  }
0x1b: {  	s11 =	sadd.s32 s11, s0;
	s0 =	sadd.s32 $0x30200, s0;
	[dreg:$0x13] =	wrdreg s28  }
0x1c: {  	s25 =	simm.s32 $0x80;
	s31 =	sadd.s32 $0xAA00, s11;
	[dreg:$0x15] =	wrdreg s0  }
0x1d: {  	s0 =	sshrl.u32 @p0 s14, $0x3;
	s26 =	simm.s32 $0x15000;
	[dreg:$0x14] =	wrdreg s31  }
0x1e: {  	s11 =	simm.s32 $0x14100;
	[dreg:$0x16] =	wrdreg s0;
	s0 =	sshrl.u32 @!p0 s9, $0x3  }
0x1f: {  	v0 =	vimm.f32 $0.0e+00;
	s5 =	simm.s32 $0x0;
	[dreg:$0x17] =	wrdreg s0;
	s0 =	simm.s32 $0x14800  }
.LBB2_1:
0x20: {  	s8 =	rddreg [dreg:$0x15]  }
0x21: {  	s7 =	simm.s32 @p0 $0x1FC1;
	s9 =	rddreg [dreg:$0x16]  }
0x22: {  	[spmem:s9], [sflag:s7] =	dma.local @p0 [hbm:s8], $0x1900  }
0x23: {  	s7 =	simm.s32 @p0 $0x1;
	s8 =	stileid.u32  }
0x24: {  	_ =	swait.ge @p0 [sflag:s7], $0x1900;
	s8 =	sshll.u32 @!p0 s8, $0x6  }
0x25: {  	[sflag:s7] =	ssyncset.done @p0 $0x0;
	s6 =	sor.u32 @!p0 $0x1C01, s8;
	s8 =	rddreg [dreg:$0x17]  }
0x26: {  	[sflag:s7] =	ssyncadd.s32 @p0 $0xFFFFE700;
	s7 =	rddreg [dreg:$0x14]  }
0x27: {  	[dreg:$0x1a] =	wrdreg s6  }
0x28: {  	[spmem:s8], [sflag:s6] =	dma.local @!p0 [hbm:s7], $0x2800  }
0x29: {  	s7 =	simm.s32 @!p0 $0x1  }
0x2a: {  	_ =	swait.ge @!p0 [sflag:s7], $0x2800  }
0x2b: {  	s28 =	simm.s32 $0x400;
	[sflag:s7] =	ssyncset.done @!p0 $0x0  }
0x2c: {  	s31 =	simm.s32 $0x1D000;
	s24 =	rddreg [dreg:$0x7];
	[sflag:s7] =	ssyncadd.s32 @!p0 $0xFFFFD800  }
0x2d: {  	[tilespmem:s31], [sflag:$0x1] =	stream.strided.gather [hbm4b:s24+s25], $0x280, s28, s25, $0x38;
	[tilespmem:$0x1D300] =	vst v63  }
0x2e: {  	_ =	swait.ge [sflag:s29], $0x280  }
0x2f: {  	[sflag:s29] =	ssyncset.done $0x0  }
0x30: {  	s8 =	simm.s32 $0x40;
	s7 =	simm.s32 $0x0;
	[sflag:s29] =	ssyncadd.s32 $0xFFFFFD80  }
.LBB2_2:
0x31: {  	p1 =	sne.s32 s8, $0x9C0;
	v1 =	vld [tilespmem:s7+$0x1D000];
	_ =	sdelay $0x4  }
0x32: {  	v1 =	vmul.f32 $1.000000010e-01, v1;
	_ =	sdelay $0x1  }
0x33: {  	v1 =	vadd.f32 $1.000000000e+00, v1;
	_ =	sdelay $0x1  }
0x34: {  	(erf) = vrcp.f32 v1;
	_ =	sdelay $0x5  }
.Ltmp0:
0x35: {  	(pc) =	sbr.rel @p1 .LBB2_2-.Ltmp0, $3  }
0x36: {  	_ =	sdelay $0x1  }
0x37: {  	v1 =	vpop (erf)  }
0x38: {  	[tilespmem:s7+$0x1D000] =	vst v1;
	s7 =	sshra.s32 s8, $0x2;
	s8 =	sadd.s32 $0x40, s8  }
0x39: {  	v1 =	vld [tilespmem:s7+$0x1D000];
	_ =	sdelay $0x4  }
0x3a: {  	v1 =	vmul.f32 $1.000000010e-01, v1;
	_ =	sdelay $0x1  }
0x3b: {  	v1 =	vadd.f32 $1.000000000e+00, v1;
	_ =	sdelay $0x1  }
0x3c: {  	(erf) = vrcp.f32 v1;
	_ =	sdelay $0x8  }
0x3d: {  	v1 =	vpop (erf)  }
0x3e: {  	[dreg:$0x19] =	wrdreg s5;
	s8 =	simm.s32 $0x200;
	[tilespmem:s7+$0x1D000] =	vst v1;
	s7 =	simm.s32 $0x0  }
.LBB2_4:
0x3f: {  	p1 =	sne.s32 s8, $0xFE00;
	[tilespmem:s7+$0x19030] =	vst v0;
	s9 =	smov.u32 s8;
	s8 =	sadd.s32 $0x200, s8  }
.Ltmp1:
0x40: {  	[tilespmem:s7+$0x19020] =	vst v0;
	(pc) =	sbr.rel @p1 .LBB2_4-.Ltmp1, $3  }
0x41: {  	[tilespmem:s7+$0x19000] =	vst v0  }
0x42: {  	[tilespmem:s7+$0x19010] =	vst v0;
	_ =	sdelay $0x1  }
0x43: {  	s7 =	sshra.s32 s9, $0x2  }
0x44: {  	[tilespmem:s7+$0x19030] =	vst v0  }
0x45: {  	[tilespmem:s7+$0x19020] =	vst v0  }
0x46: {  	[tilespmem:s7+$0x19000] =	vst v0  }
0x47: {  	[tilespmem:s7+$0x19010] =	vst v0;
	s20 =	rddreg [dreg:$0x8]  }
0x48: {  	[spmem:s20] =	stream.linear.scatter [tilespmem:s30], [sflag:$0x1], $0x4000, $0x38;
	[tilespmem:$0x1D300] =	vst v63  }
0x49: {  	_ =	swait.ge [sflag:s29], $0x4000  }
0x4a: {  	[sflag:s29] =	ssyncset.done $0x0  }
0x4b: {  	s21 =	rddreg [dreg:$0x9];
	[sflag:s29] =	ssyncadd.s32 $0xFFFFC000  }
0x4c: {  	[spmem:s21] =	stream.linear.scatter [tilespmem:s30], [sflag:$0x1], $0x4000, $0x38;
	[tilespmem:$0x1D300] =	vst v63  }
0x4d: {  	_ =	swait.ge [sflag:s29], $0x4000  }
0x4e: {  	[sflag:s29] =	ssyncset.done $0x0  }
0x4f: {  	s22 =	rddreg [dreg:$0xa];
	[sflag:s29] =	ssyncadd.s32 $0xFFFFC000  }
0x50: {  	[spmem:s22] =	stream.linear.scatter [tilespmem:s30], [sflag:$0x1], $0x4000, $0x38;
	[tilespmem:$0x1D300] =	vst v63  }
0x51: {  	_ =	swait.ge [sflag:s29], $0x4000  }
0x52: {  	[sflag:s29] =	ssyncset.done $0x0  }
0x53: {  	s23 =	rddreg [dreg:$0xb];
	[sflag:s29] =	ssyncadd.s32 $0xFFFFC000  }
0x54: {  	[spmem:s23] =	stream.linear.scatter [tilespmem:s30], [sflag:$0x1], $0x4000, $0x38;
	[tilespmem:$0x1D300] =	vst v63  }
0x55: {  	_ =	swait.ge [sflag:s29], $0x4000  }
0x56: {  	[sflag:s29] =	ssyncset.done $0x0  }
0x57: {  	s24 =	rddreg [dreg:$0xc];
	[sflag:s29] =	ssyncadd.s32 $0xFFFFC000  }
0x58: {  	[spmem:s24] =	stream.linear.scatter [tilespmem:s30], [sflag:$0x1], $0x4000, $0x38;
	[tilespmem:$0x1D300] =	vst v63  }
0x59: {  	_ =	swait.ge [sflag:s29], $0x4000  }
0x5a: {  	[sflag:s29] =	ssyncset.done $0x0  }
0x5b: {  	[sflag:s29] =	ssyncadd.s32 $0xFFFFC000  }
0x5c: {  	[bflag:$0x0] =	sbarrier.arrive $0xFFFF  }
0x5d: {  	s8 =	rddreg [dreg:$0x5]  }
0x5e: {  	s5 =	sadd.s32 $0x0, s8  }
0x5f: {  	[tilespmem:s1], [sflag:$0x1] =	stream.linear.gather [hbm4b:s5+s4], $0x800, $0x38;
	[tilespmem:$0x1D300] =	vst v63  }
0x60: {  	_ =	swait.ge [sflag:s29], $0x800  }
0x61: {  	[sflag:s29] =	ssyncset.done $0x0  }
0x62: {  	s6 =	sadd.s32 $0x0, s12;
	[sflag:s29] =	ssyncadd.s32 $0xFFFFF800  }
0x63: {  	[tilespmem:s0], [sflag:$0x1] =	stream.linear.gather [hbm4b:s6+s4], $0x800, $0x38;
	[tilespmem:$0x1D300] =	vst v63  }
0x64: {  	_ =	swait.ge [sflag:s29], $0x800  }
0x65: {  	[sflag:s29] =	ssyncset.done $0x0  }
0x66: {  	[sflag:s29] =	ssyncadd.s32 $0xFFFFF800  }
0x67: {  	[tilespmem:s26], [sflag:$0x1] =	stream.indirect.gather [spmem:s2], $0x40, s1, s25, $0xb8;
	[tilespmem:$0x1D300] =	vst v63  }
0x68: {  	_ =	swait.ge [sflag:s29], $0x2000  }
0x69: {  	[sflag:s29] =	ssyncset.done $0x0  }
0x6a: {  	[sflag:s29] =	ssyncadd.s32 $0xFFFFE000  }
0x6b: {  	[spmem:s3] =	stream.indirect.scatter.add.f32 [tilespmem:s26], [sflag:$0x1], $0x40, s0, s25, $0xb8;
	[tilespmem:$0x1D300] =	vst v63  }
0x6c: {  	_ =	swait.ge [sflag:s29], $0x2000  }
0x6d: {  	[sflag:s29] =	ssyncset.done $0x0  }
0x6e: {  	[sflag:s29] =	ssyncadd.s32 $0xFFFFE000  }
0x6f: {  	[tilespmem:s30], [sflag:$0x1] =	stream.indirect.gather [spmem:s2], $0x40, s15, s25, $0xb8;
	[tilespmem:$0x1D300] =	vst v63  }
0x70: {  	_ =	swait.ge [sflag:s29], $0x2000  }
0x71: {  	[sflag:s29] =	ssyncset.done $0x0  }
0x72: {  	[sflag:s29] =	ssyncadd.s32 $0xFFFFE000  }
0x73: {  	[spmem:s3] =	stream.indirect.scatter.add.f32 [tilespmem:s30], [sflag:$0x1], $0x40, s10, s25, $0xb8;
	[tilespmem:$0x1D300] =	vst v63  }
0x74: {  	_ =	swait.ge [sflag:s29], $0x2000  }
0x75: {  	[sflag:s29] =	ssyncset.done $0x0  }
0x76: {  	[sflag:s29] =	ssyncadd.s32 $0xFFFFE000  }
0x77: {  	[tilespmem:s26], [sflag:$0x1] =	stream.indirect.gather [spmem:s2], $0x40, s11, s25, $0xb8;
	[tilespmem:$0x1D300] =	vst v63  }
0x78: {  	_ =	swait.ge [sflag:s29], $0x2000  }
0x79: {  	[sflag:s29] =	ssyncset.done $0x0  }
0x7a: {  	s16 =	simm.s32 $0x14900;
	[sflag:s29] =	ssyncadd.s32 $0xFFFFE000  }
0x7b: {  	[spmem:s3] =	stream.indirect.scatter.add.f32 [tilespmem:s26], [sflag:$0x1], $0x40, s16, s25, $0xb8;
	[tilespmem:$0x1D300] =	vst v63  }
0x7c: {  	_ =	swait.ge [sflag:s29], $0x2000  }
0x7d: {  	[sflag:s29] =	ssyncset.done $0x0  }
0x7e: {  	s17 =	simm.s32 $0x14180;
	[sflag:s29] =	ssyncadd.s32 $0xFFFFE000  }
0x7f: {  	[tilespmem:s30], [sflag:$0x1] =	stream.indirect.gather [spmem:s2], $0x40, s17, s25, $0xb8;
	[tilespmem:$0x1D300] =	vst v63  }
0x80: {  	_ =	swait.ge [sflag:s29], $0x2000  }
0x81: {  	[sflag:s29] =	ssyncset.done $0x0  }
0x82: {  	s18 =	simm.s32 $0x14980;
	[sflag:s29] =	ssyncadd.s32 $0xFFFFE000  }
0x83: {  	[spmem:s3] =	stream.indirect.scatter.add.f32 [tilespmem:s30], [sflag:$0x1], $0x40, s18, s25, $0xb8;
	[tilespmem:$0x1D300] =	vst v63  }
0x84: {  	_ =	swait.ge [sflag:s29], $0x2000  }
0x85: {  	[sflag:s29] =	ssyncset.done $0x0  }
0x86: {  	s14 =	simm.s32 $0x14200;
	[sflag:s29] =	ssyncadd.s32 $0xFFFFE000  }
0x87: {  	[tilespmem:s26], [sflag:$0x1] =	stream.indirect.gather [spmem:s2], $0x40, s14, s25, $0xb8;
	[tilespmem:$0x1D300] =	vst v63  }
0x88: {  	_ =	swait.ge [sflag:s29], $0x2000  }
0x89: {  	[sflag:s29] =	ssyncset.done $0x0  }
0x8a: {  	s28 =	simm.s32 $0x14A00;
	[sflag:s29] =	ssyncadd.s32 $0xFFFFE000  }
0x8b: {  	[spmem:s3] =	stream.indirect.scatter.add.f32 [tilespmem:s26], [sflag:$0x1], $0x40, s28, s25, $0xb8;
	[tilespmem:$0x1D300] =	vst v63  }
0x8c: {  	_ =	swait.ge [sflag:s29], $0x2000  }
0x8d: {  	[sflag:s29] =	ssyncset.done $0x0  }
0x8e: {  	s1 =	simm.s32 $0x14280;
	[sflag:s29] =	ssyncadd.s32 $0xFFFFE000  }
0x8f: {  	[tilespmem:s30], [sflag:$0x1] =	stream.indirect.gather [spmem:s2], $0x40, s1, s25, $0xb8;
	[tilespmem:$0x1D300] =	vst v63  }
0x90: {  	_ =	swait.ge [sflag:s29], $0x2000  }
0x91: {  	[sflag:s29] =	ssyncset.done $0x0  }
0x92: {  	s6 =	simm.s32 $0x14A80;
	[sflag:s29] =	ssyncadd.s32 $0xFFFFE000  }
0x93: {  	[spmem:s3] =	stream.indirect.scatter.add.f32 [tilespmem:s30], [sflag:$0x1], $0x40, s6, s25, $0xb8;
	[tilespmem:$0x1D300] =	vst v63  }
0x94: {  	_ =	swait.ge [sflag:s29], $0x2000  }
0x95: {  	[sflag:s29] =	ssyncset.done $0x0  }
0x96: {  	s20 =	simm.s32 $0x14300;
	[sflag:s29] =	ssyncadd.s32 $0xFFFFE000  }
0x97: {  	[tilespmem:s26], [sflag:$0x1] =	stream.indirect.gather [spmem:s2], $0x40, s20, s25, $0xb8;
	[tilespmem:$0x1D300] =	vst v63  }
0x98: {  	_ =	swait.ge [sflag:s29], $0x2000  }
0x99: {  	[sflag:s29] =	ssyncset.done $0x0  }
0x9a: {  	s21 =	simm.s32 $0x14B00;
	[sflag:s29] =	ssyncadd.s32 $0xFFFFE000  }
0x9b: {  	[spmem:s3] =	stream.indirect.scatter.add.f32 [tilespmem:s26], [sflag:$0x1], $0x40, s21, s25, $0xb8;
	[tilespmem:$0x1D300] =	vst v63  }
0x9c: {  	_ =	swait.ge [sflag:s29], $0x2000  }
0x9d: {  	[sflag:s29] =	ssyncset.done $0x0  }
0x9e: {  	s22 =	simm.s32 $0x14380;
	[sflag:s29] =	ssyncadd.s32 $0xFFFFE000  }
0x9f: {  	[tilespmem:s30], [sflag:$0x1] =	stream.indirect.gather [spmem:s2], $0x40, s22, s25, $0xb8;
	[tilespmem:$0x1D300] =	vst v63  }
0xa0: {  	_ =	swait.ge [sflag:s29], $0x2000  }
0xa1: {  	[sflag:s29] =	ssyncset.done $0x0  }
0xa2: {  	s23 =	simm.s32 $0x14B80;
	[sflag:s29] =	ssyncadd.s32 $0xFFFFE000  }
0xa3: {  	[spmem:s3] =	stream.indirect.scatter.add.f32 [tilespmem:s30], [sflag:$0x1], $0x40, s23, s25, $0xb8;
	[tilespmem:$0x1D300] =	vst v63  }
0xa4: {  	_ =	swait.ge [sflag:s29], $0x2000  }
0xa5: {  	[sflag:s29] =	ssyncset.done $0x0  }
0xa6: {  	s24 =	simm.s32 $0x14400;
	[sflag:s29] =	ssyncadd.s32 $0xFFFFE000  }
0xa7: {  	[tilespmem:s26], [sflag:$0x1] =	stream.indirect.gather [spmem:s2], $0x40, s24, s25, $0xb8;
	[tilespmem:$0x1D300] =	vst v63  }
0xa8: {  	_ =	swait.ge [sflag:s29], $0x2000  }
0xa9: {  	[sflag:s29] =	ssyncset.done $0x0  }
0xaa: {  	s5 =	simm.s32 $0x14C00;
	[sflag:s29] =	ssyncadd.s32 $0xFFFFE000  }
0xab: {  	[spmem:s3] =	stream.indirect.scatter.add.f32 [tilespmem:s26], [sflag:$0x1], $0x40, s5, s25, $0xb8;
	[tilespmem:$0x1D300] =	vst v63  }
0xac: {  	_ =	swait.ge [sflag:s29], $0x2000  }
0xad: {  	[sflag:s29] =	ssyncset.done $0x0  }
0xae: {  	s19 =	simm.s32 $0x14480;
	[sflag:s29] =	ssyncadd.s32 $0xFFFFE000  }
0xaf: {  	[tilespmem:s30], [sflag:$0x1] =	stream.indirect.gather [spmem:s2], $0x40, s19, s25, $0xb8;
	[tilespmem:$0x1D300] =	vst v63  }
0xb0: {  	_ =	swait.ge [sflag:s29], $0x2000  }
0xb1: {  	[sflag:s29] =	ssyncset.done $0x0  }
0xb2: {  	s4 =	simm.s32 $0x14C80;
	[sflag:s29] =	ssyncadd.s32 $0xFFFFE000  }
0xb3: {  	[spmem:s3] =	stream.indirect.scatter.add.f32 [tilespmem:s30], [sflag:$0x1], $0x40, s4, s25, $0xb8;
	[tilespmem:$0x1D300] =	vst v63  }
0xb4: {  	_ =	swait.ge [sflag:s29], $0x2000  }
0xb5: {  	[sflag:s29] =	ssyncset.done $0x0  }
0xb6: {  	s9 =	simm.s32 $0x14500;
	[sflag:s29] =	ssyncadd.s32 $0xFFFFE000  }
0xb7: {  	[tilespmem:s26], [sflag:$0x1] =	stream.indirect.gather [spmem:s2], $0x40, s9, s25, $0xb8;
	[tilespmem:$0x1D300] =	vst v63  }
0xb8: {  	_ =	swait.ge [sflag:s29], $0x2000  }
0xb9: {  	[sflag:s29] =	ssyncset.done $0x0  }
0xba: {  	s10 =	simm.s32 $0x14D00;
	[sflag:s29] =	ssyncadd.s32 $0xFFFFE000  }
0xbb: {  	[spmem:s3] =	stream.indirect.scatter.add.f32 [tilespmem:s26], [sflag:$0x1], $0x40, s10, s25, $0xb8;
	[tilespmem:$0x1D300] =	vst v63  }
0xbc: {  	_ =	swait.ge [sflag:s29], $0x2000  }
0xbd: {  	[sflag:s29] =	ssyncset.done $0x0  }
0xbe: {  	s11 =	simm.s32 $0x14580;
	[sflag:s29] =	ssyncadd.s32 $0xFFFFE000  }
0xbf: {  	[tilespmem:s30], [sflag:$0x1] =	stream.indirect.gather [spmem:s2], $0x40, s11, s25, $0xb8;
	[tilespmem:$0x1D300] =	vst v63  }
0xc0: {  	_ =	swait.ge [sflag:s29], $0x2000  }
0xc1: {  	[sflag:s29] =	ssyncset.done $0x0  }
0xc2: {  	s9 =	simm.s32 $0x14D80;
	[sflag:s29] =	ssyncadd.s32 $0xFFFFE000  }
0xc3: {  	[spmem:s3] =	stream.indirect.scatter.add.f32 [tilespmem:s30], [sflag:$0x1], $0x40, s9, s25, $0xb8;
	[tilespmem:$0x1D300] =	vst v63  }
0xc4: {  	_ =	swait.ge [sflag:s29], $0x2000  }
0xc5: {  	[sflag:s29] =	ssyncset.done $0x0  }
0xc6: {  	s10 =	simm.s32 $0x14600;
	[sflag:s29] =	ssyncadd.s32 $0xFFFFE000  }
0xc7: {  	[tilespmem:s26], [sflag:$0x1] =	stream.indirect.gather [spmem:s2], $0x40, s10, s25, $0xb8;
	[tilespmem:$0x1D300] =	vst v63  }
0xc8: {  	_ =	swait.ge [sflag:s29], $0x2000  }
0xc9: {  	[sflag:s29] =	ssyncset.done $0x0  }
0xca: {  	s11 =	simm.s32 $0x14E00;
	[sflag:s29] =	ssyncadd.s32 $0xFFFFE000  }
0xcb: {  	[spmem:s3] =	stream.indirect.scatter.add.f32 [tilespmem:s26], [sflag:$0x1], $0x40, s11, s25, $0xb8;
	[tilespmem:$0x1D300] =	vst v63  }
0xcc: {  	_ =	swait.ge [sflag:s29], $0x2000  }
0xcd: {  	[sflag:s29] =	ssyncset.done $0x0  }
0xce: {  	s9 =	simm.s32 $0x14680;
	[sflag:s29] =	ssyncadd.s32 $0xFFFFE000  }
0xcf: {  	[tilespmem:s30], [sflag:$0x1] =	stream.indirect.gather [spmem:s2], $0x40, s9, s25, $0xb8;
	[tilespmem:$0x1D300] =	vst v63  }
0xd0: {  	_ =	swait.ge [sflag:s29], $0x2000  }
0xd1: {  	[sflag:s29] =	ssyncset.done $0x0  }
0xd2: {  	s10 =	simm.s32 $0x14E80;
	[sflag:s29] =	ssyncadd.s32 $0xFFFFE000  }
0xd3: {  	[spmem:s3] =	stream.indirect.scatter.add.f32 [tilespmem:s30], [sflag:$0x1], $0x40, s10, s25, $0xb8;
	[tilespmem:$0x1D300] =	vst v63  }
0xd4: {  	_ =	swait.ge [sflag:s29], $0x2000  }
0xd5: {  	[sflag:s29] =	ssyncset.done $0x0  }
0xd6: {  	s11 =	simm.s32 $0x14700;
	[sflag:s29] =	ssyncadd.s32 $0xFFFFE000  }
0xd7: {  	[tilespmem:s26], [sflag:$0x1] =	stream.indirect.gather [spmem:s2], $0x40, s11, s25, $0xb8;
	[tilespmem:$0x1D300] =	vst v63  }
0xd8: {  	_ =	swait.ge [sflag:s29], $0x2000  }
0xd9: {  	[sflag:s29] =	ssyncset.done $0x0  }
0xda: {  	s9 =	simm.s32 $0x14F00;
	[sflag:s29] =	ssyncadd.s32 $0xFFFFE000  }
0xdb: {  	[spmem:s3] =	stream.indirect.scatter.add.f32 [tilespmem:s26], [sflag:$0x1], $0x40, s9, s25, $0xb8;
	[tilespmem:$0x1D300] =	vst v63  }
0xdc: {  	_ =	swait.ge [sflag:s29], $0x2000  }
0xdd: {  	[sflag:s29] =	ssyncset.done $0x0  }
0xde: {  	s10 =	simm.s32 $0x14780;
	[sflag:s29] =	ssyncadd.s32 $0xFFFFE000  }
0xdf: {  	[tilespmem:s30], [sflag:$0x1] =	stream.indirect.gather [spmem:s2], $0x40, s10, s25, $0xb8;
	[tilespmem:$0x1D300] =	vst v63  }
0xe0: {  	_ =	swait.ge [sflag:s29], $0x2000  }
0xe1: {  	[sflag:s29] =	ssyncset.done $0x0  }
0xe2: {  	s13 =	simm.s32 $0x14800;
	s11 =	simm.s32 $0x14F80;
	[sflag:s29] =	ssyncadd.s32 $0xFFFFE000  }
0xe3: {  	[spmem:s3] =	stream.indirect.scatter.add.f32 [tilespmem:s30], [sflag:$0x1], $0x40, s11, s25, $0xb8;
	[tilespmem:$0x1D300] =	vst v63  }
0xe4: {  	s31 =	simm.s32 $0x0;
	s7 =	simm.s32 $0x100;
	_ =	swait.ge [sflag:s29], $0x2000  }
0xe5: {  	s0 =	simm.s32 $0x14000;
	s9 =	simm.s32 $0x200;
	[sflag:s29] =	ssyncset.done $0x0  }
.LBB2_6:
0xe6: {  	s10 =	sadd.s32 s7, s8;
	[sflag:s29] =	ssyncadd.s32 $0xFFFFE000  }
0xe7: {  	[tilespmem:s0], [sflag:$0x1] =	stream.linear.gather [hbm4b:s10+s31], $0x800, $0x38;
	[tilespmem:$0x1D300] =	vst v63  }
0xe8: {  	_ =	swait.ge [sflag:s29], $0x800  }
0xe9: {  	s11 =	smov.u32 s9;
	s8 =	sadd.s32 $0x100, s9;
	[sflag:s29] =	ssyncset.done $0x0  }
0xea: {  	p1 =	sne.s32 s9, $0x900;
	s9 =	sadd.s32 s7, s12;
	[sflag:s29] =	ssyncadd.s32 $0xFFFFF800  }
0xeb: {  	[tilespmem:s13], [sflag:$0x1] =	stream.linear.gather [hbm4b:s9+s31], $0x800, $0x38;
	[tilespmem:$0x1D300] =	vst v63  }
0xec: {  	_ =	swait.ge [sflag:s29], $0x800  }
0xed: {  	[sflag:s29] =	ssyncset.done $0x0  }
0xee: {  	[sflag:s29] =	ssyncadd.s32 $0xFFFFF800  }
0xef: {  	[tilespmem:s26], [sflag:$0x1] =	stream.indirect.gather [spmem:s2], $0x40, s0, s25, $0xb8;
	[tilespmem:$0x1D300] =	vst v63  }
0xf0: {  	_ =	swait.ge [sflag:s29], $0x2000  }
0xf1: {  	[sflag:s29] =	ssyncset.done $0x0  }
0xf2: {  	[sflag:s29] =	ssyncadd.s32 $0xFFFFE000  }
0xf3: {  	[spmem:s3] =	stream.indirect.scatter.add.f32 [tilespmem:s26], [sflag:$0x1], $0x40, s13, s25, $0xb8;
	[tilespmem:$0x1D300] =	vst v63  }
0xf4: {  	_ =	swait.ge [sflag:s29], $0x2000  }
0xf5: {  	[sflag:s29] =	ssyncset.done $0x0  }
0xf6: {  	[sflag:s29] =	ssyncadd.s32 $0xFFFFE000  }
0xf7: {  	[tilespmem:s30], [sflag:$0x1] =	stream.indirect.gather [spmem:s2], $0x40, s15, s25, $0xb8;
	[tilespmem:$0x1D300] =	vst v63  }
0xf8: {  	_ =	swait.ge [sflag:s29], $0x2000  }
0xf9: {  	[sflag:s29] =	ssyncset.done $0x0  }
0xfa: {  	s10 =	simm.s32 $0x14880;
	[sflag:s29] =	ssyncadd.s32 $0xFFFFE000  }
0xfb: {  	[spmem:s3] =	stream.indirect.scatter.add.f32 [tilespmem:s30], [sflag:$0x1], $0x40, s10, s25, $0xb8;
	[tilespmem:$0x1D300] =	vst v63  }
0xfc: {  	_ =	swait.ge [sflag:s29], $0x2000  }
0xfd: {  	[sflag:s29] =	ssyncset.done $0x0  }
0xfe: {  	s7 =	smov.u32 s11;
	s11 =	simm.s32 $0x14100;
	[sflag:s29] =	ssyncadd.s32 $0xFFFFE000  }
0xff: {  	[tilespmem:s26], [sflag:$0x1] =	stream.indirect.gather [spmem:s2], $0x40, s11, s25, $0xb8;
	[tilespmem:$0x1D300] =	vst v63  }
0x100: {  	_ =	swait.ge [sflag:s29], $0x2000  }
0x101: {  	[sflag:s29] =	ssyncset.done $0x0  }
0x102: {  	[sflag:s29] =	ssyncadd.s32 $0xFFFFE000  }
0x103: {  	[spmem:s3] =	stream.indirect.scatter.add.f32 [tilespmem:s26], [sflag:$0x1], $0x40, s16, s25, $0xb8;
	[tilespmem:$0x1D300] =	vst v63  }
0x104: {  	_ =	swait.ge [sflag:s29], $0x2000  }
0x105: {  	[sflag:s29] =	ssyncset.done $0x0  }
0x106: {  	[sflag:s29] =	ssyncadd.s32 $0xFFFFE000  }
0x107: {  	[tilespmem:s30], [sflag:$0x1] =	stream.indirect.gather [spmem:s2], $0x40, s17, s25, $0xb8;
	[tilespmem:$0x1D300] =	vst v63  }
0x108: {  	_ =	swait.ge [sflag:s29], $0x2000  }
0x109: {  	[sflag:s29] =	ssyncset.done $0x0  }
0x10a: {  	[sflag:s29] =	ssyncadd.s32 $0xFFFFE000  }
0x10b: {  	[spmem:s3] =	stream.indirect.scatter.add.f32 [tilespmem:s30], [sflag:$0x1], $0x40, s18, s25, $0xb8;
	[tilespmem:$0x1D300] =	vst v63  }
0x10c: {  	_ =	swait.ge [sflag:s29], $0x2000  }
0x10d: {  	[sflag:s29] =	ssyncset.done $0x0  }
0x10e: {  	[sflag:s29] =	ssyncadd.s32 $0xFFFFE000  }
0x10f: {  	[tilespmem:s26], [sflag:$0x1] =	stream.indirect.gather [spmem:s2], $0x40, s14, s25, $0xb8;
	[tilespmem:$0x1D300] =	vst v63  }
0x110: {  	_ =	swait.ge [sflag:s29], $0x2000  }
0x111: {  	[sflag:s29] =	ssyncset.done $0x0  }
0x112: {  	[sflag:s29] =	ssyncadd.s32 $0xFFFFE000  }
0x113: {  	[spmem:s3] =	stream.indirect.scatter.add.f32 [tilespmem:s26], [sflag:$0x1], $0x40, s28, s25, $0xb8;
	[tilespmem:$0x1D300] =	vst v63  }
0x114: {  	_ =	swait.ge [sflag:s29], $0x2000  }
0x115: {  	[sflag:s29] =	ssyncset.done $0x0  }
0x116: {  	[sflag:s29] =	ssyncadd.s32 $0xFFFFE000  }
0x117: {  	[tilespmem:s30], [sflag:$0x1] =	stream.indirect.gather [spmem:s2], $0x40, s1, s25, $0xb8;
	[tilespmem:$0x1D300] =	vst v63  }
0x118: {  	_ =	swait.ge [sflag:s29], $0x2000  }
0x119: {  	[sflag:s29] =	ssyncset.done $0x0  }
0x11a: {  	[sflag:s29] =	ssyncadd.s32 $0xFFFFE000  }
0x11b: {  	[spmem:s3] =	stream.indirect.scatter.add.f32 [tilespmem:s30], [sflag:$0x1], $0x40, s6, s25, $0xb8;
	[tilespmem:$0x1D300] =	vst v63  }
0x11c: {  	_ =	swait.ge [sflag:s29], $0x2000  }
0x11d: {  	[sflag:s29] =	ssyncset.done $0x0  }
0x11e: {  	[sflag:s29] =	ssyncadd.s32 $0xFFFFE000  }
0x11f: {  	[tilespmem:s26], [sflag:$0x1] =	stream.indirect.gather [spmem:s2], $0x40, s20, s25, $0xb8;
	[tilespmem:$0x1D300] =	vst v63  }
0x120: {  	_ =	swait.ge [sflag:s29], $0x2000  }
0x121: {  	[sflag:s29] =	ssyncset.done $0x0  }
0x122: {  	[sflag:s29] =	ssyncadd.s32 $0xFFFFE000  }
0x123: {  	[spmem:s3] =	stream.indirect.scatter.add.f32 [tilespmem:s26], [sflag:$0x1], $0x40, s21, s25, $0xb8;
	[tilespmem:$0x1D300] =	vst v63  }
0x124: {  	_ =	swait.ge [sflag:s29], $0x2000  }
0x125: {  	[sflag:s29] =	ssyncset.done $0x0  }
0x126: {  	[sflag:s29] =	ssyncadd.s32 $0xFFFFE000  }
0x127: {  	[tilespmem:s30], [sflag:$0x1] =	stream.indirect.gather [spmem:s2], $0x40, s22, s25, $0xb8;
	[tilespmem:$0x1D300] =	vst v63  }
0x128: {  	_ =	swait.ge [sflag:s29], $0x2000  }
0x129: {  	[sflag:s29] =	ssyncset.done $0x0  }
0x12a: {  	[sflag:s29] =	ssyncadd.s32 $0xFFFFE000  }
0x12b: {  	[spmem:s3] =	stream.indirect.scatter.add.f32 [tilespmem:s30], [sflag:$0x1], $0x40, s23, s25, $0xb8;
	[tilespmem:$0x1D300] =	vst v63  }
0x12c: {  	_ =	swait.ge [sflag:s29], $0x2000  }
0x12d: {  	[sflag:s29] =	ssyncset.done $0x0  }
0x12e: {  	[sflag:s29] =	ssyncadd.s32 $0xFFFFE000  }
0x12f: {  	[tilespmem:s26], [sflag:$0x1] =	stream.indirect.gather [spmem:s2], $0x40, s24, s25, $0xb8;
	[tilespmem:$0x1D300] =	vst v63  }
0x130: {  	_ =	swait.ge [sflag:s29], $0x2000  }
0x131: {  	[sflag:s29] =	ssyncset.done $0x0  }
0x132: {  	[sflag:s29] =	ssyncadd.s32 $0xFFFFE000  }
0x133: {  	[spmem:s3] =	stream.indirect.scatter.add.f32 [tilespmem:s26], [sflag:$0x1], $0x40, s5, s25, $0xb8;
	[tilespmem:$0x1D300] =	vst v63  }
0x134: {  	_ =	swait.ge [sflag:s29], $0x2000  }
0x135: {  	[sflag:s29] =	ssyncset.done $0x0  }
0x136: {  	[sflag:s29] =	ssyncadd.s32 $0xFFFFE000  }
0x137: {  	[tilespmem:s30], [sflag:$0x1] =	stream.indirect.gather [spmem:s2], $0x40, s19, s25, $0xb8;
	[tilespmem:$0x1D300] =	vst v63  }
0x138: {  	_ =	swait.ge [sflag:s29], $0x2000  }
0x139: {  	[sflag:s29] =	ssyncset.done $0x0  }
0x13a: {  	[sflag:s29] =	ssyncadd.s32 $0xFFFFE000  }
0x13b: {  	[spmem:s3] =	stream.indirect.scatter.add.f32 [tilespmem:s30], [sflag:$0x1], $0x40, s4, s25, $0xb8;
	[tilespmem:$0x1D300] =	vst v63  }
0x13c: {  	_ =	swait.ge [sflag:s29], $0x2000  }
0x13d: {  	[sflag:s29] =	ssyncset.done $0x0  }
0x13e: {  	s9 =	simm.s32 $0x14500;
	[sflag:s29] =	ssyncadd.s32 $0xFFFFE000  }
0x13f: {  	[tilespmem:s26], [sflag:$0x1] =	stream.indirect.gather [spmem:s2], $0x40, s9, s25, $0xb8;
	[tilespmem:$0x1D300] =	vst v63  }
0x140: {  	_ =	swait.ge [sflag:s29], $0x2000  }
0x141: {  	[sflag:s29] =	ssyncset.done $0x0  }
0x142: {  	s9 =	simm.s32 $0x14D00;
	[sflag:s29] =	ssyncadd.s32 $0xFFFFE000  }
0x143: {  	[spmem:s3] =	stream.indirect.scatter.add.f32 [tilespmem:s26], [sflag:$0x1], $0x40, s9, s25, $0xb8;
	[tilespmem:$0x1D300] =	vst v63  }
0x144: {  	_ =	swait.ge [sflag:s29], $0x2000  }
0x145: {  	[sflag:s29] =	ssyncset.done $0x0  }
0x146: {  	s9 =	simm.s32 $0x14580;
	[sflag:s29] =	ssyncadd.s32 $0xFFFFE000  }
0x147: {  	[tilespmem:s30], [sflag:$0x1] =	stream.indirect.gather [spmem:s2], $0x40, s9, s25, $0xb8;
	[tilespmem:$0x1D300] =	vst v63  }
0x148: {  	_ =	swait.ge [sflag:s29], $0x2000  }
0x149: {  	[sflag:s29] =	ssyncset.done $0x0  }
0x14a: {  	s9 =	simm.s32 $0x14D80;
	[sflag:s29] =	ssyncadd.s32 $0xFFFFE000  }
0x14b: {  	[spmem:s3] =	stream.indirect.scatter.add.f32 [tilespmem:s30], [sflag:$0x1], $0x40, s9, s25, $0xb8;
	[tilespmem:$0x1D300] =	vst v63  }
0x14c: {  	_ =	swait.ge [sflag:s29], $0x2000  }
0x14d: {  	[sflag:s29] =	ssyncset.done $0x0  }
0x14e: {  	s9 =	simm.s32 $0x14600;
	[sflag:s29] =	ssyncadd.s32 $0xFFFFE000  }
0x14f: {  	[tilespmem:s26], [sflag:$0x1] =	stream.indirect.gather [spmem:s2], $0x40, s9, s25, $0xb8;
	[tilespmem:$0x1D300] =	vst v63  }
0x150: {  	_ =	swait.ge [sflag:s29], $0x2000  }
0x151: {  	[sflag:s29] =	ssyncset.done $0x0  }
0x152: {  	s9 =	simm.s32 $0x14E00;
	[sflag:s29] =	ssyncadd.s32 $0xFFFFE000  }
0x153: {  	[spmem:s3] =	stream.indirect.scatter.add.f32 [tilespmem:s26], [sflag:$0x1], $0x40, s9, s25, $0xb8;
	[tilespmem:$0x1D300] =	vst v63  }
0x154: {  	_ =	swait.ge [sflag:s29], $0x2000  }
0x155: {  	[sflag:s29] =	ssyncset.done $0x0  }
0x156: {  	s9 =	simm.s32 $0x14680;
	[sflag:s29] =	ssyncadd.s32 $0xFFFFE000  }
0x157: {  	[tilespmem:s30], [sflag:$0x1] =	stream.indirect.gather [spmem:s2], $0x40, s9, s25, $0xb8;
	[tilespmem:$0x1D300] =	vst v63  }
0x158: {  	_ =	swait.ge [sflag:s29], $0x2000  }
0x159: {  	[sflag:s29] =	ssyncset.done $0x0  }
0x15a: {  	s9 =	simm.s32 $0x14E80;
	[sflag:s29] =	ssyncadd.s32 $0xFFFFE000  }
0x15b: {  	[spmem:s3] =	stream.indirect.scatter.add.f32 [tilespmem:s30], [sflag:$0x1], $0x40, s9, s25, $0xb8;
	[tilespmem:$0x1D300] =	vst v63  }
0x15c: {  	_ =	swait.ge [sflag:s29], $0x2000  }
0x15d: {  	[sflag:s29] =	ssyncset.done $0x0  }
0x15e: {  	s9 =	simm.s32 $0x14700;
	[sflag:s29] =	ssyncadd.s32 $0xFFFFE000  }
0x15f: {  	[tilespmem:s26], [sflag:$0x1] =	stream.indirect.gather [spmem:s2], $0x40, s9, s25, $0xb8;
	[tilespmem:$0x1D300] =	vst v63  }
0x160: {  	_ =	swait.ge [sflag:s29], $0x2000  }
0x161: {  	[sflag:s29] =	ssyncset.done $0x0  }
0x162: {  	s9 =	simm.s32 $0x14F00;
	[sflag:s29] =	ssyncadd.s32 $0xFFFFE000  }
0x163: {  	[spmem:s3] =	stream.indirect.scatter.add.f32 [tilespmem:s26], [sflag:$0x1], $0x40, s9, s25, $0xb8;
	[tilespmem:$0x1D300] =	vst v63  }
0x164: {  	_ =	swait.ge [sflag:s29], $0x2000  }
0x165: {  	[sflag:s29] =	ssyncset.done $0x0  }
0x166: {  	s9 =	simm.s32 $0x14780;
	[sflag:s29] =	ssyncadd.s32 $0xFFFFE000  }
0x167: {  	[tilespmem:s30], [sflag:$0x1] =	stream.indirect.gather [spmem:s2], $0x40, s9, s25, $0xb8;
	[tilespmem:$0x1D300] =	vst v63  }
0x168: {  	_ =	swait.ge [sflag:s29], $0x2000  }
.Ltmp2:
0x169: {  	[sflag:s29] =	ssyncset.done $0x0;
	(pc) =	sbr.rel @p1 .LBB2_6-.Ltmp2, $4  }
0x16a: {  	s9 =	simm.s32 $0x14F80;
	[sflag:s29] =	ssyncadd.s32 $0xFFFFE000  }
0x16b: {  	[spmem:s3] =	stream.indirect.scatter.add.f32 [tilespmem:s30], [sflag:$0x1], $0x40, s9, s25, $0xb8;
	[tilespmem:$0x1D300] =	vst v63  }
0x16c: {  	_ =	swait.ge [sflag:s29], $0x2000  }
0x16d: {  	s9 =	smov.u32 s8;
	[sflag:s29] =	ssyncset.done $0x0;
	s8 =	rddreg [dreg:$0x5]  }
0x16e: {  	s8 =	sadd.s32 s7, s8;
	[sflag:s29] =	ssyncadd.s32 $0xFFFFE000  }
0x16f: {  	[tilespmem:s0], [sflag:$0x1] =	stream.linear.gather [hbm4b:s8+s31], $0x800, $0x38;
	[tilespmem:$0x1D300] =	vst v63  }
0x170: {  	_ =	swait.ge [sflag:s29], $0x800  }
0x171: {  	[sflag:s29] =	ssyncset.done $0x0  }
0x172: {  	s12 =	sadd.s32 s7, s12;
	[sflag:s29] =	ssyncadd.s32 $0xFFFFF800  }
0x173: {  	[tilespmem:s13], [sflag:$0x1] =	stream.linear.gather [hbm4b:s12+s31], $0x800, $0x38;
	[tilespmem:$0x1D300] =	vst v63  }
0x174: {  	_ =	swait.ge [sflag:s29], $0x800  }
0x175: {  	[sflag:s29] =	ssyncset.done $0x0  }
0x176: {  	[sflag:s29] =	ssyncadd.s32 $0xFFFFF800  }
0x177: {  	[tilespmem:s26], [sflag:$0x1] =	stream.indirect.gather [spmem:s2], $0x40, s0, s25, $0xb8;
	[tilespmem:$0x1D300] =	vst v63  }
0x178: {  	_ =	swait.ge [sflag:s29], $0x2000  }
0x179: {  	[sflag:s29] =	ssyncset.done $0x0  }
0x17a: {  	[sflag:s29] =	ssyncadd.s32 $0xFFFFE000  }
0x17b: {  	[spmem:s3] =	stream.indirect.scatter.add.f32 [tilespmem:s26], [sflag:$0x1], $0x40, s13, s25, $0xb8;
	[tilespmem:$0x1D300] =	vst v63  }
0x17c: {  	_ =	swait.ge [sflag:s29], $0x2000  }
0x17d: {  	[sflag:s29] =	ssyncset.done $0x0  }
0x17e: {  	[sflag:s29] =	ssyncadd.s32 $0xFFFFE000  }
0x17f: {  	[tilespmem:s30], [sflag:$0x1] =	stream.indirect.gather [spmem:s2], $0x40, s15, s25, $0xb8;
	[tilespmem:$0x1D300] =	vst v63  }
0x180: {  	_ =	swait.ge [sflag:s29], $0x2000  }
0x181: {  	[sflag:s29] =	ssyncset.done $0x0  }
0x182: {  	[sflag:s29] =	ssyncadd.s32 $0xFFFFE000  }
0x183: {  	[spmem:s3] =	stream.indirect.scatter.add.f32 [tilespmem:s30], [sflag:$0x1], $0x40, s10, s25, $0xb8;
	[tilespmem:$0x1D300] =	vst v63  }
0x184: {  	_ =	swait.ge [sflag:s29], $0x2000  }
0x185: {  	[sflag:s29] =	ssyncset.done $0x0  }
0x186: {  	[sflag:s29] =	ssyncadd.s32 $0xFFFFE000  }
0x187: {  	[tilespmem:s26], [sflag:$0x1] =	stream.indirect.gather [spmem:s2], $0x40, s11, s25, $0xb8;
	[tilespmem:$0x1D300] =	vst v63  }
0x188: {  	_ =	swait.ge [sflag:s29], $0x2000  }
0x189: {  	[sflag:s29] =	ssyncset.done $0x0  }
0x18a: {  	[sflag:s29] =	ssyncadd.s32 $0xFFFFE000  }
0x18b: {  	[spmem:s3] =	stream.indirect.scatter.add.f32 [tilespmem:s26], [sflag:$0x1], $0x40, s16, s25, $0xb8;
	[tilespmem:$0x1D300] =	vst v63  }
0x18c: {  	_ =	swait.ge [sflag:s29], $0x2000  }
0x18d: {  	[sflag:s29] =	ssyncset.done $0x0  }
0x18e: {  	[sflag:s29] =	ssyncadd.s32 $0xFFFFE000  }
0x18f: {  	[tilespmem:s30], [sflag:$0x1] =	stream.indirect.gather [spmem:s2], $0x40, s17, s25, $0xb8;
	[tilespmem:$0x1D300] =	vst v63  }
0x190: {  	_ =	swait.ge [sflag:s29], $0x2000  }
0x191: {  	[sflag:s29] =	ssyncset.done $0x0  }
0x192: {  	[sflag:s29] =	ssyncadd.s32 $0xFFFFE000  }
0x193: {  	[spmem:s3] =	stream.indirect.scatter.add.f32 [tilespmem:s30], [sflag:$0x1], $0x40, s18, s25, $0xb8;
	[tilespmem:$0x1D300] =	vst v63  }
0x194: {  	_ =	swait.ge [sflag:s29], $0x2000  }
0x195: {  	[sflag:s29] =	ssyncset.done $0x0  }
0x196: {  	[sflag:s29] =	ssyncadd.s32 $0xFFFFE000  }
0x197: {  	[tilespmem:s26], [sflag:$0x1] =	stream.indirect.gather [spmem:s2], $0x40, s14, s25, $0xb8;
	[tilespmem:$0x1D300] =	vst v63  }
0x198: {  	_ =	swait.ge [sflag:s29], $0x2000  }
0x199: {  	[sflag:s29] =	ssyncset.done $0x0  }
0x19a: {  	[sflag:s29] =	ssyncadd.s32 $0xFFFFE000  }
0x19b: {  	[spmem:s3] =	stream.indirect.scatter.add.f32 [tilespmem:s26], [sflag:$0x1], $0x40, s28, s25, $0xb8;
	[tilespmem:$0x1D300] =	vst v63  }
0x19c: {  	_ =	swait.ge [sflag:s29], $0x2000  }
0x19d: {  	[sflag:s29] =	ssyncset.done $0x0  }
0x19e: {  	[sflag:s29] =	ssyncadd.s32 $0xFFFFE000  }
0x19f: {  	[tilespmem:s30], [sflag:$0x1] =	stream.indirect.gather [spmem:s2], $0x40, s1, s25, $0xb8;
	[tilespmem:$0x1D300] =	vst v63  }
0x1a0: {  	_ =	swait.ge [sflag:s29], $0x2000  }
0x1a1: {  	[sflag:s29] =	ssyncset.done $0x0  }
0x1a2: {  	[sflag:s29] =	ssyncadd.s32 $0xFFFFE000  }
0x1a3: {  	[spmem:s3] =	stream.indirect.scatter.add.f32 [tilespmem:s30], [sflag:$0x1], $0x40, s6, s25, $0xb8;
	[tilespmem:$0x1D300] =	vst v63  }
0x1a4: {  	_ =	swait.ge [sflag:s29], $0x2000  }
0x1a5: {  	[sflag:s29] =	ssyncset.done $0x0  }
0x1a6: {  	[sflag:s29] =	ssyncadd.s32 $0xFFFFE000  }
0x1a7: {  	[tilespmem:s26], [sflag:$0x1] =	stream.indirect.gather [spmem:s2], $0x40, s20, s25, $0xb8;
	[tilespmem:$0x1D300] =	vst v63  }
0x1a8: {  	_ =	swait.ge [sflag:s29], $0x2000  }
0x1a9: {  	[sflag:s29] =	ssyncset.done $0x0  }
0x1aa: {  	[sflag:s29] =	ssyncadd.s32 $0xFFFFE000  }
0x1ab: {  	[spmem:s3] =	stream.indirect.scatter.add.f32 [tilespmem:s26], [sflag:$0x1], $0x40, s21, s25, $0xb8;
	[tilespmem:$0x1D300] =	vst v63  }
0x1ac: {  	_ =	swait.ge [sflag:s29], $0x2000  }
0x1ad: {  	[sflag:s29] =	ssyncset.done $0x0  }
0x1ae: {  	[sflag:s29] =	ssyncadd.s32 $0xFFFFE000  }
0x1af: {  	[tilespmem:s30], [sflag:$0x1] =	stream.indirect.gather [spmem:s2], $0x40, s22, s25, $0xb8;
	[tilespmem:$0x1D300] =	vst v63  }
0x1b0: {  	_ =	swait.ge [sflag:s29], $0x2000  }
0x1b1: {  	[sflag:s29] =	ssyncset.done $0x0  }
0x1b2: {  	[sflag:s29] =	ssyncadd.s32 $0xFFFFE000  }
0x1b3: {  	[spmem:s3] =	stream.indirect.scatter.add.f32 [tilespmem:s30], [sflag:$0x1], $0x40, s23, s25, $0xb8;
	[tilespmem:$0x1D300] =	vst v63  }
0x1b4: {  	_ =	swait.ge [sflag:s29], $0x2000  }
0x1b5: {  	[sflag:s29] =	ssyncset.done $0x0  }
0x1b6: {  	[sflag:s29] =	ssyncadd.s32 $0xFFFFE000  }
0x1b7: {  	[tilespmem:s26], [sflag:$0x1] =	stream.indirect.gather [spmem:s2], $0x40, s24, s25, $0xb8;
	[tilespmem:$0x1D300] =	vst v63  }
0x1b8: {  	_ =	swait.ge [sflag:s29], $0x2000  }
0x1b9: {  	[sflag:s29] =	ssyncset.done $0x0  }
0x1ba: {  	[sflag:s29] =	ssyncadd.s32 $0xFFFFE000  }
0x1bb: {  	[spmem:s3] =	stream.indirect.scatter.add.f32 [tilespmem:s26], [sflag:$0x1], $0x40, s5, s25, $0xb8;
	[tilespmem:$0x1D300] =	vst v63  }
0x1bc: {  	_ =	swait.ge [sflag:s29], $0x2000  }
0x1bd: {  	[sflag:s29] =	ssyncset.done $0x0  }
0x1be: {  	[sflag:s29] =	ssyncadd.s32 $0xFFFFE000  }
0x1bf: {  	[tilespmem:s30], [sflag:$0x1] =	stream.indirect.gather [spmem:s2], $0x40, s19, s25, $0xb8;
	[tilespmem:$0x1D300] =	vst v63  }
0x1c0: {  	_ =	swait.ge [sflag:s29], $0x2000  }
0x1c1: {  	[sflag:s29] =	ssyncset.done $0x0  }
0x1c2: {  	[sflag:s29] =	ssyncadd.s32 $0xFFFFE000  }
0x1c3: {  	[spmem:s3] =	stream.indirect.scatter.add.f32 [tilespmem:s30], [sflag:$0x1], $0x40, s4, s25, $0xb8;
	[tilespmem:$0x1D300] =	vst v63  }
0x1c4: {  	_ =	swait.ge [sflag:s29], $0x2000  }
0x1c5: {  	[sflag:s29] =	ssyncset.done $0x0  }
0x1c6: {  	s13 =	simm.s32 $0x14500;
	[sflag:s29] =	ssyncadd.s32 $0xFFFFE000  }
0x1c7: {  	[tilespmem:s26], [sflag:$0x1] =	stream.indirect.gather [spmem:s2], $0x40, s13, s25, $0xb8;
	[tilespmem:$0x1D300] =	vst v63  }
0x1c8: {  	_ =	swait.ge [sflag:s29], $0x2000  }
0x1c9: {  	[sflag:s29] =	ssyncset.done $0x0  }
0x1ca: {  	s14 =	simm.s32 $0x14D00;
	[sflag:s29] =	ssyncadd.s32 $0xFFFFE000  }
0x1cb: {  	[spmem:s3] =	stream.indirect.scatter.add.f32 [tilespmem:s26], [sflag:$0x1], $0x40, s14, s25, $0xb8;
	[tilespmem:$0x1D300] =	vst v63  }
0x1cc: {  	_ =	swait.ge [sflag:s29], $0x2000  }
0x1cd: {  	[sflag:s29] =	ssyncset.done $0x0  }
0x1ce: {  	s15 =	simm.s32 $0x14580;
	[sflag:s29] =	ssyncadd.s32 $0xFFFFE000  }
0x1cf: {  	[tilespmem:s30], [sflag:$0x1] =	stream.indirect.gather [spmem:s2], $0x40, s15, s25, $0xb8;
	[tilespmem:$0x1D300] =	vst v63  }
0x1d0: {  	_ =	swait.ge [sflag:s29], $0x2000  }
0x1d1: {  	[sflag:s29] =	ssyncset.done $0x0  }
0x1d2: {  	s16 =	simm.s32 $0x14D80;
	[sflag:s29] =	ssyncadd.s32 $0xFFFFE000  }
0x1d3: {  	[spmem:s3] =	stream.indirect.scatter.add.f32 [tilespmem:s30], [sflag:$0x1], $0x40, s16, s25, $0xb8;
	[tilespmem:$0x1D300] =	vst v63  }
0x1d4: {  	_ =	swait.ge [sflag:s29], $0x2000  }
0x1d5: {  	[sflag:s29] =	ssyncset.done $0x0  }
0x1d6: {  	s17 =	simm.s32 $0x14600;
	[sflag:s29] =	ssyncadd.s32 $0xFFFFE000  }
0x1d7: {  	[tilespmem:s26], [sflag:$0x1] =	stream.indirect.gather [spmem:s2], $0x40, s17, s25, $0xb8;
	[tilespmem:$0x1D300] =	vst v63  }
0x1d8: {  	_ =	swait.ge [sflag:s29], $0x2000  }
0x1d9: {  	[sflag:s29] =	ssyncset.done $0x0  }
0x1da: {  	s18 =	simm.s32 $0x14E00;
	[sflag:s29] =	ssyncadd.s32 $0xFFFFE000  }
0x1db: {  	[spmem:s3] =	stream.indirect.scatter.add.f32 [tilespmem:s26], [sflag:$0x1], $0x40, s18, s25, $0xb8;
	[tilespmem:$0x1D300] =	vst v63  }
0x1dc: {  	_ =	swait.ge [sflag:s29], $0x2000  }
0x1dd: {  	[sflag:s29] =	ssyncset.done $0x0  }
0x1de: {  	s19 =	simm.s32 $0x14680;
	[sflag:s29] =	ssyncadd.s32 $0xFFFFE000  }
0x1df: {  	[tilespmem:s30], [sflag:$0x1] =	stream.indirect.gather [spmem:s2], $0x40, s19, s25, $0xb8;
	[tilespmem:$0x1D300] =	vst v63  }
0x1e0: {  	_ =	swait.ge [sflag:s29], $0x2000  }
0x1e1: {  	[sflag:s29] =	ssyncset.done $0x0  }
0x1e2: {  	s20 =	simm.s32 $0x14E80;
	[sflag:s29] =	ssyncadd.s32 $0xFFFFE000  }
0x1e3: {  	[spmem:s3] =	stream.indirect.scatter.add.f32 [tilespmem:s30], [sflag:$0x1], $0x40, s20, s25, $0xb8;
	[tilespmem:$0x1D300] =	vst v63  }
0x1e4: {  	_ =	swait.ge [sflag:s29], $0x2000  }
0x1e5: {  	[sflag:s29] =	ssyncset.done $0x0  }
0x1e6: {  	s21 =	simm.s32 $0x14700;
	[sflag:s29] =	ssyncadd.s32 $0xFFFFE000  }
0x1e7: {  	[tilespmem:s26], [sflag:$0x1] =	stream.indirect.gather [spmem:s2], $0x40, s21, s25, $0xb8;
	[tilespmem:$0x1D300] =	vst v63  }
0x1e8: {  	_ =	swait.ge [sflag:s29], $0x2000  }
0x1e9: {  	[sflag:s29] =	ssyncset.done $0x0  }
0x1ea: {  	s22 =	simm.s32 $0x14F00;
	[sflag:s29] =	ssyncadd.s32 $0xFFFFE000  }
0x1eb: {  	[spmem:s3] =	stream.indirect.scatter.add.f32 [tilespmem:s26], [sflag:$0x1], $0x40, s22, s25, $0xb8;
	[tilespmem:$0x1D300] =	vst v63  }
0x1ec: {  	_ =	swait.ge [sflag:s29], $0x2000  }
0x1ed: {  	[sflag:s29] =	ssyncset.done $0x0  }
0x1ee: {  	s23 =	simm.s32 $0x14780;
	[sflag:s29] =	ssyncadd.s32 $0xFFFFE000  }
0x1ef: {  	[tilespmem:s30], [sflag:$0x1] =	stream.indirect.gather [spmem:s2], $0x40, s23, s25, $0xb8;
	[tilespmem:$0x1D300] =	vst v63  }
0x1f0: {  	_ =	swait.ge [sflag:s29], $0x2000  }
0x1f1: {  	[sflag:s29] =	ssyncset.done $0x0  }
0x1f2: {  	s24 =	simm.s32 $0x14F80;
	[sflag:s29] =	ssyncadd.s32 $0xFFFFE000  }
0x1f3: {  	[spmem:s3] =	stream.indirect.scatter.add.f32 [tilespmem:s30], [sflag:$0x1], $0x40, s24, s25, $0xb8;
	[tilespmem:$0x1D300] =	vst v63  }
0x1f4: {  	_ =	swait.ge [sflag:s29], $0x2000  }
0x1f5: {  	[sflag:s29] =	ssyncset.done $0x0  }
0x1f6: {  	[sflag:s29] =	ssyncadd.s32 $0xFFFFE000  }
0x1f7: {  	[bflag:$0x0] =	sbarrier.arrive $0xFFFF  }
0x1f8: {  	s28 =	rddreg [dreg:$0xd]  }
0x1f9: {  	[tilespmem:s26], [sflag:$0x1] =	stream.linear.gather [spmem:s28], $0x4000, $0x38;
	[tilespmem:$0x1D300] =	vst v63  }
0x1fa: {  	_ =	swait.ge [sflag:s29], $0x4000  }
0x1fb: {  	[sflag:s29] =	ssyncset.done $0x0  }
0x1fc: {  	s31 =	rddreg [dreg:$0x8];
	[sflag:s29] =	ssyncadd.s32 $0xFFFFC000  }
0x1fd: {  	[tilespmem:s30], [sflag:$0x1] =	stream.linear.gather [spmem:s31], $0x4000, $0x38;
	[tilespmem:$0x1D300] =	vst v63  }
0x1fe: {  	_ =	swait.ge [sflag:s29], $0x4000  }
0x1ff: {  	[sflag:s29] =	ssyncset.done $0x0  }
0x200: {  	s7 =	simm.s32 $0x0;
	[sflag:s29] =	ssyncadd.s32 $0xFFFFC000  }
0x201: {  	v4 =	vld [tilespmem:s7+$0x19000]  }
0x202: {  	v2 =	vld [tilespmem:s7+$0x19020]  }
0x203: {  	v3 =	vld [tilespmem:s7+$0x19010]  }
0x204: {  	v1 =	vld [tilespmem:s7+$0x19030]  }
0x205: {  	s9 =	simm.s32 $0x200;
	s8 =	simm.s32 $0x1D000;
	v5 =	vld [tilespmem:s7+$0x15010]  }
0x206: {  	s0 =	simm.s32 $0x14800;
	s10 =	simm.s32 $0x400;
	s5 =	simm.s32 $0x14000;
	v6 =	vld [tilespmem:s7+$0x15000];
	v4 =	vmul.f32 $1.000000010e-01, v4  }
.LBB2_8:
0x207: {  	s11 =	sshra.s32 s9, $0x2  }
0x208: {  	v7 =	vld.msk [tilespmem:s8+$0x0 ss:$0x0], $0xffff;
	s8 =	sadd.s32 $0x1, s8;
	s9 =	smov.u32 s10;
	s15 =	sadd.s32 $0x200, s10  }
0x209: {  	p1 =	sne.s32 s10, $0xFE00;
	v8 =	vld [tilespmem:s7+$0x15020]  }
0x20a: {  	v3 =	vmul.f32 $1.000000010e-01, v3;
	v9 =	vld [tilespmem:s7+$0x15030]  }
0x20b: {  	v10 =	vld [tilespmem:s11+$0x19020]  }
0x20c: {  	v2 =	vmul.f32 $1.000000010e-01, v2;
	v5 =	vadd.f32 v3, v5;
	v11 =	vld [tilespmem:s11+$0x19000];
	v4 =	vadd.f32 v4, v6  }
0x20d: {  	v6 =	vmul.f32 $1.000000010e-01, v1;
	v3 =	vld [tilespmem:s11+$0x19010]  }
0x20e: {  	v1 =	vld [tilespmem:s11+$0x19030];
	v12 =	vmul.f32 v4, v7;
	v4 =	vmul.f32 v5, v7;
	v8 =	vadd.f32 v2, v8  }
.Ltmp3:
0x20f: {  	v5 =	vadd.f32 v6, v9;
	(pc) =	sbr.rel @p1 .LBB2_8-.Ltmp3, $4  }
0x210: {  	[tilespmem:s7+$0x15010] =	vst v4;
	v6 =	vmul.f32 v8, v7;
	v2 =	vmov v10  }
0x211: {  	v4 =	vmul.f32 $1.000000010e-01, v11;
	[tilespmem:s7+$0x15000] =	vst v12;
	v7 =	vmul.f32 v5, v7  }
0x212: {  	v5 =	vld [tilespmem:s11+$0x15010];
	[tilespmem:s7+$0x15020] =	vst v6  }
0x213: {  	s10 =	smov.u32 s15;
	v6 =	vld [tilespmem:s11+$0x15000];
	[tilespmem:s7+$0x15030] =	vst v7;
	s7 =	smov.u32 s11  }
0x214: {  	v7 =	vld.msk [tilespmem:s8+$0x0 ss:$0x0], $0xffff  }
0x215: {  	v8 =	vld [tilespmem:s7+$0x15020]  }
0x216: {  	v3 =	vmul.f32 $1.000000010e-01, v3;
	v9 =	vld [tilespmem:s7+$0x15030];
	_ =	sdelay $0x1  }
0x217: {  	s9 =	sshra.s32 s9, $0x2;
	v2 =	vmul.f32 $1.000000010e-01, v2;
	v3 =	vadd.f32 v3, v5  }
0x218: {  	v1 =	vmul.f32 $1.000000010e-01, v1;
	v10 =	vld [tilespmem:s9+$0x19020];
	v4 =	vadd.f32 v4, v6  }
0x219: {  	v11 =	vld [tilespmem:s9+$0x19030];
	v3 =	vmul.f32 v3, v7;
	v2 =	vadd.f32 v2, v8  }
0x21a: {  	v5 =	vld [tilespmem:s9+$0x19000];
	v1 =	vadd.f32 v1, v9;
	v4 =	vmul.f32 v4, v7  }
0x21b: {  	v6 =	vld [tilespmem:s9+$0x19010];
	[tilespmem:s7+$0x15010] =	vst v3;
	v2 =	vmul.f32 v2, v7  }
0x21c: {  	v1 =	vmul.f32 v1, v7;
	[tilespmem:s7+$0x15000] =	vst v4  }
0x21d: {  	v3 =	vld [tilespmem:s9+$0x15010];
	[tilespmem:s7+$0x15020] =	vst v2  }
0x21e: {  	s23 =	sadd.s32 $0x1, s8;
	v2 =	vld [tilespmem:s9+$0x15000];
	[tilespmem:s7+$0x15030] =	vst v1  }
0x21f: {  	v1 =	vld.msk [tilespmem:s23+$0x0 ss:$0x0], $0xffff  }
0x220: {  	v4 =	vld [tilespmem:s9+$0x15020]  }
0x221: {  	v6 =	vmul.f32 $1.000000010e-01, v6;
	v7 =	vld [tilespmem:s9+$0x15030]  }
0x222: {  	v5 =	vmul.f32 $1.000000010e-01, v5  }
0x223: {  	v3 =	vadd.f32 v6, v3;
	v6 =	vmul.f32 $1.000000010e-01, v10  }
0x224: {  	v2 =	vadd.f32 v5, v2;
	v5 =	vmul.f32 $1.000000010e-01, v11  }
0x225: {  	v3 =	vmul.f32 v3, v1;
	v4 =	vadd.f32 v6, v4  }
0x226: {  	v2 =	vmul.f32 v2, v1;
	v5 =	vadd.f32 v5, v7  }
0x227: {  	[tilespmem:s9+$0x15010] =	vst v3;
	v3 =	vmul.f32 v4, v1  }
0x228: {  	[tilespmem:s9+$0x15000] =	vst v2;
	v1 =	vmul.f32 v5, v1  }
0x229: {  	[tilespmem:s9+$0x15020] =	vst v3  }
0x22a: {  	s24 =	rddreg [dreg:$0xd];
	[tilespmem:s9+$0x15030] =	vst v1  }
0x22b: {  	[spmem:s24] =	stream.linear.scatter [tilespmem:s26], [sflag:$0x1], $0x4000, $0x38;
	[tilespmem:$0x1D300] =	vst v63  }
0x22c: {  	_ =	swait.ge [sflag:s29], $0x4000  }
0x22d: {  	[sflag:s29] =	ssyncset.done $0x0  }
0x22e: {  	s28 =	rddreg [dreg:$0xe];
	[sflag:s29] =	ssyncadd.s32 $0xFFFFC000  }
0x22f: {  	[tilespmem:s26], [sflag:$0x1] =	stream.linear.gather [spmem:s28], $0x4000, $0x38;
	[tilespmem:$0x1D300] =	vst v63  }
0x230: {  	_ =	swait.ge [sflag:s29], $0x4000  }
0x231: {  	[sflag:s29] =	ssyncset.done $0x0  }
0x232: {  	s31 =	rddreg [dreg:$0x9];
	[sflag:s29] =	ssyncadd.s32 $0xFFFFC000  }
0x233: {  	[tilespmem:s30], [sflag:$0x1] =	stream.linear.gather [spmem:s31], $0x4000, $0x38;
	[tilespmem:$0x1D300] =	vst v63  }
0x234: {  	_ =	swait.ge [sflag:s29], $0x4000  }
0x235: {  	[sflag:s29] =	ssyncset.done $0x0  }
0x236: {  	s7 =	simm.s32 $0x0;
	[sflag:s29] =	ssyncadd.s32 $0xFFFFC000  }
0x237: {  	v4 =	vld [tilespmem:s7+$0x19000]  }
0x238: {  	v2 =	vld [tilespmem:s7+$0x19020]  }
0x239: {  	v3 =	vld [tilespmem:s7+$0x19010]  }
0x23a: {  	v1 =	vld [tilespmem:s7+$0x19030]  }
0x23b: {  	v5 =	vld [tilespmem:s7+$0x15010]  }
0x23c: {  	s8 =	simm.s32 $0x1D080;
	s10 =	simm.s32 $0x400;
	s9 =	simm.s32 $0x200;
	v6 =	vld [tilespmem:s7+$0x15000];
	v4 =	vmul.f32 $1.000000010e-01, v4  }
.LBB2_10:
0x23d: {  	s11 =	sshra.s32 s9, $0x2  }
0x23e: {  	v7 =	vld.msk [tilespmem:s8+$0x0 ss:$0x0], $0xffff;
	s8 =	sadd.s32 $0x1, s8;
	s9 =	smov.u32 s10;
	s15 =	sadd.s32 $0x200, s10  }
0x23f: {  	p1 =	sne.s32 s10, $0xFE00;
	v8 =	vld [tilespmem:s7+$0x15020]  }
0x240: {  	v3 =	vmul.f32 $1.000000010e-01, v3;
	v9 =	vld [tilespmem:s7+$0x15030]  }
0x241: {  	v10 =	vld [tilespmem:s11+$0x19020]  }
0x242: {  	v2 =	vmul.f32 $1.000000010e-01, v2;
	v5 =	vadd.f32 v3, v5;
	v11 =	vld [tilespmem:s11+$0x19000];
	v4 =	vadd.f32 v4, v6  }
0x243: {  	v6 =	vmul.f32 $1.000000010e-01, v1;
	v3 =	vld [tilespmem:s11+$0x19010]  }
0x244: {  	v1 =	vld [tilespmem:s11+$0x19030];
	v12 =	vmul.f32 v4, v7;
	v4 =	vmul.f32 v5, v7;
	v8 =	vadd.f32 v2, v8  }
.Ltmp4:
0x245: {  	v5 =	vadd.f32 v6, v9;
	(pc) =	sbr.rel @p1 .LBB2_10-.Ltmp4, $4  }
0x246: {  	[tilespmem:s7+$0x15010] =	vst v4;
	v6 =	vmul.f32 v8, v7;
	v2 =	vmov v10  }
0x247: {  	v4 =	vmul.f32 $1.000000010e-01, v11;
	[tilespmem:s7+$0x15000] =	vst v12;
	v7 =	vmul.f32 v5, v7  }
0x248: {  	v5 =	vld [tilespmem:s11+$0x15010];
	[tilespmem:s7+$0x15020] =	vst v6  }
0x249: {  	s10 =	smov.u32 s15;
	v6 =	vld [tilespmem:s11+$0x15000];
	[tilespmem:s7+$0x15030] =	vst v7;
	s7 =	smov.u32 s11  }
0x24a: {  	v7 =	vld.msk [tilespmem:s8+$0x0 ss:$0x0], $0xffff  }
0x24b: {  	v8 =	vld [tilespmem:s7+$0x15020]  }
0x24c: {  	v3 =	vmul.f32 $1.000000010e-01, v3;
	v9 =	vld [tilespmem:s7+$0x15030];
	_ =	sdelay $0x1  }
0x24d: {  	s9 =	sshra.s32 s9, $0x2;
	v2 =	vmul.f32 $1.000000010e-01, v2;
	v3 =	vadd.f32 v3, v5  }
0x24e: {  	v1 =	vmul.f32 $1.000000010e-01, v1;
	v10 =	vld [tilespmem:s9+$0x19020];
	v4 =	vadd.f32 v4, v6  }
0x24f: {  	v11 =	vld [tilespmem:s9+$0x19030];
	v3 =	vmul.f32 v3, v7;
	v2 =	vadd.f32 v2, v8  }
0x250: {  	v5 =	vld [tilespmem:s9+$0x19000];
	v1 =	vadd.f32 v1, v9;
	v4 =	vmul.f32 v4, v7  }
0x251: {  	v6 =	vld [tilespmem:s9+$0x19010];
	[tilespmem:s7+$0x15010] =	vst v3;
	v2 =	vmul.f32 v2, v7  }
0x252: {  	v1 =	vmul.f32 v1, v7;
	[tilespmem:s7+$0x15000] =	vst v4  }
0x253: {  	v3 =	vld [tilespmem:s9+$0x15010];
	[tilespmem:s7+$0x15020] =	vst v2  }
0x254: {  	s23 =	sadd.s32 $0x1, s8;
	v2 =	vld [tilespmem:s9+$0x15000];
	[tilespmem:s7+$0x15030] =	vst v1  }
0x255: {  	v1 =	vld.msk [tilespmem:s23+$0x0 ss:$0x0], $0xffff  }
0x256: {  	v4 =	vld [tilespmem:s9+$0x15020]  }
0x257: {  	v6 =	vmul.f32 $1.000000010e-01, v6;
	v7 =	vld [tilespmem:s9+$0x15030]  }
0x258: {  	v5 =	vmul.f32 $1.000000010e-01, v5  }
0x259: {  	v3 =	vadd.f32 v6, v3;
	v6 =	vmul.f32 $1.000000010e-01, v10  }
0x25a: {  	v2 =	vadd.f32 v5, v2;
	v5 =	vmul.f32 $1.000000010e-01, v11  }
0x25b: {  	v3 =	vmul.f32 v3, v1;
	v4 =	vadd.f32 v6, v4  }
0x25c: {  	v2 =	vmul.f32 v2, v1;
	v5 =	vadd.f32 v5, v7  }
0x25d: {  	[tilespmem:s9+$0x15010] =	vst v3;
	v3 =	vmul.f32 v4, v1  }
0x25e: {  	[tilespmem:s9+$0x15000] =	vst v2;
	v1 =	vmul.f32 v5, v1  }
0x25f: {  	[tilespmem:s9+$0x15020] =	vst v3  }
0x260: {  	s24 =	rddreg [dreg:$0xe];
	[tilespmem:s9+$0x15030] =	vst v1  }
0x261: {  	[spmem:s24] =	stream.linear.scatter [tilespmem:s26], [sflag:$0x1], $0x4000, $0x38;
	[tilespmem:$0x1D300] =	vst v63  }
0x262: {  	_ =	swait.ge [sflag:s29], $0x4000  }
0x263: {  	[sflag:s29] =	ssyncset.done $0x0  }
0x264: {  	s28 =	rddreg [dreg:$0xf];
	[sflag:s29] =	ssyncadd.s32 $0xFFFFC000  }
0x265: {  	[tilespmem:s26], [sflag:$0x1] =	stream.linear.gather [spmem:s28], $0x4000, $0x38;
	[tilespmem:$0x1D300] =	vst v63  }
0x266: {  	_ =	swait.ge [sflag:s29], $0x4000  }
0x267: {  	[sflag:s29] =	ssyncset.done $0x0  }
0x268: {  	s31 =	rddreg [dreg:$0xa];
	[sflag:s29] =	ssyncadd.s32 $0xFFFFC000  }
0x269: {  	[tilespmem:s30], [sflag:$0x1] =	stream.linear.gather [spmem:s31], $0x4000, $0x38;
	[tilespmem:$0x1D300] =	vst v63  }
0x26a: {  	_ =	swait.ge [sflag:s29], $0x4000  }
0x26b: {  	[sflag:s29] =	ssyncset.done $0x0  }
0x26c: {  	s7 =	simm.s32 $0x0;
	[sflag:s29] =	ssyncadd.s32 $0xFFFFC000  }
0x26d: {  	v4 =	vld [tilespmem:s7+$0x19000]  }
0x26e: {  	v2 =	vld [tilespmem:s7+$0x19020]  }
0x26f: {  	v3 =	vld [tilespmem:s7+$0x19010]  }
0x270: {  	v1 =	vld [tilespmem:s7+$0x19030]  }
0x271: {  	s8 =	simm.s32 $0x1D100;
	s10 =	simm.s32 $0x400;
	v5 =	vld [tilespmem:s7+$0x15010]  }
0x272: {  	s1 =	simm.s32 $0x0;
	s9 =	simm.s32 $0x200;
	s4 =	rddreg [dreg:$0x18];
	v6 =	vld [tilespmem:s7+$0x15000];
	v4 =	vmul.f32 $1.000000010e-01, v4  }
.LBB2_12:
0x273: {  	s11 =	sshra.s32 s9, $0x2  }
0x274: {  	v7 =	vld.msk [tilespmem:s8+$0x0 ss:$0x0], $0xffff;
	s8 =	sadd.s32 $0x1, s8;
	s9 =	smov.u32 s10;
	s15 =	sadd.s32 $0x200, s10  }
0x275: {  	p1 =	sne.s32 s10, $0xFE00;
	v8 =	vld [tilespmem:s7+$0x15020]  }
0x276: {  	v3 =	vmul.f32 $1.000000010e-01, v3;
	v9 =	vld [tilespmem:s7+$0x15030]  }
0x277: {  	v10 =	vld [tilespmem:s11+$0x19020]  }
0x278: {  	v2 =	vmul.f32 $1.000000010e-01, v2;
	v5 =	vadd.f32 v3, v5;
	v11 =	vld [tilespmem:s11+$0x19000];
	v4 =	vadd.f32 v4, v6  }
0x279: {  	v6 =	vmul.f32 $1.000000010e-01, v1;
	v3 =	vld [tilespmem:s11+$0x19010]  }
0x27a: {  	v1 =	vld [tilespmem:s11+$0x19030];
	v12 =	vmul.f32 v4, v7;
	v4 =	vmul.f32 v5, v7;
	v8 =	vadd.f32 v2, v8  }
.Ltmp5:
0x27b: {  	v5 =	vadd.f32 v6, v9;
	(pc) =	sbr.rel @p1 .LBB2_12-.Ltmp5, $4  }
0x27c: {  	[tilespmem:s7+$0x15010] =	vst v4;
	v6 =	vmul.f32 v8, v7;
	v2 =	vmov v10  }
0x27d: {  	v4 =	vmul.f32 $1.000000010e-01, v11;
	[tilespmem:s7+$0x15000] =	vst v12;
	v7 =	vmul.f32 v5, v7  }
0x27e: {  	v5 =	vld [tilespmem:s11+$0x15010];
	[tilespmem:s7+$0x15020] =	vst v6  }
0x27f: {  	s10 =	smov.u32 s15;
	v6 =	vld [tilespmem:s11+$0x15000];
	[tilespmem:s7+$0x15030] =	vst v7;
	s7 =	smov.u32 s11  }
0x280: {  	v7 =	vld.msk [tilespmem:s8+$0x0 ss:$0x0], $0xffff  }
0x281: {  	v8 =	vld [tilespmem:s7+$0x15020]  }
0x282: {  	v3 =	vmul.f32 $1.000000010e-01, v3;
	v9 =	vld [tilespmem:s7+$0x15030];
	_ =	sdelay $0x1  }
0x283: {  	s9 =	sshra.s32 s9, $0x2;
	v2 =	vmul.f32 $1.000000010e-01, v2;
	v3 =	vadd.f32 v3, v5  }
0x284: {  	v1 =	vmul.f32 $1.000000010e-01, v1;
	v10 =	vld [tilespmem:s9+$0x19020];
	v4 =	vadd.f32 v4, v6  }
0x285: {  	v11 =	vld [tilespmem:s9+$0x19030];
	v3 =	vmul.f32 v3, v7;
	v2 =	vadd.f32 v2, v8  }
0x286: {  	v5 =	vld [tilespmem:s9+$0x19000];
	v1 =	vadd.f32 v1, v9;
	v4 =	vmul.f32 v4, v7  }
0x287: {  	v6 =	vld [tilespmem:s9+$0x19010];
	[tilespmem:s7+$0x15010] =	vst v3;
	v2 =	vmul.f32 v2, v7  }
0x288: {  	v1 =	vmul.f32 v1, v7;
	[tilespmem:s7+$0x15000] =	vst v4  }
0x289: {  	v3 =	vld [tilespmem:s9+$0x15010];
	[tilespmem:s7+$0x15020] =	vst v2  }
0x28a: {  	s23 =	sadd.s32 $0x1, s8;
	v2 =	vld [tilespmem:s9+$0x15000];
	[tilespmem:s7+$0x15030] =	vst v1  }
0x28b: {  	v1 =	vld.msk [tilespmem:s23+$0x0 ss:$0x0], $0xffff  }
0x28c: {  	v4 =	vld [tilespmem:s9+$0x15020]  }
0x28d: {  	v6 =	vmul.f32 $1.000000010e-01, v6;
	v7 =	vld [tilespmem:s9+$0x15030]  }
0x28e: {  	v5 =	vmul.f32 $1.000000010e-01, v5  }
0x28f: {  	v3 =	vadd.f32 v6, v3;
	v6 =	vmul.f32 $1.000000010e-01, v10  }
0x290: {  	v2 =	vadd.f32 v5, v2;
	v5 =	vmul.f32 $1.000000010e-01, v11  }
0x291: {  	v3 =	vmul.f32 v3, v1;
	v4 =	vadd.f32 v6, v4  }
0x292: {  	v2 =	vmul.f32 v2, v1;
	v5 =	vadd.f32 v5, v7  }
0x293: {  	[tilespmem:s9+$0x15010] =	vst v3;
	v3 =	vmul.f32 v4, v1  }
0x294: {  	[tilespmem:s9+$0x15000] =	vst v2;
	v1 =	vmul.f32 v5, v1  }
0x295: {  	[tilespmem:s9+$0x15020] =	vst v3  }
0x296: {  	s24 =	rddreg [dreg:$0xf];
	[tilespmem:s9+$0x15030] =	vst v1  }
0x297: {  	[spmem:s24] =	stream.linear.scatter [tilespmem:s26], [sflag:$0x1], $0x4000, $0x38;
	[tilespmem:$0x1D300] =	vst v63  }
0x298: {  	_ =	swait.ge [sflag:s29], $0x4000  }
0x299: {  	[sflag:s29] =	ssyncset.done $0x0  }
0x29a: {  	s28 =	rddreg [dreg:$0x10];
	[sflag:s29] =	ssyncadd.s32 $0xFFFFC000  }
0x29b: {  	[tilespmem:s26], [sflag:$0x1] =	stream.linear.gather [spmem:s28], $0x4000, $0x38;
	[tilespmem:$0x1D300] =	vst v63  }
0x29c: {  	_ =	swait.ge [sflag:s29], $0x4000  }
0x29d: {  	[sflag:s29] =	ssyncset.done $0x0  }
0x29e: {  	s31 =	rddreg [dreg:$0xb];
	[sflag:s29] =	ssyncadd.s32 $0xFFFFC000  }
0x29f: {  	[tilespmem:s30], [sflag:$0x1] =	stream.linear.gather [spmem:s31], $0x4000, $0x38;
	[tilespmem:$0x1D300] =	vst v63  }
0x2a0: {  	_ =	swait.ge [sflag:s29], $0x4000  }
0x2a1: {  	[sflag:s29] =	ssyncset.done $0x0  }
0x2a2: {  	s7 =	simm.s32 $0x0;
	[sflag:s29] =	ssyncadd.s32 $0xFFFFC000  }
0x2a3: {  	v4 =	vld [tilespmem:s7+$0x19000]  }
0x2a4: {  	v2 =	vld [tilespmem:s7+$0x19020]  }
0x2a5: {  	v3 =	vld [tilespmem:s7+$0x19010]  }
0x2a6: {  	v1 =	vld [tilespmem:s7+$0x19030]  }
0x2a7: {  	v5 =	vld [tilespmem:s7+$0x15010]  }
0x2a8: {  	s8 =	simm.s32 $0x1D180;
	s10 =	simm.s32 $0x400;
	s9 =	simm.s32 $0x200;
	v6 =	vld [tilespmem:s7+$0x15000];
	v4 =	vmul.f32 $1.000000010e-01, v4  }
.LBB2_14:
0x2a9: {  	s11 =	sshra.s32 s9, $0x2  }
0x2aa: {  	v7 =	vld.msk [tilespmem:s8+$0x0 ss:$0x0], $0xffff;
	s8 =	sadd.s32 $0x1, s8;
	s9 =	smov.u32 s10;
	s15 =	sadd.s32 $0x200, s10  }
0x2ab: {  	p1 =	sne.s32 s10, $0xFE00;
	v8 =	vld [tilespmem:s7+$0x15020]  }
0x2ac: {  	v3 =	vmul.f32 $1.000000010e-01, v3;
	v9 =	vld [tilespmem:s7+$0x15030]  }
0x2ad: {  	v10 =	vld [tilespmem:s11+$0x19020]  }
0x2ae: {  	v2 =	vmul.f32 $1.000000010e-01, v2;
	v5 =	vadd.f32 v3, v5;
	v11 =	vld [tilespmem:s11+$0x19000];
	v4 =	vadd.f32 v4, v6  }
0x2af: {  	v6 =	vmul.f32 $1.000000010e-01, v1;
	v3 =	vld [tilespmem:s11+$0x19010]  }
0x2b0: {  	v1 =	vld [tilespmem:s11+$0x19030];
	v12 =	vmul.f32 v4, v7;
	v4 =	vmul.f32 v5, v7;
	v8 =	vadd.f32 v2, v8  }
.Ltmp6:
0x2b1: {  	v5 =	vadd.f32 v6, v9;
	(pc) =	sbr.rel @p1 .LBB2_14-.Ltmp6, $4  }
0x2b2: {  	[tilespmem:s7+$0x15010] =	vst v4;
	v6 =	vmul.f32 v8, v7;
	v2 =	vmov v10  }
0x2b3: {  	v4 =	vmul.f32 $1.000000010e-01, v11;
	[tilespmem:s7+$0x15000] =	vst v12;
	v7 =	vmul.f32 v5, v7  }
0x2b4: {  	v5 =	vld [tilespmem:s11+$0x15010];
	[tilespmem:s7+$0x15020] =	vst v6  }
0x2b5: {  	s10 =	smov.u32 s15;
	v6 =	vld [tilespmem:s11+$0x15000];
	[tilespmem:s7+$0x15030] =	vst v7;
	s7 =	smov.u32 s11  }
0x2b6: {  	v7 =	vld.msk [tilespmem:s8+$0x0 ss:$0x0], $0xffff  }
0x2b7: {  	v8 =	vld [tilespmem:s7+$0x15020]  }
0x2b8: {  	v3 =	vmul.f32 $1.000000010e-01, v3;
	v9 =	vld [tilespmem:s7+$0x15030];
	_ =	sdelay $0x1  }
0x2b9: {  	s9 =	sshra.s32 s9, $0x2;
	v2 =	vmul.f32 $1.000000010e-01, v2;
	v3 =	vadd.f32 v3, v5  }
0x2ba: {  	v1 =	vmul.f32 $1.000000010e-01, v1;
	v10 =	vld [tilespmem:s9+$0x19020];
	v4 =	vadd.f32 v4, v6  }
0x2bb: {  	v11 =	vld [tilespmem:s9+$0x19030];
	v3 =	vmul.f32 v3, v7;
	v2 =	vadd.f32 v2, v8  }
0x2bc: {  	v5 =	vld [tilespmem:s9+$0x19000];
	v1 =	vadd.f32 v1, v9;
	v4 =	vmul.f32 v4, v7  }
0x2bd: {  	v6 =	vld [tilespmem:s9+$0x19010];
	[tilespmem:s7+$0x15010] =	vst v3;
	v2 =	vmul.f32 v2, v7  }
0x2be: {  	v1 =	vmul.f32 v1, v7;
	[tilespmem:s7+$0x15000] =	vst v4  }
0x2bf: {  	v3 =	vld [tilespmem:s9+$0x15010];
	[tilespmem:s7+$0x15020] =	vst v2  }
0x2c0: {  	s23 =	sadd.s32 $0x1, s8;
	v2 =	vld [tilespmem:s9+$0x15000];
	[tilespmem:s7+$0x15030] =	vst v1  }
0x2c1: {  	v1 =	vld.msk [tilespmem:s23+$0x0 ss:$0x0], $0xffff  }
0x2c2: {  	v4 =	vld [tilespmem:s9+$0x15020]  }
0x2c3: {  	v6 =	vmul.f32 $1.000000010e-01, v6;
	v7 =	vld [tilespmem:s9+$0x15030]  }
0x2c4: {  	v5 =	vmul.f32 $1.000000010e-01, v5  }
0x2c5: {  	v3 =	vadd.f32 v6, v3;
	v6 =	vmul.f32 $1.000000010e-01, v10  }
0x2c6: {  	v2 =	vadd.f32 v5, v2;
	v5 =	vmul.f32 $1.000000010e-01, v11  }
0x2c7: {  	v3 =	vmul.f32 v3, v1;
	v4 =	vadd.f32 v6, v4  }
0x2c8: {  	v2 =	vmul.f32 v2, v1;
	v5 =	vadd.f32 v5, v7  }
0x2c9: {  	[tilespmem:s9+$0x15010] =	vst v3;
	v3 =	vmul.f32 v4, v1  }
0x2ca: {  	[tilespmem:s9+$0x15000] =	vst v2;
	v1 =	vmul.f32 v5, v1  }
0x2cb: {  	[tilespmem:s9+$0x15020] =	vst v3  }
0x2cc: {  	s24 =	rddreg [dreg:$0x10];
	[tilespmem:s9+$0x15030] =	vst v1  }
0x2cd: {  	[spmem:s24] =	stream.linear.scatter [tilespmem:s26], [sflag:$0x1], $0x4000, $0x38;
	[tilespmem:$0x1D300] =	vst v63  }
0x2ce: {  	_ =	swait.ge [sflag:s29], $0x4000  }
0x2cf: {  	[sflag:s29] =	ssyncset.done $0x0  }
0x2d0: {  	s28 =	rddreg [dreg:$0x11];
	[sflag:s29] =	ssyncadd.s32 $0xFFFFC000  }
0x2d1: {  	[tilespmem:s26], [sflag:$0x1] =	stream.linear.gather [spmem:s28], $0x4000, $0x38;
	[tilespmem:$0x1D300] =	vst v63  }
0x2d2: {  	_ =	swait.ge [sflag:s29], $0x4000  }
0x2d3: {  	[sflag:s29] =	ssyncset.done $0x0  }
0x2d4: {  	s31 =	rddreg [dreg:$0xc];
	[sflag:s29] =	ssyncadd.s32 $0xFFFFC000  }
0x2d5: {  	[tilespmem:s30], [sflag:$0x1] =	stream.linear.gather [spmem:s31], $0x4000, $0x38;
	[tilespmem:$0x1D300] =	vst v63  }
0x2d6: {  	_ =	swait.ge [sflag:s29], $0x4000  }
0x2d7: {  	[sflag:s29] =	ssyncset.done $0x0  }
0x2d8: {  	s7 =	simm.s32 $0x0;
	[sflag:s29] =	ssyncadd.s32 $0xFFFFC000  }
0x2d9: {  	v4 =	vld [tilespmem:s7+$0x19000]  }
0x2da: {  	v2 =	vld [tilespmem:s7+$0x19020]  }
0x2db: {  	v3 =	vld [tilespmem:s7+$0x19010]  }
0x2dc: {  	v1 =	vld [tilespmem:s7+$0x19030]  }
0x2dd: {  	v5 =	vld [tilespmem:s7+$0x15010]  }
0x2de: {  	s8 =	simm.s32 $0x1D200;
	s10 =	simm.s32 $0x400;
	s9 =	simm.s32 $0x200;
	v6 =	vld [tilespmem:s7+$0x15000];
	v4 =	vmul.f32 $1.000000010e-01, v4  }
.LBB2_16:
0x2df: {  	s11 =	sshra.s32 s9, $0x2  }
0x2e0: {  	v7 =	vld.msk [tilespmem:s8+$0x0 ss:$0x0], $0xffff;
	s8 =	sadd.s32 $0x1, s8;
	s9 =	smov.u32 s10;
	s15 =	sadd.s32 $0x200, s10  }
0x2e1: {  	p1 =	sne.s32 s10, $0xFE00;
	v8 =	vld [tilespmem:s7+$0x15020]  }
0x2e2: {  	v3 =	vmul.f32 $1.000000010e-01, v3;
	v9 =	vld [tilespmem:s7+$0x15030]  }
0x2e3: {  	v10 =	vld [tilespmem:s11+$0x19020]  }
0x2e4: {  	v2 =	vmul.f32 $1.000000010e-01, v2;
	v5 =	vadd.f32 v3, v5;
	v11 =	vld [tilespmem:s11+$0x19000];
	v4 =	vadd.f32 v4, v6  }
0x2e5: {  	v6 =	vmul.f32 $1.000000010e-01, v1;
	v3 =	vld [tilespmem:s11+$0x19010]  }
0x2e6: {  	v1 =	vld [tilespmem:s11+$0x19030];
	v12 =	vmul.f32 v4, v7;
	v4 =	vmul.f32 v5, v7;
	v8 =	vadd.f32 v2, v8  }
.Ltmp7:
0x2e7: {  	v5 =	vadd.f32 v6, v9;
	(pc) =	sbr.rel @p1 .LBB2_16-.Ltmp7, $4  }
0x2e8: {  	[tilespmem:s7+$0x15010] =	vst v4;
	v6 =	vmul.f32 v8, v7;
	v2 =	vmov v10  }
0x2e9: {  	v4 =	vmul.f32 $1.000000010e-01, v11;
	[tilespmem:s7+$0x15000] =	vst v12;
	v7 =	vmul.f32 v5, v7  }
0x2ea: {  	v5 =	vld [tilespmem:s11+$0x15010];
	[tilespmem:s7+$0x15020] =	vst v6  }
0x2eb: {  	s10 =	smov.u32 s15;
	v6 =	vld [tilespmem:s11+$0x15000];
	[tilespmem:s7+$0x15030] =	vst v7;
	s7 =	smov.u32 s11  }
0x2ec: {  	v7 =	vld.msk [tilespmem:s8+$0x0 ss:$0x0], $0xffff  }
0x2ed: {  	v8 =	vld [tilespmem:s7+$0x15020]  }
0x2ee: {  	v3 =	vmul.f32 $1.000000010e-01, v3;
	v9 =	vld [tilespmem:s7+$0x15030];
	_ =	sdelay $0x1  }
0x2ef: {  	s9 =	sshra.s32 s9, $0x2;
	v2 =	vmul.f32 $1.000000010e-01, v2;
	v3 =	vadd.f32 v3, v5  }
0x2f0: {  	v1 =	vmul.f32 $1.000000010e-01, v1;
	v10 =	vld [tilespmem:s9+$0x19020];
	v4 =	vadd.f32 v4, v6  }
0x2f1: {  	v59 =	vld [tilespmem:s9+$0x19000];
	v3 =	vmul.f32 v3, v7;
	v2 =	vadd.f32 v2, v8  }
0x2f2: {  	v60 =	vld [tilespmem:s9+$0x19010];
	v1 =	vadd.f32 v1, v9;
	v4 =	vmul.f32 v4, v7  }
0x2f3: {  	v11 =	vld [tilespmem:s9+$0x19030];
	[tilespmem:s7+$0x15010] =	vst v3;
	v2 =	vmul.f32 v2, v7  }
0x2f4: {  	v1 =	vmul.f32 v1, v7;
	[tilespmem:s7+$0x15000] =	vst v4  }
0x2f5: {  	v3 =	vld [tilespmem:s9+$0x15010];
	[tilespmem:s7+$0x15020] =	vst v2  }
0x2f6: {  	s28 =	sadd.s32 $0x1, s8;
	v2 =	vld [tilespmem:s9+$0x15000];
	[tilespmem:s7+$0x15030] =	vst v1  }
0x2f7: {  	v1 =	vld.msk [tilespmem:s28+$0x0 ss:$0x0], $0xffff  }
0x2f8: {  	v4 =	vld [tilespmem:s9+$0x15020]  }
0x2f9: {  	v6 =	vmul.f32 $1.000000010e-01, v60;
	v61 =	vld [tilespmem:s9+$0x15030]  }
0x2fa: {  	v5 =	vmul.f32 $1.000000010e-01, v59  }
0x2fb: {  	v62 =	vmul.f32 $1.000000010e-01, v10;
	v3 =	vadd.f32 v6, v3  }
0x2fc: {  	v63 =	vmul.f32 $1.000000010e-01, v11;
	v2 =	vadd.f32 v5, v2  }
0x2fd: {  	v3 =	vmul.f32 v3, v1;
	v4 =	vadd.f32 v62, v4  }
0x2fe: {  	v5 =	vadd.f32 v63, v61;
	v2 =	vmul.f32 v2, v1  }
0x2ff: {  	[tilespmem:s9+$0x15010] =	vst v3;
	v3 =	vmul.f32 v4, v1  }
0x300: {  	v1 =	vmul.f32 v5, v1;
	[tilespmem:s9+$0x15000] =	vst v2  }
0x301: {  	[tilespmem:s9+$0x15020] =	vst v3  }
0x302: {  	s31 =	rddreg [dreg:$0x11];
	[tilespmem:s9+$0x15030] =	vst v1  }
0x303: {  	[spmem:s31] =	stream.linear.scatter [tilespmem:s26], [sflag:$0x1], $0x4000, $0x38;
	[tilespmem:$0x1D300] =	vst v63  }
0x304: {  	_ =	swait.ge [sflag:s29], $0x4000  }
0x305: {  	[sflag:s29] =	ssyncset.done $0x0  }
0x306: {  	[sflag:s29] =	ssyncadd.s32 $0xFFFFC000  }
0x307: {  	s8 =	simm.s32 $0x200;
	s7 =	simm.s32 $0x0;
	[bflag:$0x0] =	sbarrier.arrive $0xFFFF  }
.LBB2_18:
0x308: {  	p1 =	sne.s32 s8, $0xFE00;
	[tilespmem:s7+$0x19030] =	vst v0;
	s9 =	smov.u32 s8;
	s8 =	sadd.s32 $0x200, s8  }
.Ltmp8:
0x309: {  	[tilespmem:s7+$0x19020] =	vst v0;
	(pc) =	sbr.rel @p1 .LBB2_18-.Ltmp8, $3  }
0x30a: {  	[tilespmem:s7+$0x19000] =	vst v0  }
0x30b: {  	[tilespmem:s7+$0x19010] =	vst v0;
	_ =	sdelay $0x1  }
0x30c: {  	s7 =	sshra.s32 s9, $0x2  }
0x30d: {  	[tilespmem:s7+$0x19030] =	vst v0  }
0x30e: {  	[tilespmem:s7+$0x19020] =	vst v0  }
0x30f: {  	[tilespmem:s7+$0x19000] =	vst v0  }
0x310: {  	[tilespmem:s7+$0x19010] =	vst v0;
	s18 =	rddreg [dreg:$0x8]  }
0x311: {  	[spmem:s18] =	stream.linear.scatter [tilespmem:s30], [sflag:$0x1], $0x4000, $0x38;
	[tilespmem:$0x1D300] =	vst v63  }
0x312: {  	_ =	swait.ge [sflag:s29], $0x4000  }
0x313: {  	[sflag:s29] =	ssyncset.done $0x0  }
0x314: {  	s19 =	rddreg [dreg:$0x9];
	[sflag:s29] =	ssyncadd.s32 $0xFFFFC000  }
0x315: {  	[spmem:s19] =	stream.linear.scatter [tilespmem:s30], [sflag:$0x1], $0x4000, $0x38;
	[tilespmem:$0x1D300] =	vst v63  }
0x316: {  	_ =	swait.ge [sflag:s29], $0x4000  }
0x317: {  	[sflag:s29] =	ssyncset.done $0x0  }
0x318: {  	s20 =	rddreg [dreg:$0xa];
	[sflag:s29] =	ssyncadd.s32 $0xFFFFC000  }
0x319: {  	[spmem:s20] =	stream.linear.scatter [tilespmem:s30], [sflag:$0x1], $0x4000, $0x38;
	[tilespmem:$0x1D300] =	vst v63  }
0x31a: {  	_ =	swait.ge [sflag:s29], $0x4000  }
0x31b: {  	[sflag:s29] =	ssyncset.done $0x0  }
0x31c: {  	s21 =	rddreg [dreg:$0xb];
	[sflag:s29] =	ssyncadd.s32 $0xFFFFC000  }
0x31d: {  	[spmem:s21] =	stream.linear.scatter [tilespmem:s30], [sflag:$0x1], $0x4000, $0x38;
	[tilespmem:$0x1D300] =	vst v63  }
0x31e: {  	_ =	swait.ge [sflag:s29], $0x4000  }
0x31f: {  	[sflag:s29] =	ssyncset.done $0x0  }
0x320: {  	s22 =	rddreg [dreg:$0xc];
	[sflag:s29] =	ssyncadd.s32 $0xFFFFC000  }
0x321: {  	[spmem:s22] =	stream.linear.scatter [tilespmem:s30], [sflag:$0x1], $0x4000, $0x38;
	[tilespmem:$0x1D300] =	vst v63  }
0x322: {  	_ =	swait.ge [sflag:s29], $0x4000  }
0x323: {  	[sflag:s29] =	ssyncset.done $0x0  }
0x324: {  	[sflag:s29] =	ssyncadd.s32 $0xFFFFC000  }
0x325: {  	[bflag:$0x0] =	sbarrier.arrive $0xFFFF  }
0x326: {  	s8 =	rddreg [dreg:$0x5]  }
0x327: {  	s23 =	sadd.s32 $0x0, s8  }
0x328: {  	[tilespmem:s5], [sflag:$0x1] =	stream.linear.gather [hbm4b:s23+s1], $0x800, $0x38;
	[tilespmem:$0x1D300] =	vst v63  }
0x329: {  	_ =	swait.ge [sflag:s29], $0x800  }
0x32a: {  	[sflag:s29] =	ssyncset.done $0x0  }
0x32b: {  	s24 =	sadd.s32 $0x0, s4;
	[sflag:s29] =	ssyncadd.s32 $0xFFFFF800  }
0x32c: {  	[tilespmem:s0], [sflag:$0x1] =	stream.linear.gather [hbm4b:s24+s1], $0x800, $0x38;
	[tilespmem:$0x1D300] =	vst v63  }
0x32d: {  	_ =	swait.ge [sflag:s29], $0x800  }
0x32e: {  	[sflag:s29] =	ssyncset.done $0x0  }
0x32f: {  	[sflag:s29] =	ssyncadd.s32 $0xFFFFF800  }
0x330: {  	[tilespmem:s26], [sflag:$0x1] =	stream.indirect.gather [spmem:s2], $0x40, s5, s25, $0xb8;
	[tilespmem:$0x1D300] =	vst v63  }
0x331: {  	_ =	swait.ge [sflag:s29], $0x2000  }
0x332: {  	[sflag:s29] =	ssyncset.done $0x0  }
0x333: {  	[sflag:s29] =	ssyncadd.s32 $0xFFFFE000  }
0x334: {  	[spmem:s3] =	stream.indirect.scatter.add.f32 [tilespmem:s26], [sflag:$0x1], $0x40, s0, s25, $0xb8;
	[tilespmem:$0x1D300] =	vst v63  }
0x335: {  	_ =	swait.ge [sflag:s29], $0x2000  }
0x336: {  	[sflag:s29] =	ssyncset.done $0x0  }
0x337: {  	s15 =	simm.s32 $0x14080;
	[sflag:s29] =	ssyncadd.s32 $0xFFFFE000  }
0x338: {  	[tilespmem:s30], [sflag:$0x1] =	stream.indirect.gather [spmem:s2], $0x40, s15, s25, $0xb8;
	[tilespmem:$0x1D300] =	vst v63  }
0x339: {  	_ =	swait.ge [sflag:s29], $0x2000  }
0x33a: {  	[sflag:s29] =	ssyncset.done $0x0  }
0x33b: {  	s5 =	simm.s32 $0x14880;
	[sflag:s29] =	ssyncadd.s32 $0xFFFFE000  }
0x33c: {  	[spmem:s3] =	stream.indirect.scatter.add.f32 [tilespmem:s30], [sflag:$0x1], $0x40, s5, s25, $0xb8;
	[tilespmem:$0x1D300] =	vst v63  }
0x33d: {  	_ =	swait.ge [sflag:s29], $0x2000  }
0x33e: {  	[sflag:s29] =	ssyncset.done $0x0  }
0x33f: {  	s6 =	simm.s32 $0x14100;
	[sflag:s29] =	ssyncadd.s32 $0xFFFFE000  }
0x340: {  	[tilespmem:s26], [sflag:$0x1] =	stream.indirect.gather [spmem:s2], $0x40, s6, s25, $0xb8;
	[tilespmem:$0x1D300] =	vst v63  }
0x341: {  	_ =	swait.ge [sflag:s29], $0x2000  }
0x342: {  	[sflag:s29] =	ssyncset.done $0x0  }
0x343: {  	s16 =	simm.s32 $0x14900;
	[sflag:s29] =	ssyncadd.s32 $0xFFFFE000  }
0x344: {  	[spmem:s3] =	stream.indirect.scatter.add.f32 [tilespmem:s26], [sflag:$0x1], $0x40, s16, s25, $0xb8;
	[tilespmem:$0x1D300] =	vst v63  }
0x345: {  	_ =	swait.ge [sflag:s29], $0x2000  }
0x346: {  	[sflag:s29] =	ssyncset.done $0x0  }
0x347: {  	s17 =	simm.s32 $0x14180;
	[sflag:s29] =	ssyncadd.s32 $0xFFFFE000  }
0x348: {  	[tilespmem:s30], [sflag:$0x1] =	stream.indirect.gather [spmem:s2], $0x40, s17, s25, $0xb8;
	[tilespmem:$0x1D300] =	vst v63  }
0x349: {  	_ =	swait.ge [sflag:s29], $0x2000  }
0x34a: {  	[sflag:s29] =	ssyncset.done $0x0  }
0x34b: {  	s18 =	simm.s32 $0x14980;
	[sflag:s29] =	ssyncadd.s32 $0xFFFFE000  }
0x34c: {  	[spmem:s3] =	stream.indirect.scatter.add.f32 [tilespmem:s30], [sflag:$0x1], $0x40, s18, s25, $0xb8;
	[tilespmem:$0x1D300] =	vst v63  }
0x34d: {  	_ =	swait.ge [sflag:s29], $0x2000  }
0x34e: {  	[sflag:s29] =	ssyncset.done $0x0  }
0x34f: {  	s14 =	simm.s32 $0x14200;
	[sflag:s29] =	ssyncadd.s32 $0xFFFFE000  }
0x350: {  	[tilespmem:s26], [sflag:$0x1] =	stream.indirect.gather [spmem:s2], $0x40, s14, s25, $0xb8;
	[tilespmem:$0x1D300] =	vst v63  }
0x351: {  	_ =	swait.ge [sflag:s29], $0x2000  }
0x352: {  	[sflag:s29] =	ssyncset.done $0x0  }
0x353: {  	s28 =	simm.s32 $0x14A00;
	[sflag:s29] =	ssyncadd.s32 $0xFFFFE000  }
0x354: {  	[spmem:s3] =	stream.indirect.scatter.add.f32 [tilespmem:s26], [sflag:$0x1], $0x40, s28, s25, $0xb8;
	[tilespmem:$0x1D300] =	vst v63  }
0x355: {  	_ =	swait.ge [sflag:s29], $0x2000  }
0x356: {  	[sflag:s29] =	ssyncset.done $0x0  }
0x357: {  	s1 =	simm.s32 $0x14280;
	[sflag:s29] =	ssyncadd.s32 $0xFFFFE000  }
0x358: {  	[tilespmem:s30], [sflag:$0x1] =	stream.indirect.gather [spmem:s2], $0x40, s1, s25, $0xb8;
	[tilespmem:$0x1D300] =	vst v63  }
0x359: {  	_ =	swait.ge [sflag:s29], $0x2000  }
0x35a: {  	[sflag:s29] =	ssyncset.done $0x0  }
0x35b: {  	s6 =	simm.s32 $0x14A80;
	[sflag:s29] =	ssyncadd.s32 $0xFFFFE000  }
0x35c: {  	[spmem:s3] =	stream.indirect.scatter.add.f32 [tilespmem:s30], [sflag:$0x1], $0x40, s6, s25, $0xb8;
	[tilespmem:$0x1D300] =	vst v63  }
0x35d: {  	_ =	swait.ge [sflag:s29], $0x2000  }
0x35e: {  	[sflag:s29] =	ssyncset.done $0x0  }
0x35f: {  	s20 =	simm.s32 $0x14300;
	[sflag:s29] =	ssyncadd.s32 $0xFFFFE000  }
0x360: {  	[tilespmem:s26], [sflag:$0x1] =	stream.indirect.gather [spmem:s2], $0x40, s20, s25, $0xb8;
	[tilespmem:$0x1D300] =	vst v63  }
0x361: {  	_ =	swait.ge [sflag:s29], $0x2000  }
0x362: {  	[sflag:s29] =	ssyncset.done $0x0  }
0x363: {  	s21 =	simm.s32 $0x14B00;
	[sflag:s29] =	ssyncadd.s32 $0xFFFFE000  }
0x364: {  	[spmem:s3] =	stream.indirect.scatter.add.f32 [tilespmem:s26], [sflag:$0x1], $0x40, s21, s25, $0xb8;
	[tilespmem:$0x1D300] =	vst v63  }
0x365: {  	_ =	swait.ge [sflag:s29], $0x2000  }
0x366: {  	[sflag:s29] =	ssyncset.done $0x0  }
0x367: {  	s22 =	simm.s32 $0x14380;
	[sflag:s29] =	ssyncadd.s32 $0xFFFFE000  }
0x368: {  	[tilespmem:s30], [sflag:$0x1] =	stream.indirect.gather [spmem:s2], $0x40, s22, s25, $0xb8;
	[tilespmem:$0x1D300] =	vst v63  }
0x369: {  	_ =	swait.ge [sflag:s29], $0x2000  }
0x36a: {  	[sflag:s29] =	ssyncset.done $0x0  }
0x36b: {  	s23 =	simm.s32 $0x14B80;
	[sflag:s29] =	ssyncadd.s32 $0xFFFFE000  }
0x36c: {  	[spmem:s3] =	stream.indirect.scatter.add.f32 [tilespmem:s30], [sflag:$0x1], $0x40, s23, s25, $0xb8;
	[tilespmem:$0x1D300] =	vst v63  }
0x36d: {  	_ =	swait.ge [sflag:s29], $0x2000  }
0x36e: {  	[sflag:s29] =	ssyncset.done $0x0  }
0x36f: {  	s24 =	simm.s32 $0x14400;
	[sflag:s29] =	ssyncadd.s32 $0xFFFFE000  }
0x370: {  	[tilespmem:s26], [sflag:$0x1] =	stream.indirect.gather [spmem:s2], $0x40, s24, s25, $0xb8;
	[tilespmem:$0x1D300] =	vst v63  }
0x371: {  	_ =	swait.ge [sflag:s29], $0x2000  }
0x372: {  	[sflag:s29] =	ssyncset.done $0x0  }
0x373: {  	s5 =	simm.s32 $0x14C00;
	[sflag:s29] =	ssyncadd.s32 $0xFFFFE000  }
0x374: {  	[spmem:s3] =	stream.indirect.scatter.add.f32 [tilespmem:s26], [sflag:$0x1], $0x40, s5, s25, $0xb8;
	[tilespmem:$0x1D300] =	vst v63  }
0x375: {  	_ =	swait.ge [sflag:s29], $0x2000  }
0x376: {  	[sflag:s29] =	ssyncset.done $0x0  }
0x377: {  	s19 =	simm.s32 $0x14480;
	[sflag:s29] =	ssyncadd.s32 $0xFFFFE000  }
0x378: {  	[tilespmem:s30], [sflag:$0x1] =	stream.indirect.gather [spmem:s2], $0x40, s19, s25, $0xb8;
	[tilespmem:$0x1D300] =	vst v63  }
0x379: {  	_ =	swait.ge [sflag:s29], $0x2000  }
0x37a: {  	[sflag:s29] =	ssyncset.done $0x0  }
0x37b: {  	s31 =	smov.u32 s4;
	s4 =	simm.s32 $0x14C80;
	[sflag:s29] =	ssyncadd.s32 $0xFFFFE000  }
0x37c: {  	[spmem:s3] =	stream.indirect.scatter.add.f32 [tilespmem:s30], [sflag:$0x1], $0x40, s4, s25, $0xb8;
	[tilespmem:$0x1D300] =	vst v63  }
0x37d: {  	_ =	swait.ge [sflag:s29], $0x2000  }
0x37e: {  	[sflag:s29] =	ssyncset.done $0x0  }
0x37f: {  	s9 =	simm.s32 $0x14500;
	[sflag:s29] =	ssyncadd.s32 $0xFFFFE000  }
0x380: {  	[tilespmem:s26], [sflag:$0x1] =	stream.indirect.gather [spmem:s2], $0x40, s9, s25, $0xb8;
	[tilespmem:$0x1D300] =	vst v63  }
0x381: {  	_ =	swait.ge [sflag:s29], $0x2000  }
0x382: {  	[sflag:s29] =	ssyncset.done $0x0  }
0x383: {  	s10 =	simm.s32 $0x14D00;
	[sflag:s29] =	ssyncadd.s32 $0xFFFFE000  }
0x384: {  	[spmem:s3] =	stream.indirect.scatter.add.f32 [tilespmem:s26], [sflag:$0x1], $0x40, s10, s25, $0xb8;
	[tilespmem:$0x1D300] =	vst v63  }
0x385: {  	_ =	swait.ge [sflag:s29], $0x2000  }
0x386: {  	[sflag:s29] =	ssyncset.done $0x0  }
0x387: {  	s11 =	simm.s32 $0x14580;
	[sflag:s29] =	ssyncadd.s32 $0xFFFFE000  }
0x388: {  	[tilespmem:s30], [sflag:$0x1] =	stream.indirect.gather [spmem:s2], $0x40, s11, s25, $0xb8;
	[tilespmem:$0x1D300] =	vst v63  }
0x389: {  	_ =	swait.ge [sflag:s29], $0x2000  }
0x38a: {  	[sflag:s29] =	ssyncset.done $0x0  }
0x38b: {  	s9 =	simm.s32 $0x14D80;
	[sflag:s29] =	ssyncadd.s32 $0xFFFFE000  }
0x38c: {  	[spmem:s3] =	stream.indirect.scatter.add.f32 [tilespmem:s30], [sflag:$0x1], $0x40, s9, s25, $0xb8;
	[tilespmem:$0x1D300] =	vst v63  }
0x38d: {  	_ =	swait.ge [sflag:s29], $0x2000  }
0x38e: {  	[sflag:s29] =	ssyncset.done $0x0  }
0x38f: {  	s10 =	simm.s32 $0x14600;
	[sflag:s29] =	ssyncadd.s32 $0xFFFFE000  }
0x390: {  	[tilespmem:s26], [sflag:$0x1] =	stream.indirect.gather [spmem:s2], $0x40, s10, s25, $0xb8;
	[tilespmem:$0x1D300] =	vst v63  }
0x391: {  	_ =	swait.ge [sflag:s29], $0x2000  }
0x392: {  	[sflag:s29] =	ssyncset.done $0x0  }
0x393: {  	s11 =	simm.s32 $0x14E00;
	[sflag:s29] =	ssyncadd.s32 $0xFFFFE000  }
0x394: {  	[spmem:s3] =	stream.indirect.scatter.add.f32 [tilespmem:s26], [sflag:$0x1], $0x40, s11, s25, $0xb8;
	[tilespmem:$0x1D300] =	vst v63  }
0x395: {  	_ =	swait.ge [sflag:s29], $0x2000  }
0x396: {  	[sflag:s29] =	ssyncset.done $0x0  }
0x397: {  	s9 =	simm.s32 $0x14680;
	[sflag:s29] =	ssyncadd.s32 $0xFFFFE000  }
0x398: {  	[tilespmem:s30], [sflag:$0x1] =	stream.indirect.gather [spmem:s2], $0x40, s9, s25, $0xb8;
	[tilespmem:$0x1D300] =	vst v63  }
0x399: {  	_ =	swait.ge [sflag:s29], $0x2000  }
0x39a: {  	[sflag:s29] =	ssyncset.done $0x0  }
0x39b: {  	s10 =	simm.s32 $0x14E80;
	[sflag:s29] =	ssyncadd.s32 $0xFFFFE000  }
0x39c: {  	[spmem:s3] =	stream.indirect.scatter.add.f32 [tilespmem:s30], [sflag:$0x1], $0x40, s10, s25, $0xb8;
	[tilespmem:$0x1D300] =	vst v63  }
0x39d: {  	_ =	swait.ge [sflag:s29], $0x2000  }
0x39e: {  	[sflag:s29] =	ssyncset.done $0x0  }
0x39f: {  	s11 =	simm.s32 $0x14700;
	[sflag:s29] =	ssyncadd.s32 $0xFFFFE000  }
0x3a0: {  	[tilespmem:s26], [sflag:$0x1] =	stream.indirect.gather [spmem:s2], $0x40, s11, s25, $0xb8;
	[tilespmem:$0x1D300] =	vst v63  }
0x3a1: {  	_ =	swait.ge [sflag:s29], $0x2000  }
0x3a2: {  	[sflag:s29] =	ssyncset.done $0x0  }
0x3a3: {  	s9 =	simm.s32 $0x14F00;
	[sflag:s29] =	ssyncadd.s32 $0xFFFFE000  }
0x3a4: {  	[spmem:s3] =	stream.indirect.scatter.add.f32 [tilespmem:s26], [sflag:$0x1], $0x40, s9, s25, $0xb8;
	[tilespmem:$0x1D300] =	vst v63  }
0x3a5: {  	_ =	swait.ge [sflag:s29], $0x2000  }
0x3a6: {  	[sflag:s29] =	ssyncset.done $0x0  }
0x3a7: {  	s10 =	simm.s32 $0x14780;
	[sflag:s29] =	ssyncadd.s32 $0xFFFFE000  }
0x3a8: {  	[tilespmem:s30], [sflag:$0x1] =	stream.indirect.gather [spmem:s2], $0x40, s10, s25, $0xb8;
	[tilespmem:$0x1D300] =	vst v63  }
0x3a9: {  	_ =	swait.ge [sflag:s29], $0x2000  }
0x3aa: {  	[sflag:s29] =	ssyncset.done $0x0  }
0x3ab: {  	s13 =	simm.s32 $0x14800;
	s11 =	simm.s32 $0x14F80;
	[sflag:s29] =	ssyncadd.s32 $0xFFFFE000  }
0x3ac: {  	[spmem:s3] =	stream.indirect.scatter.add.f32 [tilespmem:s30], [sflag:$0x1], $0x40, s11, s25, $0xb8;
	[tilespmem:$0x1D300] =	vst v63  }
0x3ad: {  	s12 =	simm.s32 $0x0;
	s7 =	simm.s32 $0x100;
	_ =	swait.ge [sflag:s29], $0x2000  }
0x3ae: {  	s0 =	simm.s32 $0x14000;
	s9 =	simm.s32 $0x200;
	[sflag:s29] =	ssyncset.done $0x0  }
.LBB2_20:
0x3af: {  	s10 =	sadd.s32 s7, s8;
	[sflag:s29] =	ssyncadd.s32 $0xFFFFE000  }
0x3b0: {  	[tilespmem:s0], [sflag:$0x1] =	stream.linear.gather [hbm4b:s10+s12], $0x800, $0x38;
	[tilespmem:$0x1D300] =	vst v63  }
0x3b1: {  	_ =	swait.ge [sflag:s29], $0x800  }
0x3b2: {  	s11 =	smov.u32 s9;
	s8 =	sadd.s32 $0x100, s9;
	[sflag:s29] =	ssyncset.done $0x0  }
0x3b3: {  	p1 =	sne.s32 s9, $0x900;
	s9 =	sadd.s32 s7, s31;
	[sflag:s29] =	ssyncadd.s32 $0xFFFFF800  }
0x3b4: {  	[tilespmem:s13], [sflag:$0x1] =	stream.linear.gather [hbm4b:s9+s12], $0x800, $0x38;
	[tilespmem:$0x1D300] =	vst v63  }
0x3b5: {  	_ =	swait.ge [sflag:s29], $0x800  }
0x3b6: {  	[sflag:s29] =	ssyncset.done $0x0  }
0x3b7: {  	[sflag:s29] =	ssyncadd.s32 $0xFFFFF800  }
0x3b8: {  	[tilespmem:s26], [sflag:$0x1] =	stream.indirect.gather [spmem:s2], $0x40, s0, s25, $0xb8;
	[tilespmem:$0x1D300] =	vst v63  }
0x3b9: {  	_ =	swait.ge [sflag:s29], $0x2000  }
0x3ba: {  	[sflag:s29] =	ssyncset.done $0x0  }
0x3bb: {  	[sflag:s29] =	ssyncadd.s32 $0xFFFFE000  }
0x3bc: {  	[spmem:s3] =	stream.indirect.scatter.add.f32 [tilespmem:s26], [sflag:$0x1], $0x40, s13, s25, $0xb8;
	[tilespmem:$0x1D300] =	vst v63  }
0x3bd: {  	_ =	swait.ge [sflag:s29], $0x2000  }
0x3be: {  	[sflag:s29] =	ssyncset.done $0x0  }
0x3bf: {  	[sflag:s29] =	ssyncadd.s32 $0xFFFFE000  }
0x3c0: {  	[tilespmem:s30], [sflag:$0x1] =	stream.indirect.gather [spmem:s2], $0x40, s15, s25, $0xb8;
	[tilespmem:$0x1D300] =	vst v63  }
0x3c1: {  	_ =	swait.ge [sflag:s29], $0x2000  }
0x3c2: {  	[sflag:s29] =	ssyncset.done $0x0  }
0x3c3: {  	s10 =	simm.s32 $0x14880;
	[sflag:s29] =	ssyncadd.s32 $0xFFFFE000  }
0x3c4: {  	[spmem:s3] =	stream.indirect.scatter.add.f32 [tilespmem:s30], [sflag:$0x1], $0x40, s10, s25, $0xb8;
	[tilespmem:$0x1D300] =	vst v63  }
0x3c5: {  	_ =	swait.ge [sflag:s29], $0x2000  }
0x3c6: {  	[sflag:s29] =	ssyncset.done $0x0  }
0x3c7: {  	s7 =	smov.u32 s11;
	s11 =	simm.s32 $0x14100;
	[sflag:s29] =	ssyncadd.s32 $0xFFFFE000  }
0x3c8: {  	[tilespmem:s26], [sflag:$0x1] =	stream.indirect.gather [spmem:s2], $0x40, s11, s25, $0xb8;
	[tilespmem:$0x1D300] =	vst v63  }
0x3c9: {  	_ =	swait.ge [sflag:s29], $0x2000  }
0x3ca: {  	[sflag:s29] =	ssyncset.done $0x0  }
0x3cb: {  	[sflag:s29] =	ssyncadd.s32 $0xFFFFE000  }
0x3cc: {  	[spmem:s3] =	stream.indirect.scatter.add.f32 [tilespmem:s26], [sflag:$0x1], $0x40, s16, s25, $0xb8;
	[tilespmem:$0x1D300] =	vst v63  }
0x3cd: {  	_ =	swait.ge [sflag:s29], $0x2000  }
0x3ce: {  	[sflag:s29] =	ssyncset.done $0x0  }
0x3cf: {  	[sflag:s29] =	ssyncadd.s32 $0xFFFFE000  }
0x3d0: {  	[tilespmem:s30], [sflag:$0x1] =	stream.indirect.gather [spmem:s2], $0x40, s17, s25, $0xb8;
	[tilespmem:$0x1D300] =	vst v63  }
0x3d1: {  	_ =	swait.ge [sflag:s29], $0x2000  }
0x3d2: {  	[sflag:s29] =	ssyncset.done $0x0  }
0x3d3: {  	[sflag:s29] =	ssyncadd.s32 $0xFFFFE000  }
0x3d4: {  	[spmem:s3] =	stream.indirect.scatter.add.f32 [tilespmem:s30], [sflag:$0x1], $0x40, s18, s25, $0xb8;
	[tilespmem:$0x1D300] =	vst v63  }
0x3d5: {  	_ =	swait.ge [sflag:s29], $0x2000  }
0x3d6: {  	[sflag:s29] =	ssyncset.done $0x0  }
0x3d7: {  	[sflag:s29] =	ssyncadd.s32 $0xFFFFE000  }
0x3d8: {  	[tilespmem:s26], [sflag:$0x1] =	stream.indirect.gather [spmem:s2], $0x40, s14, s25, $0xb8;
	[tilespmem:$0x1D300] =	vst v63  }
0x3d9: {  	_ =	swait.ge [sflag:s29], $0x2000  }
0x3da: {  	[sflag:s29] =	ssyncset.done $0x0  }
0x3db: {  	[sflag:s29] =	ssyncadd.s32 $0xFFFFE000  }
0x3dc: {  	[spmem:s3] =	stream.indirect.scatter.add.f32 [tilespmem:s26], [sflag:$0x1], $0x40, s28, s25, $0xb8;
	[tilespmem:$0x1D300] =	vst v63  }
0x3dd: {  	_ =	swait.ge [sflag:s29], $0x2000  }
0x3de: {  	[sflag:s29] =	ssyncset.done $0x0  }
0x3df: {  	[sflag:s29] =	ssyncadd.s32 $0xFFFFE000  }
0x3e0: {  	[tilespmem:s30], [sflag:$0x1] =	stream.indirect.gather [spmem:s2], $0x40, s1, s25, $0xb8;
	[tilespmem:$0x1D300] =	vst v63  }
0x3e1: {  	_ =	swait.ge [sflag:s29], $0x2000  }
0x3e2: {  	[sflag:s29] =	ssyncset.done $0x0  }
0x3e3: {  	[sflag:s29] =	ssyncadd.s32 $0xFFFFE000  }
0x3e4: {  	[spmem:s3] =	stream.indirect.scatter.add.f32 [tilespmem:s30], [sflag:$0x1], $0x40, s6, s25, $0xb8;
	[tilespmem:$0x1D300] =	vst v63  }
0x3e5: {  	_ =	swait.ge [sflag:s29], $0x2000  }
0x3e6: {  	[sflag:s29] =	ssyncset.done $0x0  }
0x3e7: {  	[sflag:s29] =	ssyncadd.s32 $0xFFFFE000  }
0x3e8: {  	[tilespmem:s26], [sflag:$0x1] =	stream.indirect.gather [spmem:s2], $0x40, s20, s25, $0xb8;
	[tilespmem:$0x1D300] =	vst v63  }
0x3e9: {  	_ =	swait.ge [sflag:s29], $0x2000  }
0x3ea: {  	[sflag:s29] =	ssyncset.done $0x0  }
0x3eb: {  	[sflag:s29] =	ssyncadd.s32 $0xFFFFE000  }
0x3ec: {  	[spmem:s3] =	stream.indirect.scatter.add.f32 [tilespmem:s26], [sflag:$0x1], $0x40, s21, s25, $0xb8;
	[tilespmem:$0x1D300] =	vst v63  }
0x3ed: {  	_ =	swait.ge [sflag:s29], $0x2000  }
0x3ee: {  	[sflag:s29] =	ssyncset.done $0x0  }
0x3ef: {  	[sflag:s29] =	ssyncadd.s32 $0xFFFFE000  }
0x3f0: {  	[tilespmem:s30], [sflag:$0x1] =	stream.indirect.gather [spmem:s2], $0x40, s22, s25, $0xb8;
	[tilespmem:$0x1D300] =	vst v63  }
0x3f1: {  	_ =	swait.ge [sflag:s29], $0x2000  }
0x3f2: {  	[sflag:s29] =	ssyncset.done $0x0  }
0x3f3: {  	[sflag:s29] =	ssyncadd.s32 $0xFFFFE000  }
0x3f4: {  	[spmem:s3] =	stream.indirect.scatter.add.f32 [tilespmem:s30], [sflag:$0x1], $0x40, s23, s25, $0xb8;
	[tilespmem:$0x1D300] =	vst v63  }
0x3f5: {  	_ =	swait.ge [sflag:s29], $0x2000  }
0x3f6: {  	[sflag:s29] =	ssyncset.done $0x0  }
0x3f7: {  	[sflag:s29] =	ssyncadd.s32 $0xFFFFE000  }
0x3f8: {  	[tilespmem:s26], [sflag:$0x1] =	stream.indirect.gather [spmem:s2], $0x40, s24, s25, $0xb8;
	[tilespmem:$0x1D300] =	vst v63  }
0x3f9: {  	_ =	swait.ge [sflag:s29], $0x2000  }
0x3fa: {  	[sflag:s29] =	ssyncset.done $0x0  }
0x3fb: {  	[sflag:s29] =	ssyncadd.s32 $0xFFFFE000  }
0x3fc: {  	[spmem:s3] =	stream.indirect.scatter.add.f32 [tilespmem:s26], [sflag:$0x1], $0x40, s5, s25, $0xb8;
	[tilespmem:$0x1D300] =	vst v63  }
0x3fd: {  	_ =	swait.ge [sflag:s29], $0x2000  }
0x3fe: {  	[sflag:s29] =	ssyncset.done $0x0  }
0x3ff: {  	[sflag:s29] =	ssyncadd.s32 $0xFFFFE000  }
0x400: {  	[tilespmem:s30], [sflag:$0x1] =	stream.indirect.gather [spmem:s2], $0x40, s19, s25, $0xb8;
	[tilespmem:$0x1D300] =	vst v63  }
0x401: {  	_ =	swait.ge [sflag:s29], $0x2000  }
0x402: {  	[sflag:s29] =	ssyncset.done $0x0  }
0x403: {  	[sflag:s29] =	ssyncadd.s32 $0xFFFFE000  }
0x404: {  	[spmem:s3] =	stream.indirect.scatter.add.f32 [tilespmem:s30], [sflag:$0x1], $0x40, s4, s25, $0xb8;
	[tilespmem:$0x1D300] =	vst v63  }
0x405: {  	_ =	swait.ge [sflag:s29], $0x2000  }
0x406: {  	[sflag:s29] =	ssyncset.done $0x0  }
0x407: {  	s9 =	simm.s32 $0x14500;
	[sflag:s29] =	ssyncadd.s32 $0xFFFFE000  }
0x408: {  	[tilespmem:s26], [sflag:$0x1] =	stream.indirect.gather [spmem:s2], $0x40, s9, s25, $0xb8;
	[tilespmem:$0x1D300] =	vst v63  }
0x409: {  	_ =	swait.ge [sflag:s29], $0x2000  }
0x40a: {  	[sflag:s29] =	ssyncset.done $0x0  }
0x40b: {  	s9 =	simm.s32 $0x14D00;
	[sflag:s29] =	ssyncadd.s32 $0xFFFFE000  }
0x40c: {  	[spmem:s3] =	stream.indirect.scatter.add.f32 [tilespmem:s26], [sflag:$0x1], $0x40, s9, s25, $0xb8;
	[tilespmem:$0x1D300] =	vst v63  }
0x40d: {  	_ =	swait.ge [sflag:s29], $0x2000  }
0x40e: {  	[sflag:s29] =	ssyncset.done $0x0  }
0x40f: {  	s9 =	simm.s32 $0x14580;
	[sflag:s29] =	ssyncadd.s32 $0xFFFFE000  }
0x410: {  	[tilespmem:s30], [sflag:$0x1] =	stream.indirect.gather [spmem:s2], $0x40, s9, s25, $0xb8;
	[tilespmem:$0x1D300] =	vst v63  }
0x411: {  	_ =	swait.ge [sflag:s29], $0x2000  }
0x412: {  	[sflag:s29] =	ssyncset.done $0x0  }
0x413: {  	s9 =	simm.s32 $0x14D80;
	[sflag:s29] =	ssyncadd.s32 $0xFFFFE000  }
0x414: {  	[spmem:s3] =	stream.indirect.scatter.add.f32 [tilespmem:s30], [sflag:$0x1], $0x40, s9, s25, $0xb8;
	[tilespmem:$0x1D300] =	vst v63  }
0x415: {  	_ =	swait.ge [sflag:s29], $0x2000  }
0x416: {  	[sflag:s29] =	ssyncset.done $0x0  }
0x417: {  	s9 =	simm.s32 $0x14600;
	[sflag:s29] =	ssyncadd.s32 $0xFFFFE000  }
0x418: {  	[tilespmem:s26], [sflag:$0x1] =	stream.indirect.gather [spmem:s2], $0x40, s9, s25, $0xb8;
	[tilespmem:$0x1D300] =	vst v63  }
0x419: {  	_ =	swait.ge [sflag:s29], $0x2000  }
0x41a: {  	[sflag:s29] =	ssyncset.done $0x0  }
0x41b: {  	s9 =	simm.s32 $0x14E00;
	[sflag:s29] =	ssyncadd.s32 $0xFFFFE000  }
0x41c: {  	[spmem:s3] =	stream.indirect.scatter.add.f32 [tilespmem:s26], [sflag:$0x1], $0x40, s9, s25, $0xb8;
	[tilespmem:$0x1D300] =	vst v63  }
0x41d: {  	_ =	swait.ge [sflag:s29], $0x2000  }
0x41e: {  	[sflag:s29] =	ssyncset.done $0x0  }
0x41f: {  	s9 =	simm.s32 $0x14680;
	[sflag:s29] =	ssyncadd.s32 $0xFFFFE000  }
0x420: {  	[tilespmem:s30], [sflag:$0x1] =	stream.indirect.gather [spmem:s2], $0x40, s9, s25, $0xb8;
	[tilespmem:$0x1D300] =	vst v63  }
0x421: {  	_ =	swait.ge [sflag:s29], $0x2000  }
0x422: {  	[sflag:s29] =	ssyncset.done $0x0  }
0x423: {  	s9 =	simm.s32 $0x14E80;
	[sflag:s29] =	ssyncadd.s32 $0xFFFFE000  }
0x424: {  	[spmem:s3] =	stream.indirect.scatter.add.f32 [tilespmem:s30], [sflag:$0x1], $0x40, s9, s25, $0xb8;
	[tilespmem:$0x1D300] =	vst v63  }
0x425: {  	_ =	swait.ge [sflag:s29], $0x2000  }
0x426: {  	[sflag:s29] =	ssyncset.done $0x0  }
0x427: {  	s9 =	simm.s32 $0x14700;
	[sflag:s29] =	ssyncadd.s32 $0xFFFFE000  }
0x428: {  	[tilespmem:s26], [sflag:$0x1] =	stream.indirect.gather [spmem:s2], $0x40, s9, s25, $0xb8;
	[tilespmem:$0x1D300] =	vst v63  }
0x429: {  	_ =	swait.ge [sflag:s29], $0x2000  }
0x42a: {  	[sflag:s29] =	ssyncset.done $0x0  }
0x42b: {  	s9 =	simm.s32 $0x14F00;
	[sflag:s29] =	ssyncadd.s32 $0xFFFFE000  }
0x42c: {  	[spmem:s3] =	stream.indirect.scatter.add.f32 [tilespmem:s26], [sflag:$0x1], $0x40, s9, s25, $0xb8;
	[tilespmem:$0x1D300] =	vst v63  }
0x42d: {  	_ =	swait.ge [sflag:s29], $0x2000  }
0x42e: {  	[sflag:s29] =	ssyncset.done $0x0  }
0x42f: {  	s9 =	simm.s32 $0x14780;
	[sflag:s29] =	ssyncadd.s32 $0xFFFFE000  }
0x430: {  	[tilespmem:s30], [sflag:$0x1] =	stream.indirect.gather [spmem:s2], $0x40, s9, s25, $0xb8;
	[tilespmem:$0x1D300] =	vst v63  }
0x431: {  	_ =	swait.ge [sflag:s29], $0x2000  }
.Ltmp9:
0x432: {  	[sflag:s29] =	ssyncset.done $0x0;
	(pc) =	sbr.rel @p1 .LBB2_20-.Ltmp9, $4  }
0x433: {  	s9 =	simm.s32 $0x14F80;
	[sflag:s29] =	ssyncadd.s32 $0xFFFFE000  }
0x434: {  	[spmem:s3] =	stream.indirect.scatter.add.f32 [tilespmem:s30], [sflag:$0x1], $0x40, s9, s25, $0xb8;
	[tilespmem:$0x1D300] =	vst v63  }
0x435: {  	_ =	swait.ge [sflag:s29], $0x2000  }
0x436: {  	s9 =	smov.u32 s8;
	[sflag:s29] =	ssyncset.done $0x0;
	s8 =	rddreg [dreg:$0x5]  }
0x437: {  	s8 =	sadd.s32 s7, s8;
	[sflag:s29] =	ssyncadd.s32 $0xFFFFE000  }
0x438: {  	[tilespmem:s0], [sflag:$0x1] =	stream.linear.gather [hbm4b:s8+s12], $0x800, $0x38;
	[tilespmem:$0x1D300] =	vst v63  }
0x439: {  	_ =	swait.ge [sflag:s29], $0x800  }
0x43a: {  	[sflag:s29] =	ssyncset.done $0x0  }
0x43b: {  	s9 =	sadd.s32 s7, s31;
	[sflag:s29] =	ssyncadd.s32 $0xFFFFF800  }
0x43c: {  	[tilespmem:s13], [sflag:$0x1] =	stream.linear.gather [hbm4b:s9+s12], $0x800, $0x38;
	[tilespmem:$0x1D300] =	vst v63  }
0x43d: {  	_ =	swait.ge [sflag:s29], $0x800  }
0x43e: {  	[sflag:s29] =	ssyncset.done $0x0  }
0x43f: {  	[sflag:s29] =	ssyncadd.s32 $0xFFFFF800  }
0x440: {  	[tilespmem:s26], [sflag:$0x1] =	stream.indirect.gather [spmem:s2], $0x40, s0, s25, $0xb8;
	[tilespmem:$0x1D300] =	vst v63  }
0x441: {  	_ =	swait.ge [sflag:s29], $0x2000  }
0x442: {  	[sflag:s29] =	ssyncset.done $0x0  }
0x443: {  	[sflag:s29] =	ssyncadd.s32 $0xFFFFE000  }
0x444: {  	[spmem:s3] =	stream.indirect.scatter.add.f32 [tilespmem:s26], [sflag:$0x1], $0x40, s13, s25, $0xb8;
	[tilespmem:$0x1D300] =	vst v63  }
0x445: {  	_ =	swait.ge [sflag:s29], $0x2000  }
0x446: {  	[sflag:s29] =	ssyncset.done $0x0  }
0x447: {  	[sflag:s29] =	ssyncadd.s32 $0xFFFFE000  }
0x448: {  	[tilespmem:s30], [sflag:$0x1] =	stream.indirect.gather [spmem:s2], $0x40, s15, s25, $0xb8;
	[tilespmem:$0x1D300] =	vst v63  }
0x449: {  	_ =	swait.ge [sflag:s29], $0x2000  }
0x44a: {  	[sflag:s29] =	ssyncset.done $0x0  }
0x44b: {  	[sflag:s29] =	ssyncadd.s32 $0xFFFFE000  }
0x44c: {  	[spmem:s3] =	stream.indirect.scatter.add.f32 [tilespmem:s30], [sflag:$0x1], $0x40, s10, s25, $0xb8;
	[tilespmem:$0x1D300] =	vst v63  }
0x44d: {  	_ =	swait.ge [sflag:s29], $0x2000  }
0x44e: {  	[sflag:s29] =	ssyncset.done $0x0  }
0x44f: {  	[sflag:s29] =	ssyncadd.s32 $0xFFFFE000  }
0x450: {  	[tilespmem:s26], [sflag:$0x1] =	stream.indirect.gather [spmem:s2], $0x40, s11, s25, $0xb8;
	[tilespmem:$0x1D300] =	vst v63  }
0x451: {  	_ =	swait.ge [sflag:s29], $0x2000  }
0x452: {  	[sflag:s29] =	ssyncset.done $0x0  }
0x453: {  	[sflag:s29] =	ssyncadd.s32 $0xFFFFE000  }
0x454: {  	[spmem:s3] =	stream.indirect.scatter.add.f32 [tilespmem:s26], [sflag:$0x1], $0x40, s16, s25, $0xb8;
	[tilespmem:$0x1D300] =	vst v63  }
0x455: {  	_ =	swait.ge [sflag:s29], $0x2000  }
0x456: {  	[sflag:s29] =	ssyncset.done $0x0  }
0x457: {  	[sflag:s29] =	ssyncadd.s32 $0xFFFFE000  }
0x458: {  	[tilespmem:s30], [sflag:$0x1] =	stream.indirect.gather [spmem:s2], $0x40, s17, s25, $0xb8;
	[tilespmem:$0x1D300] =	vst v63  }
0x459: {  	_ =	swait.ge [sflag:s29], $0x2000  }
0x45a: {  	[sflag:s29] =	ssyncset.done $0x0  }
0x45b: {  	[sflag:s29] =	ssyncadd.s32 $0xFFFFE000  }
0x45c: {  	[spmem:s3] =	stream.indirect.scatter.add.f32 [tilespmem:s30], [sflag:$0x1], $0x40, s18, s25, $0xb8;
	[tilespmem:$0x1D300] =	vst v63  }
0x45d: {  	_ =	swait.ge [sflag:s29], $0x2000  }
0x45e: {  	[sflag:s29] =	ssyncset.done $0x0  }
0x45f: {  	[sflag:s29] =	ssyncadd.s32 $0xFFFFE000  }
0x460: {  	[tilespmem:s26], [sflag:$0x1] =	stream.indirect.gather [spmem:s2], $0x40, s14, s25, $0xb8;
	[tilespmem:$0x1D300] =	vst v63  }
0x461: {  	_ =	swait.ge [sflag:s29], $0x2000  }
0x462: {  	[sflag:s29] =	ssyncset.done $0x0  }
0x463: {  	[sflag:s29] =	ssyncadd.s32 $0xFFFFE000  }
0x464: {  	[spmem:s3] =	stream.indirect.scatter.add.f32 [tilespmem:s26], [sflag:$0x1], $0x40, s28, s25, $0xb8;
	[tilespmem:$0x1D300] =	vst v63  }
0x465: {  	_ =	swait.ge [sflag:s29], $0x2000  }
0x466: {  	[sflag:s29] =	ssyncset.done $0x0  }
0x467: {  	[sflag:s29] =	ssyncadd.s32 $0xFFFFE000  }
0x468: {  	[tilespmem:s30], [sflag:$0x1] =	stream.indirect.gather [spmem:s2], $0x40, s1, s25, $0xb8;
	[tilespmem:$0x1D300] =	vst v63  }
0x469: {  	_ =	swait.ge [sflag:s29], $0x2000  }
0x46a: {  	[sflag:s29] =	ssyncset.done $0x0  }
0x46b: {  	[sflag:s29] =	ssyncadd.s32 $0xFFFFE000  }
0x46c: {  	[spmem:s3] =	stream.indirect.scatter.add.f32 [tilespmem:s30], [sflag:$0x1], $0x40, s6, s25, $0xb8;
	[tilespmem:$0x1D300] =	vst v63  }
0x46d: {  	_ =	swait.ge [sflag:s29], $0x2000  }
0x46e: {  	[sflag:s29] =	ssyncset.done $0x0  }
0x46f: {  	[sflag:s29] =	ssyncadd.s32 $0xFFFFE000  }
0x470: {  	[tilespmem:s26], [sflag:$0x1] =	stream.indirect.gather [spmem:s2], $0x40, s20, s25, $0xb8;
	[tilespmem:$0x1D300] =	vst v63  }
0x471: {  	_ =	swait.ge [sflag:s29], $0x2000  }
0x472: {  	[sflag:s29] =	ssyncset.done $0x0  }
0x473: {  	[sflag:s29] =	ssyncadd.s32 $0xFFFFE000  }
0x474: {  	[spmem:s3] =	stream.indirect.scatter.add.f32 [tilespmem:s26], [sflag:$0x1], $0x40, s21, s25, $0xb8;
	[tilespmem:$0x1D300] =	vst v63  }
0x475: {  	_ =	swait.ge [sflag:s29], $0x2000  }
0x476: {  	[sflag:s29] =	ssyncset.done $0x0  }
0x477: {  	[sflag:s29] =	ssyncadd.s32 $0xFFFFE000  }
0x478: {  	[tilespmem:s30], [sflag:$0x1] =	stream.indirect.gather [spmem:s2], $0x40, s22, s25, $0xb8;
	[tilespmem:$0x1D300] =	vst v63  }
0x479: {  	_ =	swait.ge [sflag:s29], $0x2000  }
0x47a: {  	[sflag:s29] =	ssyncset.done $0x0  }
0x47b: {  	[sflag:s29] =	ssyncadd.s32 $0xFFFFE000  }
0x47c: {  	[spmem:s3] =	stream.indirect.scatter.add.f32 [tilespmem:s30], [sflag:$0x1], $0x40, s23, s25, $0xb8;
	[tilespmem:$0x1D300] =	vst v63  }
0x47d: {  	_ =	swait.ge [sflag:s29], $0x2000  }
0x47e: {  	[sflag:s29] =	ssyncset.done $0x0  }
0x47f: {  	[sflag:s29] =	ssyncadd.s32 $0xFFFFE000  }
0x480: {  	[tilespmem:s26], [sflag:$0x1] =	stream.indirect.gather [spmem:s2], $0x40, s24, s25, $0xb8;
	[tilespmem:$0x1D300] =	vst v63  }
0x481: {  	_ =	swait.ge [sflag:s29], $0x2000  }
0x482: {  	[sflag:s29] =	ssyncset.done $0x0  }
0x483: {  	[sflag:s29] =	ssyncadd.s32 $0xFFFFE000  }
0x484: {  	[spmem:s3] =	stream.indirect.scatter.add.f32 [tilespmem:s26], [sflag:$0x1], $0x40, s5, s25, $0xb8;
	[tilespmem:$0x1D300] =	vst v63  }
0x485: {  	_ =	swait.ge [sflag:s29], $0x2000  }
0x486: {  	[sflag:s29] =	ssyncset.done $0x0  }
0x487: {  	[sflag:s29] =	ssyncadd.s32 $0xFFFFE000  }
0x488: {  	[tilespmem:s30], [sflag:$0x1] =	stream.indirect.gather [spmem:s2], $0x40, s19, s25, $0xb8;
	[tilespmem:$0x1D300] =	vst v63  }
0x489: {  	_ =	swait.ge [sflag:s29], $0x2000  }
0x48a: {  	[sflag:s29] =	ssyncset.done $0x0  }
0x48b: {  	[sflag:s29] =	ssyncadd.s32 $0xFFFFE000  }
0x48c: {  	[spmem:s3] =	stream.indirect.scatter.add.f32 [tilespmem:s30], [sflag:$0x1], $0x40, s4, s25, $0xb8;
	[tilespmem:$0x1D300] =	vst v63  }
0x48d: {  	_ =	swait.ge [sflag:s29], $0x2000  }
0x48e: {  	[sflag:s29] =	ssyncset.done $0x0  }
0x48f: {  	s13 =	simm.s32 $0x14500;
	[sflag:s29] =	ssyncadd.s32 $0xFFFFE000  }
0x490: {  	[tilespmem:s26], [sflag:$0x1] =	stream.indirect.gather [spmem:s2], $0x40, s13, s25, $0xb8;
	[tilespmem:$0x1D300] =	vst v63  }
0x491: {  	_ =	swait.ge [sflag:s29], $0x2000  }
0x492: {  	[sflag:s29] =	ssyncset.done $0x0  }
0x493: {  	s14 =	simm.s32 $0x14D00;
	[sflag:s29] =	ssyncadd.s32 $0xFFFFE000  }
0x494: {  	[spmem:s3] =	stream.indirect.scatter.add.f32 [tilespmem:s26], [sflag:$0x1], $0x40, s14, s25, $0xb8;
	[tilespmem:$0x1D300] =	vst v63  }
0x495: {  	_ =	swait.ge [sflag:s29], $0x2000  }
0x496: {  	[sflag:s29] =	ssyncset.done $0x0  }
0x497: {  	s15 =	simm.s32 $0x14580;
	[sflag:s29] =	ssyncadd.s32 $0xFFFFE000  }
0x498: {  	[tilespmem:s30], [sflag:$0x1] =	stream.indirect.gather [spmem:s2], $0x40, s15, s25, $0xb8;
	[tilespmem:$0x1D300] =	vst v63  }
0x499: {  	_ =	swait.ge [sflag:s29], $0x2000  }
0x49a: {  	[sflag:s29] =	ssyncset.done $0x0  }
0x49b: {  	s16 =	simm.s32 $0x14D80;
	[sflag:s29] =	ssyncadd.s32 $0xFFFFE000  }
0x49c: {  	[spmem:s3] =	stream.indirect.scatter.add.f32 [tilespmem:s30], [sflag:$0x1], $0x40, s16, s25, $0xb8;
	[tilespmem:$0x1D300] =	vst v63  }
0x49d: {  	_ =	swait.ge [sflag:s29], $0x2000  }
0x49e: {  	[sflag:s29] =	ssyncset.done $0x0  }
0x49f: {  	s17 =	simm.s32 $0x14600;
	[sflag:s29] =	ssyncadd.s32 $0xFFFFE000  }
0x4a0: {  	[tilespmem:s26], [sflag:$0x1] =	stream.indirect.gather [spmem:s2], $0x40, s17, s25, $0xb8;
	[tilespmem:$0x1D300] =	vst v63  }
0x4a1: {  	_ =	swait.ge [sflag:s29], $0x2000  }
0x4a2: {  	[sflag:s29] =	ssyncset.done $0x0  }
0x4a3: {  	s18 =	simm.s32 $0x14E00;
	[sflag:s29] =	ssyncadd.s32 $0xFFFFE000  }
0x4a4: {  	[spmem:s3] =	stream.indirect.scatter.add.f32 [tilespmem:s26], [sflag:$0x1], $0x40, s18, s25, $0xb8;
	[tilespmem:$0x1D300] =	vst v63  }
0x4a5: {  	_ =	swait.ge [sflag:s29], $0x2000  }
0x4a6: {  	[sflag:s29] =	ssyncset.done $0x0  }
0x4a7: {  	s19 =	simm.s32 $0x14680;
	[sflag:s29] =	ssyncadd.s32 $0xFFFFE000  }
0x4a8: {  	[tilespmem:s30], [sflag:$0x1] =	stream.indirect.gather [spmem:s2], $0x40, s19, s25, $0xb8;
	[tilespmem:$0x1D300] =	vst v63  }
0x4a9: {  	_ =	swait.ge [sflag:s29], $0x2000  }
0x4aa: {  	[sflag:s29] =	ssyncset.done $0x0  }
0x4ab: {  	s20 =	simm.s32 $0x14E80;
	[sflag:s29] =	ssyncadd.s32 $0xFFFFE000  }
0x4ac: {  	[spmem:s3] =	stream.indirect.scatter.add.f32 [tilespmem:s30], [sflag:$0x1], $0x40, s20, s25, $0xb8;
	[tilespmem:$0x1D300] =	vst v63  }
0x4ad: {  	_ =	swait.ge [sflag:s29], $0x2000  }
0x4ae: {  	[sflag:s29] =	ssyncset.done $0x0  }
0x4af: {  	s21 =	simm.s32 $0x14700;
	[sflag:s29] =	ssyncadd.s32 $0xFFFFE000  }
0x4b0: {  	[tilespmem:s26], [sflag:$0x1] =	stream.indirect.gather [spmem:s2], $0x40, s21, s25, $0xb8;
	[tilespmem:$0x1D300] =	vst v63  }
0x4b1: {  	_ =	swait.ge [sflag:s29], $0x2000  }
0x4b2: {  	[sflag:s29] =	ssyncset.done $0x0  }
0x4b3: {  	s22 =	simm.s32 $0x14F00;
	[sflag:s29] =	ssyncadd.s32 $0xFFFFE000  }
0x4b4: {  	[spmem:s3] =	stream.indirect.scatter.add.f32 [tilespmem:s26], [sflag:$0x1], $0x40, s22, s25, $0xb8;
	[tilespmem:$0x1D300] =	vst v63  }
0x4b5: {  	_ =	swait.ge [sflag:s29], $0x2000  }
0x4b6: {  	[sflag:s29] =	ssyncset.done $0x0  }
0x4b7: {  	s23 =	simm.s32 $0x14780;
	[sflag:s29] =	ssyncadd.s32 $0xFFFFE000  }
0x4b8: {  	[tilespmem:s30], [sflag:$0x1] =	stream.indirect.gather [spmem:s2], $0x40, s23, s25, $0xb8;
	[tilespmem:$0x1D300] =	vst v63  }
0x4b9: {  	_ =	swait.ge [sflag:s29], $0x2000  }
0x4ba: {  	[sflag:s29] =	ssyncset.done $0x0  }
0x4bb: {  	s24 =	simm.s32 $0x14F80;
	[sflag:s29] =	ssyncadd.s32 $0xFFFFE000  }
0x4bc: {  	[spmem:s3] =	stream.indirect.scatter.add.f32 [tilespmem:s30], [sflag:$0x1], $0x40, s24, s25, $0xb8;
	[tilespmem:$0x1D300] =	vst v63  }
0x4bd: {  	_ =	swait.ge [sflag:s29], $0x2000  }
0x4be: {  	[sflag:s29] =	ssyncset.done $0x0  }
0x4bf: {  	[sflag:s29] =	ssyncadd.s32 $0xFFFFE000  }
0x4c0: {  	[bflag:$0x0] =	sbarrier.arrive $0xFFFF  }
0x4c1: {  	s28 =	rddreg [dreg:$0xd]  }
0x4c2: {  	[tilespmem:s26], [sflag:$0x1] =	stream.linear.gather [spmem:s28], $0x4000, $0x38;
	[tilespmem:$0x1D300] =	vst v63  }
0x4c3: {  	_ =	swait.ge [sflag:s29], $0x4000  }
0x4c4: {  	[sflag:s29] =	ssyncset.done $0x0  }
0x4c5: {  	s31 =	rddreg [dreg:$0x8];
	[sflag:s29] =	ssyncadd.s32 $0xFFFFC000  }
0x4c6: {  	[tilespmem:s30], [sflag:$0x1] =	stream.linear.gather [spmem:s31], $0x4000, $0x38;
	[tilespmem:$0x1D300] =	vst v63  }
0x4c7: {  	_ =	swait.ge [sflag:s29], $0x4000  }
0x4c8: {  	[sflag:s29] =	ssyncset.done $0x0  }
0x4c9: {  	s7 =	simm.s32 $0x0;
	[sflag:s29] =	ssyncadd.s32 $0xFFFFC000  }
0x4ca: {  	v4 =	vld [tilespmem:s7+$0x19000]  }
0x4cb: {  	v2 =	vld [tilespmem:s7+$0x19020]  }
0x4cc: {  	v3 =	vld [tilespmem:s7+$0x19010]  }
0x4cd: {  	v1 =	vld [tilespmem:s7+$0x19030]  }
0x4ce: {  	s8 =	simm.s32 $0x1D000;
	s9 =	simm.s32 $0x200;
	v5 =	vld [tilespmem:s7+$0x15010]  }
0x4cf: {  	s0 =	simm.s32 $0x14800;
	s10 =	simm.s32 $0x400;
	s1 =	simm.s32 $0x14000;
	v6 =	vld [tilespmem:s7+$0x15000];
	v4 =	vmul.f32 $1.000000010e-01, v4  }
.LBB2_22:
0x4d0: {  	s11 =	sshra.s32 s9, $0x2  }
0x4d1: {  	v7 =	vld.msk [tilespmem:s8+$0x0 ss:$0x0], $0xffff;
	s8 =	sadd.s32 $0x1, s8;
	s9 =	smov.u32 s10;
	s15 =	sadd.s32 $0x200, s10  }
0x4d2: {  	p1 =	sne.s32 s10, $0xFE00;
	v8 =	vld [tilespmem:s7+$0x15020]  }
0x4d3: {  	v3 =	vmul.f32 $1.000000010e-01, v3;
	v9 =	vld [tilespmem:s7+$0x15030]  }
0x4d4: {  	v10 =	vld [tilespmem:s11+$0x19020]  }
0x4d5: {  	v2 =	vmul.f32 $1.000000010e-01, v2;
	v5 =	vadd.f32 v3, v5;
	v11 =	vld [tilespmem:s11+$0x19000];
	v4 =	vadd.f32 v4, v6  }
0x4d6: {  	v6 =	vmul.f32 $1.000000010e-01, v1;
	v3 =	vld [tilespmem:s11+$0x19010]  }
0x4d7: {  	v1 =	vld [tilespmem:s11+$0x19030];
	v12 =	vmul.f32 v4, v7;
	v4 =	vmul.f32 v5, v7;
	v8 =	vadd.f32 v2, v8  }
.Ltmp10:
0x4d8: {  	v5 =	vadd.f32 v6, v9;
	(pc) =	sbr.rel @p1 .LBB2_22-.Ltmp10, $4  }
0x4d9: {  	[tilespmem:s7+$0x15010] =	vst v4;
	v6 =	vmul.f32 v8, v7;
	v2 =	vmov v10  }
0x4da: {  	v4 =	vmul.f32 $1.000000010e-01, v11;
	[tilespmem:s7+$0x15000] =	vst v12;
	v7 =	vmul.f32 v5, v7  }
0x4db: {  	v5 =	vld [tilespmem:s11+$0x15010];
	[tilespmem:s7+$0x15020] =	vst v6  }
0x4dc: {  	s10 =	smov.u32 s15;
	v6 =	vld [tilespmem:s11+$0x15000];
	[tilespmem:s7+$0x15030] =	vst v7;
	s7 =	smov.u32 s11  }
0x4dd: {  	v7 =	vld.msk [tilespmem:s8+$0x0 ss:$0x0], $0xffff  }
0x4de: {  	v8 =	vld [tilespmem:s7+$0x15020]  }
0x4df: {  	v3 =	vmul.f32 $1.000000010e-01, v3;
	v9 =	vld [tilespmem:s7+$0x15030];
	_ =	sdelay $0x1  }
0x4e0: {  	s9 =	sshra.s32 s9, $0x2;
	v2 =	vmul.f32 $1.000000010e-01, v2;
	v3 =	vadd.f32 v3, v5  }
0x4e1: {  	v1 =	vmul.f32 $1.000000010e-01, v1;
	v10 =	vld [tilespmem:s9+$0x19020];
	v4 =	vadd.f32 v4, v6  }
0x4e2: {  	v11 =	vld [tilespmem:s9+$0x19030];
	v3 =	vmul.f32 v3, v7;
	v2 =	vadd.f32 v2, v8  }
0x4e3: {  	v5 =	vld [tilespmem:s9+$0x19000];
	v1 =	vadd.f32 v1, v9;
	v4 =	vmul.f32 v4, v7  }
0x4e4: {  	v6 =	vld [tilespmem:s9+$0x19010];
	[tilespmem:s7+$0x15010] =	vst v3;
	v2 =	vmul.f32 v2, v7  }
0x4e5: {  	v1 =	vmul.f32 v1, v7;
	[tilespmem:s7+$0x15000] =	vst v4  }
0x4e6: {  	v3 =	vld [tilespmem:s9+$0x15010];
	[tilespmem:s7+$0x15020] =	vst v2  }
0x4e7: {  	s23 =	sadd.s32 $0x1, s8;
	v2 =	vld [tilespmem:s9+$0x15000];
	[tilespmem:s7+$0x15030] =	vst v1  }
0x4e8: {  	v1 =	vld.msk [tilespmem:s23+$0x0 ss:$0x0], $0xffff  }
0x4e9: {  	v4 =	vld [tilespmem:s9+$0x15020]  }
0x4ea: {  	v6 =	vmul.f32 $1.000000010e-01, v6;
	v7 =	vld [tilespmem:s9+$0x15030]  }
0x4eb: {  	v5 =	vmul.f32 $1.000000010e-01, v5  }
0x4ec: {  	v3 =	vadd.f32 v6, v3;
	v6 =	vmul.f32 $1.000000010e-01, v10  }
0x4ed: {  	v2 =	vadd.f32 v5, v2;
	v5 =	vmul.f32 $1.000000010e-01, v11  }
0x4ee: {  	v3 =	vmul.f32 v3, v1;
	v4 =	vadd.f32 v6, v4  }
0x4ef: {  	v2 =	vmul.f32 v2, v1;
	v5 =	vadd.f32 v5, v7  }
0x4f0: {  	[tilespmem:s9+$0x15010] =	vst v3;
	v3 =	vmul.f32 v4, v1  }
0x4f1: {  	[tilespmem:s9+$0x15000] =	vst v2;
	v1 =	vmul.f32 v5, v1  }
0x4f2: {  	[tilespmem:s9+$0x15020] =	vst v3  }
0x4f3: {  	s24 =	rddreg [dreg:$0xd];
	[tilespmem:s9+$0x15030] =	vst v1  }
0x4f4: {  	[spmem:s24] =	stream.linear.scatter [tilespmem:s26], [sflag:$0x1], $0x4000, $0x38;
	[tilespmem:$0x1D300] =	vst v63  }
0x4f5: {  	_ =	swait.ge [sflag:s29], $0x4000  }
0x4f6: {  	[sflag:s29] =	ssyncset.done $0x0  }
0x4f7: {  	s28 =	rddreg [dreg:$0xe];
	[sflag:s29] =	ssyncadd.s32 $0xFFFFC000  }
0x4f8: {  	[tilespmem:s26], [sflag:$0x1] =	stream.linear.gather [spmem:s28], $0x4000, $0x38;
	[tilespmem:$0x1D300] =	vst v63  }
0x4f9: {  	_ =	swait.ge [sflag:s29], $0x4000  }
0x4fa: {  	[sflag:s29] =	ssyncset.done $0x0  }
0x4fb: {  	s31 =	rddreg [dreg:$0x9];
	[sflag:s29] =	ssyncadd.s32 $0xFFFFC000  }
0x4fc: {  	[tilespmem:s30], [sflag:$0x1] =	stream.linear.gather [spmem:s31], $0x4000, $0x38;
	[tilespmem:$0x1D300] =	vst v63  }
0x4fd: {  	_ =	swait.ge [sflag:s29], $0x4000  }
0x4fe: {  	[sflag:s29] =	ssyncset.done $0x0  }
0x4ff: {  	s7 =	simm.s32 $0x0;
	[sflag:s29] =	ssyncadd.s32 $0xFFFFC000  }
0x500: {  	v4 =	vld [tilespmem:s7+$0x19000]  }
0x501: {  	v2 =	vld [tilespmem:s7+$0x19020]  }
0x502: {  	v3 =	vld [tilespmem:s7+$0x19010]  }
0x503: {  	v1 =	vld [tilespmem:s7+$0x19030]  }
0x504: {  	s8 =	simm.s32 $0x1D080;
	v5 =	vld [tilespmem:s7+$0x15010]  }
0x505: {  	s10 =	simm.s32 $0x400;
	s9 =	simm.s32 $0x200;
	s5 =	rddreg [dreg:$0x19];
	v6 =	vld [tilespmem:s7+$0x15000];
	v4 =	vmul.f32 $1.000000010e-01, v4  }
.LBB2_24:
0x506: {  	s11 =	sshra.s32 s9, $0x2  }
0x507: {  	v7 =	vld.msk [tilespmem:s8+$0x0 ss:$0x0], $0xffff;
	s8 =	sadd.s32 $0x1, s8;
	s9 =	smov.u32 s10;
	s15 =	sadd.s32 $0x200, s10  }
0x508: {  	p1 =	sne.s32 s10, $0xFE00;
	v8 =	vld [tilespmem:s7+$0x15020]  }
0x509: {  	v3 =	vmul.f32 $1.000000010e-01, v3;
	v9 =	vld [tilespmem:s7+$0x15030]  }
0x50a: {  	v10 =	vld [tilespmem:s11+$0x19020]  }
0x50b: {  	v2 =	vmul.f32 $1.000000010e-01, v2;
	v5 =	vadd.f32 v3, v5;
	v11 =	vld [tilespmem:s11+$0x19000];
	v4 =	vadd.f32 v4, v6  }
0x50c: {  	v6 =	vmul.f32 $1.000000010e-01, v1;
	v3 =	vld [tilespmem:s11+$0x19010]  }
0x50d: {  	v1 =	vld [tilespmem:s11+$0x19030];
	v12 =	vmul.f32 v4, v7;
	v4 =	vmul.f32 v5, v7;
	v8 =	vadd.f32 v2, v8  }
.Ltmp11:
0x50e: {  	v5 =	vadd.f32 v6, v9;
	(pc) =	sbr.rel @p1 .LBB2_24-.Ltmp11, $4  }
0x50f: {  	[tilespmem:s7+$0x15010] =	vst v4;
	v6 =	vmul.f32 v8, v7;
	v2 =	vmov v10  }
0x510: {  	v4 =	vmul.f32 $1.000000010e-01, v11;
	[tilespmem:s7+$0x15000] =	vst v12;
	v7 =	vmul.f32 v5, v7  }
0x511: {  	v5 =	vld [tilespmem:s11+$0x15010];
	[tilespmem:s7+$0x15020] =	vst v6  }
0x512: {  	s10 =	smov.u32 s15;
	v6 =	vld [tilespmem:s11+$0x15000];
	[tilespmem:s7+$0x15030] =	vst v7;
	s7 =	smov.u32 s11  }
0x513: {  	v7 =	vld.msk [tilespmem:s8+$0x0 ss:$0x0], $0xffff  }
0x514: {  	v8 =	vld [tilespmem:s7+$0x15020]  }
0x515: {  	v3 =	vmul.f32 $1.000000010e-01, v3;
	v9 =	vld [tilespmem:s7+$0x15030];
	_ =	sdelay $0x1  }
0x516: {  	s9 =	sshra.s32 s9, $0x2;
	v2 =	vmul.f32 $1.000000010e-01, v2;
	v3 =	vadd.f32 v3, v5  }
0x517: {  	v1 =	vmul.f32 $1.000000010e-01, v1;
	v10 =	vld [tilespmem:s9+$0x19020];
	v4 =	vadd.f32 v4, v6  }
0x518: {  	v11 =	vld [tilespmem:s9+$0x19030];
	v3 =	vmul.f32 v3, v7;
	v2 =	vadd.f32 v2, v8  }
0x519: {  	v5 =	vld [tilespmem:s9+$0x19000];
	v1 =	vadd.f32 v1, v9;
	v4 =	vmul.f32 v4, v7  }
0x51a: {  	v6 =	vld [tilespmem:s9+$0x19010];
	[tilespmem:s7+$0x15010] =	vst v3;
	v2 =	vmul.f32 v2, v7  }
0x51b: {  	v1 =	vmul.f32 v1, v7;
	[tilespmem:s7+$0x15000] =	vst v4  }
0x51c: {  	v3 =	vld [tilespmem:s9+$0x15010];
	[tilespmem:s7+$0x15020] =	vst v2  }
0x51d: {  	s23 =	sadd.s32 $0x1, s8;
	v2 =	vld [tilespmem:s9+$0x15000];
	[tilespmem:s7+$0x15030] =	vst v1  }
0x51e: {  	v1 =	vld.msk [tilespmem:s23+$0x0 ss:$0x0], $0xffff  }
0x51f: {  	v4 =	vld [tilespmem:s9+$0x15020]  }
0x520: {  	v6 =	vmul.f32 $1.000000010e-01, v6;
	v7 =	vld [tilespmem:s9+$0x15030]  }
0x521: {  	v5 =	vmul.f32 $1.000000010e-01, v5  }
0x522: {  	v3 =	vadd.f32 v6, v3;
	v6 =	vmul.f32 $1.000000010e-01, v10  }
0x523: {  	v2 =	vadd.f32 v5, v2;
	v5 =	vmul.f32 $1.000000010e-01, v11  }
0x524: {  	v3 =	vmul.f32 v3, v1;
	v4 =	vadd.f32 v6, v4  }
0x525: {  	v2 =	vmul.f32 v2, v1;
	v5 =	vadd.f32 v5, v7  }
0x526: {  	[tilespmem:s9+$0x15010] =	vst v3;
	v3 =	vmul.f32 v4, v1  }
0x527: {  	[tilespmem:s9+$0x15000] =	vst v2;
	v1 =	vmul.f32 v5, v1  }
0x528: {  	[tilespmem:s9+$0x15020] =	vst v3  }
0x529: {  	s24 =	rddreg [dreg:$0xe];
	[tilespmem:s9+$0x15030] =	vst v1  }
0x52a: {  	[spmem:s24] =	stream.linear.scatter [tilespmem:s26], [sflag:$0x1], $0x4000, $0x38;
	[tilespmem:$0x1D300] =	vst v63  }
0x52b: {  	_ =	swait.ge [sflag:s29], $0x4000  }
0x52c: {  	[sflag:s29] =	ssyncset.done $0x0  }
0x52d: {  	s28 =	rddreg [dreg:$0xf];
	[sflag:s29] =	ssyncadd.s32 $0xFFFFC000  }
0x52e: {  	[tilespmem:s26], [sflag:$0x1] =	stream.linear.gather [spmem:s28], $0x4000, $0x38;
	[tilespmem:$0x1D300] =	vst v63  }
0x52f: {  	_ =	swait.ge [sflag:s29], $0x4000  }
0x530: {  	[sflag:s29] =	ssyncset.done $0x0  }
0x531: {  	s31 =	rddreg [dreg:$0xa];
	[sflag:s29] =	ssyncadd.s32 $0xFFFFC000  }
0x532: {  	[tilespmem:s30], [sflag:$0x1] =	stream.linear.gather [spmem:s31], $0x4000, $0x38;
	[tilespmem:$0x1D300] =	vst v63  }
0x533: {  	_ =	swait.ge [sflag:s29], $0x4000  }
0x534: {  	[sflag:s29] =	ssyncset.done $0x0  }
0x535: {  	s7 =	simm.s32 $0x0;
	[sflag:s29] =	ssyncadd.s32 $0xFFFFC000  }
0x536: {  	v4 =	vld [tilespmem:s7+$0x19000]  }
0x537: {  	v2 =	vld [tilespmem:s7+$0x19020]  }
0x538: {  	v3 =	vld [tilespmem:s7+$0x19010]  }
0x539: {  	v1 =	vld [tilespmem:s7+$0x19030]  }
0x53a: {  	s8 =	simm.s32 $0x1D100;
	s10 =	simm.s32 $0x400;
	v5 =	vld [tilespmem:s7+$0x15010]  }
0x53b: {  	s4 =	simm.s32 $0x0;
	s9 =	simm.s32 $0x200;
	s12 =	rddreg [dreg:$0x18];
	v6 =	vld [tilespmem:s7+$0x15000];
	v4 =	vmul.f32 $1.000000010e-01, v4  }
.LBB2_26:
0x53c: {  	s11 =	sshra.s32 s9, $0x2  }
0x53d: {  	v7 =	vld.msk [tilespmem:s8+$0x0 ss:$0x0], $0xffff;
	s8 =	sadd.s32 $0x1, s8;
	s9 =	smov.u32 s10;
	s15 =	sadd.s32 $0x200, s10  }
0x53e: {  	p1 =	sne.s32 s10, $0xFE00;
	v8 =	vld [tilespmem:s7+$0x15020]  }
0x53f: {  	v3 =	vmul.f32 $1.000000010e-01, v3;
	v9 =	vld [tilespmem:s7+$0x15030]  }
0x540: {  	v10 =	vld [tilespmem:s11+$0x19020]  }
0x541: {  	v2 =	vmul.f32 $1.000000010e-01, v2;
	v5 =	vadd.f32 v3, v5;
	v11 =	vld [tilespmem:s11+$0x19000];
	v4 =	vadd.f32 v4, v6  }
0x542: {  	v6 =	vmul.f32 $1.000000010e-01, v1;
	v3 =	vld [tilespmem:s11+$0x19010]  }
0x543: {  	v1 =	vld [tilespmem:s11+$0x19030];
	v12 =	vmul.f32 v4, v7;
	v4 =	vmul.f32 v5, v7;
	v8 =	vadd.f32 v2, v8  }
.Ltmp12:
0x544: {  	v5 =	vadd.f32 v6, v9;
	(pc) =	sbr.rel @p1 .LBB2_26-.Ltmp12, $4  }
0x545: {  	[tilespmem:s7+$0x15010] =	vst v4;
	v6 =	vmul.f32 v8, v7;
	v2 =	vmov v10  }
0x546: {  	v4 =	vmul.f32 $1.000000010e-01, v11;
	[tilespmem:s7+$0x15000] =	vst v12;
	v7 =	vmul.f32 v5, v7  }
0x547: {  	v5 =	vld [tilespmem:s11+$0x15010];
	[tilespmem:s7+$0x15020] =	vst v6  }
0x548: {  	s10 =	smov.u32 s15;
	v6 =	vld [tilespmem:s11+$0x15000];
	[tilespmem:s7+$0x15030] =	vst v7;
	s7 =	smov.u32 s11  }
0x549: {  	v7 =	vld.msk [tilespmem:s8+$0x0 ss:$0x0], $0xffff  }
0x54a: {  	v8 =	vld [tilespmem:s7+$0x15020]  }
0x54b: {  	v3 =	vmul.f32 $1.000000010e-01, v3;
	v9 =	vld [tilespmem:s7+$0x15030];
	_ =	sdelay $0x1  }
0x54c: {  	s9 =	sshra.s32 s9, $0x2;
	v2 =	vmul.f32 $1.000000010e-01, v2;
	v3 =	vadd.f32 v3, v5  }
0x54d: {  	v1 =	vmul.f32 $1.000000010e-01, v1;
	v10 =	vld [tilespmem:s9+$0x19020];
	v4 =	vadd.f32 v4, v6  }
0x54e: {  	v11 =	vld [tilespmem:s9+$0x19030];
	v3 =	vmul.f32 v3, v7;
	v2 =	vadd.f32 v2, v8  }
0x54f: {  	v5 =	vld [tilespmem:s9+$0x19000];
	v1 =	vadd.f32 v1, v9;
	v4 =	vmul.f32 v4, v7  }
0x550: {  	v6 =	vld [tilespmem:s9+$0x19010];
	[tilespmem:s7+$0x15010] =	vst v3;
	v2 =	vmul.f32 v2, v7  }
0x551: {  	v1 =	vmul.f32 v1, v7;
	[tilespmem:s7+$0x15000] =	vst v4  }
0x552: {  	v3 =	vld [tilespmem:s9+$0x15010];
	[tilespmem:s7+$0x15020] =	vst v2  }
0x553: {  	s23 =	sadd.s32 $0x1, s8;
	v2 =	vld [tilespmem:s9+$0x15000];
	[tilespmem:s7+$0x15030] =	vst v1  }
0x554: {  	v1 =	vld.msk [tilespmem:s23+$0x0 ss:$0x0], $0xffff  }
0x555: {  	v4 =	vld [tilespmem:s9+$0x15020]  }
0x556: {  	v6 =	vmul.f32 $1.000000010e-01, v6;
	v7 =	vld [tilespmem:s9+$0x15030]  }
0x557: {  	v5 =	vmul.f32 $1.000000010e-01, v5  }
0x558: {  	v3 =	vadd.f32 v6, v3;
	v6 =	vmul.f32 $1.000000010e-01, v10  }
0x559: {  	v2 =	vadd.f32 v5, v2;
	v5 =	vmul.f32 $1.000000010e-01, v11  }
0x55a: {  	v3 =	vmul.f32 v3, v1;
	v4 =	vadd.f32 v6, v4  }
0x55b: {  	v2 =	vmul.f32 v2, v1;
	v5 =	vadd.f32 v5, v7  }
0x55c: {  	[tilespmem:s9+$0x15010] =	vst v3;
	v3 =	vmul.f32 v4, v1  }
0x55d: {  	[tilespmem:s9+$0x15000] =	vst v2;
	v1 =	vmul.f32 v5, v1  }
0x55e: {  	[tilespmem:s9+$0x15020] =	vst v3  }
0x55f: {  	s24 =	rddreg [dreg:$0xf];
	[tilespmem:s9+$0x15030] =	vst v1  }
0x560: {  	[spmem:s24] =	stream.linear.scatter [tilespmem:s26], [sflag:$0x1], $0x4000, $0x38;
	[tilespmem:$0x1D300] =	vst v63  }
0x561: {  	_ =	swait.ge [sflag:s29], $0x4000  }
0x562: {  	[sflag:s29] =	ssyncset.done $0x0  }
0x563: {  	s28 =	rddreg [dreg:$0x10];
	[sflag:s29] =	ssyncadd.s32 $0xFFFFC000  }
0x564: {  	[tilespmem:s26], [sflag:$0x1] =	stream.linear.gather [spmem:s28], $0x4000, $0x38;
	[tilespmem:$0x1D300] =	vst v63  }
0x565: {  	_ =	swait.ge [sflag:s29], $0x4000  }
0x566: {  	[sflag:s29] =	ssyncset.done $0x0  }
0x567: {  	s31 =	rddreg [dreg:$0xb];
	[sflag:s29] =	ssyncadd.s32 $0xFFFFC000  }
0x568: {  	[tilespmem:s30], [sflag:$0x1] =	stream.linear.gather [spmem:s31], $0x4000, $0x38;
	[tilespmem:$0x1D300] =	vst v63  }
0x569: {  	_ =	swait.ge [sflag:s29], $0x4000  }
0x56a: {  	[sflag:s29] =	ssyncset.done $0x0  }
0x56b: {  	s7 =	simm.s32 $0x0;
	[sflag:s29] =	ssyncadd.s32 $0xFFFFC000  }
0x56c: {  	v4 =	vld [tilespmem:s7+$0x19000]  }
0x56d: {  	v2 =	vld [tilespmem:s7+$0x19020]  }
0x56e: {  	v3 =	vld [tilespmem:s7+$0x19010]  }
0x56f: {  	v1 =	vld [tilespmem:s7+$0x19030]  }
0x570: {  	v5 =	vld [tilespmem:s7+$0x15010]  }
0x571: {  	s8 =	simm.s32 $0x1D180;
	s10 =	simm.s32 $0x400;
	s9 =	simm.s32 $0x200;
	v6 =	vld [tilespmem:s7+$0x15000];
	v4 =	vmul.f32 $1.000000010e-01, v4  }
.LBB2_28:
0x572: {  	s11 =	sshra.s32 s9, $0x2  }
0x573: {  	v7 =	vld.msk [tilespmem:s8+$0x0 ss:$0x0], $0xffff;
	s8 =	sadd.s32 $0x1, s8;
	s9 =	smov.u32 s10;
	s15 =	sadd.s32 $0x200, s10  }
0x574: {  	p1 =	sne.s32 s10, $0xFE00;
	v8 =	vld [tilespmem:s7+$0x15020]  }
0x575: {  	v3 =	vmul.f32 $1.000000010e-01, v3;
	v9 =	vld [tilespmem:s7+$0x15030]  }
0x576: {  	v10 =	vld [tilespmem:s11+$0x19020]  }
0x577: {  	v2 =	vmul.f32 $1.000000010e-01, v2;
	v5 =	vadd.f32 v3, v5;
	v11 =	vld [tilespmem:s11+$0x19000];
	v4 =	vadd.f32 v4, v6  }
0x578: {  	v6 =	vmul.f32 $1.000000010e-01, v1;
	v3 =	vld [tilespmem:s11+$0x19010]  }
0x579: {  	v1 =	vld [tilespmem:s11+$0x19030];
	v12 =	vmul.f32 v4, v7;
	v4 =	vmul.f32 v5, v7;
	v8 =	vadd.f32 v2, v8  }
.Ltmp13:
0x57a: {  	v5 =	vadd.f32 v6, v9;
	(pc) =	sbr.rel @p1 .LBB2_28-.Ltmp13, $4  }
0x57b: {  	[tilespmem:s7+$0x15010] =	vst v4;
	v6 =	vmul.f32 v8, v7;
	v2 =	vmov v10  }
0x57c: {  	v4 =	vmul.f32 $1.000000010e-01, v11;
	[tilespmem:s7+$0x15000] =	vst v12;
	v7 =	vmul.f32 v5, v7  }
0x57d: {  	v5 =	vld [tilespmem:s11+$0x15010];
	[tilespmem:s7+$0x15020] =	vst v6  }
0x57e: {  	s10 =	smov.u32 s15;
	v6 =	vld [tilespmem:s11+$0x15000];
	[tilespmem:s7+$0x15030] =	vst v7;
	s7 =	smov.u32 s11  }
0x57f: {  	v7 =	vld.msk [tilespmem:s8+$0x0 ss:$0x0], $0xffff  }
0x580: {  	v8 =	vld [tilespmem:s7+$0x15020]  }
0x581: {  	v3 =	vmul.f32 $1.000000010e-01, v3;
	v9 =	vld [tilespmem:s7+$0x15030];
	_ =	sdelay $0x1  }
0x582: {  	s9 =	sshra.s32 s9, $0x2;
	v2 =	vmul.f32 $1.000000010e-01, v2;
	v3 =	vadd.f32 v3, v5  }
0x583: {  	v1 =	vmul.f32 $1.000000010e-01, v1;
	v10 =	vld [tilespmem:s9+$0x19020];
	v4 =	vadd.f32 v4, v6  }
0x584: {  	v11 =	vld [tilespmem:s9+$0x19030];
	v3 =	vmul.f32 v3, v7;
	v2 =	vadd.f32 v2, v8  }
0x585: {  	v5 =	vld [tilespmem:s9+$0x19000];
	v1 =	vadd.f32 v1, v9;
	v4 =	vmul.f32 v4, v7  }
0x586: {  	v6 =	vld [tilespmem:s9+$0x19010];
	[tilespmem:s7+$0x15010] =	vst v3;
	v2 =	vmul.f32 v2, v7  }
0x587: {  	v1 =	vmul.f32 v1, v7;
	[tilespmem:s7+$0x15000] =	vst v4  }
0x588: {  	v3 =	vld [tilespmem:s9+$0x15010];
	[tilespmem:s7+$0x15020] =	vst v2  }
0x589: {  	s23 =	sadd.s32 $0x1, s8;
	v2 =	vld [tilespmem:s9+$0x15000];
	[tilespmem:s7+$0x15030] =	vst v1  }
0x58a: {  	v1 =	vld.msk [tilespmem:s23+$0x0 ss:$0x0], $0xffff  }
0x58b: {  	v4 =	vld [tilespmem:s9+$0x15020]  }
0x58c: {  	v6 =	vmul.f32 $1.000000010e-01, v6;
	v7 =	vld [tilespmem:s9+$0x15030]  }
0x58d: {  	v5 =	vmul.f32 $1.000000010e-01, v5  }
0x58e: {  	v3 =	vadd.f32 v6, v3;
	v6 =	vmul.f32 $1.000000010e-01, v10  }
0x58f: {  	v2 =	vadd.f32 v5, v2;
	v5 =	vmul.f32 $1.000000010e-01, v11  }
0x590: {  	v3 =	vmul.f32 v3, v1;
	v4 =	vadd.f32 v6, v4  }
0x591: {  	v2 =	vmul.f32 v2, v1;
	v5 =	vadd.f32 v5, v7  }
0x592: {  	[tilespmem:s9+$0x15010] =	vst v3;
	v3 =	vmul.f32 v4, v1  }
0x593: {  	[tilespmem:s9+$0x15000] =	vst v2;
	v1 =	vmul.f32 v5, v1  }
0x594: {  	[tilespmem:s9+$0x15020] =	vst v3  }
0x595: {  	s24 =	rddreg [dreg:$0x10];
	[tilespmem:s9+$0x15030] =	vst v1  }
0x596: {  	[spmem:s24] =	stream.linear.scatter [tilespmem:s26], [sflag:$0x1], $0x4000, $0x38;
	[tilespmem:$0x1D300] =	vst v63  }
0x597: {  	_ =	swait.ge [sflag:s29], $0x4000  }
0x598: {  	[sflag:s29] =	ssyncset.done $0x0  }
0x599: {  	s28 =	rddreg [dreg:$0x11];
	[sflag:s29] =	ssyncadd.s32 $0xFFFFC000  }
0x59a: {  	[tilespmem:s26], [sflag:$0x1] =	stream.linear.gather [spmem:s28], $0x4000, $0x38;
	[tilespmem:$0x1D300] =	vst v63  }
0x59b: {  	_ =	swait.ge [sflag:s29], $0x4000  }
0x59c: {  	[sflag:s29] =	ssyncset.done $0x0  }
0x59d: {  	s31 =	rddreg [dreg:$0xc];
	[sflag:s29] =	ssyncadd.s32 $0xFFFFC000  }
0x59e: {  	[tilespmem:s30], [sflag:$0x1] =	stream.linear.gather [spmem:s31], $0x4000, $0x38;
	[tilespmem:$0x1D300] =	vst v63  }
0x59f: {  	_ =	swait.ge [sflag:s29], $0x4000  }
0x5a0: {  	[sflag:s29] =	ssyncset.done $0x0  }
0x5a1: {  	s7 =	simm.s32 $0x0;
	[sflag:s29] =	ssyncadd.s32 $0xFFFFC000  }
0x5a2: {  	v4 =	vld [tilespmem:s7+$0x19000]  }
0x5a3: {  	v2 =	vld [tilespmem:s7+$0x19020]  }
0x5a4: {  	v3 =	vld [tilespmem:s7+$0x19010]  }
0x5a5: {  	v1 =	vld [tilespmem:s7+$0x19030]  }
0x5a6: {  	v5 =	vld [tilespmem:s7+$0x15010]  }
0x5a7: {  	s8 =	simm.s32 $0x1D200;
	s10 =	simm.s32 $0x400;
	s9 =	simm.s32 $0x200;
	v6 =	vld [tilespmem:s7+$0x15000];
	v4 =	vmul.f32 $1.000000010e-01, v4  }
.LBB2_30:
0x5a8: {  	s11 =	sshra.s32 s9, $0x2  }
0x5a9: {  	v7 =	vld.msk [tilespmem:s8+$0x0 ss:$0x0], $0xffff;
	s8 =	sadd.s32 $0x1, s8;
	s9 =	smov.u32 s10;
	s15 =	sadd.s32 $0x200, s10  }
0x5aa: {  	p1 =	sne.s32 s10, $0xFE00;
	v8 =	vld [tilespmem:s7+$0x15020]  }
0x5ab: {  	v3 =	vmul.f32 $1.000000010e-01, v3;
	v9 =	vld [tilespmem:s7+$0x15030]  }
0x5ac: {  	v10 =	vld [tilespmem:s11+$0x19020]  }
0x5ad: {  	v2 =	vmul.f32 $1.000000010e-01, v2;
	v5 =	vadd.f32 v3, v5;
	v11 =	vld [tilespmem:s11+$0x19000];
	v4 =	vadd.f32 v4, v6  }
0x5ae: {  	v6 =	vmul.f32 $1.000000010e-01, v1;
	v3 =	vld [tilespmem:s11+$0x19010]  }
0x5af: {  	v1 =	vld [tilespmem:s11+$0x19030];
	v12 =	vmul.f32 v4, v7;
	v4 =	vmul.f32 v5, v7;
	v8 =	vadd.f32 v2, v8  }
.Ltmp14:
0x5b0: {  	v5 =	vadd.f32 v6, v9;
	(pc) =	sbr.rel @p1 .LBB2_30-.Ltmp14, $4  }
0x5b1: {  	[tilespmem:s7+$0x15010] =	vst v4;
	v6 =	vmul.f32 v8, v7;
	v2 =	vmov v10  }
0x5b2: {  	v4 =	vmul.f32 $1.000000010e-01, v11;
	[tilespmem:s7+$0x15000] =	vst v12;
	v7 =	vmul.f32 v5, v7  }
0x5b3: {  	v5 =	vld [tilespmem:s11+$0x15010];
	[tilespmem:s7+$0x15020] =	vst v6  }
0x5b4: {  	s10 =	smov.u32 s15;
	v6 =	vld [tilespmem:s11+$0x15000];
	[tilespmem:s7+$0x15030] =	vst v7;
	s7 =	smov.u32 s11  }
0x5b5: {  	v7 =	vld.msk [tilespmem:s8+$0x0 ss:$0x0], $0xffff  }
0x5b6: {  	v8 =	vld [tilespmem:s7+$0x15020]  }
0x5b7: {  	v3 =	vmul.f32 $1.000000010e-01, v3;
	v9 =	vld [tilespmem:s7+$0x15030];
	_ =	sdelay $0x1  }
0x5b8: {  	s9 =	sshra.s32 s9, $0x2;
	v2 =	vmul.f32 $1.000000010e-01, v2;
	v3 =	vadd.f32 v3, v5  }
0x5b9: {  	v1 =	vmul.f32 $1.000000010e-01, v1;
	v10 =	vld [tilespmem:s9+$0x19020];
	v4 =	vadd.f32 v4, v6  }
0x5ba: {  	v59 =	vld [tilespmem:s9+$0x19000];
	v3 =	vmul.f32 v3, v7;
	v2 =	vadd.f32 v2, v8  }
0x5bb: {  	v60 =	vld [tilespmem:s9+$0x19010];
	v1 =	vadd.f32 v1, v9;
	v4 =	vmul.f32 v4, v7  }
0x5bc: {  	v11 =	vld [tilespmem:s9+$0x19030];
	[tilespmem:s7+$0x15010] =	vst v3;
	v2 =	vmul.f32 v2, v7  }
0x5bd: {  	v1 =	vmul.f32 v1, v7;
	[tilespmem:s7+$0x15000] =	vst v4  }
0x5be: {  	v3 =	vld [tilespmem:s9+$0x15010];
	[tilespmem:s7+$0x15020] =	vst v2  }
0x5bf: {  	s24 =	sadd.s32 $0x1, s8;
	v2 =	vld [tilespmem:s9+$0x15000];
	[tilespmem:s7+$0x15030] =	vst v1  }
0x5c0: {  	v1 =	vld.msk [tilespmem:s24+$0x0 ss:$0x0], $0xffff  }
0x5c1: {  	v4 =	vld [tilespmem:s9+$0x15020]  }
0x5c2: {  	v6 =	vmul.f32 $1.000000010e-01, v60;
	v61 =	vld [tilespmem:s9+$0x15030]  }
0x5c3: {  	v5 =	vmul.f32 $1.000000010e-01, v59  }
0x5c4: {  	v62 =	vmul.f32 $1.000000010e-01, v10;
	v3 =	vadd.f32 v6, v3  }
0x5c5: {  	v63 =	vmul.f32 $1.000000010e-01, v11;
	v2 =	vadd.f32 v5, v2  }
0x5c6: {  	v3 =	vmul.f32 v3, v1;
	v4 =	vadd.f32 v62, v4  }
0x5c7: {  	v5 =	vadd.f32 v63, v61;
	v2 =	vmul.f32 v2, v1  }
0x5c8: {  	[tilespmem:s9+$0x15010] =	vst v3;
	v3 =	vmul.f32 v4, v1  }
0x5c9: {  	v1 =	vmul.f32 v5, v1;
	[tilespmem:s9+$0x15000] =	vst v2  }
0x5ca: {  	[tilespmem:s9+$0x15020] =	vst v3  }
0x5cb: {  	s28 =	rddreg [dreg:$0x11];
	[tilespmem:s9+$0x15030] =	vst v1  }
0x5cc: {  	[spmem:s28] =	stream.linear.scatter [tilespmem:s26], [sflag:$0x1], $0x4000, $0x38;
	[tilespmem:$0x1D300] =	vst v63  }
0x5cd: {  	_ =	swait.ge [sflag:s29], $0x4000  }
0x5ce: {  	[sflag:s29] =	ssyncset.done $0x0  }
0x5cf: {  	[sflag:s29] =	ssyncadd.s32 $0xFFFFC000  }
0x5d0: {  	[bflag:$0x0] =	sbarrier.arrive $0xFFFF  }
0x5d1: {  	s11 =	rddreg [dreg:$0x12]  }
0x5d2: {  	s10 =	rddreg [dreg:$0xd]  }
0x5d3: {  	s9 =	simm.s32 @p0 $0x1FC1;
	s7 =	sadd.s32 @p0 $0x25800, s11;
	s8 =	sshrl.u32 @p0 s10, $0x3  }
0x5d4: {  	[hbm:s7], [sflag:s9] =	dma.local @p0 [spmem:s8], $0x1900  }
0x5d5: {  	s7 =	simm.s32 @p0 $0x1  }
0x5d6: {  	_ =	swait.ge @p0 [sflag:s7], $0x1900  }
0x5d7: {  	[sflag:s7] =	ssyncset.done @p0 $0x0  }
0x5d8: {  	[sflag:s7] =	ssyncadd.s32 @p0 $0xFFFFE700;
	s7 =	rddreg [dreg:$0x6]  }
0x5d9: {  	s8 =	sshrl.u32 @!p0 s10, $0x3;
	s6 =	rddreg [dreg:$0x1a];
	s7 =	sadd.s32 @!p0 s7, s11  }
0x5da: {  	[hbm:s7], [sflag:s6] =	dma.local @!p0 [spmem:s8], $0x2800  }
0x5db: {  	s7 =	simm.s32 @!p0 $0x1  }
0x5dc: {  	_ =	swait.ge @!p0 [sflag:s7], $0x2800  }
0x5dd: {  	s5 =	sadd.s32 $0x1, s5;
	s31 =	rddreg [dreg:$0x13]  }
0x5de: {  	p1 =	sne.s32 s5, s31  }
.Ltmp15:
0x5df: {  	_ = 	snop;
	(pc) =	sbr.rel @p1 .LBB2_1-.Ltmp15, $3  }
0x5e0: {  	_ =	sdelay $0x1  }
0x5e1: {  	s15 =	simm.s32 $0x14080;
	[sflag:s7] =	ssyncset.done @!p0 $0x0  }
0x5e2: {  	s10 =	simm.s32 $0x14880;
	s11 =	simm.s32 $0x14100;
	[sflag:s7] =	ssyncadd.s32 @!p0 $0xFFFFD800  }
0x5e3: {  	_ =	sfence.sel $0x180000  }
0x5e4: {  	[bflag:$0x0] =	sbarrier.arrive $0xFFFF  }
0x5e5: {  	_ =	strace $0x90000047  }
0x5e6: {  	s0 =	stileid.u32;
	[bflag:$0x2] =	sbarrier.arrive $0xFFFF  }
0x5e7: {  	p0 =	sne.s32 s0, $0x0;
	s0 =	rddreg [dreg:$0x4]  }
0x5e8: {  	s0 =	sadd.s32 @!p0 $0x100000, s0  }
0x5e9: {  	[sflag:s0] =	ssyncadd.tile.s32 @!p0 $0x1;
	_ =	shalt  }
.Lfunc_end2:
_tile_overlayer_lowered:
.L_overlay_start_2:
0x5ea: {  	(tag) =	ssettag $0x2  }
0x5eb: {  	s0 =	rddreg [dreg:$0x0];
	s2 =	stileid.u32  }
0x5ec: {  	s1 =	rddreg [dreg:$0x1];
	p0 =	sne.s32 s2, $0x0  }
0x5ed: {  	s3 =	rddreg [dreg:$0x2];
	[bflag:$0x3] =	sbarrier.arrive $0xFFFF;
	s2 =	simm.s32 @!p0 $0x1C01  }
0x5ee: {  	[timem:s3], [sflag:s2] =	dma.local @!p0 [hbm:s0], s1  }
0x5ef: {  	s0 =	simm.s32 @!p0 $0x1  }
0x5f0: {  	_ =	swait.ge @!p0 [sflag:s0], s1  }
0x5f1: {  	s1 =	ssub.s32 @!p0 $0x0, s1;
	[sflag:s0] =	ssyncset.done @!p0 $0x0  }
0x5f2: {  	[sflag:s0] =	ssyncadd.s32 @!p0 s1  }
0x5f3: {  	[bflag:$0x3] =	sbarrier.arrive $0xFFFF  }
0x5f4: {  	_ =	shalt  }

</sc_bundles>
